<compile_context>
chip_gen: v7x
topology: tpu7x:2x2x1
jax: 0.10.2.dev20260603
libtpu: 0.0.44.dev20260713+nightly
codegen_flags: <defaults>
</compile_context>

<pallas_src>
import functools

import jax
import jax.numpy as jnp
from jax import lax
from jax.experimental import pallas as pl
from jax.experimental.pallas import tpu as pltpu
from jax.experimental.pallas import tpu_sc as plsc

D = 32
H = 256
NSUB = 16
SHW = NSUB * H

N_V = 100000
N_E = 500000
N_T = 500000

NW = 32
NC = 2

NVP = 102400
NEP = 501760
NTP = 501760

SB = 1024
NSV = NVP // SB
NSE = NEP // SB
NST = NTP // SB

VBLK = 2048
NGRID = NVP // VBLK


def _maxsq_body(x_ref, y_ref, z_ref, o_ref):
    i = pl.program_id(0)
    x = x_ref[...]
    y = y_ref[...]
    z = z_ref[...]
    m = jnp.max(x * x + y * y + z * z)

    @pl.when(i == 0)
    def _():
        o_ref[0, 0] = m

    @pl.when(i > 0)
    def _():
        o_ref[0, 0] = jnp.maximum(o_ref[0, 0], m)


def _quant_body(ms_ref, x_ref, y_ref, z_ref, d_ref, o_ref):
    m = jnp.sqrt(ms_ref[0, 0])
    dm = d_ref[...]
    h = (dm[:, 0:1] * x_ref[...]
         + dm[:, 1:2] * y_ref[...]
         + dm[:, 2:3] * z_ref[...])
    idx = jnp.ceil((jnp.float32(H - 1) * (m + h)) / (jnp.float32(2.0) * m))
    idx = jnp.clip(idx, 0.0, jnp.float32(H - 1))
    o_ref[...] = idx.astype(jnp.int32) * NSUB


def _fin_body(h_ref, o_ref):
    acc = h_ref[...]
    s_i = lax.broadcasted_iota(jnp.int32, (H, H), 0)
    t_i = lax.broadcasted_iota(jnp.int32, (H, H), 1)
    tri = (s_i <= t_i).astype(jnp.float32)
    o_ref[...] = jnp.dot(acc, tri, preferred_element_type=jnp.float32)


def _sc_hist_body(tbl, vw, ev0, ev1, ew, tv0, tv1, tv2, tw, out,
                  binv, subh, hist, ids, wbuf, sem):
    wid = lax.axis_index("s") * NC + lax.axis_index("c")

    zeros16 = jnp.zeros((16,), jnp.float32)

    def zi(i, _):
        subh[pl.ds(i * 16, 16)] = zeros16
        return 0

    lax.fori_loop(0, SHW // 16, zi, 0)

    pltpu.sync_copy(tbl.at[pl.ds(wid * NVP, NVP)], binv)

    laneoff = lax.iota(jnp.int32, 16)

    def vsb(k, carry):
        pltpu.sync_copy(vw.at[pl.ds(k * SB, SB)], wbuf.at[0])

        def vbody(g, c2):
            b16 = binv[pl.ds(k * SB + g * 16, 16)]
            w16 = wbuf[0, pl.ds(g * 16, 16)]
            plsc.addupdate_scatter(subh, [b16 + laneoff], w16)
            return c2

        return lax.fori_loop(0, SB // 16, vbody, carry, unroll=16)

    lax.fori_loop(0, NSV, vsb, 0)

    def simplex_pass(cols, w_hbm, n_super, negate):
        rows_per = len(cols)

        def stage(k, p):
            for r in range(rows_per):
                pltpu.async_copy(cols[r].at[pl.ds(k * SB, SB)],
                                 ids.at[p, pl.ds(r * SB, SB)],
                                 sem.at[p])
            pltpu.async_copy(w_hbm.at[pl.ds(k * SB, SB)], wbuf.at[p],
                             sem.at[p])

        def wait(p):
            pltpu.make_async_copy(
                cols[0].at[pl.ds(0, rows_per * SB)],
                ids.at[p, pl.ds(0, rows_per * SB)],
                sem.at[p]).wait()
            pltpu.make_async_copy(
                w_hbm.at[pl.ds(0, SB)], wbuf.at[p], sem.at[p]).wait()

        def compute(p):
            def body(g, c2):
                i0 = ids[p, pl.ds(g * 16, 16)]
                i1 = ids[p, pl.ds(SB + g * 16, 16)]
                b = jnp.maximum(plsc.load_gather(binv, [i0]),
                                plsc.load_gather(binv, [i1]))
                if rows_per == 3:
                    i2 = ids[p, pl.ds(2 * SB + g * 16, 16)]
                    b = jnp.maximum(b, plsc.load_gather(binv, [i2]))
                w16 = wbuf[p, pl.ds(g * 16, 16)]
                if negate:
                    w16 = -w16
                plsc.addupdate_scatter(subh, [b + laneoff], w16)
                return c2

            lax.fori_loop(0, SB // 16, body, 0, unroll=16)

        stage(0, 0)

        def pair(j, carry):
            stage(2 * j + 1, 1)
            wait(0)
            compute(0)

            @pl.when(j + 1 < n_super // 2)
            def _():
                stage(2 * j + 2, 0)

            wait(1)
            compute(1)
            return carry

        lax.fori_loop(0, n_super // 2, pair, 0)

    simplex_pass([ev0, ev1], ew, NSE, False)
    simplex_pass([tv0, tv1, tv2], tw, NST, True)

    def red(g, _):
        bi = lax.iota(jnp.int32, 16) * NSUB + g * (16 * NSUB)

        def addj(j, a):
            return a + plsc.load_gather(subh, [bi + j])

        hist[pl.ds(g * 16, 16)] = lax.fori_loop(
            0, NSUB, addj, jnp.zeros((16,), jnp.float32), unroll=NSUB)
        return 0

    lax.fori_loop(0, H // 16, red, 0)
    pltpu.sync_copy(hist, out.at[pl.ds(wid * H, H)])


def _make_sc_hist():
    mesh = plsc.VectorSubcoreMesh(core_axis_name="c", subcore_axis_name="s")
    return functools.partial(
        pl.kernel,
        mesh=mesh,
        compiler_params=pltpu.CompilerParams(
            needs_layout_passes=False, use_tc_tiling_on_sc=False),
        out_type=jax.ShapeDtypeStruct((NW * H,), jnp.float32),
        scratch_types=[
            pltpu.VMEM((NVP,), jnp.int32),
            pltpu.VMEM((SHW,), jnp.float32),
            pltpu.VMEM((H,), jnp.float32),
            pltpu.VMEM((2, 3 * SB), jnp.int32),
            pltpu.VMEM((2, SB), jnp.float32),
            pltpu.SemaphoreType.DMA((2,)),
        ],
    )(_sc_hist_body)


_sc_hist = _make_sc_hist()


def kernel(v_coords, v_weights, edge_verts, edge_weights, tri_verts,
           tri_weights, dirs):
    cx = jnp.pad(v_coords[:, 0], (0, NVP - N_V)).reshape(1, NVP)
    cy = jnp.pad(v_coords[:, 1], (0, NVP - N_V)).reshape(1, NVP)
    cz = jnp.pad(v_coords[:, 2], (0, NVP - N_V)).reshape(1, NVP)
    vwp = jnp.pad(v_weights, (0, NVP - N_V))
    ev0 = jnp.pad(edge_verts[:, 0].astype(jnp.int32), (0, NEP - N_E))
    ev1 = jnp.pad(edge_verts[:, 1].astype(jnp.int32), (0, NEP - N_E))
    ewp = jnp.pad(edge_weights, (0, NEP - N_E))
    tv0 = jnp.pad(tri_verts[:, 0].astype(jnp.int32), (0, NTP - N_T))
    tv1 = jnp.pad(tri_verts[:, 1].astype(jnp.int32), (0, NTP - N_T))
    tv2 = jnp.pad(tri_verts[:, 2].astype(jnp.int32), (0, NTP - N_T))
    twp = jnp.pad(tri_weights, (0, NTP - N_T))

    maxsq = pl.pallas_call(
        _maxsq_body,
        grid=(NGRID,),
        in_specs=[pl.BlockSpec((1, VBLK), lambda i: (0, i))] * 3,
        out_specs=pl.BlockSpec(memory_space=pltpu.SMEM),
        out_shape=jax.ShapeDtypeStruct((1, 1), jnp.float32),
    )(cx, cy, cz)

    tbl = pl.pallas_call(
        _quant_body,
        grid=(NGRID,),
        in_specs=[
            pl.BlockSpec(memory_space=pltpu.SMEM),
            pl.BlockSpec((1, VBLK), lambda i: (0, i)),
            pl.BlockSpec((1, VBLK), lambda i: (0, i)),
            pl.BlockSpec((1, VBLK), lambda i: (0, i)),
            pl.BlockSpec((D, 3), lambda i: (0, 0)),
        ],
        out_specs=pl.BlockSpec((D, VBLK), lambda i: (0, i)),
        out_shape=jax.ShapeDtypeStruct((D, NVP), jnp.int32),
    )(maxsq, cx, cy, cz, dirs)

    hists = _sc_hist(tbl.reshape(-1), vwp, ev0, ev1, ewp,
                     tv0, tv1, tv2, twp)

    out = pl.pallas_call(
        _fin_body,
        in_specs=[pl.BlockSpec((D, H), lambda: (0, 0))],
        out_specs=pl.BlockSpec((D, H), lambda: (0, 0)),
        out_shape=jax.ShapeDtypeStruct((D, H), jnp.float32),
    )(hists.reshape(D, H))

    return out

# --- scband reference (transcript-rebuilt; emitter-appended) ---
"""Pipeline reference for scband-wect-84559316124419 (READ-ONLY COPY).

The authoritative reference and input builder live on the scoring server;
editing this copy changes nothing except your own understanding.
"""

import jax, jax.numpy as jnp
import numpy as np

D = 32
H = 256
N_V = 100000
N_E = 500000
N_T = 500000


def setup_inputs(seed: int = 0) -> dict:
    key = jax.random.key(seed)
    k1, k2, k3, k4, k5, k6, k7 = jax.random.split(key, 7)
    dirs = jax.random.normal(k1, (D, 3), dtype=jnp.float32)
    dirs = dirs / jnp.linalg.norm(dirs, axis=1, keepdims=True)
    v_coords = jax.random.normal(k2, (N_V, 3), dtype=jnp.float32)
    v_weights = jax.random.uniform(k3, (N_V,), dtype=jnp.float32)
    edge_verts = jax.random.randint(k4, (N_E, 2), 0, N_V)
    edge_weights = jax.random.uniform(k5, (N_E,), dtype=jnp.float32)
    tri_verts = jax.random.randint(k6, (N_T, 3), 0, N_V)
    tri_weights = jax.random.uniform(k7, (N_T,), dtype=jnp.float32)
    return {
        "v_coords": v_coords,
        "v_weights": v_weights,
        "edge_verts": edge_verts,
        "edge_weights": edge_weights,
        "tri_verts": tri_verts,
        "tri_weights": tri_weights,
        "dirs": dirs,
    }


def reference(v_coords, v_weights, edge_verts, edge_weights, tri_verts, tri_weights, dirs):
    d = dirs.shape[0]
    h = H
    # vertex height indices
    v_norms = jnp.linalg.norm(v_coords, axis=1)
    max_height = v_norms.max()
    v_heights = v_coords @ dirs.T  # (N_V, d)
    v_indices = jnp.ceil((h - 1) * (max_height + v_heights) / (2.0 * max_height)).astype(jnp.int32)
    v_indices = jnp.clip(v_indices, 0, h - 1)

    rows = jnp.arange(d)[:, None]  # (d, 1) broadcast against (d, k)
    diff_wect = jnp.zeros((d, h), dtype=v_weights.dtype)

    # 0-simplices (vertices), sign (+1)
    diff_wect = diff_wect.at[rows, v_indices.T].add(
        jnp.broadcast_to(v_weights, (d, v_weights.shape[0]))
    )

    # 1-simplices (edges), sign (-1)**(1+1) = +1
    e_idx = jnp.max(v_indices[edge_verts], axis=1)  # (N_E, d)
    diff_wect = diff_wect.at[rows, e_idx.T].add(
        jnp.broadcast_to(edge_weights, (d, edge_weights.shape[0]))
    )

    # 2-simplices (triangles), sign (-1)**(2+1) = -1
    t_idx = jnp.max(v_indices[tri_verts], axis=1)  # (N_T, d)
    diff_wect = diff_wect.at[rows, t_idx.T].add(
        -jnp.broadcast_to(tri_weights, (d, tri_weights.shape[0]))
    )

    return jnp.cumsum(diff_wect, axis=1)

if __name__ == "__main__":
    import jax
    _d = setup_inputs()
    print(jax.jit(kernel)(*tuple(_d.values())))

</pallas_src>

<mosaic_0001>
#map = affine_map<(d0, d1) -> (0)>
module attributes {stable_mosaic.version = 14 : i64} {
  func.func @_sc_hist_body(%arg0: i32, %arg1: i32, %arg2: memref<3276800xi32, #tpu.memory_space<hbm>>, %arg3: memref<102400xf32, #tpu.memory_space<hbm>>, %arg4: memref<501760xi32, #tpu.memory_space<hbm>>, %arg5: memref<501760xi32, #tpu.memory_space<hbm>>, %arg6: memref<501760xf32, #tpu.memory_space<hbm>>, %arg7: memref<501760xi32, #tpu.memory_space<hbm>>, %arg8: memref<501760xi32, #tpu.memory_space<hbm>>, %arg9: memref<501760xi32, #tpu.memory_space<hbm>>, %arg10: memref<501760xf32, #tpu.memory_space<hbm>>, %arg11: memref<8192xf32, #tpu.memory_space<hbm>>, %arg12: memref<102400xi32, #tpu.memory_space<vmem>>, %arg13: memref<4096xf32, #tpu.memory_space<vmem>>, %arg14: memref<256xf32, #tpu.memory_space<vmem>>, %arg15: memref<2x3072xi32, #tpu.memory_space<vmem>>, %arg16: memref<2x1024xf32, #tpu.memory_space<vmem>>, %arg17: memref<2x!tpu.dma_semaphore, #tpu.memory_space<semaphore_mem>>) attributes {dimension_semantics = [#tpu.dimension_semantics<core_parallel>, #tpu.dimension_semantics<subcore_parallel>], iteration_bounds = array<i64: 2, 16>, scalar_prefetch = 0 : i64, scratch_operands = 6 : i64, tpu.core_type = #tpu.core_type<sc_vector_subcore>, window_params = [{transform_indices = #map}, {transform_indices = #map}, {transform_indices = #map}, {transform_indices = #map}, {transform_indices = #map}, {transform_indices = #map}, {transform_indices = #map}, {transform_indices = #map}, {transform_indices = #map}, {transform_indices = #map}]} {
    %mul3A = arith.constant 2 : i32
    %mul3A_0 = arith.muli %arg1, %mul3A : i32
    %add3A = arith.addi %mul3A_0, %arg0 : i32
    %broadcast_in_dim3A = arith.constant 0.000000e+00 : f32
    %broadcast_in_dim3A_1 = vector.broadcast %broadcast_in_dim3A : f32 to vector<16xf32>
    %scan3A = arith.constant 0 : i32
    %scan3A_2 = arith.constant 0 : i32
    %scan3A_3 = arith.constant 256 : i32
    %scan3A_4 = arith.addi %scan3A_2, %scan3A_3 : i32
    %scan3A_5 = arith.constant 1 : i32
    %scan3A_6 = scf.for %scan3A_134 = %scan3A_2 to %scan3A_4 step %scan3A_5 iter_args(%scan3A_135 = %scan3A) -> (i32)  : i32 {
      %mul3A_136 = arith.constant 16 : i32
      %mul3A_137 = arith.muli %scan3A_134, %mul3A_136 : i32
      %swap3A = arith.index_cast %mul3A_137 : i32 to index
      %swap3A_138 = tpu.vector_load %arg13[%swap3A] {strides = array<i32>} : memref<4096xf32, #tpu.memory_space<vmem>>, vector<16xf32>,
      tpu.vector_store %arg13[%swap3A], %broadcast_in_dim3A_1 {strides = array<i32>} : memref<4096xf32, #tpu.memory_space<vmem>>, vector<16xf32>,
      %scan3A_139 = arith.constant 0 : i32
      scf.yield %scan3A_139 : i32
    }
    %scan3A_7 = arith.constant 256 : i32
    %mul3A_8 = arith.constant 102400 : i32
    %mul3A_9 = arith.muli %add3A, %mul3A_8 : i32
    "tpu.region"() ({
      %run_scoped3A = tpu.sem_alloc : memref<!tpu.dma_semaphore, #tpu.memory_space<semaphore_mem>>
      %dma_start3A_134 = tpu.memref_slice %arg2[%mul3A_9] : memref<3276800xi32, #tpu.memory_space<hbm>> -> memref<102400xi32, #tpu.memory_space<hbm>>
      %dma_start3A_135 = tpu.memref_slice %arg2[%mul3A_9] : memref<3276800xi32, #tpu.memory_space<hbm>> -> memref<102400xi32, #tpu.memory_space<hbm>>
      tpu.enqueue_dma source(%dma_start3A_135 : memref<102400xi32, #tpu.memory_space<hbm>>) target(%arg12 : memref<102400xi32, #tpu.memory_space<vmem>>) target_semaphore(%run_scoped3A : memref<!tpu.dma_semaphore, #tpu.memory_space<semaphore_mem>>)
      %dma_wait3A = tpu.memref_slice %arg2[%mul3A_9] : memref<3276800xi32, #tpu.memory_space<hbm>> -> memref<102400xi32, #tpu.memory_space<hbm>>
      %dma_wait3A_136 = tpu.memref_slice %arg2[%mul3A_9] : memref<3276800xi32, #tpu.memory_space<hbm>> -> memref<102400xi32, #tpu.memory_space<hbm>>
      tpu.wait_dma2 semaphore(%run_scoped3A : memref<!tpu.dma_semaphore, #tpu.memory_space<semaphore_mem>>) src(%dma_wait3A_136 : memref<102400xi32, #tpu.memory_space<hbm>>) dst(%arg12 : memref<102400xi32, #tpu.memory_space<vmem>>)
      tpu.yield
    }) : () -> ()
    %iota3A = tpu.iota {dimensions = array<i32: 0>} : vector<16xi32>
    %scan3A_10 = arith.constant 0 : i32
    %scan3A_11 = arith.constant 0 : i32
    %scan3A_12 = arith.constant 100 : i32
    %scan3A_13 = arith.addi %scan3A_11, %scan3A_12 : i32
    %scan3A_14 = arith.constant 1 : i32
    scf.for %scan3A_134 = %scan3A_11 to %scan3A_13 step %scan3A_14  : i32 {
      %mul3A_135 = arith.constant 1024 : i32
      %mul3A_136 = arith.muli %scan3A_134, %mul3A_135 : i32
      %run_scoped3A = arith.constant 0 : i32
      "tpu.region"() ({
        %run_scoped3A_142 = tpu.sem_alloc : memref<!tpu.dma_semaphore, #tpu.memory_space<semaphore_mem>>
        %dma_start3A_143 = arith.constant 0 : i32
        %dma_start3A_144 = tpu.memref_slice %arg16[%run_scoped3A, %dma_start3A_143] : memref<2x1024xf32, #tpu.memory_space<vmem>> -> memref<1x1024xf32, #tpu.memory_space<vmem>>
        %dma_start3A_145 = tpu.memref_squeeze %dma_start3A_144 : memref<1x1024xf32, #tpu.memory_space<vmem>> -> memref<1024xf32, #tpu.memory_space<vmem>>
        %dma_start3A_146 = tpu.memref_slice %arg3[%mul3A_136] : memref<102400xf32, #tpu.memory_space<hbm>> -> memref<1024xf32, #tpu.memory_space<hbm>>
        %dma_start3A_147 = arith.constant 0 : i32
        %dma_start3A_148 = tpu.memref_slice %arg16[%run_scoped3A, %dma_start3A_147] : memref<2x1024xf32, #tpu.memory_space<vmem>> -> memref<1x1024xf32, #tpu.memory_space<vmem>>
        %dma_start3A_149 = tpu.memref_squeeze %dma_start3A_148 : memref<1x1024xf32, #tpu.memory_space<vmem>> -> memref<1024xf32, #tpu.memory_space<vmem>>
        %dma_start3A_150 = tpu.memref_slice %arg3[%mul3A_136] : memref<102400xf32, #tpu.memory_space<hbm>> -> memref<1024xf32, #tpu.memory_space<hbm>>
        tpu.enqueue_dma source(%dma_start3A_150 : memref<1024xf32, #tpu.memory_space<hbm>>) target(%dma_start3A_149 : memref<1024xf32, #tpu.memory_space<vmem>>) target_semaphore(%run_scoped3A_142 : memref<!tpu.dma_semaphore, #tpu.memory_space<semaphore_mem>>)
        %dma_wait3A = arith.constant 0 : i32
        %dma_wait3A_151 = tpu.memref_slice %arg16[%run_scoped3A, %dma_wait3A] : memref<2x1024xf32, #tpu.memory_space<vmem>> -> memref<1x1024xf32, #tpu.memory_space<vmem>>
        %dma_wait3A_152 = tpu.memref_squeeze %dma_wait3A_151 : memref<1x1024xf32, #tpu.memory_space<vmem>> -> memref<1024xf32, #tpu.memory_space<vmem>>
        %dma_wait3A_153 = tpu.memref_slice %arg3[%mul3A_136] : memref<102400xf32, #tpu.memory_space<hbm>> -> memref<1024xf32, #tpu.memory_space<hbm>>
        %dma_wait3A_154 = arith.constant 0 : i32
        %dma_wait3A_155 = tpu.memref_slice %arg16[%run_scoped3A, %dma_wait3A_154] : memref<2x1024xf32, #tpu.memory_space<vmem>> -> memref<1x1024xf32, #tpu.memory_space<vmem>>
        %dma_wait3A_156 = tpu.memref_squeeze %dma_wait3A_155 : memref<1x1024xf32, #tpu.memory_space<vmem>> -> memref<1024xf32, #tpu.memory_space<vmem>>
        %dma_wait3A_157 = tpu.memref_slice %arg3[%mul3A_136] : memref<102400xf32, #tpu.memory_space<hbm>> -> memref<1024xf32, #tpu.memory_space<hbm>>
        tpu.wait_dma2 semaphore(%run_scoped3A_142 : memref<!tpu.dma_semaphore, #tpu.memory_space<semaphore_mem>>) src(%dma_wait3A_157 : memref<1024xf32, #tpu.memory_space<hbm>>) dst(%dma_wait3A_156 : memref<1024xf32, #tpu.memory_space<vmem>>)
        tpu.yield
      }) : () -> ()
      %scan3A_137 = arith.constant 0 : i32
      %scan3A_138 = arith.constant 64 : i32
      %scan3A_139 = arith.addi %scan3A_137, %scan3A_138 : i32
      %scan3A_140 = arith.constant 16 : i32
      scf.for %scan3A_142 = %scan3A_137 to %scan3A_139 step %scan3A_140  : i32 {
        %mul3A_143 = arith.constant 1024 : i32
        %mul3A_144 = arith.muli %scan3A_134, %mul3A_143 : i32
        %mul3A_145 = arith.constant 16 : i32
        %mul3A_146 = arith.muli %scan3A_142, %mul3A_145 : i32
        %add3A_147 = arith.addi %mul3A_144, %mul3A_146 : i32
        %get3A = arith.index_cast %add3A_147 : i32 to index
        %get3A_148 = tpu.vector_load %arg12[%get3A] {strides = array<i32>} : memref<102400xi32, #tpu.memory_space<vmem>>, vector<16xi32>,
        %mul3A_149 = arith.constant 16 : i32
        %mul3A_150 = arith.muli %scan3A_142, %mul3A_149 : i32
        %get3A_151 = arith.constant 0 : i32
        %get3A_152 = arith.index_cast %get3A_151 : i32 to index
        %get3A_153 = arith.index_cast %mul3A_150 : i32 to index
        %get3A_154 = tpu.vector_load %arg16[%get3A_152, %get3A_153] {strides = array<i32>} : memref<2x1024xf32, #tpu.memory_space<vmem>>, vector<16xf32>,
        %add3A_155 = arith.addi %get3A_148, %iota3A : vector<16xi32>
        tpu.vector_store_idx %arg13[%add3A_155], %get3A_154 {add = true} : memref<4096xf32, #tpu.memory_space<vmem>>[vector<16xi32>], vector<16xf32>,
        %scan3A_156 = arith.constant 1 : i32
        %scan3A_157 = arith.addi %scan3A_142, %scan3A_156 : i32
        %mul3A_158 = arith.constant 1024 : i32
        %mul3A_159 = arith.muli %scan3A_134, %mul3A_158 : i32
        %mul3A_160 = arith.constant 16 : i32
        %mul3A_161 = arith.muli %scan3A_157, %mul3A_160 : i32
        %add3A_162 = arith.addi %mul3A_159, %mul3A_161 : i32
        %get3A_163 = arith.index_cast %add3A_162 : i32 to index
        %get3A_164 = tpu.vector_load %arg12[%get3A_163] {strides = array<i32>} : memref<102400xi32, #tpu.memory_space<vmem>>, vector<16xi32>,
        %mul3A_165 = arith.constant 16 : i32
        %mul3A_166 = arith.muli %scan3A_157, %mul3A_165 : i32
        %get3A_167 = arith.constant 0 : i32
        %get3A_168 = arith.index_cast %get3A_167 : i32 to index
        %get3A_169 = arith.index_cast %mul3A_166 : i32 to index
        %get3A_170 = tpu.vector_load %arg16[%get3A_168, %get3A_169] {strides = array<i32>} : memref<2x1024xf32, #tpu.memory_space<vmem>>, vector<16xf32>,
        %add3A_171 = arith.addi %get3A_164, %iota3A : vector<16xi32>
        tpu.vector_store_idx %arg13[%add3A_171], %get3A_170 {add = true} : memref<4096xf32, #tpu.memory_space<vmem>>[vector<16xi32>], vector<16xf32>,
        %scan3A_172 = arith.constant 2 : i32
        %scan3A_173 = arith.addi %scan3A_142, %scan3A_172 : i32
        %mul3A_174 = arith.constant 1024 : i32
        %mul3A_175 = arith.muli %scan3A_134, %mul3A_174 : i32
        %mul3A_176 = arith.constant 16 : i32
        %mul3A_177 = arith.muli %scan3A_173, %mul3A_176 : i32
        %add3A_178 = arith.addi %mul3A_175, %mul3A_177 : i32
        %get3A_179 = arith.index_cast %add3A_178 : i32 to index
        %get3A_180 = tpu.vector_load %arg12[%get3A_179] {strides = array<i32>} : memref<102400xi32, #tpu.memory_space<vmem>>, vector<16xi32>,
        %mul3A_181 = arith.constant 16 : i32
        %mul3A_182 = arith.muli %scan3A_173, %mul3A_181 : i32
        %get3A_183 = arith.constant 0 : i32
        %get3A_184 = arith.index_cast %get3A_183 : i32 to index
        %get3A_185 = arith.index_cast %mul3A_182 : i32 to index
        %get3A_186 = tpu.vector_load %arg16[%get3A_184, %get3A_185] {strides = array<i32>} : memref<2x1024xf32, #tpu.memory_space<vmem>>, vector<16xf32>,
        %add3A_187 = arith.addi %get3A_180, %iota3A : vector<16xi32>
        tpu.vector_store_idx %arg13[%add3A_187], %get3A_186 {add = true} : memref<4096xf32, #tpu.memory_space<vmem>>[vector<16xi32>], vector<16xf32>,
        %scan3A_188 = arith.constant 3 : i32
        %scan3A_189 = arith.addi %scan3A_142, %scan3A_188 : i32
        %mul3A_190 = arith.constant 1024 : i32
        %mul3A_191 = arith.muli %scan3A_134, %mul3A_190 : i32
        %mul3A_192 = arith.constant 16 : i32
        %mul3A_193 = arith.muli %scan3A_189, %mul3A_192 : i32
        %add3A_194 = arith.addi %mul3A_191, %mul3A_193 : i32
        %get3A_195 = arith.index_cast %add3A_194 : i32 to index
        %get3A_196 = tpu.vector_load %arg12[%get3A_195] {strides = array<i32>} : memref<102400xi32, #tpu.memory_space<vmem>>, vector<16xi32>,
        %mul3A_197 = arith.constant 16 : i32
        %mul3A_198 = arith.muli %scan3A_189, %mul3A_197 : i32
        %get3A_199 = arith.constant 0 : i32
        %get3A_200 = arith.index_cast %get3A_199 : i32 to index
        %get3A_201 = arith.index_cast %mul3A_198 : i32 to index
        %get3A_202 = tpu.vector_load %arg16[%get3A_200, %get3A_201] {strides = array<i32>} : memref<2x1024xf32, #tpu.memory_space<vmem>>, vector<16xf32>,
        %add3A_203 = arith.addi %get3A_196, %iota3A : vector<16xi32>
        tpu.vector_store_idx %arg13[%add3A_203], %get3A_202 {add = true} : memref<4096xf32, #tpu.memory_space<vmem>>[vector<16xi32>], vector<16xf32>,
        %scan3A_204 = arith.constant 4 : i32
        %scan3A_205 = arith.addi %scan3A_142, %scan3A_204 : i32
        %mul3A_206 = arith.constant 1024 : i32
        %mul3A_207 = arith.muli %scan3A_134, %mul3A_206 : i32
        %mul3A_208 = arith.constant 16 : i32
        %mul3A_209 = arith.muli %scan3A_205, %mul3A_208 : i32
        %add3A_210 = arith.addi %mul3A_207, %mul3A_209 : i32
        %get3A_211 = arith.index_cast %add3A_210 : i32 to index
        %get3A_212 = tpu.vector_load %arg12[%get3A_211] {strides = array<i32>} : memref<102400xi32, #tpu.memory_space<vmem>>, vector<16xi32>,
        %mul3A_213 = arith.constant 16 : i32
        %mul3A_214 = arith.muli %scan3A_205, %mul3A_213 : i32
        %get3A_215 = arith.constant 0 : i32
        %get3A_216 = arith.index_cast %get3A_215 : i32 to index
        %get3A_217 = arith.index_cast %mul3A_214 : i32 to index
        %get3A_218 = tpu.vector_load %arg16[%get3A_216, %get3A_217] {strides = array<i32>} : memref<2x1024xf32, #tpu.memory_space<vmem>>, vector<16xf32>,
        %add3A_219 = arith.addi %get3A_212, %iota3A : vector<16xi32>
        tpu.vector_store_idx %arg13[%add3A_219], %get3A_218 {add = true} : memref<4096xf32, #tpu.memory_space<vmem>>[vector<16xi32>], vector<16xf32>,
        %scan3A_220 = arith.constant 5 : i32
        %scan3A_221 = arith.addi %scan3A_142, %scan3A_220 : i32
        %mul3A_222 = arith.constant 1024 : i32
        %mul3A_223 = arith.muli %scan3A_134, %mul3A_222 : i32
        %mul3A_224 = arith.constant 16 : i32
        %mul3A_225 = arith.muli %scan3A_221, %mul3A_224 : i32
        %add3A_226 = arith.addi %mul3A_223, %mul3A_225 : i32
        %get3A_227 = arith.index_cast %add3A_226 : i32 to index
        %get3A_228 = tpu.vector_load %arg12[%get3A_227] {strides = array<i32>} : memref<102400xi32, #tpu.memory_space<vmem>>, vector<16xi32>,
        %mul3A_229 = arith.constant 16 : i32
        %mul3A_230 = arith.muli %scan3A_221, %mul3A_229 : i32
        %get3A_231 = arith.constant 0 : i32
        %get3A_232 = arith.index_cast %get3A_231 : i32 to index
        %get3A_233 = arith.index_cast %mul3A_230 : i32 to index
        %get3A_234 = tpu.vector_load %arg16[%get3A_232, %get3A_233] {strides = array<i32>} : memref<2x1024xf32, #tpu.memory_space<vmem>>, vector<16xf32>,
        %add3A_235 = arith.addi %get3A_228, %iota3A : vector<16xi32>
        tpu.vector_store_idx %arg13[%add3A_235], %get3A_234 {add = true} : memref<4096xf32, #tpu.memory_space<vmem>>[vector<16xi32>], vector<16xf32>,
        %scan3A_236 = arith.constant 6 : i32
        %scan3A_237 = arith.addi %scan3A_142, %scan3A_236 : i32
        %mul3A_238 = arith.constant 1024 : i32
        %mul3A_239 = arith.muli %scan3A_134, %mul3A_238 : i32
        %mul3A_240 = arith.constant 16 : i32
        %mul3A_241 = arith.muli %scan3A_237, %mul3A_240 : i32
        %add3A_242 = arith.addi %mul3A_239, %mul3A_241 : i32
        %get3A_243 = arith.index_cast %add3A_242 : i32 to index
        %get3A_244 = tpu.vector_load %arg12[%get3A_243] {strides = array<i32>} : memref<102400xi32, #tpu.memory_space<vmem>>, vector<16xi32>,
        %mul3A_245 = arith.constant 16 : i32
        %mul3A_246 = arith.muli %scan3A_237, %mul3A_245 : i32
        %get3A_247 = arith.constant 0 : i32
        %get3A_248 = arith.index_cast %get3A_247 : i32 to index
        %get3A_249 = arith.index_cast %mul3A_246 : i32 to index
        %get3A_250 = tpu.vector_load %arg16[%get3A_248, %get3A_249] {strides = array<i32>} : memref<2x1024xf32, #tpu.memory_space<vmem>>, vector<16xf32>,
        %add3A_251 = arith.addi %get3A_244, %iota3A : vector<16xi32>
        tpu.vector_store_idx %arg13[%add3A_251], %get3A_250 {add = true} : memref<4096xf32, #tpu.memory_space<vmem>>[vector<16xi32>], vector<16xf32>,
        %scan3A_252 = arith.constant 7 : i32
        %scan3A_253 = arith.addi %scan3A_142, %scan3A_252 : i32
        %mul3A_254 = arith.constant 1024 : i32
        %mul3A_255 = arith.muli %scan3A_134, %mul3A_254 : i32
        %mul3A_256 = arith.constant 16 : i32
        %mul3A_257 = arith.muli %scan3A_253, %mul3A_256 : i32
        %add3A_258 = arith.addi %mul3A_255, %mul3A_257 : i32
        %get3A_259 = arith.index_cast %add3A_258 : i32 to index
        %get3A_260 = tpu.vector_load %arg12[%get3A_259] {strides = array<i32>} : memref<102400xi32, #tpu.memory_space<vmem>>, vector<16xi32>,
        %mul3A_261 = arith.constant 16 : i32
        %mul3A_262 = arith.muli %scan3A_253, %mul3A_261 : i32
        %get3A_263 = arith.constant 0 : i32
        %get3A_264 = arith.index_cast %get3A_263 : i32 to index
        %get3A_265 = arith.index_cast %mul3A_262 : i32 to index
        %get3A_266 = tpu.vector_load %arg16[%get3A_264, %get3A_265] {strides = array<i32>} : memref<2x1024xf32, #tpu.memory_space<vmem>>, vector<16xf32>,
        %add3A_267 = arith.addi %get3A_260, %iota3A : vector<16xi32>
        tpu.vector_store_idx %arg13[%add3A_267], %get3A_266 {add = true} : memref<4096xf32, #tpu.memory_space<vmem>>[vector<16xi32>], vector<16xf32>,
        %scan3A_268 = arith.constant 8 : i32
        %scan3A_269 = arith.addi %scan3A_142, %scan3A_268 : i32
        %mul3A_270 = arith.constant 1024 : i32
        %mul3A_271 = arith.muli %scan3A_134, %mul3A_270 : i32
        %mul3A_272 = arith.constant 16 : i32
        %mul3A_273 = arith.muli %scan3A_269, %mul3A_272 : i32
        %add3A_274 = arith.addi %mul3A_271, %mul3A_273 : i32
        %get3A_275 = arith.index_cast %add3A_274 : i32 to index
        %get3A_276 = tpu.vector_load %arg12[%get3A_275] {strides = array<i32>} : memref<102400xi32, #tpu.memory_space<vmem>>, vector<16xi32>,
        %mul3A_277 = arith.constant 16 : i32
        %mul3A_278 = arith.muli %scan3A_269, %mul3A_277 : i32
        %get3A_279 = arith.constant 0 : i32
        %get3A_280 = arith.index_cast %get3A_279 : i32 to index
        %get3A_281 = arith.index_cast %mul3A_278 : i32 to index
        %get3A_282 = tpu.vector_load %arg16[%get3A_280, %get3A_281] {strides = array<i32>} : memref<2x1024xf32, #tpu.memory_space<vmem>>, vector<16xf32>,
        %add3A_283 = arith.addi %get3A_276, %iota3A : vector<16xi32>
        tpu.vector_store_idx %arg13[%add3A_283], %get3A_282 {add = true} : memref<4096xf32, #tpu.memory_space<vmem>>[vector<16xi32>], vector<16xf32>,
        %scan3A_284 = arith.constant 9 : i32
        %scan3A_285 = arith.addi %scan3A_142, %scan3A_284 : i32
        %mul3A_286 = arith.constant 1024 : i32
        %mul3A_287 = arith.muli %scan3A_134, %mul3A_286 : i32
        %mul3A_288 = arith.constant 16 : i32
        %mul3A_289 = arith.muli %scan3A_285, %mul3A_288 : i32
        %add3A_290 = arith.addi %mul3A_287, %mul3A_289 : i32
        %get3A_291 = arith.index_cast %add3A_290 : i32 to index
        %get3A_292 = tpu.vector_load %arg12[%get3A_291] {strides = array<i32>} : memref<102400xi32, #tpu.memory_space<vmem>>, vector<16xi32>,
        %mul3A_293 = arith.constant 16 : i32
        %mul3A_294 = arith.muli %scan3A_285, %mul3A_293 : i32
        %get3A_295 = arith.constant 0 : i32
        %get3A_296 = arith.index_cast %get3A_295 : i32 to index
        %get3A_297 = arith.index_cast %mul3A_294 : i32 to index
        %get3A_298 = tpu.vector_load %arg16[%get3A_296, %get3A_297] {strides = array<i32>} : memref<2x1024xf32, #tpu.memory_space<vmem>>, vector<16xf32>,
        %add3A_299 = arith.addi %get3A_292, %iota3A : vector<16xi32>
        tpu.vector_store_idx %arg13[%add3A_299], %get3A_298 {add = true} : memref<4096xf32, #tpu.memory_space<vmem>>[vector<16xi32>], vector<16xf32>,
        %scan3A_300 = arith.constant 10 : i32
        %scan3A_301 = arith.addi %scan3A_142, %scan3A_300 : i32
        %mul3A_302 = arith.constant 1024 : i32
        %mul3A_303 = arith.muli %scan3A_134, %mul3A_302 : i32
        %mul3A_304 = arith.constant 16 : i32
        %mul3A_305 = arith.muli %scan3A_301, %mul3A_304 : i32
        %add3A_306 = arith.addi %mul3A_303, %mul3A_305 : i32
        %get3A_307 = arith.index_cast %add3A_306 : i32 to index
        %get3A_308 = tpu.vector_load %arg12[%get3A_307] {strides = array<i32>} : memref<102400xi32, #tpu.memory_space<vmem>>, vector<16xi32>,
        %mul3A_309 = arith.constant 16 : i32
        %mul3A_310 = arith.muli %scan3A_301, %mul3A_309 : i32
        %get3A_311 = arith.constant 0 : i32
        %get3A_312 = arith.index_cast %get3A_311 : i32 to index
        %get3A_313 = arith.index_cast %mul3A_310 : i32 to index
        %get3A_314 = tpu.vector_load %arg16[%get3A_312, %get3A_313] {strides = array<i32>} : memref<2x1024xf32, #tpu.memory_space<vmem>>, vector<16xf32>,
        %add3A_315 = arith.addi %get3A_308, %iota3A : vector<16xi32>
        tpu.vector_store_idx %arg13[%add3A_315], %get3A_314 {add = true} : memref<4096xf32, #tpu.memory_space<vmem>>[vector<16xi32>], vector<16xf32>,
        %scan3A_316 = arith.constant 11 : i32
        %scan3A_317 = arith.addi %scan3A_142, %scan3A_316 : i32
        %mul3A_318 = arith.constant 1024 : i32
        %mul3A_319 = arith.muli %scan3A_134, %mul3A_318 : i32
        %mul3A_320 = arith.constant 16 : i32
        %mul3A_321 = arith.muli %scan3A_317, %mul3A_320 : i32
        %add3A_322 = arith.addi %mul3A_319, %mul3A_321 : i32
        %get3A_323 = arith.index_cast %add3A_322 : i32 to index
        %get3A_324 = tpu.vector_load %arg12[%get3A_323] {strides = array<i32>} : memref<102400xi32, #tpu.memory_space<vmem>>, vector<16xi32>,
        %mul3A_325 = arith.constant 16 : i32
        %mul3A_326 = arith.muli %scan3A_317, %mul3A_325 : i32
        %get3A_327 = arith.constant 0 : i32
        %get3A_328 = arith.index_cast %get3A_327 : i32 to index
        %get3A_329 = arith.index_cast %mul3A_326 : i32 to index
        %get3A_330 = tpu.vector_load %arg16[%get3A_328, %get3A_329] {strides = array<i32>} : memref<2x1024xf32, #tpu.memory_space<vmem>>, vector<16xf32>,
        %add3A_331 = arith.addi %get3A_324, %iota3A : vector<16xi32>
        tpu.vector_store_idx %arg13[%add3A_331], %get3A_330 {add = true} : memref<4096xf32, #tpu.memory_space<vmem>>[vector<16xi32>], vector<16xf32>,
        %scan3A_332 = arith.constant 12 : i32
        %scan3A_333 = arith.addi %scan3A_142, %scan3A_332 : i32
        %mul3A_334 = arith.constant 1024 : i32
        %mul3A_335 = arith.muli %scan3A_134, %mul3A_334 : i32
        %mul3A_336 = arith.constant 16 : i32
        %mul3A_337 = arith.muli %scan3A_333, %mul3A_336 : i32
        %add3A_338 = arith.addi %mul3A_335, %mul3A_337 : i32
        %get3A_339 = arith.index_cast %add3A_338 : i32 to index
        %get3A_340 = tpu.vector_load %arg12[%get3A_339] {strides = array<i32>} : memref<102400xi32, #tpu.memory_space<vmem>>, vector<16xi32>,
        %mul3A_341 = arith.constant 16 : i32
        %mul3A_342 = arith.muli %scan3A_333, %mul3A_341 : i32
        %get3A_343 = arith.constant 0 : i32
        %get3A_344 = arith.index_cast %get3A_343 : i32 to index
        %get3A_345 = arith.index_cast %mul3A_342 : i32 to index
        %get3A_346 = tpu.vector_load %arg16[%get3A_344, %get3A_345] {strides = array<i32>} : memref<2x1024xf32, #tpu.memory_space<vmem>>, vector<16xf32>,
        %add3A_347 = arith.addi %get3A_340, %iota3A : vector<16xi32>
        tpu.vector_store_idx %arg13[%add3A_347], %get3A_346 {add = true} : memref<4096xf32, #tpu.memory_space<vmem>>[vector<16xi32>], vector<16xf32>,
        %scan3A_348 = arith.constant 13 : i32
        %scan3A_349 = arith.addi %scan3A_142, %scan3A_348 : i32
        %mul3A_350 = arith.constant 1024 : i32
        %mul3A_351 = arith.muli %scan3A_134, %mul3A_350 : i32
        %mul3A_352 = arith.constant 16 : i32
        %mul3A_353 = arith.muli %scan3A_349, %mul3A_352 : i32
        %add3A_354 = arith.addi %mul3A_351, %mul3A_353 : i32
        %get3A_355 = arith.index_cast %add3A_354 : i32 to index
        %get3A_356 = tpu.vector_load %arg12[%get3A_355] {strides = array<i32>} : memref<102400xi32, #tpu.memory_space<vmem>>, vector<16xi32>,
        %mul3A_357 = arith.constant 16 : i32
        %mul3A_358 = arith.muli %scan3A_349, %mul3A_357 : i32
        %get3A_359 = arith.constant 0 : i32
        %get3A_360 = arith.index_cast %get3A_359 : i32 to index
        %get3A_361 = arith.index_cast %mul3A_358 : i32 to index
        %get3A_362 = tpu.vector_load %arg16[%get3A_360, %get3A_361] {strides = array<i32>} : memref<2x1024xf32, #tpu.memory_space<vmem>>, vector<16xf32>,
        %add3A_363 = arith.addi %get3A_356, %iota3A : vector<16xi32>
        tpu.vector_store_idx %arg13[%add3A_363], %get3A_362 {add = true} : memref<4096xf32, #tpu.memory_space<vmem>>[vector<16xi32>], vector<16xf32>,
        %scan3A_364 = arith.constant 14 : i32
        %scan3A_365 = arith.addi %scan3A_142, %scan3A_364 : i32
        %mul3A_366 = arith.constant 1024 : i32
        %mul3A_367 = arith.muli %scan3A_134, %mul3A_366 : i32
        %mul3A_368 = arith.constant 16 : i32
        %mul3A_369 = arith.muli %scan3A_365, %mul3A_368 : i32
        %add3A_370 = arith.addi %mul3A_367, %mul3A_369 : i32
        %get3A_371 = arith.index_cast %add3A_370 : i32 to index
        %get3A_372 = tpu.vector_load %arg12[%get3A_371] {strides = array<i32>} : memref<102400xi32, #tpu.memory_space<vmem>>, vector<16xi32>,
        %mul3A_373 = arith.constant 16 : i32
        %mul3A_374 = arith.muli %scan3A_365, %mul3A_373 : i32
        %get3A_375 = arith.constant 0 : i32
        %get3A_376 = arith.index_cast %get3A_375 : i32 to index
        %get3A_377 = arith.index_cast %mul3A_374 : i32 to index
        %get3A_378 = tpu.vector_load %arg16[%get3A_376, %get3A_377] {strides = array<i32>} : memref<2x1024xf32, #tpu.memory_space<vmem>>, vector<16xf32>,
        %add3A_379 = arith.addi %get3A_372, %iota3A : vector<16xi32>
        tpu.vector_store_idx %arg13[%add3A_379], %get3A_378 {add = true} : memref<4096xf32, #tpu.memory_space<vmem>>[vector<16xi32>], vector<16xf32>,
        %scan3A_380 = arith.constant 15 : i32
        %scan3A_381 = arith.addi %scan3A_142, %scan3A_380 : i32
        %mul3A_382 = arith.constant 1024 : i32
        %mul3A_383 = arith.muli %scan3A_134, %mul3A_382 : i32
        %mul3A_384 = arith.constant 16 : i32
        %mul3A_385 = arith.muli %scan3A_381, %mul3A_384 : i32
        %add3A_386 = arith.addi %mul3A_383, %mul3A_385 : i32
        %get3A_387 = arith.index_cast %add3A_386 : i32 to index
        %get3A_388 = tpu.vector_load %arg12[%get3A_387] {strides = array<i32>} : memref<102400xi32, #tpu.memory_space<vmem>>, vector<16xi32>,
        %mul3A_389 = arith.constant 16 : i32
        %mul3A_390 = arith.muli %scan3A_381, %mul3A_389 : i32
        %get3A_391 = arith.constant 0 : i32
        %get3A_392 = arith.index_cast %get3A_391 : i32 to index
        %get3A_393 = arith.index_cast %mul3A_390 : i32 to index
        %get3A_394 = tpu.vector_load %arg16[%get3A_392, %get3A_393] {strides = array<i32>} : memref<2x1024xf32, #tpu.memory_space<vmem>>, vector<16xf32>,
        %add3A_395 = arith.addi %get3A_388, %iota3A : vector<16xi32>
        tpu.vector_store_idx %arg13[%add3A_395], %get3A_394 {add = true} : memref<4096xf32, #tpu.memory_space<vmem>>[vector<16xi32>], vector<16xf32>,
      }
      %scan3A_141 = arith.constant 64 : i32
    }
    %scan3A_15 = arith.constant 100 : i32
    %dma_start3A = arith.constant 0 : i32
    %dma_start3A_16 = arith.constant 0 : i32
    %dma_start3A_17 = arith.constant 0 : i32
    %dma_start3A_18 = tpu.memref_slice %arg15[%dma_start3A, %dma_start3A_17] : memref<2x3072xi32, #tpu.memory_space<vmem>> -> memref<1x1024xi32, #tpu.memory_space<vmem>>
    %dma_start3A_19 = tpu.memref_squeeze %dma_start3A_18 : memref<1x1024xi32, #tpu.memory_space<vmem>> -> memref<1024xi32, #tpu.memory_space<vmem>>
    %dma_start3A_20 = arith.constant 0 : i32
    %dma_start3A_21 = tpu.memref_slice %arg4[%dma_start3A_20] : memref<501760xi32, #tpu.memory_space<hbm>> -> memref<1024xi32, #tpu.memory_space<hbm>>
    %dma_start3A_22 = tpu.memref_slice %arg17[%dma_start3A_16] : memref<2x!tpu.dma_semaphore, #tpu.memory_space<semaphore_mem>> -> memref<1x!tpu.dma_semaphore, #tpu.memory_space<semaphore_mem>>
    %dma_start3A_23 = tpu.memref_squeeze %dma_start3A_22 : memref<1x!tpu.dma_semaphore, #tpu.memory_space<semaphore_mem>> -> memref<!tpu.dma_semaphore, #tpu.memory_space<semaphore_mem>>
    %dma_start3A_24 = arith.constant 0 : i32
    %dma_start3A_25 = tpu.memref_slice %arg15[%dma_start3A, %dma_start3A_24] : memref<2x3072xi32, #tpu.memory_space<vmem>> -> memref<1x1024xi32, #tpu.memory_space<vmem>>
    %dma_start3A_26 = tpu.memref_squeeze %dma_start3A_25 : memref<1x1024xi32, #tpu.memory_space<vmem>> -> memref<1024xi32, #tpu.memory_space<vmem>>
    %dma_start3A_27 = arith.constant 0 : i32
    %dma_start3A_28 = tpu.memref_slice %arg4[%dma_start3A_27] : memref<501760xi32, #tpu.memory_space<hbm>> -> memref<1024xi32, #tpu.memory_space<hbm>>
    tpu.enqueue_dma source(%dma_start3A_28 : memref<1024xi32, #tpu.memory_space<hbm>>) target(%dma_start3A_26 : memref<1024xi32, #tpu.memory_space<vmem>>) target_semaphore(%dma_start3A_23 : memref<!tpu.dma_semaphore, #tpu.memory_space<semaphore_mem>>)
    %dma_start3A_29 = arith.constant 0 : i32
    %dma_start3A_30 = arith.constant 0 : i32
    %dma_start3A_31 = arith.constant 1024 : i32
    %dma_start3A_32 = tpu.memref_slice %arg15[%dma_start3A_29, %dma_start3A_31] : memref<2x3072xi32, #tpu.memory_space<vmem>> -> memref<1x1024xi32, #tpu.memory_space<vmem>>
    %dma_start3A_33 = tpu.memref_squeeze %dma_start3A_32 : memref<1x1024xi32, #tpu.memory_space<vmem>> -> memref<1024xi32, #tpu.memory_space<vmem>>
    %dma_start3A_34 = arith.constant 0 : i32
    %dma_start3A_35 = tpu.memref_slice %arg5[%dma_start3A_34] : memref<501760xi32, #tpu.memory_space<hbm>> -> memref<1024xi32, #tpu.memory_space<hbm>>
    %dma_start3A_36 = tpu.memref_slice %arg17[%dma_start3A_30] : memref<2x!tpu.dma_semaphore, #tpu.memory_space<semaphore_mem>> -> memref<1x!tpu.dma_semaphore, #tpu.memory_space<semaphore_mem>>
    %dma_start3A_37 = tpu.memref_squeeze %dma_start3A_36 : memref<1x!tpu.dma_semaphore, #tpu.memory_space<semaphore_mem>> -> memref<!tpu.dma_semaphore, #tpu.memory_space<semaphore_mem>>
    %dma_start3A_38 = arith.constant 1024 : i32
    %dma_start3A_39 = tpu.memref_slice %arg15[%dma_start3A_29, %dma_start3A_38] : memref<2x3072xi32, #tpu.memory_space<vmem>> -> memref<1x1024xi32, #tpu.memory_space<vmem>>
    %dma_start3A_40 = tpu.memref_squeeze %dma_start3A_39 : memref<1x1024xi32, #tpu.memory_space<vmem>> -> memref<1024xi32, #tpu.memory_space<vmem>>
    %dma_start3A_41 = arith.constant 0 : i32
    %dma_start3A_42 = tpu.memref_slice %arg5[%dma_start3A_41] : memref<501760xi32, #tpu.memory_space<hbm>> -> memref<1024xi32, #tpu.memory_space<hbm>>
    tpu.enqueue_dma source(%dma_start3A_42 : memref<1024xi32, #tpu.memory_space<hbm>>) target(%dma_start3A_40 : memref<1024xi32, #tpu.memory_space<vmem>>) target_semaphore(%dma_start3A_37 : memref<!tpu.dma_semaphore, #tpu.memory_space<semaphore_mem>>)
    %dma_start3A_43 = arith.constant 0 : i32
    %dma_start3A_44 = arith.constant 0 : i32
    %dma_start3A_45 = arith.constant 0 : i32
    %dma_start3A_46 = tpu.memref_slice %arg16[%dma_start3A_43, %dma_start3A_45] : memref<2x1024xf32, #tpu.memory_space<vmem>> -> memref<1x1024xf32, #tpu.memory_space<vmem>>
    %dma_start3A_47 = tpu.memref_squeeze %dma_start3A_46 : memref<1x1024xf32, #tpu.memory_space<vmem>> -> memref<1024xf32, #tpu.memory_space<vmem>>
    %dma_start3A_48 = arith.constant 0 : i32
    %dma_start3A_49 = tpu.memref_slice %arg6[%dma_start3A_48] : memref<501760xf32, #tpu.memory_space<hbm>> -> memref<1024xf32, #tpu.memory_space<hbm>>
    %dma_start3A_50 = tpu.memref_slice %arg17[%dma_start3A_44] : memref<2x!tpu.dma_semaphore, #tpu.memory_space<semaphore_mem>> -> memref<1x!tpu.dma_semaphore, #tpu.memory_space<semaphore_mem>>
    %dma_start3A_51 = tpu.memref_squeeze %dma_start3A_50 : memref<1x!tpu.dma_semaphore, #tpu.memory_space<semaphore_mem>> -> memref<!tpu.dma_semaphore, #tpu.memory_space<semaphore_mem>>
    %dma_start3A_52 = arith.constant 0 : i32
    %dma_start3A_53 = tpu.memref_slice %arg16[%dma_start3A_43, %dma_start3A_52] : memref<2x1024xf32, #tpu.memory_space<vmem>> -> memref<1x1024xf32, #tpu.memory_space<vmem>>
    %dma_start3A_54 = tpu.memref_squeeze %dma_start3A_53 : memref<1x1024xf32, #tpu.memory_space<vmem>> -> memref<1024xf32, #tpu.memory_space<vmem>>
    %dma_start3A_55 = arith.constant 0 : i32
    %dma_start3A_56 = tpu.memref_slice %arg6[%dma_start3A_55] : memref<501760xf32, #tpu.memory_space<hbm>> -> memref<1024xf32, #tpu.memory_space<hbm>>
    tpu.enqueue_dma source(%dma_start3A_56 : memref<1024xf32, #tpu.memory_space<hbm>>) target(%dma_start3A_54 : memref<1024xf32, #tpu.memory_space<vmem>>) target_semaphore(%dma_start3A_51 : memref<!tpu.dma_semaphore, #tpu.memory_space<semaphore_mem>>)
    %scan3A_57 = arith.constant 0 : i32
    %scan3A_58 = arith.constant 0 : i32
    %scan3A_59 = arith.constant 245 : i32
    %scan3A_60 = arith.addi %scan3A_58, %scan3A_59 : i32
    %scan3A_61 = arith.constant 1 : i32
    scf.for %scan3A_134 = %scan3A_58 to %scan3A_60 step %scan3A_61  : i32 {
      %mul3A_135 = arith.constant 2 : i32
      %mul3A_136 = arith.muli %mul3A_135, %scan3A_134 : i32
      %add3A_137 = arith.constant 1 : i32
      %add3A_138 = arith.addi %mul3A_136, %add3A_137 : i32
      %mul3A_139 = arith.constant 1024 : i32
      %mul3A_140 = arith.muli %add3A_138, %mul3A_139 : i32
      %dma_start3A_141 = arith.constant 1 : i32
      %dma_start3A_142 = arith.constant 1 : i32
      %dma_start3A_143 = arith.constant 0 : i32
      %dma_start3A_144 = tpu.memref_slice %arg15[%dma_start3A_141, %dma_start3A_143] : memref<2x3072xi32, #tpu.memory_space<vmem>> -> memref<1x1024xi32, #tpu.memory_space<vmem>>
      %dma_start3A_145 = tpu.memref_squeeze %dma_start3A_144 : memref<1x1024xi32, #tpu.memory_space<vmem>> -> memref<1024xi32, #tpu.memory_space<vmem>>
      %dma_start3A_146 = tpu.memref_slice %arg4[%mul3A_140] : memref<501760xi32, #tpu.memory_space<hbm>> -> memref<1024xi32, #tpu.memory_space<hbm>>
      %dma_start3A_147 = tpu.memref_slice %arg17[%dma_start3A_142] : memref<2x!tpu.dma_semaphore, #tpu.memory_space<semaphore_mem>> -> memref<1x!tpu.dma_semaphore, #tpu.memory_space<semaphore_mem>>
      %dma_start3A_148 = tpu.memref_squeeze %dma_start3A_147 : memref<1x!tpu.dma_semaphore, #tpu.memory_space<semaphore_mem>> -> memref<!tpu.dma_semaphore, #tpu.memory_space<semaphore_mem>>
      %dma_start3A_149 = arith.constant 0 : i32
      %dma_start3A_150 = tpu.memref_slice %arg15[%dma_start3A_141, %dma_start3A_149] : memref<2x3072xi32, #tpu.memory_space<vmem>> -> memref<1x1024xi32, #tpu.memory_space<vmem>>
      %dma_start3A_151 = tpu.memref_squeeze %dma_start3A_150 : memref<1x1024xi32, #tpu.memory_space<vmem>> -> memref<1024xi32, #tpu.memory_space<vmem>>
      %dma_start3A_152 = tpu.memref_slice %arg4[%mul3A_140] : memref<501760xi32, #tpu.memory_space<hbm>> -> memref<1024xi32, #tpu.memory_space<hbm>>
      tpu.enqueue_dma source(%dma_start3A_152 : memref<1024xi32, #tpu.memory_space<hbm>>) target(%dma_start3A_151 : memref<1024xi32, #tpu.memory_space<vmem>>) target_semaphore(%dma_start3A_148 : memref<!tpu.dma_semaphore, #tpu.memory_space<semaphore_mem>>)
      %mul3A_153 = arith.constant 1024 : i32
      %mul3A_154 = arith.muli %add3A_138, %mul3A_153 : i32
      %dma_start3A_155 = arith.constant 1 : i32
      %dma_start3A_156 = arith.constant 1 : i32
      %dma_start3A_157 = arith.constant 1024 : i32
      %dma_start3A_158 = tpu.memref_slice %arg15[%dma_start3A_155, %dma_start3A_157] : memref<2x3072xi32, #tpu.memory_space<vmem>> -> memref<1x1024xi32, #tpu.memory_space<vmem>>
      %dma_start3A_159 = tpu.memref_squeeze %dma_start3A_158 : memref<1x1024xi32, #tpu.memory_space<vmem>> -> memref<1024xi32, #tpu.memory_space<vmem>>
      %dma_start3A_160 = tpu.memref_slice %arg5[%mul3A_154] : memref<501760xi32, #tpu.memory_space<hbm>> -> memref<1024xi32, #tpu.memory_space<hbm>>
      %dma_start3A_161 = tpu.memref_slice %arg17[%dma_start3A_156] : memref<2x!tpu.dma_semaphore, #tpu.memory_space<semaphore_mem>> -> memref<1x!tpu.dma_semaphore, #tpu.memory_space<semaphore_mem>>
      %dma_start3A_162 = tpu.memref_squeeze %dma_start3A_161 : memref<1x!tpu.dma_semaphore, #tpu.memory_space<semaphore_mem>> -> memref<!tpu.dma_semaphore, #tpu.memory_space<semaphore_mem>>
      %dma_start3A_163 = arith.constant 1024 : i32
      %dma_start3A_164 = tpu.memref_slice %arg15[%dma_start3A_155, %dma_start3A_163] : memref<2x3072xi32, #tpu.memory_space<vmem>> -> memref<1x1024xi32, #tpu.memory_space<vmem>>
      %dma_start3A_165 = tpu.memref_squeeze %dma_start3A_164 : memref<1x1024xi32, #tpu.memory_space<vmem>> -> memref<1024xi32, #tpu.memory_space<vmem>>
      %dma_start3A_166 = tpu.memref_slice %arg5[%mul3A_154] : memref<501760xi32, #tpu.memory_space<hbm>> -> memref<1024xi32, #tpu.memory_space<hbm>>
      tpu.enqueue_dma source(%dma_start3A_166 : memref<1024xi32, #tpu.memory_space<hbm>>) target(%dma_start3A_165 : memref<1024xi32, #tpu.memory_space<vmem>>) target_semaphore(%dma_start3A_162 : memref<!tpu.dma_semaphore, #tpu.memory_space<semaphore_mem>>)
      %mul3A_167 = arith.constant 1024 : i32
      %mul3A_168 = arith.muli %add3A_138, %mul3A_167 : i32
      %dma_start3A_169 = arith.constant 1 : i32
      %dma_start3A_170 = arith.constant 1 : i32
      %dma_start3A_171 = arith.constant 0 : i32
      %dma_start3A_172 = tpu.memref_slice %arg16[%dma_start3A_169, %dma_start3A_171] : memref<2x1024xf32, #tpu.memory_space<vmem>> -> memref<1x1024xf32, #tpu.memory_space<vmem>>
      %dma_start3A_173 = tpu.memref_squeeze %dma_start3A_172 : memref<1x1024xf32, #tpu.memory_space<vmem>> -> memref<1024xf32, #tpu.memory_space<vmem>>
      %dma_start3A_174 = tpu.memref_slice %arg6[%mul3A_168] : memref<501760xf32, #tpu.memory_space<hbm>> -> memref<1024xf32, #tpu.memory_space<hbm>>
      %dma_start3A_175 = tpu.memref_slice %arg17[%dma_start3A_170] : memref<2x!tpu.dma_semaphore, #tpu.memory_space<semaphore_mem>> -> memref<1x!tpu.dma_semaphore, #tpu.memory_space<semaphore_mem>>
      %dma_start3A_176 = tpu.memref_squeeze %dma_start3A_175 : memref<1x!tpu.dma_semaphore, #tpu.memory_space<semaphore_mem>> -> memref<!tpu.dma_semaphore, #tpu.memory_space<semaphore_mem>>
      %dma_start3A_177 = arith.constant 0 : i32
      %dma_start3A_178 = tpu.memref_slice %arg16[%dma_start3A_169, %dma_start3A_177] : memref<2x1024xf32, #tpu.memory_space<vmem>> -> memref<1x1024xf32, #tpu.memory_space<vmem>>
      %dma_start3A_179 = tpu.memref_squeeze %dma_start3A_178 : memref<1x1024xf32, #tpu.memory_space<vmem>> -> memref<1024xf32, #tpu.memory_space<vmem>>
      %dma_start3A_180 = tpu.memref_slice %arg6[%mul3A_168] : memref<501760xf32, #tpu.memory_space<hbm>> -> memref<1024xf32, #tpu.memory_space<hbm>>
      tpu.enqueue_dma source(%dma_start3A_180 : memref<1024xf32, #tpu.memory_space<hbm>>) target(%dma_start3A_179 : memref<1024xf32, #tpu.memory_space<vmem>>) target_semaphore(%dma_start3A_176 : memref<!tpu.dma_semaphore, #tpu.memory_space<semaphore_mem>>)
      %dma_wait3A = arith.constant 0 : i32
      %dma_wait3A_181 = arith.constant 0 : i32
      %dma_wait3A_182 = arith.constant 0 : i32
      %dma_wait3A_183 = tpu.memref_slice %arg15[%dma_wait3A, %dma_wait3A_182] : memref<2x3072xi32, #tpu.memory_space<vmem>> -> memref<1x2048xi32, #tpu.memory_space<vmem>>
      %dma_wait3A_184 = tpu.memref_squeeze %dma_wait3A_183 : memref<1x2048xi32, #tpu.memory_space<vmem>> -> memref<2048xi32, #tpu.memory_space<vmem>>
      %dma_wait3A_185 = arith.constant 0 : i32
      %dma_wait3A_186 = tpu.memref_slice %arg4[%dma_wait3A_185] : memref<501760xi32, #tpu.memory_space<hbm>> -> memref<2048xi32, #tpu.memory_space<hbm>>
      %dma_wait3A_187 = tpu.memref_slice %arg17[%dma_wait3A_181] : memref<2x!tpu.dma_semaphore, #tpu.memory_space<semaphore_mem>> -> memref<1x!tpu.dma_semaphore, #tpu.memory_space<semaphore_mem>>
      %dma_wait3A_188 = tpu.memref_squeeze %dma_wait3A_187 : memref<1x!tpu.dma_semaphore, #tpu.memory_space<semaphore_mem>> -> memref<!tpu.dma_semaphore, #tpu.memory_space<semaphore_mem>>
      %dma_wait3A_189 = arith.constant 0 : i32
      %dma_wait3A_190 = tpu.memref_slice %arg15[%dma_wait3A, %dma_wait3A_189] : memref<2x3072xi32, #tpu.memory_space<vmem>> -> memref<1x2048xi32, #tpu.memory_space<vmem>>
      %dma_wait3A_191 = tpu.memref_squeeze %dma_wait3A_190 : memref<1x2048xi32, #tpu.memory_space<vmem>> -> memref<2048xi32, #tpu.memory_space<vmem>>
      %dma_wait3A_192 = arith.constant 0 : i32
      %dma_wait3A_193 = tpu.memref_slice %arg4[%dma_wait3A_192] : memref<501760xi32, #tpu.memory_space<hbm>> -> memref<2048xi32, #tpu.memory_space<hbm>>
      tpu.wait_dma2 semaphore(%dma_wait3A_188 : memref<!tpu.dma_semaphore, #tpu.memory_space<semaphore_mem>>) src(%dma_wait3A_193 : memref<2048xi32, #tpu.memory_space<hbm>>) dst(%dma_wait3A_191 : memref<2048xi32, #tpu.memory_space<vmem>>)
      %dma_wait3A_194 = arith.constant 0 : i32
      %dma_wait3A_195 = arith.constant 0 : i32
      %dma_wait3A_196 = arith.constant 0 : i32
      %dma_wait3A_197 = tpu.memref_slice %arg16[%dma_wait3A_194, %dma_wait3A_196] : memref<2x1024xf32, #tpu.memory_space<vmem>> -> memref<1x1024xf32, #tpu.memory_space<vmem>>
      %dma_wait3A_198 = tpu.memref_squeeze %dma_wait3A_197 : memref<1x1024xf32, #tpu.memory_space<vmem>> -> memref<1024xf32, #tpu.memory_space<vmem>>
      %dma_wait3A_199 = arith.constant 0 : i32
      %dma_wait3A_200 = tpu.memref_slice %arg6[%dma_wait3A_199] : memref<501760xf32, #tpu.memory_space<hbm>> -> memref<1024xf32, #tpu.memory_space<hbm>>
      %dma_wait3A_201 = tpu.memref_slice %arg17[%dma_wait3A_195] : memref<2x!tpu.dma_semaphore, #tpu.memory_space<semaphore_mem>> -> memref<1x!tpu.dma_semaphore, #tpu.memory_space<semaphore_mem>>
      %dma_wait3A_202 = tpu.memref_squeeze %dma_wait3A_201 : memref<1x!tpu.dma_semaphore, #tpu.memory_space<semaphore_mem>> -> memref<!tpu.dma_semaphore, #tpu.memory_space<semaphore_mem>>
      %dma_wait3A_203 = arith.constant 0 : i32
      %dma_wait3A_204 = tpu.memref_slice %arg16[%dma_wait3A_194, %dma_wait3A_203] : memref<2x1024xf32, #tpu.memory_space<vmem>> -> memref<1x1024xf32, #tpu.memory_space<vmem>>
      %dma_wait3A_205 = tpu.memref_squeeze %dma_wait3A_204 : memref<1x1024xf32, #tpu.memory_space<vmem>> -> memref<1024xf32, #tpu.memory_space<vmem>>
      %dma_wait3A_206 = arith.constant 0 : i32
      %dma_wait3A_207 = tpu.memref_slice %arg6[%dma_wait3A_206] : memref<501760xf32, #tpu.memory_space<hbm>> -> memref<1024xf32, #tpu.memory_space<hbm>>
      tpu.wait_dma2 semaphore(%dma_wait3A_202 : memref<!tpu.dma_semaphore, #tpu.memory_space<semaphore_mem>>) src(%dma_wait3A_207 : memref<1024xf32, #tpu.memory_space<hbm>>) dst(%dma_wait3A_205 : memref<1024xf32, #tpu.memory_space<vmem>>)
      %scan3A_208 = arith.constant 0 : i32
      %scan3A_209 = arith.constant 0 : i32
      %scan3A_210 = arith.constant 64 : i32
      %scan3A_211 = arith.addi %scan3A_209, %scan3A_210 : i32
      %scan3A_212 = arith.constant 16 : i32
      scf.for %scan3A_252 = %scan3A_209 to %scan3A_211 step %scan3A_212  : i32 {
        %mul3A_253 = arith.constant 16 : i32
        %mul3A_254 = arith.muli %scan3A_252, %mul3A_253 : i32
        %get3A = arith.constant 0 : i32
        %get3A_255 = arith.index_cast %get3A : i32 to index
        %get3A_256 = arith.index_cast %mul3A_254 : i32 to index
        %get3A_257 = tpu.vector_load %arg15[%get3A_255, %get3A_256] {strides = array<i32>} : memref<2x3072xi32, #tpu.memory_space<vmem>>, vector<16xi32>,
        %mul3A_258 = arith.constant 16 : i32
        %mul3A_259 = arith.muli %scan3A_252, %mul3A_258 : i32
        %add3A_260 = arith.constant 1024 : i32
        %add3A_261 = arith.addi %add3A_260, %mul3A_259 : i32
        %get3A_262 = arith.constant 0 : i32
        %get3A_263 = arith.index_cast %get3A_262 : i32 to index
        %get3A_264 = arith.index_cast %add3A_261 : i32 to index
        %get3A_265 = tpu.vector_load %arg15[%get3A_263, %get3A_264] {strides = array<i32>} : memref<2x3072xi32, #tpu.memory_space<vmem>>, vector<16xi32>,
        %gather3A = tpu.vector_load_idx %arg12[%get3A_257] : memref<102400xi32, #tpu.memory_space<vmem>>[vector<16xi32>], vector<16xi32>,
        %gather3A_266 = tpu.vector_load_idx %arg12[%get3A_265] : memref<102400xi32, #tpu.memory_space<vmem>>[vector<16xi32>], vector<16xi32>,
        %max3A = arith.maxsi %gather3A, %gather3A_266 : vector<16xi32>
        %mul3A_267 = arith.constant 16 : i32
        %mul3A_268 = arith.muli %scan3A_252, %mul3A_267 : i32
        %get3A_269 = arith.constant 0 : i32
        %get3A_270 = arith.index_cast %get3A_269 : i32 to index
        %get3A_271 = arith.index_cast %mul3A_268 : i32 to index
        %get3A_272 = tpu.vector_load %arg16[%get3A_270, %get3A_271] {strides = array<i32>} : memref<2x1024xf32, #tpu.memory_space<vmem>>, vector<16xf32>,
        %add3A_273 = arith.addi %max3A, %iota3A : vector<16xi32>
        tpu.vector_store_idx %arg13[%add3A_273], %get3A_272 {add = true} : memref<4096xf32, #tpu.memory_space<vmem>>[vector<16xi32>], vector<16xf32>,
        %scan3A_274 = arith.constant 1 : i32
        %scan3A_275 = arith.addi %scan3A_252, %scan3A_274 : i32
        %mul3A_276 = arith.constant 16 : i32
        %mul3A_277 = arith.muli %scan3A_275, %mul3A_276 : i32
        %get3A_278 = arith.constant 0 : i32
        %get3A_279 = arith.index_cast %get3A_278 : i32 to index
        %get3A_280 = arith.index_cast %mul3A_277 : i32 to index
        %get3A_281 = tpu.vector_load %arg15[%get3A_279, %get3A_280] {strides = array<i32>} : memref<2x3072xi32, #tpu.memory_space<vmem>>, vector<16xi32>,
        %mul3A_282 = arith.constant 16 : i32
        %mul3A_283 = arith.muli %scan3A_275, %mul3A_282 : i32
        %add3A_284 = arith.constant 1024 : i32
        %add3A_285 = arith.addi %add3A_284, %mul3A_283 : i32
        %get3A_286 = arith.constant 0 : i32
        %get3A_287 = arith.index_cast %get3A_286 : i32 to index
        %get3A_288 = arith.index_cast %add3A_285 : i32 to index
        %get3A_289 = tpu.vector_load %arg15[%get3A_287, %get3A_288] {strides = array<i32>} : memref<2x3072xi32, #tpu.memory_space<vmem>>, vector<16xi32>,
        %gather3A_290 = tpu.vector_load_idx %arg12[%get3A_281] : memref<102400xi32, #tpu.memory_space<vmem>>[vector<16xi32>], vector<16xi32>,
        %gather3A_291 = tpu.vector_load_idx %arg12[%get3A_289] : memref<102400xi32, #tpu.memory_space<vmem>>[vector<16xi32>], vector<16xi32>,
        %max3A_292 = arith.maxsi %gather3A_290, %gather3A_291 : vector<16xi32>
        %mul3A_293 = arith.constant 16 : i32
        %mul3A_294 = arith.muli %scan3A_275, %mul3A_293 : i32
        %get3A_295 = arith.constant 0 : i32
        %get3A_296 = arith.index_cast %get3A_295 : i32 to index
        %get3A_297 = arith.index_cast %mul3A_294 : i32 to index
        %get3A_298 = tpu.vector_load %arg16[%get3A_296, %get3A_297] {strides = array<i32>} : memref<2x1024xf32, #tpu.memory_space<vmem>>, vector<16xf32>,
        %add3A_299 = arith.addi %max3A_292, %iota3A : vector<16xi32>
        tpu.vector_store_idx %arg13[%add3A_299], %get3A_298 {add = true} : memref<4096xf32, #tpu.memory_space<vmem>>[vector<16xi32>], vector<16xf32>,
        %scan3A_300 = arith.constant 2 : i32
        %scan3A_301 = arith.addi %scan3A_252, %scan3A_300 : i32
        %mul3A_302 = arith.constant 16 : i32
        %mul3A_303 = arith.muli %scan3A_301, %mul3A_302 : i32
        %get3A_304 = arith.constant 0 : i32
        %get3A_305 = arith.index_cast %get3A_304 : i32 to index
        %get3A_306 = arith.index_cast %mul3A_303 : i32 to index
        %get3A_307 = tpu.vector_load %arg15[%get3A_305, %get3A_306] {strides = array<i32>} : memref<2x3072xi32, #tpu.memory_space<vmem>>, vector<16xi32>,
        %mul3A_308 = arith.constant 16 : i32
        %mul3A_309 = arith.muli %scan3A_301, %mul3A_308 : i32
        %add3A_310 = arith.constant 1024 : i32
        %add3A_311 = arith.addi %add3A_310, %mul3A_309 : i32
        %get3A_312 = arith.constant 0 : i32
        %get3A_313 = arith.index_cast %get3A_312 : i32 to index
        %get3A_314 = arith.index_cast %add3A_311 : i32 to index
        %get3A_315 = tpu.vector_load %arg15[%get3A_313, %get3A_314] {strides = array<i32>} : memref<2x3072xi32, #tpu.memory_space<vmem>>, vector<16xi32>,
        %gather3A_316 = tpu.vector_load_idx %arg12[%get3A_307] : memref<102400xi32, #tpu.memory_space<vmem>>[vector<16xi32>], vector<16xi32>,
        %gather3A_317 = tpu.vector_load_idx %arg12[%get3A_315] : memref<102400xi32, #tpu.memory_space<vmem>>[vector<16xi32>], vector<16xi32>,
        %max3A_318 = arith.maxsi %gather3A_316, %gather3A_317 : vector<16xi32>
        %mul3A_319 = arith.constant 16 : i32
        %mul3A_320 = arith.muli %scan3A_301, %mul3A_319 : i32
        %get3A_321 = arith.constant 0 : i32
        %get3A_322 = arith.index_cast %get3A_321 : i32 to index
        %get3A_323 = arith.index_cast %mul3A_320 : i32 to index
        %get3A_324 = tpu.vector_load %arg16[%get3A_322, %get3A_323] {strides = array<i32>} : memref<2x1024xf32, #tpu.memory_space<vmem>>, vector<16xf32>,
        %add3A_325 = arith.addi %max3A_318, %iota3A : vector<16xi32>
        tpu.vector_store_idx %arg13[%add3A_325], %get3A_324 {add = true} : memref<4096xf32, #tpu.memory_space<vmem>>[vector<16xi32>], vector<16xf32>,
        %scan3A_326 = arith.constant 3 : i32
        %scan3A_327 = arith.addi %scan3A_252, %scan3A_326 : i32
        %mul3A_328 = arith.constant 16 : i32
        %mul3A_329 = arith.muli %scan3A_327, %mul3A_328 : i32
        %get3A_330 = arith.constant 0 : i32
        %get3A_331 = arith.index_cast %get3A_330 : i32 to index
        %get3A_332 = arith.index_cast %mul3A_329 : i32 to index
        %get3A_333 = tpu.vector_load %arg15[%get3A_331, %get3A_332] {strides = array<i32>} : memref<2x3072xi32, #tpu.memory_space<vmem>>, vector<16xi32>,
        %mul3A_334 = arith.constant 16 : i32
        %mul3A_335 = arith.muli %scan3A_327, %mul3A_334 : i32
        %add3A_336 = arith.constant 1024 : i32
        %add3A_337 = arith.addi %add3A_336, %mul3A_335 : i32
        %get3A_338 = arith.constant 0 : i32
        %get3A_339 = arith.index_cast %get3A_338 : i32 to index
        %get3A_340 = arith.index_cast %add3A_337 : i32 to index
        %get3A_341 = tpu.vector_load %arg15[%get3A_339, %get3A_340] {strides = array<i32>} : memref<2x3072xi32, #tpu.memory_space<vmem>>, vector<16xi32>,
        %gather3A_342 = tpu.vector_load_idx %arg12[%get3A_333] : memref<102400xi32, #tpu.memory_space<vmem>>[vector<16xi32>], vector<16xi32>,
        %gather3A_343 = tpu.vector_load_idx %arg12[%get3A_341] : memref<102400xi32, #tpu.memory_space<vmem>>[vector<16xi32>], vector<16xi32>,
        %max3A_344 = arith.maxsi %gather3A_342, %gather3A_343 : vector<16xi32>
        %mul3A_345 = arith.constant 16 : i32
        %mul3A_346 = arith.muli %scan3A_327, %mul3A_345 : i32
        %get3A_347 = arith.constant 0 : i32
        %get3A_348 = arith.index_cast %get3A_347 : i32 to index
        %get3A_349 = arith.index_cast %mul3A_346 : i32 to index
        %get3A_350 = tpu.vector_load %arg16[%get3A_348, %get3A_349] {strides = array<i32>} : memref<2x1024xf32, #tpu.memory_space<vmem>>, vector<16xf32>,
        %add3A_351 = arith.addi %max3A_344, %iota3A : vector<16xi32>
        tpu.vector_store_idx %arg13[%add3A_351], %get3A_350 {add = true} : memref<4096xf32, #tpu.memory_space<vmem>>[vector<16xi32>], vector<16xf32>,
        %scan3A_352 = arith.constant 4 : i32
        %scan3A_353 = arith.addi %scan3A_252, %scan3A_352 : i32
        %mul3A_354 = arith.constant 16 : i32
        %mul3A_355 = arith.muli %scan3A_353, %mul3A_354 : i32
        %get3A_356 = arith.constant 0 : i32
        %get3A_357 = arith.index_cast %get3A_356 : i32 to index
        %get3A_358 = arith.index_cast %mul3A_355 : i32 to index
        %get3A_359 = tpu.vector_load %arg15[%get3A_357, %get3A_358] {strides = array<i32>} : memref<2x3072xi32, #tpu.memory_space<vmem>>, vector<16xi32>,
        %mul3A_360 = arith.constant 16 : i32
        %mul3A_361 = arith.muli %scan3A_353, %mul3A_360 : i32
        %add3A_362 = arith.constant 1024 : i32
        %add3A_363 = arith.addi %add3A_362, %mul3A_361 : i32
        %get3A_364 = arith.constant 0 : i32
        %get3A_365 = arith.index_cast %get3A_364 : i32 to index
        %get3A_366 = arith.index_cast %add3A_363 : i32 to index
        %get3A_367 = tpu.vector_load %arg15[%get3A_365, %get3A_366] {strides = array<i32>} : memref<2x3072xi32, #tpu.memory_space<vmem>>, vector<16xi32>,
        %gather3A_368 = tpu.vector_load_idx %arg12[%get3A_359] : memref<102400xi32, #tpu.memory_space<vmem>>[vector<16xi32>], vector<16xi32>,
        %gather3A_369 = tpu.vector_load_idx %arg12[%get3A_367] : memref<102400xi32, #tpu.memory_space<vmem>>[vector<16xi32>], vector<16xi32>,
        %max3A_370 = arith.maxsi %gather3A_368, %gather3A_369 : vector<16xi32>
        %mul3A_371 = arith.constant 16 : i32
        %mul3A_372 = arith.muli %scan3A_353, %mul3A_371 : i32
        %get3A_373 = arith.constant 0 : i32
        %get3A_374 = arith.index_cast %get3A_373 : i32 to index
        %get3A_375 = arith.index_cast %mul3A_372 : i32 to index
        %get3A_376 = tpu.vector_load %arg16[%get3A_374, %get3A_375] {strides = array<i32>} : memref<2x1024xf32, #tpu.memory_space<vmem>>, vector<16xf32>,
        %add3A_377 = arith.addi %max3A_370, %iota3A : vector<16xi32>
        tpu.vector_store_idx %arg13[%add3A_377], %get3A_376 {add = true} : memref<4096xf32, #tpu.memory_space<vmem>>[vector<16xi32>], vector<16xf32>,
        %scan3A_378 = arith.constant 5 : i32
        %scan3A_379 = arith.addi %scan3A_252, %scan3A_378 : i32
        %mul3A_380 = arith.constant 16 : i32
        %mul3A_381 = arith.muli %scan3A_379, %mul3A_380 : i32
        %get3A_382 = arith.constant 0 : i32
        %get3A_383 = arith.index_cast %get3A_382 : i32 to index
        %get3A_384 = arith.index_cast %mul3A_381 : i32 to index
        %get3A_385 = tpu.vector_load %arg15[%get3A_383, %get3A_384] {strides = array<i32>} : memref<2x3072xi32, #tpu.memory_space<vmem>>, vector<16xi32>,
        %mul3A_386 = arith.constant 16 : i32
        %mul3A_387 = arith.muli %scan3A_379, %mul3A_386 : i32
        %add3A_388 = arith.constant 1024 : i32
        %add3A_389 = arith.addi %add3A_388, %mul3A_387 : i32
        %get3A_390 = arith.constant 0 : i32
        %get3A_391 = arith.index_cast %get3A_390 : i32 to index
        %get3A_392 = arith.index_cast %add3A_389 : i32 to index
        %get3A_393 = tpu.vector_load %arg15[%get3A_391, %get3A_392] {strides = array<i32>} : memref<2x3072xi32, #tpu.memory_space<vmem>>, vector<16xi32>,
        %gather3A_394 = tpu.vector_load_idx %arg12[%get3A_385] : memref<102400xi32, #tpu.memory_space<vmem>>[vector<16xi32>], vector<16xi32>,
        %gather3A_395 = tpu.vector_load_idx %arg12[%get3A_393] : memref<102400xi32, #tpu.memory_space<vmem>>[vector<16xi32>], vector<16xi32>,
        %max3A_396 = arith.maxsi %gather3A_394, %gather3A_395 : vector<16xi32>
        %mul3A_397 = arith.constant 16 : i32
        %mul3A_398 = arith.muli %scan3A_379, %mul3A_397 : i32
        %get3A_399 = arith.constant 0 : i32
        %get3A_400 = arith.index_cast %get3A_399 : i32 to index
        %get3A_401 = arith.index_cast %mul3A_398 : i32 to index
        %get3A_402 = tpu.vector_load %arg16[%get3A_400, %get3A_401] {strides = array<i32>} : memref<2x1024xf32, #tpu.memory_space<vmem>>, vector<16xf32>,
        %add3A_403 = arith.addi %max3A_396, %iota3A : vector<16xi32>
        tpu.vector_store_idx %arg13[%add3A_403], %get3A_402 {add = true} : memref<4096xf32, #tpu.memory_space<vmem>>[vector<16xi32>], vector<16xf32>,
        %scan3A_404 = arith.constant 6 : i32
        %scan3A_405 = arith.addi %scan3A_252, %scan3A_404 : i32
        %mul3A_406 = arith.constant 16 : i32
        %mul3A_407 = arith.muli %scan3A_405, %mul3A_406 : i32
        %get3A_408 = arith.constant 0 : i32
        %get3A_409 = arith.index_cast %get3A_408 : i32 to index
        %get3A_410 = arith.index_cast %mul3A_407 : i32 to index
        %get3A_411 = tpu.vector_load %arg15[%get3A_409, %get3A_410] {strides = array<i32>} : memref<2x3072xi32, #tpu.memory_space<vmem>>, vector<16xi32>,
        %mul3A_412 = arith.constant 16 : i32
        %mul3A_413 = arith.muli %scan3A_405, %mul3A_412 : i32
        %add3A_414 = arith.constant 1024 : i32
        %add3A_415 = arith.addi %add3A_414, %mul3A_413 : i32
        %get3A_416 = arith.constant 0 : i32
        %get3A_417 = arith.index_cast %get3A_416 : i32 to index
        %get3A_418 = arith.index_cast %add3A_415 : i32 to index
        %get3A_419 = tpu.vector_load %arg15[%get3A_417, %get3A_418] {strides = array<i32>} : memref<2x3072xi32, #tpu.memory_space<vmem>>, vector<16xi32>,
        %gather3A_420 = tpu.vector_load_idx %arg12[%get3A_411] : memref<102400xi32, #tpu.memory_space<vmem>>[vector<16xi32>], vector<16xi32>,
        %gather3A_421 = tpu.vector_load_idx %arg12[%get3A_419] : memref<102400xi32, #tpu.memory_space<vmem>>[vector<16xi32>], vector<16xi32>,
        %max3A_422 = arith.maxsi %gather3A_420, %gather3A_421 : vector<16xi32>
        %mul3A_423 = arith.constant 16 : i32
        %mul3A_424 = arith.muli %scan3A_405, %mul3A_423 : i32
        %get3A_425 = arith.constant 0 : i32
        %get3A_426 = arith.index_cast %get3A_425 : i32 to index
        %get3A_427 = arith.index_cast %mul3A_424 : i32 to index
        %get3A_428 = tpu.vector_load %arg16[%get3A_426, %get3A_427] {strides = array<i32>} : memref<2x1024xf32, #tpu.memory_space<vmem>>, vector<16xf32>,
        %add3A_429 = arith.addi %max3A_422, %iota3A : vector<16xi32>
        tpu.vector_store_idx %arg13[%add3A_429], %get3A_428 {add = true} : memref<4096xf32, #tpu.memory_space<vmem>>[vector<16xi32>], vector<16xf32>,
        %scan3A_430 = arith.constant 7 : i32
        %scan3A_431 = arith.addi %scan3A_252, %scan3A_430 : i32
        %mul3A_432 = arith.constant 16 : i32
        %mul3A_433 = arith.muli %scan3A_431, %mul3A_432 : i32
        %get3A_434 = arith.constant 0 : i32
        %get3A_435 = arith.index_cast %get3A_434 : i32 to index
        %get3A_436 = arith.index_cast %mul3A_433 : i32 to index
        %get3A_437 = tpu.vector_load %arg15[%get3A_435, %get3A_436] {strides = array<i32>} : memref<2x3072xi32, #tpu.memory_space<vmem>>, vector<16xi32>,
        %mul3A_438 = arith.constant 16 : i32
        %mul3A_439 = arith.muli %scan3A_431, %mul3A_438 : i32
        %add3A_440 = arith.constant 1024 : i32
        %add3A_441 = arith.addi %add3A_440, %mul3A_439 : i32
        %get3A_442 = arith.constant 0 : i32
        %get3A_443 = arith.index_cast %get3A_442 : i32 to index
        %get3A_444 = arith.index_cast %add3A_441 : i32 to index
        %get3A_445 = tpu.vector_load %arg15[%get3A_443, %get3A_444] {strides = array<i32>} : memref<2x3072xi32, #tpu.memory_space<vmem>>, vector<16xi32>,
        %gather3A_446 = tpu.vector_load_idx %arg12[%get3A_437] : memref<102400xi32, #tpu.memory_space<vmem>>[vector<16xi32>], vector<16xi32>,
        %gather3A_447 = tpu.vector_load_idx %arg12[%get3A_445] : memref<102400xi32, #tpu.memory_space<vmem>>[vector<16xi32>], vector<16xi32>,
        %max3A_448 = arith.maxsi %gather3A_446, %gather3A_447 : vector<16xi32>
        %mul3A_449 = arith.constant 16 : i32
        %mul3A_450 = arith.muli %scan3A_431, %mul3A_449 : i32
        %get3A_451 = arith.constant 0 : i32
        %get3A_452 = arith.index_cast %get3A_451 : i32 to index
        %get3A_453 = arith.index_cast %mul3A_450 : i32 to index
        %get3A_454 = tpu.vector_load %arg16[%get3A_452, %get3A_453] {strides = array<i32>} : memref<2x1024xf32, #tpu.memory_space<vmem>>, vector<16xf32>,
        %add3A_455 = arith.addi %max3A_448, %iota3A : vector<16xi32>
        tpu.vector_store_idx %arg13[%add3A_455], %get3A_454 {add = true} : memref<4096xf32, #tpu.memory_space<vmem>>[vector<16xi32>], vector<16xf32>,
        %scan3A_456 = arith.constant 8 : i32
        %scan3A_457 = arith.addi %scan3A_252, %scan3A_456 : i32
        %mul3A_458 = arith.constant 16 : i32
        %mul3A_459 = arith.muli %scan3A_457, %mul3A_458 : i32
        %get3A_460 = arith.constant 0 : i32
        %get3A_461 = arith.index_cast %get3A_460 : i32 to index
        %get3A_462 = arith.index_cast %mul3A_459 : i32 to index
        %get3A_463 = tpu.vector_load %arg15[%get3A_461, %get3A_462] {strides = array<i32>} : memref<2x3072xi32, #tpu.memory_space<vmem>>, vector<16xi32>,
        %mul3A_464 = arith.constant 16 : i32
        %mul3A_465 = arith.muli %scan3A_457, %mul3A_464 : i32
        %add3A_466 = arith.constant 1024 : i32
        %add3A_467 = arith.addi %add3A_466, %mul3A_465 : i32
        %get3A_468 = arith.constant 0 : i32
        %get3A_469 = arith.index_cast %get3A_468 : i32 to index
        %get3A_470 = arith.index_cast %add3A_467 : i32 to index
        %get3A_471 = tpu.vector_load %arg15[%get3A_469, %get3A_470] {strides = array<i32>} : memref<2x3072xi32, #tpu.memory_space<vmem>>, vector<16xi32>,
        %gather3A_472 = tpu.vector_load_idx %arg12[%get3A_463] : memref<102400xi32, #tpu.memory_space<vmem>>[vector<16xi32>], vector<16xi32>,
        %gather3A_473 = tpu.vector_load_idx %arg12[%get3A_471] : memref<102400xi32, #tpu.memory_space<vmem>>[vector<16xi32>], vector<16xi32>,
        %max3A_474 = arith.maxsi %gather3A_472, %gather3A_473 : vector<16xi32>
        %mul3A_475 = arith.constant 16 : i32
        %mul3A_476 = arith.muli %scan3A_457, %mul3A_475 : i32
        %get3A_477 = arith.constant 0 : i32
        %get3A_478 = arith.index_cast %get3A_477 : i32 to index
        %get3A_479 = arith.index_cast %mul3A_476 : i32 to index
        %get3A_480 = tpu.vector_load %arg16[%get3A_478, %get3A_479] {strides = array<i32>} : memref<2x1024xf32, #tpu.memory_space<vmem>>, vector<16xf32>,
        %add3A_481 = arith.addi %max3A_474, %iota3A : vector<16xi32>
        tpu.vector_store_idx %arg13[%add3A_481], %get3A_480 {add = true} : memref<4096xf32, #tpu.memory_space<vmem>>[vector<16xi32>], vector<16xf32>,
        %scan3A_482 = arith.constant 9 : i32
        %scan3A_483 = arith.addi %scan3A_252, %scan3A_482 : i32
        %mul3A_484 = arith.constant 16 : i32
        %mul3A_485 = arith.muli %scan3A_483, %mul3A_484 : i32
        %get3A_486 = arith.constant 0 : i32
        %get3A_487 = arith.index_cast %get3A_486 : i32 to index
        %get3A_488 = arith.index_cast %mul3A_485 : i32 to index
        %get3A_489 = tpu.vector_load %arg15[%get3A_487, %get3A_488] {strides = array<i32>} : memref<2x3072xi32, #tpu.memory_space<vmem>>, vector<16xi32>,
        %mul3A_490 = arith.constant 16 : i32
        %mul3A_491 = arith.muli %scan3A_483, %mul3A_490 : i32
        %add3A_492 = arith.constant 1024 : i32
        %add3A_493 = arith.addi %add3A_492, %mul3A_491 : i32
        %get3A_494 = arith.constant 0 : i32
        %get3A_495 = arith.index_cast %get3A_494 : i32 to index
        %get3A_496 = arith.index_cast %add3A_493 : i32 to index
        %get3A_497 = tpu.vector_load %arg15[%get3A_495, %get3A_496] {strides = array<i32>} : memref<2x3072xi32, #tpu.memory_space<vmem>>, vector<16xi32>,
        %gather3A_498 = tpu.vector_load_idx %arg12[%get3A_489] : memref<102400xi32, #tpu.memory_space<vmem>>[vector<16xi32>], vector<16xi32>,
        %gather3A_499 = tpu.vector_load_idx %arg12[%get3A_497] : memref<102400xi32, #tpu.memory_space<vmem>>[vector<16xi32>], vector<16xi32>,
        %max3A_500 = arith.maxsi %gather3A_498, %gather3A_499 : vector<16xi32>
        %mul3A_501 = arith.constant 16 : i32
        %mul3A_502 = arith.muli %scan3A_483, %mul3A_501 : i32
        %get3A_503 = arith.constant 0 : i32
        %get3A_504 = arith.index_cast %get3A_503 : i32 to index
        %get3A_505 = arith.index_cast %mul3A_502 : i32 to index
        %get3A_506 = tpu.vector_load %arg16[%get3A_504, %get3A_505] {strides = array<i32>} : memref<2x1024xf32, #tpu.memory_space<vmem>>, vector<16xf32>,
        %add3A_507 = arith.addi %max3A_500, %iota3A : vector<16xi32>
        tpu.vector_store_idx %arg13[%add3A_507], %get3A_506 {add = true} : memref<4096xf32, #tpu.memory_space<vmem>>[vector<16xi32>], vector<16xf32>,
        %scan3A_508 = arith.constant 10 : i32
        %scan3A_509 = arith.addi %scan3A_252, %scan3A_508 : i32
        %mul3A_510 = arith.constant 16 : i32
        %mul3A_511 = arith.muli %scan3A_509, %mul3A_510 : i32
        %get3A_512 = arith.constant 0 : i32
        %get3A_513 = arith.index_cast %get3A_512 : i32 to index
        %get3A_514 = arith.index_cast %mul3A_511 : i32 to index
        %get3A_515 = tpu.vector_load %arg15[%get3A_513, %get3A_514] {strides = array<i32>} : memref<2x3072xi32, #tpu.memory_space<vmem>>, vector<16xi32>,
        %mul3A_516 = arith.constant 16 : i32
        %mul3A_517 = arith.muli %scan3A_509, %mul3A_516 : i32
        %add3A_518 = arith.constant 1024 : i32
        %add3A_519 = arith.addi %add3A_518, %mul3A_517 : i32
        %get3A_520 = arith.constant 0 : i32
        %get3A_521 = arith.index_cast %get3A_520 : i32 to index
        %get3A_522 = arith.index_cast %add3A_519 : i32 to index
        %get3A_523 = tpu.vector_load %arg15[%get3A_521, %get3A_522] {strides = array<i32>} : memref<2x3072xi32, #tpu.memory_space<vmem>>, vector<16xi32>,
        %gather3A_524 = tpu.vector_load_idx %arg12[%get3A_515] : memref<102400xi32, #tpu.memory_space<vmem>>[vector<16xi32>], vector<16xi32>,
        %gather3A_525 = tpu.vector_load_idx %arg12[%get3A_523] : memref<102400xi32, #tpu.memory_space<vmem>>[vector<16xi32>], vector<16xi32>,
        %max3A_526 = arith.maxsi %gather3A_524, %gather3A_525 : vector<16xi32>
        %mul3A_527 = arith.constant 16 : i32
        %mul3A_528 = arith.muli %scan3A_509, %mul3A_527 : i32
        %get3A_529 = arith.constant 0 : i32
        %get3A_530 = arith.index_cast %get3A_529 : i32 to index
        %get3A_531 = arith.index_cast %mul3A_528 : i32 to index
        %get3A_532 = tpu.vector_load %arg16[%get3A_530, %get3A_531] {strides = array<i32>} : memref<2x1024xf32, #tpu.memory_space<vmem>>, vector<16xf32>,
        %add3A_533 = arith.addi %max3A_526, %iota3A : vector<16xi32>
        tpu.vector_store_idx %arg13[%add3A_533], %get3A_532 {add = true} : memref<4096xf32, #tpu.memory_space<vmem>>[vector<16xi32>], vector<16xf32>,
        %scan3A_534 = arith.constant 11 : i32
        %scan3A_535 = arith.addi %scan3A_252, %scan3A_534 : i32
        %mul3A_536 = arith.constant 16 : i32
        %mul3A_537 = arith.muli %scan3A_535, %mul3A_536 : i32
        %get3A_538 = arith.constant 0 : i32
        %get3A_539 = arith.index_cast %get3A_538 : i32 to index
        %get3A_540 = arith.index_cast %mul3A_537 : i32 to index
        %get3A_541 = tpu.vector_load %arg15[%get3A_539, %get3A_540] {strides = array<i32>} : memref<2x3072xi32, #tpu.memory_space<vmem>>, vector<16xi32>,
        %mul3A_542 = arith.constant 16 : i32
        %mul3A_543 = arith.muli %scan3A_535, %mul3A_542 : i32
        %add3A_544 = arith.constant 1024 : i32
        %add3A_545 = arith.addi %add3A_544, %mul3A_543 : i32
        %get3A_546 = arith.constant 0 : i32
        %get3A_547 = arith.index_cast %get3A_546 : i32 to index
        %get3A_548 = arith.index_cast %add3A_545 : i32 to index
        %get3A_549 = tpu.vector_load %arg15[%get3A_547, %get3A_548] {strides = array<i32>} : memref<2x3072xi32, #tpu.memory_space<vmem>>, vector<16xi32>,
        %gather3A_550 = tpu.vector_load_idx %arg12[%get3A_541] : memref<102400xi32, #tpu.memory_space<vmem>>[vector<16xi32>], vector<16xi32>,
        %gather3A_551 = tpu.vector_load_idx %arg12[%get3A_549] : memref<102400xi32, #tpu.memory_space<vmem>>[vector<16xi32>], vector<16xi32>,
        %max3A_552 = arith.maxsi %gather3A_550, %gather3A_551 : vector<16xi32>
        %mul3A_553 = arith.constant 16 : i32
        %mul3A_554 = arith.muli %scan3A_535, %mul3A_553 : i32
        %get3A_555 = arith.constant 0 : i32
        %get3A_556 = arith.index_cast %get3A_555 : i32 to index
        %get3A_557 = arith.index_cast %mul3A_554 : i32 to index
        %get3A_558 = tpu.vector_load %arg16[%get3A_556, %get3A_557] {strides = array<i32>} : memref<2x1024xf32, #tpu.memory_space<vmem>>, vector<16xf32>,
        %add3A_559 = arith.addi %max3A_552, %iota3A : vector<16xi32>
        tpu.vector_store_idx %arg13[%add3A_559], %get3A_558 {add = true} : memref<4096xf32, #tpu.memory_space<vmem>>[vector<16xi32>], vector<16xf32>,
        %scan3A_560 = arith.constant 12 : i32
        %scan3A_561 = arith.addi %scan3A_252, %scan3A_560 : i32
        %mul3A_562 = arith.constant 16 : i32
        %mul3A_563 = arith.muli %scan3A_561, %mul3A_562 : i32
        %get3A_564 = arith.constant 0 : i32
        %get3A_565 = arith.index_cast %get3A_564 : i32 to index
        %get3A_566 = arith.index_cast %mul3A_563 : i32 to index
        %get3A_567 = tpu.vector_load %arg15[%get3A_565, %get3A_566] {strides = array<i32>} : memref<2x3072xi32, #tpu.memory_space<vmem>>, vector<16xi32>,
        %mul3A_568 = arith.constant 16 : i32
        %mul3A_569 = arith.muli %scan3A_561, %mul3A_568 : i32
        %add3A_570 = arith.constant 1024 : i32
        %add3A_571 = arith.addi %add3A_570, %mul3A_569 : i32
        %get3A_572 = arith.constant 0 : i32
        %get3A_573 = arith.index_cast %get3A_572 : i32 to index
        %get3A_574 = arith.index_cast %add3A_571 : i32 to index
        %get3A_575 = tpu.vector_load %arg15[%get3A_573, %get3A_574] {strides = array<i32>} : memref<2x3072xi32, #tpu.memory_space<vmem>>, vector<16xi32>,
        %gather3A_576 = tpu.vector_load_idx %arg12[%get3A_567] : memref<102400xi32, #tpu.memory_space<vmem>>[vector<16xi32>], vector<16xi32>,
        %gather3A_577 = tpu.vector_load_idx %arg12[%get3A_575] : memref<102400xi32, #tpu.memory_space<vmem>>[vector<16xi32>], vector<16xi32>,
        %max3A_578 = arith.maxsi %gather3A_576, %gather3A_577 : vector<16xi32>
        %mul3A_579 = arith.constant 16 : i32
        %mul3A_580 = arith.muli %scan3A_561, %mul3A_579 : i32
        %get3A_581 = arith.constant 0 : i32
        %get3A_582 = arith.index_cast %get3A_581 : i32 to index
        %get3A_583 = arith.index_cast %mul3A_580 : i32 to index
        %get3A_584 = tpu.vector_load %arg16[%get3A_582, %get3A_583] {strides = array<i32>} : memref<2x1024xf32, #tpu.memory_space<vmem>>, vector<16xf32>,
        %add3A_585 = arith.addi %max3A_578, %iota3A : vector<16xi32>
        tpu.vector_store_idx %arg13[%add3A_585], %get3A_584 {add = true} : memref<4096xf32, #tpu.memory_space<vmem>>[vector<16xi32>], vector<16xf32>,
        %scan3A_586 = arith.constant 13 : i32
        %scan3A_587 = arith.addi %scan3A_252, %scan3A_586 : i32
        %mul3A_588 = arith.constant 16 : i32
        %mul3A_589 = arith.muli %scan3A_587, %mul3A_588 : i32
        %get3A_590 = arith.constant 0 : i32
        %get3A_591 = arith.index_cast %get3A_590 : i32 to index
        %get3A_592 = arith.index_cast %mul3A_589 : i32 to index
        %get3A_593 = tpu.vector_load %arg15[%get3A_591, %get3A_592] {strides = array<i32>} : memref<2x3072xi32, #tpu.memory_space<vmem>>, vector<16xi32>,
        %mul3A_594 = arith.constant 16 : i32
        %mul3A_595 = arith.muli %scan3A_587, %mul3A_594 : i32
        %add3A_596 = arith.constant 1024 : i32
        %add3A_597 = arith.addi %add3A_596, %mul3A_595 : i32
        %get3A_598 = arith.constant 0 : i32
        %get3A_599 = arith.index_cast %get3A_598 : i32 to index
        %get3A_600 = arith.index_cast %add3A_597 : i32 to index
        %get3A_601 = tpu.vector_load %arg15[%get3A_599, %get3A_600] {strides = array<i32>} : memref<2x3072xi32, #tpu.memory_space<vmem>>, vector<16xi32>,
        %gather3A_602 = tpu.vector_load_idx %arg12[%get3A_593] : memref<102400xi32, #tpu.memory_space<vmem>>[vector<16xi32>], vector<16xi32>,
        %gather3A_603 = tpu.vector_load_idx %arg12[%get3A_601] : memref<102400xi32, #tpu.memory_space<vmem>>[vector<16xi32>], vector<16xi32>,
        %max3A_604 = arith.maxsi %gather3A_602, %gather3A_603 : vector<16xi32>
        %mul3A_605 = arith.constant 16 : i32
        %mul3A_606 = arith.muli %scan3A_587, %mul3A_605 : i32
        %get3A_607 = arith.constant 0 : i32
        %get3A_608 = arith.index_cast %get3A_607 : i32 to index
        %get3A_609 = arith.index_cast %mul3A_606 : i32 to index
        %get3A_610 = tpu.vector_load %arg16[%get3A_608, %get3A_609] {strides = array<i32>} : memref<2x1024xf32, #tpu.memory_space<vmem>>, vector<16xf32>,
        %add3A_611 = arith.addi %max3A_604, %iota3A : vector<16xi32>
        tpu.vector_store_idx %arg13[%add3A_611], %get3A_610 {add = true} : memref<4096xf32, #tpu.memory_space<vmem>>[vector<16xi32>], vector<16xf32>,
        %scan3A_612 = arith.constant 14 : i32
        %scan3A_613 = arith.addi %scan3A_252, %scan3A_612 : i32
        %mul3A_614 = arith.constant 16 : i32
        %mul3A_615 = arith.muli %scan3A_613, %mul3A_614 : i32
        %get3A_616 = arith.constant 0 : i32
        %get3A_617 = arith.index_cast %get3A_616 : i32 to index
        %get3A_618 = arith.index_cast %mul3A_615 : i32 to index
        %get3A_619 = tpu.vector_load %arg15[%get3A_617, %get3A_618] {strides = array<i32>} : memref<2x3072xi32, #tpu.memory_space<vmem>>, vector<16xi32>,
        %mul3A_620 = arith.constant 16 : i32
        %mul3A_621 = arith.muli %scan3A_613, %mul3A_620 : i32
        %add3A_622 = arith.constant 1024 : i32
        %add3A_623 = arith.addi %add3A_622, %mul3A_621 : i32
        %get3A_624 = arith.constant 0 : i32
        %get3A_625 = arith.index_cast %get3A_624 : i32 to index
        %get3A_626 = arith.index_cast %add3A_623 : i32 to index
        %get3A_627 = tpu.vector_load %arg15[%get3A_625, %get3A_626] {strides = array<i32>} : memref<2x3072xi32, #tpu.memory_space<vmem>>, vector<16xi32>,
        %gather3A_628 = tpu.vector_load_idx %arg12[%get3A_619] : memref<102400xi32, #tpu.memory_space<vmem>>[vector<16xi32>], vector<16xi32>,
        %gather3A_629 = tpu.vector_load_idx %arg12[%get3A_627] : memref<102400xi32, #tpu.memory_space<vmem>>[vector<16xi32>], vector<16xi32>,
        %max3A_630 = arith.maxsi %gather3A_628, %gather3A_629 : vector<16xi32>
        %mul3A_631 = arith.constant 16 : i32
        %mul3A_632 = arith.muli %scan3A_613, %mul3A_631 : i32
        %get3A_633 = arith.constant 0 : i32
        %get3A_634 = arith.index_cast %get3A_633 : i32 to index
        %get3A_635 = arith.index_cast %mul3A_632 : i32 to index
        %get3A_636 = tpu.vector_load %arg16[%get3A_634, %get3A_635] {strides = array<i32>} : memref<2x1024xf32, #tpu.memory_space<vmem>>, vector<16xf32>,
        %add3A_637 = arith.addi %max3A_630, %iota3A : vector<16xi32>
        tpu.vector_store_idx %arg13[%add3A_637], %get3A_636 {add = true} : memref<4096xf32, #tpu.memory_space<vmem>>[vector<16xi32>], vector<16xf32>,
        %scan3A_638 = arith.constant 15 : i32
        %scan3A_639 = arith.addi %scan3A_252, %scan3A_638 : i32
        %mul3A_640 = arith.constant 16 : i32
        %mul3A_641 = arith.muli %scan3A_639, %mul3A_640 : i32
        %get3A_642 = arith.constant 0 : i32
        %get3A_643 = arith.index_cast %get3A_642 : i32 to index
        %get3A_644 = arith.index_cast %mul3A_641 : i32 to index
        %get3A_645 = tpu.vector_load %arg15[%get3A_643, %get3A_644] {strides = array<i32>} : memref<2x3072xi32, #tpu.memory_space<vmem>>, vector<16xi32>,
        %mul3A_646 = arith.constant 16 : i32
        %mul3A_647 = arith.muli %scan3A_639, %mul3A_646 : i32
        %add3A_648 = arith.constant 1024 : i32
        %add3A_649 = arith.addi %add3A_648, %mul3A_647 : i32
        %get3A_650 = arith.constant 0 : i32
        %get3A_651 = arith.index_cast %get3A_650 : i32 to index
        %get3A_652 = arith.index_cast %add3A_649 : i32 to index
        %get3A_653 = tpu.vector_load %arg15[%get3A_651, %get3A_652] {strides = array<i32>} : memref<2x3072xi32, #tpu.memory_space<vmem>>, vector<16xi32>,
        %gather3A_654 = tpu.vector_load_idx %arg12[%get3A_645] : memref<102400xi32, #tpu.memory_space<vmem>>[vector<16xi32>], vector<16xi32>,
        %gather3A_655 = tpu.vector_load_idx %arg12[%get3A_653] : memref<102400xi32, #tpu.memory_space<vmem>>[vector<16xi32>], vector<16xi32>,
        %max3A_656 = arith.maxsi %gather3A_654, %gather3A_655 : vector<16xi32>
        %mul3A_657 = arith.constant 16 : i32
        %mul3A_658 = arith.muli %scan3A_639, %mul3A_657 : i32
        %get3A_659 = arith.constant 0 : i32
        %get3A_660 = arith.index_cast %get3A_659 : i32 to index
        %get3A_661 = arith.index_cast %mul3A_658 : i32 to index
        %get3A_662 = tpu.vector_load %arg16[%get3A_660, %get3A_661] {strides = array<i32>} : memref<2x1024xf32, #tpu.memory_space<vmem>>, vector<16xf32>,
        %add3A_663 = arith.addi %max3A_656, %iota3A : vector<16xi32>
        tpu.vector_store_idx %arg13[%add3A_663], %get3A_662 {add = true} : memref<4096xf32, #tpu.memory_space<vmem>>[vector<16xi32>], vector<16xf32>,
      }
      %scan3A_213 = arith.constant 64 : i32
      %add3A_214 = arith.constant 1 : i32
      %add3A_215 = arith.addi %scan3A_134, %add3A_214 : i32
      %lt3A = arith.constant 245 : i32
      %lt3A_216 = arith.cmpi slt, %add3A_215, %lt3A : i32
      %convert_element_type3A = arith.extui %lt3A_216 : i1 to i32
      %cond3A = arith.constant 0 : i32
      %cond3A_217 = arith.cmpi ne, %convert_element_type3A, %cond3A : i32
      scf.if %cond3A_217 {
        %mul3A_252 = arith.constant 2 : i32
        %mul3A_253 = arith.muli %mul3A_252, %scan3A_134 : i32
        %add3A_254 = arith.constant 2 : i32
        %add3A_255 = arith.addi %mul3A_253, %add3A_254 : i32
        %mul3A_256 = arith.constant 1024 : i32
        %mul3A_257 = arith.muli %add3A_255, %mul3A_256 : i32
        %dma_start3A_258 = arith.constant 0 : i32
        %dma_start3A_259 = arith.constant 0 : i32
        %dma_start3A_260 = arith.constant 0 : i32
        %dma_start3A_261 = tpu.memref_slice %arg15[%dma_start3A_258, %dma_start3A_260] : memref<2x3072xi32, #tpu.memory_space<vmem>> -> memref<1x1024xi32, #tpu.memory_space<vmem>>
        %dma_start3A_262 = tpu.memref_squeeze %dma_start3A_261 : memref<1x1024xi32, #tpu.memory_space<vmem>> -> memref<1024xi32, #tpu.memory_space<vmem>>
        %dma_start3A_263 = tpu.memref_slice %arg4[%mul3A_257] : memref<501760xi32, #tpu.memory_space<hbm>> -> memref<1024xi32, #tpu.memory_space<hbm>>
        %dma_start3A_264 = tpu.memref_slice %arg17[%dma_start3A_259] : memref<2x!tpu.dma_semaphore, #tpu.memory_space<semaphore_mem>> -> memref<1x!tpu.dma_semaphore, #tpu.memory_space<semaphore_mem>>
        %dma_start3A_265 = tpu.memref_squeeze %dma_start3A_264 : memref<1x!tpu.dma_semaphore, #tpu.memory_space<semaphore_mem>> -> memref<!tpu.dma_semaphore, #tpu.memory_space<semaphore_mem>>
        %dma_start3A_266 = arith.constant 0 : i32
        %dma_start3A_267 = tpu.memref_slice %arg15[%dma_start3A_258, %dma_start3A_266] : memref<2x3072xi32, #tpu.memory_space<vmem>> -> memref<1x1024xi32, #tpu.memory_space<vmem>>
        %dma_start3A_268 = tpu.memref_squeeze %dma_start3A_267 : memref<1x1024xi32, #tpu.memory_space<vmem>> -> memref<1024xi32, #tpu.memory_space<vmem>>
        %dma_start3A_269 = tpu.memref_slice %arg4[%mul3A_257] : memref<501760xi32, #tpu.memory_space<hbm>> -> memref<1024xi32, #tpu.memory_space<hbm>>
        tpu.enqueue_dma source(%dma_start3A_269 : memref<1024xi32, #tpu.memory_space<hbm>>) target(%dma_start3A_268 : memref<1024xi32, #tpu.memory_space<vmem>>) target_semaphore(%dma_start3A_265 : memref<!tpu.dma_semaphore, #tpu.memory_space<semaphore_mem>>)
        %mul3A_270 = arith.constant 1024 : i32
        %mul3A_271 = arith.muli %add3A_255, %mul3A_270 : i32
        %dma_start3A_272 = arith.constant 0 : i32
        %dma_start3A_273 = arith.constant 0 : i32
        %dma_start3A_274 = arith.constant 1024 : i32
        %dma_start3A_275 = tpu.memref_slice %arg15[%dma_start3A_272, %dma_start3A_274] : memref<2x3072xi32, #tpu.memory_space<vmem>> -> memref<1x1024xi32, #tpu.memory_space<vmem>>
        %dma_start3A_276 = tpu.memref_squeeze %dma_start3A_275 : memref<1x1024xi32, #tpu.memory_space<vmem>> -> memref<1024xi32, #tpu.memory_space<vmem>>
        %dma_start3A_277 = tpu.memref_slice %arg5[%mul3A_271] : memref<501760xi32, #tpu.memory_space<hbm>> -> memref<1024xi32, #tpu.memory_space<hbm>>
        %dma_start3A_278 = tpu.memref_slice %arg17[%dma_start3A_273] : memref<2x!tpu.dma_semaphore, #tpu.memory_space<semaphore_mem>> -> memref<1x!tpu.dma_semaphore, #tpu.memory_space<semaphore_mem>>
        %dma_start3A_279 = tpu.memref_squeeze %dma_start3A_278 : memref<1x!tpu.dma_semaphore, #tpu.memory_space<semaphore_mem>> -> memref<!tpu.dma_semaphore, #tpu.memory_space<semaphore_mem>>
        %dma_start3A_280 = arith.constant 1024 : i32
        %dma_start3A_281 = tpu.memref_slice %arg15[%dma_start3A_272, %dma_start3A_280] : memref<2x3072xi32, #tpu.memory_space<vmem>> -> memref<1x1024xi32, #tpu.memory_space<vmem>>
        %dma_start3A_282 = tpu.memref_squeeze %dma_start3A_281 : memref<1x1024xi32, #tpu.memory_space<vmem>> -> memref<1024xi32, #tpu.memory_space<vmem>>
        %dma_start3A_283 = tpu.memref_slice %arg5[%mul3A_271] : memref<501760xi32, #tpu.memory_space<hbm>> -> memref<1024xi32, #tpu.memory_space<hbm>>
        tpu.enqueue_dma source(%dma_start3A_283 : memref<1024xi32, #tpu.memory_space<hbm>>) target(%dma_start3A_282 : memref<1024xi32, #tpu.memory_space<vmem>>) target_semaphore(%dma_start3A_279 : memref<!tpu.dma_semaphore, #tpu.memory_space<semaphore_mem>>)
        %mul3A_284 = arith.constant 1024 : i32
        %mul3A_285 = arith.muli %add3A_255, %mul3A_284 : i32
        %dma_start3A_286 = arith.constant 0 : i32
        %dma_start3A_287 = arith.constant 0 : i32
        %dma_start3A_288 = arith.constant 0 : i32
        %dma_start3A_289 = tpu.memref_slice %arg16[%dma_start3A_286, %dma_start3A_288] : memref<2x1024xf32, #tpu.memory_space<vmem>> -> memref<1x1024xf32, #tpu.memory_space<vmem>>
        %dma_start3A_290 = tpu.memref_squeeze %dma_start3A_289 : memref<1x1024xf32, #tpu.memory_space<vmem>> -> memref<1024xf32, #tpu.memory_space<vmem>>
        %dma_start3A_291 = tpu.memref_slice %arg6[%mul3A_285] : memref<501760xf32, #tpu.memory_space<hbm>> -> memref<1024xf32, #tpu.memory_space<hbm>>
        %dma_start3A_292 = tpu.memref_slice %arg17[%dma_start3A_287] : memref<2x!tpu.dma_semaphore, #tpu.memory_space<semaphore_mem>> -> memref<1x!tpu.dma_semaphore, #tpu.memory_space<semaphore_mem>>
        %dma_start3A_293 = tpu.memref_squeeze %dma_start3A_292 : memref<1x!tpu.dma_semaphore, #tpu.memory_space<semaphore_mem>> -> memref<!tpu.dma_semaphore, #tpu.memory_space<semaphore_mem>>
        %dma_start3A_294 = arith.constant 0 : i32
        %dma_start3A_295 = tpu.memref_slice %arg16[%dma_start3A_286, %dma_start3A_294] : memref<2x1024xf32, #tpu.memory_space<vmem>> -> memref<1x1024xf32, #tpu.memory_space<vmem>>
        %dma_start3A_296 = tpu.memref_squeeze %dma_start3A_295 : memref<1x1024xf32, #tpu.memory_space<vmem>> -> memref<1024xf32, #tpu.memory_space<vmem>>
        %dma_start3A_297 = tpu.memref_slice %arg6[%mul3A_285] : memref<501760xf32, #tpu.memory_space<hbm>> -> memref<1024xf32, #tpu.memory_space<hbm>>
        tpu.enqueue_dma source(%dma_start3A_297 : memref<1024xf32, #tpu.memory_space<hbm>>) target(%dma_start3A_296 : memref<1024xf32, #tpu.memory_space<vmem>>) target_semaphore(%dma_start3A_293 : memref<!tpu.dma_semaphore, #tpu.memory_space<semaphore_mem>>)
      } else {
      }
      %dma_wait3A_218 = arith.constant 1 : i32
      %dma_wait3A_219 = arith.constant 1 : i32
      %dma_wait3A_220 = arith.constant 0 : i32
      %dma_wait3A_221 = tpu.memref_slice %arg15[%dma_wait3A_218, %dma_wait3A_220] : memref<2x3072xi32, #tpu.memory_space<vmem>> -> memref<1x2048xi32, #tpu.memory_space<vmem>>
      %dma_wait3A_222 = tpu.memref_squeeze %dma_wait3A_221 : memref<1x2048xi32, #tpu.memory_space<vmem>> -> memref<2048xi32, #tpu.memory_space<vmem>>
      %dma_wait3A_223 = arith.constant 0 : i32
      %dma_wait3A_224 = tpu.memref_slice %arg4[%dma_wait3A_223] : memref<501760xi32, #tpu.memory_space<hbm>> -> memref<2048xi32, #tpu.memory_space<hbm>>
      %dma_wait3A_225 = tpu.memref_slice %arg17[%dma_wait3A_219] : memref<2x!tpu.dma_semaphore, #tpu.memory_space<semaphore_mem>> -> memref<1x!tpu.dma_semaphore, #tpu.memory_space<semaphore_mem>>
      %dma_wait3A_226 = tpu.memref_squeeze %dma_wait3A_225 : memref<1x!tpu.dma_semaphore, #tpu.memory_space<semaphore_mem>> -> memref<!tpu.dma_semaphore, #tpu.memory_space<semaphore_mem>>
      %dma_wait3A_227 = arith.constant 0 : i32
      %dma_wait3A_228 = tpu.memref_slice %arg15[%dma_wait3A_218, %dma_wait3A_227] : memref<2x3072xi32, #tpu.memory_space<vmem>> -> memref<1x2048xi32, #tpu.memory_space<vmem>>
      %dma_wait3A_229 = tpu.memref_squeeze %dma_wait3A_228 : memref<1x2048xi32, #tpu.memory_space<vmem>> -> memref<2048xi32, #tpu.memory_space<vmem>>
      %dma_wait3A_230 = arith.constant 0 : i32
      %dma_wait3A_231 = tpu.memref_slice %arg4[%dma_wait3A_230] : memref<501760xi32, #tpu.memory_space<hbm>> -> memref<2048xi32, #tpu.memory_space<hbm>>
      tpu.wait_dma2 semaphore(%dma_wait3A_226 : memref<!tpu.dma_semaphore, #tpu.memory_space<semaphore_mem>>) src(%dma_wait3A_231 : memref<2048xi32, #tpu.memory_space<hbm>>) dst(%dma_wait3A_229 : memref<2048xi32, #tpu.memory_space<vmem>>)
      %dma_wait3A_232 = arith.constant 1 : i32
      %dma_wait3A_233 = arith.constant 1 : i32
      %dma_wait3A_234 = arith.constant 0 : i32
      %dma_wait3A_235 = tpu.memref_slice %arg16[%dma_wait3A_232, %dma_wait3A_234] : memref<2x1024xf32, #tpu.memory_space<vmem>> -> memref<1x1024xf32, #tpu.memory_space<vmem>>
      %dma_wait3A_236 = tpu.memref_squeeze %dma_wait3A_235 : memref<1x1024xf32, #tpu.memory_space<vmem>> -> memref<1024xf32, #tpu.memory_space<vmem>>
      %dma_wait3A_237 = arith.constant 0 : i32
      %dma_wait3A_238 = tpu.memref_slice %arg6[%dma_wait3A_237] : memref<501760xf32, #tpu.memory_space<hbm>> -> memref<1024xf32, #tpu.memory_space<hbm>>
      %dma_wait3A_239 = tpu.memref_slice %arg17[%dma_wait3A_233] : memref<2x!tpu.dma_semaphore, #tpu.memory_space<semaphore_mem>> -> memref<1x!tpu.dma_semaphore, #tpu.memory_space<semaphore_mem>>
      %dma_wait3A_240 = tpu.memref_squeeze %dma_wait3A_239 : memref<1x!tpu.dma_semaphore, #tpu.memory_space<semaphore_mem>> -> memref<!tpu.dma_semaphore, #tpu.memory_space<semaphore_mem>>
      %dma_wait3A_241 = arith.constant 0 : i32
      %dma_wait3A_242 = tpu.memref_slice %arg16[%dma_wait3A_232, %dma_wait3A_241] : memref<2x1024xf32, #tpu.memory_space<vmem>> -> memref<1x1024xf32, #tpu.memory_space<vmem>>
      %dma_wait3A_243 = tpu.memref_squeeze %dma_wait3A_242 : memref<1x1024xf32, #tpu.memory_space<vmem>> -> memref<1024xf32, #tpu.memory_space<vmem>>
      %dma_wait3A_244 = arith.constant 0 : i32
      %dma_wait3A_245 = tpu.memref_slice %arg6[%dma_wait3A_244] : memref<501760xf32, #tpu.memory_space<hbm>> -> memref<1024xf32, #tpu.memory_space<hbm>>
      tpu.wait_dma2 semaphore(%dma_wait3A_240 : memref<!tpu.dma_semaphore, #tpu.memory_space<semaphore_mem>>) src(%dma_wait3A_245 : memref<1024xf32, #tpu.memory_space<hbm>>) dst(%dma_wait3A_243 : memref<1024xf32, #tpu.memory_space<vmem>>)
      %scan3A_246 = arith.constant 0 : i32
      %scan3A_247 = arith.constant 0 : i32
      %scan3A_248 = arith.constant 64 : i32
      %scan3A_249 = arith.addi %scan3A_247, %scan3A_248 : i32
      %scan3A_250 = arith.constant 16 : i32
      scf.for %scan3A_252 = %scan3A_247 to %scan3A_249 step %scan3A_250  : i32 {
        %mul3A_253 = arith.constant 16 : i32
        %mul3A_254 = arith.muli %scan3A_252, %mul3A_253 : i32
        %get3A = arith.constant 1 : i32
        %get3A_255 = arith.index_cast %get3A : i32 to index
        %get3A_256 = arith.index_cast %mul3A_254 : i32 to index
        %get3A_257 = tpu.vector_load %arg15[%get3A_255, %get3A_256] {strides = array<i32>} : memref<2x3072xi32, #tpu.memory_space<vmem>>, vector<16xi32>,
        %mul3A_258 = arith.constant 16 : i32
        %mul3A_259 = arith.muli %scan3A_252, %mul3A_258 : i32
        %add3A_260 = arith.constant 1024 : i32
        %add3A_261 = arith.addi %add3A_260, %mul3A_259 : i32
        %get3A_262 = arith.constant 1 : i32
        %get3A_263 = arith.index_cast %get3A_262 : i32 to index
        %get3A_264 = arith.index_cast %add3A_261 : i32 to index
        %get3A_265 = tpu.vector_load %arg15[%get3A_263, %get3A_264] {strides = array<i32>} : memref<2x3072xi32, #tpu.memory_space<vmem>>, vector<16xi32>,
        %gather3A = tpu.vector_load_idx %arg12[%get3A_257] : memref<102400xi32, #tpu.memory_space<vmem>>[vector<16xi32>], vector<16xi32>,
        %gather3A_266 = tpu.vector_load_idx %arg12[%get3A_265] : memref<102400xi32, #tpu.memory_space<vmem>>[vector<16xi32>], vector<16xi32>,
        %max3A = arith.maxsi %gather3A, %gather3A_266 : vector<16xi32>
        %mul3A_267 = arith.constant 16 : i32
        %mul3A_268 = arith.muli %scan3A_252, %mul3A_267 : i32
        %get3A_269 = arith.constant 1 : i32
        %get3A_270 = arith.index_cast %get3A_269 : i32 to index
        %get3A_271 = arith.index_cast %mul3A_268 : i32 to index
        %get3A_272 = tpu.vector_load %arg16[%get3A_270, %get3A_271] {strides = array<i32>} : memref<2x1024xf32, #tpu.memory_space<vmem>>, vector<16xf32>,
        %add3A_273 = arith.addi %max3A, %iota3A : vector<16xi32>
        tpu.vector_store_idx %arg13[%add3A_273], %get3A_272 {add = true} : memref<4096xf32, #tpu.memory_space<vmem>>[vector<16xi32>], vector<16xf32>,
        %scan3A_274 = arith.constant 1 : i32
        %scan3A_275 = arith.addi %scan3A_252, %scan3A_274 : i32
        %mul3A_276 = arith.constant 16 : i32
        %mul3A_277 = arith.muli %scan3A_275, %mul3A_276 : i32
        %get3A_278 = arith.constant 1 : i32
        %get3A_279 = arith.index_cast %get3A_278 : i32 to index
        %get3A_280 = arith.index_cast %mul3A_277 : i32 to index
        %get3A_281 = tpu.vector_load %arg15[%get3A_279, %get3A_280] {strides = array<i32>} : memref<2x3072xi32, #tpu.memory_space<vmem>>, vector<16xi32>,
        %mul3A_282 = arith.constant 16 : i32
        %mul3A_283 = arith.muli %scan3A_275, %mul3A_282 : i32
        %add3A_284 = arith.constant 1024 : i32
        %add3A_285 = arith.addi %add3A_284, %mul3A_283 : i32
        %get3A_286 = arith.constant 1 : i32
        %get3A_287 = arith.index_cast %get3A_286 : i32 to index
        %get3A_288 = arith.index_cast %add3A_285 : i32 to index
        %get3A_289 = tpu.vector_load %arg15[%get3A_287, %get3A_288] {strides = array<i32>} : memref<2x3072xi32, #tpu.memory_space<vmem>>, vector<16xi32>,
        %gather3A_290 = tpu.vector_load_idx %arg12[%get3A_281] : memref<102400xi32, #tpu.memory_space<vmem>>[vector<16xi32>], vector<16xi32>,
        %gather3A_291 = tpu.vector_load_idx %arg12[%get3A_289] : memref<102400xi32, #tpu.memory_space<vmem>>[vector<16xi32>], vector<16xi32>,
        %max3A_292 = arith.maxsi %gather3A_290, %gather3A_291 : vector<16xi32>
        %mul3A_293 = arith.constant 16 : i32
        %mul3A_294 = arith.muli %scan3A_275, %mul3A_293 : i32
        %get3A_295 = arith.constant 1 : i32
        %get3A_296 = arith.index_cast %get3A_295 : i32 to index
        %get3A_297 = arith.index_cast %mul3A_294 : i32 to index
        %get3A_298 = tpu.vector_load %arg16[%get3A_296, %get3A_297] {strides = array<i32>} : memref<2x1024xf32, #tpu.memory_space<vmem>>, vector<16xf32>,
        %add3A_299 = arith.addi %max3A_292, %iota3A : vector<16xi32>
        tpu.vector_store_idx %arg13[%add3A_299], %get3A_298 {add = true} : memref<4096xf32, #tpu.memory_space<vmem>>[vector<16xi32>], vector<16xf32>,
        %scan3A_300 = arith.constant 2 : i32
        %scan3A_301 = arith.addi %scan3A_252, %scan3A_300 : i32
        %mul3A_302 = arith.constant 16 : i32
        %mul3A_303 = arith.muli %scan3A_301, %mul3A_302 : i32
        %get3A_304 = arith.constant 1 : i32
        %get3A_305 = arith.index_cast %get3A_304 : i32 to index
        %get3A_306 = arith.index_cast %mul3A_303 : i32 to index
        %get3A_307 = tpu.vector_load %arg15[%get3A_305, %get3A_306] {strides = array<i32>} : memref<2x3072xi32, #tpu.memory_space<vmem>>, vector<16xi32>,
        %mul3A_308 = arith.constant 16 : i32
        %mul3A_309 = arith.muli %scan3A_301, %mul3A_308 : i32
        %add3A_310 = arith.constant 1024 : i32
        %add3A_311 = arith.addi %add3A_310, %mul3A_309 : i32
        %get3A_312 = arith.constant 1 : i32
        %get3A_313 = arith.index_cast %get3A_312 : i32 to index
        %get3A_314 = arith.index_cast %add3A_311 : i32 to index
        %get3A_315 = tpu.vector_load %arg15[%get3A_313, %get3A_314] {strides = array<i32>} : memref<2x3072xi32, #tpu.memory_space<vmem>>, vector<16xi32>,
        %gather3A_316 = tpu.vector_load_idx %arg12[%get3A_307] : memref<102400xi32, #tpu.memory_space<vmem>>[vector<16xi32>], vector<16xi32>,
        %gather3A_317 = tpu.vector_load_idx %arg12[%get3A_315] : memref<102400xi32, #tpu.memory_space<vmem>>[vector<16xi32>], vector<16xi32>,
        %max3A_318 = arith.maxsi %gather3A_316, %gather3A_317 : vector<16xi32>
        %mul3A_319 = arith.constant 16 : i32
        %mul3A_320 = arith.muli %scan3A_301, %mul3A_319 : i32
        %get3A_321 = arith.constant 1 : i32
        %get3A_322 = arith.index_cast %get3A_321 : i32 to index
        %get3A_323 = arith.index_cast %mul3A_320 : i32 to index
        %get3A_324 = tpu.vector_load %arg16[%get3A_322, %get3A_323] {strides = array<i32>} : memref<2x1024xf32, #tpu.memory_space<vmem>>, vector<16xf32>,
        %add3A_325 = arith.addi %max3A_318, %iota3A : vector<16xi32>
        tpu.vector_store_idx %arg13[%add3A_325], %get3A_324 {add = true} : memref<4096xf32, #tpu.memory_space<vmem>>[vector<16xi32>], vector<16xf32>,
        %scan3A_326 = arith.constant 3 : i32
        %scan3A_327 = arith.addi %scan3A_252, %scan3A_326 : i32
        %mul3A_328 = arith.constant 16 : i32
        %mul3A_329 = arith.muli %scan3A_327, %mul3A_328 : i32
        %get3A_330 = arith.constant 1 : i32
        %get3A_331 = arith.index_cast %get3A_330 : i32 to index
        %get3A_332 = arith.index_cast %mul3A_329 : i32 to index
        %get3A_333 = tpu.vector_load %arg15[%get3A_331, %get3A_332] {strides = array<i32>} : memref<2x3072xi32, #tpu.memory_space<vmem>>, vector<16xi32>,
        %mul3A_334 = arith.constant 16 : i32
        %mul3A_335 = arith.muli %scan3A_327, %mul3A_334 : i32
        %add3A_336 = arith.constant 1024 : i32
        %add3A_337 = arith.addi %add3A_336, %mul3A_335 : i32
        %get3A_338 = arith.constant 1 : i32
        %get3A_339 = arith.index_cast %get3A_338 : i32 to index
        %get3A_340 = arith.index_cast %add3A_337 : i32 to index
        %get3A_341 = tpu.vector_load %arg15[%get3A_339, %get3A_340] {strides = array<i32>} : memref<2x3072xi32, #tpu.memory_space<vmem>>, vector<16xi32>,
        %gather3A_342 = tpu.vector_load_idx %arg12[%get3A_333] : memref<102400xi32, #tpu.memory_space<vmem>>[vector<16xi32>], vector<16xi32>,
        %gather3A_343 = tpu.vector_load_idx %arg12[%get3A_341] : memref<102400xi32, #tpu.memory_space<vmem>>[vector<16xi32>], vector<16xi32>,
        %max3A_344 = arith.maxsi %gather3A_342, %gather3A_343 : vector<16xi32>
        %mul3A_345 = arith.constant 16 : i32
        %mul3A_346 = arith.muli %scan3A_327, %mul3A_345 : i32
        %get3A_347 = arith.constant 1 : i32
        %get3A_348 = arith.index_cast %get3A_347 : i32 to index
        %get3A_349 = arith.index_cast %mul3A_346 : i32 to index
        %get3A_350 = tpu.vector_load %arg16[%get3A_348, %get3A_349] {strides = array<i32>} : memref<2x1024xf32, #tpu.memory_space<vmem>>, vector<16xf32>,
        %add3A_351 = arith.addi %max3A_344, %iota3A : vector<16xi32>
        tpu.vector_store_idx %arg13[%add3A_351], %get3A_350 {add = true} : memref<4096xf32, #tpu.memory_space<vmem>>[vector<16xi32>], vector<16xf32>,
        %scan3A_352 = arith.constant 4 : i32
        %scan3A_353 = arith.addi %scan3A_252, %scan3A_352 : i32
        %mul3A_354 = arith.constant 16 : i32
        %mul3A_355 = arith.muli %scan3A_353, %mul3A_354 : i32
        %get3A_356 = arith.constant 1 : i32
        %get3A_357 = arith.index_cast %get3A_356 : i32 to index
        %get3A_358 = arith.index_cast %mul3A_355 : i32 to index
        %get3A_359 = tpu.vector_load %arg15[%get3A_357, %get3A_358] {strides = array<i32>} : memref<2x3072xi32, #tpu.memory_space<vmem>>, vector<16xi32>,
        %mul3A_360 = arith.constant 16 : i32
        %mul3A_361 = arith.muli %scan3A_353, %mul3A_360 : i32
        %add3A_362 = arith.constant 1024 : i32
        %add3A_363 = arith.addi %add3A_362, %mul3A_361 : i32
        %get3A_364 = arith.constant 1 : i32
        %get3A_365 = arith.index_cast %get3A_364 : i32 to index
        %get3A_366 = arith.index_cast %add3A_363 : i32 to index
        %get3A_367 = tpu.vector_load %arg15[%get3A_365, %get3A_366] {strides = array<i32>} : memref<2x3072xi32, #tpu.memory_space<vmem>>, vector<16xi32>,
        %gather3A_368 = tpu.vector_load_idx %arg12[%get3A_359] : memref<102400xi32, #tpu.memory_space<vmem>>[vector<16xi32>], vector<16xi32>,
        %gather3A_369 = tpu.vector_load_idx %arg12[%get3A_367] : memref<102400xi32, #tpu.memory_space<vmem>>[vector<16xi32>], vector<16xi32>,
        %max3A_370 = arith.maxsi %gather3A_368, %gather3A_369 : vector<16xi32>
        %mul3A_371 = arith.constant 16 : i32
        %mul3A_372 = arith.muli %scan3A_353, %mul3A_371 : i32
        %get3A_373 = arith.constant 1 : i32
        %get3A_374 = arith.index_cast %get3A_373 : i32 to index
        %get3A_375 = arith.index_cast %mul3A_372 : i32 to index
        %get3A_376 = tpu.vector_load %arg16[%get3A_374, %get3A_375] {strides = array<i32>} : memref<2x1024xf32, #tpu.memory_space<vmem>>, vector<16xf32>,
        %add3A_377 = arith.addi %max3A_370, %iota3A : vector<16xi32>
        tpu.vector_store_idx %arg13[%add3A_377], %get3A_376 {add = true} : memref<4096xf32, #tpu.memory_space<vmem>>[vector<16xi32>], vector<16xf32>,
        %scan3A_378 = arith.constant 5 : i32
        %scan3A_379 = arith.addi %scan3A_252, %scan3A_378 : i32
        %mul3A_380 = arith.constant 16 : i32
        %mul3A_381 = arith.muli %scan3A_379, %mul3A_380 : i32
        %get3A_382 = arith.constant 1 : i32
        %get3A_383 = arith.index_cast %get3A_382 : i32 to index
        %get3A_384 = arith.index_cast %mul3A_381 : i32 to index
        %get3A_385 = tpu.vector_load %arg15[%get3A_383, %get3A_384] {strides = array<i32>} : memref<2x3072xi32, #tpu.memory_space<vmem>>, vector<16xi32>,
        %mul3A_386 = arith.constant 16 : i32
        %mul3A_387 = arith.muli %scan3A_379, %mul3A_386 : i32
        %add3A_388 = arith.constant 1024 : i32
        %add3A_389 = arith.addi %add3A_388, %mul3A_387 : i32
        %get3A_390 = arith.constant 1 : i32
        %get3A_391 = arith.index_cast %get3A_390 : i32 to index
        %get3A_392 = arith.index_cast %add3A_389 : i32 to index
        %get3A_393 = tpu.vector_load %arg15[%get3A_391, %get3A_392] {strides = array<i32>} : memref<2x3072xi32, #tpu.memory_space<vmem>>, vector<16xi32>,
        %gather3A_394 = tpu.vector_load_idx %arg12[%get3A_385] : memref<102400xi32, #tpu.memory_space<vmem>>[vector<16xi32>], vector<16xi32>,
        %gather3A_395 = tpu.vector_load_idx %arg12[%get3A_393] : memref<102400xi32, #tpu.memory_space<vmem>>[vector<16xi32>], vector<16xi32>,
        %max3A_396 = arith.maxsi %gather3A_394, %gather3A_395 : vector<16xi32>
        %mul3A_397 = arith.constant 16 : i32
        %mul3A_398 = arith.muli %scan3A_379, %mul3A_397 : i32
        %get3A_399 = arith.constant 1 : i32
        %get3A_400 = arith.index_cast %get3A_399 : i32 to index
        %get3A_401 = arith.index_cast %mul3A_398 : i32 to index
        %get3A_402 = tpu.vector_load %arg16[%get3A_400, %get3A_401] {strides = array<i32>} : memref<2x1024xf32, #tpu.memory_space<vmem>>, vector<16xf32>,
        %add3A_403 = arith.addi %max3A_396, %iota3A : vector<16xi32>
        tpu.vector_store_idx %arg13[%add3A_403], %get3A_402 {add = true} : memref<4096xf32, #tpu.memory_space<vmem>>[vector<16xi32>], vector<16xf32>,
        %scan3A_404 = arith.constant 6 : i32
        %scan3A_405 = arith.addi %scan3A_252, %scan3A_404 : i32
        %mul3A_406 = arith.constant 16 : i32
        %mul3A_407 = arith.muli %scan3A_405, %mul3A_406 : i32
        %get3A_408 = arith.constant 1 : i32
        %get3A_409 = arith.index_cast %get3A_408 : i32 to index
        %get3A_410 = arith.index_cast %mul3A_407 : i32 to index
        %get3A_411 = tpu.vector_load %arg15[%get3A_409, %get3A_410] {strides = array<i32>} : memref<2x3072xi32, #tpu.memory_space<vmem>>, vector<16xi32>,
        %mul3A_412 = arith.constant 16 : i32
        %mul3A_413 = arith.muli %scan3A_405, %mul3A_412 : i32
        %add3A_414 = arith.constant 1024 : i32
        %add3A_415 = arith.addi %add3A_414, %mul3A_413 : i32
        %get3A_416 = arith.constant 1 : i32
        %get3A_417 = arith.index_cast %get3A_416 : i32 to index
        %get3A_418 = arith.index_cast %add3A_415 : i32 to index
        %get3A_419 = tpu.vector_load %arg15[%get3A_417, %get3A_418] {strides = array<i32>} : memref<2x3072xi32, #tpu.memory_space<vmem>>, vector<16xi32>,
        %gather3A_420 = tpu.vector_load_idx %arg12[%get3A_411] : memref<102400xi32, #tpu.memory_space<vmem>>[vector<16xi32>], vector<16xi32>,
        %gather3A_421 = tpu.vector_load_idx %arg12[%get3A_419] : memref<102400xi32, #tpu.memory_space<vmem>>[vector<16xi32>], vector<16xi32>,
        %max3A_422 = arith.maxsi %gather3A_420, %gather3A_421 : vector<16xi32>
        %mul3A_423 = arith.constant 16 : i32
        %mul3A_424 = arith.muli %scan3A_405, %mul3A_423 : i32
        %get3A_425 = arith.constant 1 : i32
        %get3A_426 = arith.index_cast %get3A_425 : i32 to index
        %get3A_427 = arith.index_cast %mul3A_424 : i32 to index
        %get3A_428 = tpu.vector_load %arg16[%get3A_426, %get3A_427] {strides = array<i32>} : memref<2x1024xf32, #tpu.memory_space<vmem>>, vector<16xf32>,
        %add3A_429 = arith.addi %max3A_422, %iota3A : vector<16xi32>
        tpu.vector_store_idx %arg13[%add3A_429], %get3A_428 {add = true} : memref<4096xf32, #tpu.memory_space<vmem>>[vector<16xi32>], vector<16xf32>,
        %scan3A_430 = arith.constant 7 : i32
        %scan3A_431 = arith.addi %scan3A_252, %scan3A_430 : i32
        %mul3A_432 = arith.constant 16 : i32
        %mul3A_433 = arith.muli %scan3A_431, %mul3A_432 : i32
        %get3A_434 = arith.constant 1 : i32
        %get3A_435 = arith.index_cast %get3A_434 : i32 to index
        %get3A_436 = arith.index_cast %mul3A_433 : i32 to index
        %get3A_437 = tpu.vector_load %arg15[%get3A_435, %get3A_436] {strides = array<i32>} : memref<2x3072xi32, #tpu.memory_space<vmem>>, vector<16xi32>,
        %mul3A_438 = arith.constant 16 : i32
        %mul3A_439 = arith.muli %scan3A_431, %mul3A_438 : i32
        %add3A_440 = arith.constant 1024 : i32
        %add3A_441 = arith.addi %add3A_440, %mul3A_439 : i32
        %get3A_442 = arith.constant 1 : i32
        %get3A_443 = arith.index_cast %get3A_442 : i32 to index
        %get3A_444 = arith.index_cast %add3A_441 : i32 to index
        %get3A_445 = tpu.vector_load %arg15[%get3A_443, %get3A_444] {strides = array<i32>} : memref<2x3072xi32, #tpu.memory_space<vmem>>, vector<16xi32>,
        %gather3A_446 = tpu.vector_load_idx %arg12[%get3A_437] : memref<102400xi32, #tpu.memory_space<vmem>>[vector<16xi32>], vector<16xi32>,
        %gather3A_447 = tpu.vector_load_idx %arg12[%get3A_445] : memref<102400xi32, #tpu.memory_space<vmem>>[vector<16xi32>], vector<16xi32>,
        %max3A_448 = arith.maxsi %gather3A_446, %gather3A_447 : vector<16xi32>
        %mul3A_449 = arith.constant 16 : i32
        %mul3A_450 = arith.muli %scan3A_431, %mul3A_449 : i32
        %get3A_451 = arith.constant 1 : i32
        %get3A_452 = arith.index_cast %get3A_451 : i32 to index
        %get3A_453 = arith.index_cast %mul3A_450 : i32 to index
        %get3A_454 = tpu.vector_load %arg16[%get3A_452, %get3A_453] {strides = array<i32>} : memref<2x1024xf32, #tpu.memory_space<vmem>>, vector<16xf32>,
        %add3A_455 = arith.addi %max3A_448, %iota3A : vector<16xi32>
        tpu.vector_store_idx %arg13[%add3A_455], %get3A_454 {add = true} : memref<4096xf32, #tpu.memory_space<vmem>>[vector<16xi32>], vector<16xf32>,
        %scan3A_456 = arith.constant 8 : i32
        %scan3A_457 = arith.addi %scan3A_252, %scan3A_456 : i32
        %mul3A_458 = arith.constant 16 : i32
        %mul3A_459 = arith.muli %scan3A_457, %mul3A_458 : i32
        %get3A_460 = arith.constant 1 : i32
        %get3A_461 = arith.index_cast %get3A_460 : i32 to index
        %get3A_462 = arith.index_cast %mul3A_459 : i32 to index
        %get3A_463 = tpu.vector_load %arg15[%get3A_461, %get3A_462] {strides = array<i32>} : memref<2x3072xi32, #tpu.memory_space<vmem>>, vector<16xi32>,
        %mul3A_464 = arith.constant 16 : i32
        %mul3A_465 = arith.muli %scan3A_457, %mul3A_464 : i32
        %add3A_466 = arith.constant 1024 : i32
        %add3A_467 = arith.addi %add3A_466, %mul3A_465 : i32
        %get3A_468 = arith.constant 1 : i32
        %get3A_469 = arith.index_cast %get3A_468 : i32 to index
        %get3A_470 = arith.index_cast %add3A_467 : i32 to index
        %get3A_471 = tpu.vector_load %arg15[%get3A_469, %get3A_470] {strides = array<i32>} : memref<2x3072xi32, #tpu.memory_space<vmem>>, vector<16xi32>,
        %gather3A_472 = tpu.vector_load_idx %arg12[%get3A_463] : memref<102400xi32, #tpu.memory_space<vmem>>[vector<16xi32>], vector<16xi32>,
        %gather3A_473 = tpu.vector_load_idx %arg12[%get3A_471] : memref<102400xi32, #tpu.memory_space<vmem>>[vector<16xi32>], vector<16xi32>,
        %max3A_474 = arith.maxsi %gather3A_472, %gather3A_473 : vector<16xi32>
        %mul3A_475 = arith.constant 16 : i32
        %mul3A_476 = arith.muli %scan3A_457, %mul3A_475 : i32
        %get3A_477 = arith.constant 1 : i32
        %get3A_478 = arith.index_cast %get3A_477 : i32 to index
        %get3A_479 = arith.index_cast %mul3A_476 : i32 to index
        %get3A_480 = tpu.vector_load %arg16[%get3A_478, %get3A_479] {strides = array<i32>} : memref<2x1024xf32, #tpu.memory_space<vmem>>, vector<16xf32>,
        %add3A_481 = arith.addi %max3A_474, %iota3A : vector<16xi32>
        tpu.vector_store_idx %arg13[%add3A_481], %get3A_480 {add = true} : memref<4096xf32, #tpu.memory_space<vmem>>[vector<16xi32>], vector<16xf32>,
        %scan3A_482 = arith.constant 9 : i32
        %scan3A_483 = arith.addi %scan3A_252, %scan3A_482 : i32
        %mul3A_484 = arith.constant 16 : i32
        %mul3A_485 = arith.muli %scan3A_483, %mul3A_484 : i32
        %get3A_486 = arith.constant 1 : i32
        %get3A_487 = arith.index_cast %get3A_486 : i32 to index
        %get3A_488 = arith.index_cast %mul3A_485 : i32 to index
        %get3A_489 = tpu.vector_load %arg15[%get3A_487, %get3A_488] {strides = array<i32>} : memref<2x3072xi32, #tpu.memory_space<vmem>>, vector<16xi32>,
        %mul3A_490 = arith.constant 16 : i32
        %mul3A_491 = arith.muli %scan3A_483, %mul3A_490 : i32
        %add3A_492 = arith.constant 1024 : i32
        %add3A_493 = arith.addi %add3A_492, %mul3A_491 : i32
        %get3A_494 = arith.constant 1 : i32
        %get3A_495 = arith.index_cast %get3A_494 : i32 to index
        %get3A_496 = arith.index_cast %add3A_493 : i32 to index
        %get3A_497 = tpu.vector_load %arg15[%get3A_495, %get3A_496] {strides = array<i32>} : memref<2x3072xi32, #tpu.memory_space<vmem>>, vector<16xi32>,
        %gather3A_498 = tpu.vector_load_idx %arg12[%get3A_489] : memref<102400xi32, #tpu.memory_space<vmem>>[vector<16xi32>], vector<16xi32>,
        %gather3A_499 = tpu.vector_load_idx %arg12[%get3A_497] : memref<102400xi32, #tpu.memory_space<vmem>>[vector<16xi32>], vector<16xi32>,
        %max3A_500 = arith.maxsi %gather3A_498, %gather3A_499 : vector<16xi32>
        %mul3A_501 = arith.constant 16 : i32
        %mul3A_502 = arith.muli %scan3A_483, %mul3A_501 : i32
        %get3A_503 = arith.constant 1 : i32
        %get3A_504 = arith.index_cast %get3A_503 : i32 to index
        %get3A_505 = arith.index_cast %mul3A_502 : i32 to index
        %get3A_506 = tpu.vector_load %arg16[%get3A_504, %get3A_505] {strides = array<i32>} : memref<2x1024xf32, #tpu.memory_space<vmem>>, vector<16xf32>,
        %add3A_507 = arith.addi %max3A_500, %iota3A : vector<16xi32>
        tpu.vector_store_idx %arg13[%add3A_507], %get3A_506 {add = true} : memref<4096xf32, #tpu.memory_space<vmem>>[vector<16xi32>], vector<16xf32>,
        %scan3A_508 = arith.constant 10 : i32
        %scan3A_509 = arith.addi %scan3A_252, %scan3A_508 : i32
        %mul3A_510 = arith.constant 16 : i32
        %mul3A_511 = arith.muli %scan3A_509, %mul3A_510 : i32
        %get3A_512 = arith.constant 1 : i32
        %get3A_513 = arith.index_cast %get3A_512 : i32 to index
        %get3A_514 = arith.index_cast %mul3A_511 : i32 to index
        %get3A_515 = tpu.vector_load %arg15[%get3A_513, %get3A_514] {strides = array<i32>} : memref<2x3072xi32, #tpu.memory_space<vmem>>, vector<16xi32>,
        %mul3A_516 = arith.constant 16 : i32
        %mul3A_517 = arith.muli %scan3A_509, %mul3A_516 : i32
        %add3A_518 = arith.constant 1024 : i32
        %add3A_519 = arith.addi %add3A_518, %mul3A_517 : i32
        %get3A_520 = arith.constant 1 : i32
        %get3A_521 = arith.index_cast %get3A_520 : i32 to index
        %get3A_522 = arith.index_cast %add3A_519 : i32 to index
        %get3A_523 = tpu.vector_load %arg15[%get3A_521, %get3A_522] {strides = array<i32>} : memref<2x3072xi32, #tpu.memory_space<vmem>>, vector<16xi32>,
        %gather3A_524 = tpu.vector_load_idx %arg12[%get3A_515] : memref<102400xi32, #tpu.memory_space<vmem>>[vector<16xi32>], vector<16xi32>,
        %gather3A_525 = tpu.vector_load_idx %arg12[%get3A_523] : memref<102400xi32, #tpu.memory_space<vmem>>[vector<16xi32>], vector<16xi32>,
        %max3A_526 = arith.maxsi %gather3A_524, %gather3A_525 : vector<16xi32>
        %mul3A_527 = arith.constant 16 : i32
        %mul3A_528 = arith.muli %scan3A_509, %mul3A_527 : i32
        %get3A_529 = arith.constant 1 : i32
        %get3A_530 = arith.index_cast %get3A_529 : i32 to index
        %get3A_531 = arith.index_cast %mul3A_528 : i32 to index
        %get3A_532 = tpu.vector_load %arg16[%get3A_530, %get3A_531] {strides = array<i32>} : memref<2x1024xf32, #tpu.memory_space<vmem>>, vector<16xf32>,
        %add3A_533 = arith.addi %max3A_526, %iota3A : vector<16xi32>
        tpu.vector_store_idx %arg13[%add3A_533], %get3A_532 {add = true} : memref<4096xf32, #tpu.memory_space<vmem>>[vector<16xi32>], vector<16xf32>,
        %scan3A_534 = arith.constant 11 : i32
        %scan3A_535 = arith.addi %scan3A_252, %scan3A_534 : i32
        %mul3A_536 = arith.constant 16 : i32
        %mul3A_537 = arith.muli %scan3A_535, %mul3A_536 : i32
        %get3A_538 = arith.constant 1 : i32
        %get3A_539 = arith.index_cast %get3A_538 : i32 to index
        %get3A_540 = arith.index_cast %mul3A_537 : i32 to index
        %get3A_541 = tpu.vector_load %arg15[%get3A_539, %get3A_540] {strides = array<i32>} : memref<2x3072xi32, #tpu.memory_space<vmem>>, vector<16xi32>,
        %mul3A_542 = arith.constant 16 : i32
        %mul3A_543 = arith.muli %scan3A_535, %mul3A_542 : i32
        %add3A_544 = arith.constant 1024 : i32
        %add3A_545 = arith.addi %add3A_544, %mul3A_543 : i32
        %get3A_546 = arith.constant 1 : i32
        %get3A_547 = arith.index_cast %get3A_546 : i32 to index
        %get3A_548 = arith.index_cast %add3A_545 : i32 to index
        %get3A_549 = tpu.vector_load %arg15[%get3A_547, %get3A_548] {strides = array<i32>} : memref<2x3072xi32, #tpu.memory_space<vmem>>, vector<16xi32>,
        %gather3A_550 = tpu.vector_load_idx %arg12[%get3A_541] : memref<102400xi32, #tpu.memory_space<vmem>>[vector<16xi32>], vector<16xi32>,
        %gather3A_551 = tpu.vector_load_idx %arg12[%get3A_549] : memref<102400xi32, #tpu.memory_space<vmem>>[vector<16xi32>], vector<16xi32>,
        %max3A_552 = arith.maxsi %gather3A_550, %gather3A_551 : vector<16xi32>
        %mul3A_553 = arith.constant 16 : i32
        %mul3A_554 = arith.muli %scan3A_535, %mul3A_553 : i32
        %get3A_555 = arith.constant 1 : i32
        %get3A_556 = arith.index_cast %get3A_555 : i32 to index
        %get3A_557 = arith.index_cast %mul3A_554 : i32 to index
        %get3A_558 = tpu.vector_load %arg16[%get3A_556, %get3A_557] {strides = array<i32>} : memref<2x1024xf32, #tpu.memory_space<vmem>>, vector<16xf32>,
        %add3A_559 = arith.addi %max3A_552, %iota3A : vector<16xi32>
        tpu.vector_store_idx %arg13[%add3A_559], %get3A_558 {add = true} : memref<4096xf32, #tpu.memory_space<vmem>>[vector<16xi32>], vector<16xf32>,
        %scan3A_560 = arith.constant 12 : i32
        %scan3A_561 = arith.addi %scan3A_252, %scan3A_560 : i32
        %mul3A_562 = arith.constant 16 : i32
        %mul3A_563 = arith.muli %scan3A_561, %mul3A_562 : i32
        %get3A_564 = arith.constant 1 : i32
        %get3A_565 = arith.index_cast %get3A_564 : i32 to index
        %get3A_566 = arith.index_cast %mul3A_563 : i32 to index
        %get3A_567 = tpu.vector_load %arg15[%get3A_565, %get3A_566] {strides = array<i32>} : memref<2x3072xi32, #tpu.memory_space<vmem>>, vector<16xi32>,
        %mul3A_568 = arith.constant 16 : i32
        %mul3A_569 = arith.muli %scan3A_561, %mul3A_568 : i32
        %add3A_570 = arith.constant 1024 : i32
        %add3A_571 = arith.addi %add3A_570, %mul3A_569 : i32
        %get3A_572 = arith.constant 1 : i32
        %get3A_573 = arith.index_cast %get3A_572 : i32 to index
        %get3A_574 = arith.index_cast %add3A_571 : i32 to index
        %get3A_575 = tpu.vector_load %arg15[%get3A_573, %get3A_574] {strides = array<i32>} : memref<2x3072xi32, #tpu.memory_space<vmem>>, vector<16xi32>,
        %gather3A_576 = tpu.vector_load_idx %arg12[%get3A_567] : memref<102400xi32, #tpu.memory_space<vmem>>[vector<16xi32>], vector<16xi32>,
        %gather3A_577 = tpu.vector_load_idx %arg12[%get3A_575] : memref<102400xi32, #tpu.memory_space<vmem>>[vector<16xi32>], vector<16xi32>,
        %max3A_578 = arith.maxsi %gather3A_576, %gather3A_577 : vector<16xi32>
        %mul3A_579 = arith.constant 16 : i32
        %mul3A_580 = arith.muli %scan3A_561, %mul3A_579 : i32
        %get3A_581 = arith.constant 1 : i32
        %get3A_582 = arith.index_cast %get3A_581 : i32 to index
        %get3A_583 = arith.index_cast %mul3A_580 : i32 to index
        %get3A_584 = tpu.vector_load %arg16[%get3A_582, %get3A_583] {strides = array<i32>} : memref<2x1024xf32, #tpu.memory_space<vmem>>, vector<16xf32>,
        %add3A_585 = arith.addi %max3A_578, %iota3A : vector<16xi32>
        tpu.vector_store_idx %arg13[%add3A_585], %get3A_584 {add = true} : memref<4096xf32, #tpu.memory_space<vmem>>[vector<16xi32>], vector<16xf32>,
        %scan3A_586 = arith.constant 13 : i32
        %scan3A_587 = arith.addi %scan3A_252, %scan3A_586 : i32
        %mul3A_588 = arith.constant 16 : i32
        %mul3A_589 = arith.muli %scan3A_587, %mul3A_588 : i32
        %get3A_590 = arith.constant 1 : i32
        %get3A_591 = arith.index_cast %get3A_590 : i32 to index
        %get3A_592 = arith.index_cast %mul3A_589 : i32 to index
        %get3A_593 = tpu.vector_load %arg15[%get3A_591, %get3A_592] {strides = array<i32>} : memref<2x3072xi32, #tpu.memory_space<vmem>>, vector<16xi32>,
        %mul3A_594 = arith.constant 16 : i32
        %mul3A_595 = arith.muli %scan3A_587, %mul3A_594 : i32
        %add3A_596 = arith.constant 1024 : i32
        %add3A_597 = arith.addi %add3A_596, %mul3A_595 : i32
        %get3A_598 = arith.constant 1 : i32
        %get3A_599 = arith.index_cast %get3A_598 : i32 to index
        %get3A_600 = arith.index_cast %add3A_597 : i32 to index
        %get3A_601 = tpu.vector_load %arg15[%get3A_599, %get3A_600] {strides = array<i32>} : memref<2x3072xi32, #tpu.memory_space<vmem>>, vector<16xi32>,
        %gather3A_602 = tpu.vector_load_idx %arg12[%get3A_593] : memref<102400xi32, #tpu.memory_space<vmem>>[vector<16xi32>], vector<16xi32>,
        %gather3A_603 = tpu.vector_load_idx %arg12[%get3A_601] : memref<102400xi32, #tpu.memory_space<vmem>>[vector<16xi32>], vector<16xi32>,
        %max3A_604 = arith.maxsi %gather3A_602, %gather3A_603 : vector<16xi32>
        %mul3A_605 = arith.constant 16 : i32
        %mul3A_606 = arith.muli %scan3A_587, %mul3A_605 : i32
        %get3A_607 = arith.constant 1 : i32
        %get3A_608 = arith.index_cast %get3A_607 : i32 to index
        %get3A_609 = arith.index_cast %mul3A_606 : i32 to index
        %get3A_610 = tpu.vector_load %arg16[%get3A_608, %get3A_609] {strides = array<i32>} : memref<2x1024xf32, #tpu.memory_space<vmem>>, vector<16xf32>,
        %add3A_611 = arith.addi %max3A_604, %iota3A : vector<16xi32>
        tpu.vector_store_idx %arg13[%add3A_611], %get3A_610 {add = true} : memref<4096xf32, #tpu.memory_space<vmem>>[vector<16xi32>], vector<16xf32>,
        %scan3A_612 = arith.constant 14 : i32
        %scan3A_613 = arith.addi %scan3A_252, %scan3A_612 : i32
        %mul3A_614 = arith.constant 16 : i32
        %mul3A_615 = arith.muli %scan3A_613, %mul3A_614 : i32
        %get3A_616 = arith.constant 1 : i32
        %get3A_617 = arith.index_cast %get3A_616 : i32 to index
        %get3A_618 = arith.index_cast %mul3A_615 : i32 to index
        %get3A_619 = tpu.vector_load %arg15[%get3A_617, %get3A_618] {strides = array<i32>} : memref<2x3072xi32, #tpu.memory_space<vmem>>, vector<16xi32>,
        %mul3A_620 = arith.constant 16 : i32
        %mul3A_621 = arith.muli %scan3A_613, %mul3A_620 : i32
        %add3A_622 = arith.constant 1024 : i32
        %add3A_623 = arith.addi %add3A_622, %mul3A_621 : i32
        %get3A_624 = arith.constant 1 : i32
        %get3A_625 = arith.index_cast %get3A_624 : i32 to index
        %get3A_626 = arith.index_cast %add3A_623 : i32 to index
        %get3A_627 = tpu.vector_load %arg15[%get3A_625, %get3A_626] {strides = array<i32>} : memref<2x3072xi32, #tpu.memory_space<vmem>>, vector<16xi32>,
        %gather3A_628 = tpu.vector_load_idx %arg12[%get3A_619] : memref<102400xi32, #tpu.memory_space<vmem>>[vector<16xi32>], vector<16xi32>,
        %gather3A_629 = tpu.vector_load_idx %arg12[%get3A_627] : memref<102400xi32, #tpu.memory_space<vmem>>[vector<16xi32>], vector<16xi32>,
        %max3A_630 = arith.maxsi %gather3A_628, %gather3A_629 : vector<16xi32>
        %mul3A_631 = arith.constant 16 : i32
        %mul3A_632 = arith.muli %scan3A_613, %mul3A_631 : i32
        %get3A_633 = arith.constant 1 : i32
        %get3A_634 = arith.index_cast %get3A_633 : i32 to index
        %get3A_635 = arith.index_cast %mul3A_632 : i32 to index
        %get3A_636 = tpu.vector_load %arg16[%get3A_634, %get3A_635] {strides = array<i32>} : memref<2x1024xf32, #tpu.memory_space<vmem>>, vector<16xf32>,
        %add3A_637 = arith.addi %max3A_630, %iota3A : vector<16xi32>
        tpu.vector_store_idx %arg13[%add3A_637], %get3A_636 {add = true} : memref<4096xf32, #tpu.memory_space<vmem>>[vector<16xi32>], vector<16xf32>,
        %scan3A_638 = arith.constant 15 : i32
        %scan3A_639 = arith.addi %scan3A_252, %scan3A_638 : i32
        %mul3A_640 = arith.constant 16 : i32
        %mul3A_641 = arith.muli %scan3A_639, %mul3A_640 : i32
        %get3A_642 = arith.constant 1 : i32
        %get3A_643 = arith.index_cast %get3A_642 : i32 to index
        %get3A_644 = arith.index_cast %mul3A_641 : i32 to index
        %get3A_645 = tpu.vector_load %arg15[%get3A_643, %get3A_644] {strides = array<i32>} : memref<2x3072xi32, #tpu.memory_space<vmem>>, vector<16xi32>,
        %mul3A_646 = arith.constant 16 : i32
        %mul3A_647 = arith.muli %scan3A_639, %mul3A_646 : i32
        %add3A_648 = arith.constant 1024 : i32
        %add3A_649 = arith.addi %add3A_648, %mul3A_647 : i32
        %get3A_650 = arith.constant 1 : i32
        %get3A_651 = arith.index_cast %get3A_650 : i32 to index
        %get3A_652 = arith.index_cast %add3A_649 : i32 to index
        %get3A_653 = tpu.vector_load %arg15[%get3A_651, %get3A_652] {strides = array<i32>} : memref<2x3072xi32, #tpu.memory_space<vmem>>, vector<16xi32>,
        %gather3A_654 = tpu.vector_load_idx %arg12[%get3A_645] : memref<102400xi32, #tpu.memory_space<vmem>>[vector<16xi32>], vector<16xi32>,
        %gather3A_655 = tpu.vector_load_idx %arg12[%get3A_653] : memref<102400xi32, #tpu.memory_space<vmem>>[vector<16xi32>], vector<16xi32>,
        %max3A_656 = arith.maxsi %gather3A_654, %gather3A_655 : vector<16xi32>
        %mul3A_657 = arith.constant 16 : i32
        %mul3A_658 = arith.muli %scan3A_639, %mul3A_657 : i32
        %get3A_659 = arith.constant 1 : i32
        %get3A_660 = arith.index_cast %get3A_659 : i32 to index
        %get3A_661 = arith.index_cast %mul3A_658 : i32 to index
        %get3A_662 = tpu.vector_load %arg16[%get3A_660, %get3A_661] {strides = array<i32>} : memref<2x1024xf32, #tpu.memory_space<vmem>>, vector<16xf32>,
        %add3A_663 = arith.addi %max3A_656, %iota3A : vector<16xi32>
        tpu.vector_store_idx %arg13[%add3A_663], %get3A_662 {add = true} : memref<4096xf32, #tpu.memory_space<vmem>>[vector<16xi32>], vector<16xf32>,
      }
      %scan3A_251 = arith.constant 64 : i32
    }
    %scan3A_62 = arith.constant 245 : i32
    %dma_start3A_63 = arith.constant 0 : i32
    %dma_start3A_64 = arith.constant 0 : i32
    %dma_start3A_65 = arith.constant 0 : i32
    %dma_start3A_66 = tpu.memref_slice %arg15[%dma_start3A_63, %dma_start3A_65] : memref<2x3072xi32, #tpu.memory_space<vmem>> -> memref<1x1024xi32, #tpu.memory_space<vmem>>
    %dma_start3A_67 = tpu.memref_squeeze %dma_start3A_66 : memref<1x1024xi32, #tpu.memory_space<vmem>> -> memref<1024xi32, #tpu.memory_space<vmem>>
    %dma_start3A_68 = arith.constant 0 : i32
    %dma_start3A_69 = tpu.memref_slice %arg7[%dma_start3A_68] : memref<501760xi32, #tpu.memory_space<hbm>> -> memref<1024xi32, #tpu.memory_space<hbm>>
    %dma_start3A_70 = tpu.memref_slice %arg17[%dma_start3A_64] : memref<2x!tpu.dma_semaphore, #tpu.memory_space<semaphore_mem>> -> memref<1x!tpu.dma_semaphore, #tpu.memory_space<semaphore_mem>>
    %dma_start3A_71 = tpu.memref_squeeze %dma_start3A_70 : memref<1x!tpu.dma_semaphore, #tpu.memory_space<semaphore_mem>> -> memref<!tpu.dma_semaphore, #tpu.memory_space<semaphore_mem>>
    %dma_start3A_72 = arith.constant 0 : i32
    %dma_start3A_73 = tpu.memref_slice %arg15[%dma_start3A_63, %dma_start3A_72] : memref<2x3072xi32, #tpu.memory_space<vmem>> -> memref<1x1024xi32, #tpu.memory_space<vmem>>
    %dma_start3A_74 = tpu.memref_squeeze %dma_start3A_73 : memref<1x1024xi32, #tpu.memory_space<vmem>> -> memref<1024xi32, #tpu.memory_space<vmem>>
    %dma_start3A_75 = arith.constant 0 : i32
    %dma_start3A_76 = tpu.memref_slice %arg7[%dma_start3A_75] : memref<501760xi32, #tpu.memory_space<hbm>> -> memref<1024xi32, #tpu.memory_space<hbm>>
    tpu.enqueue_dma source(%dma_start3A_76 : memref<1024xi32, #tpu.memory_space<hbm>>) target(%dma_start3A_74 : memref<1024xi32, #tpu.memory_space<vmem>>) target_semaphore(%dma_start3A_71 : memref<!tpu.dma_semaphore, #tpu.memory_space<semaphore_mem>>)
    %dma_start3A_77 = arith.constant 0 : i32
    %dma_start3A_78 = arith.constant 0 : i32
    %dma_start3A_79 = arith.constant 1024 : i32
    %dma_start3A_80 = tpu.memref_slice %arg15[%dma_start3A_77, %dma_start3A_79] : memref<2x3072xi32, #tpu.memory_space<vmem>> -> memref<1x1024xi32, #tpu.memory_space<vmem>>
    %dma_start3A_81 = tpu.memref_squeeze %dma_start3A_80 : memref<1x1024xi32, #tpu.memory_space<vmem>> -> memref<1024xi32, #tpu.memory_space<vmem>>
    %dma_start3A_82 = arith.constant 0 : i32
    %dma_start3A_83 = tpu.memref_slice %arg8[%dma_start3A_82] : memref<501760xi32, #tpu.memory_space<hbm>> -> memref<1024xi32, #tpu.memory_space<hbm>>
    %dma_start3A_84 = tpu.memref_slice %arg17[%dma_start3A_78] : memref<2x!tpu.dma_semaphore, #tpu.memory_space<semaphore_mem>> -> memref<1x!tpu.dma_semaphore, #tpu.memory_space<semaphore_mem>>
    %dma_start3A_85 = tpu.memref_squeeze %dma_start3A_84 : memref<1x!tpu.dma_semaphore, #tpu.memory_space<semaphore_mem>> -> memref<!tpu.dma_semaphore, #tpu.memory_space<semaphore_mem>>
    %dma_start3A_86 = arith.constant 1024 : i32
    %dma_start3A_87 = tpu.memref_slice %arg15[%dma_start3A_77, %dma_start3A_86] : memref<2x3072xi32, #tpu.memory_space<vmem>> -> memref<1x1024xi32, #tpu.memory_space<vmem>>
    %dma_start3A_88 = tpu.memref_squeeze %dma_start3A_87 : memref<1x1024xi32, #tpu.memory_space<vmem>> -> memref<1024xi32, #tpu.memory_space<vmem>>
    %dma_start3A_89 = arith.constant 0 : i32
    %dma_start3A_90 = tpu.memref_slice %arg8[%dma_start3A_89] : memref<501760xi32, #tpu.memory_space<hbm>> -> memref<1024xi32, #tpu.memory_space<hbm>>
    tpu.enqueue_dma source(%dma_start3A_90 : memref<1024xi32, #tpu.memory_space<hbm>>) target(%dma_start3A_88 : memref<1024xi32, #tpu.memory_space<vmem>>) target_semaphore(%dma_start3A_85 : memref<!tpu.dma_semaphore, #tpu.memory_space<semaphore_mem>>)
    %dma_start3A_91 = arith.constant 0 : i32
    %dma_start3A_92 = arith.constant 0 : i32
    %dma_start3A_93 = arith.constant 2048 : i32
    %dma_start3A_94 = tpu.memref_slice %arg15[%dma_start3A_91, %dma_start3A_93] : memref<2x3072xi32, #tpu.memory_space<vmem>> -> memref<1x1024xi32, #tpu.memory_space<vmem>>
    %dma_start3A_95 = tpu.memref_squeeze %dma_start3A_94 : memref<1x1024xi32, #tpu.memory_space<vmem>> -> memref<1024xi32, #tpu.memory_space<vmem>>
    %dma_start3A_96 = arith.constant 0 : i32
    %dma_start3A_97 = tpu.memref_slice %arg9[%dma_start3A_96] : memref<501760xi32, #tpu.memory_space<hbm>> -> memref<1024xi32, #tpu.memory_space<hbm>>
    %dma_start3A_98 = tpu.memref_slice %arg17[%dma_start3A_92] : memref<2x!tpu.dma_semaphore, #tpu.memory_space<semaphore_mem>> -> memref<1x!tpu.dma_semaphore, #tpu.memory_space<semaphore_mem>>
    %dma_start3A_99 = tpu.memref_squeeze %dma_start3A_98 : memref<1x!tpu.dma_semaphore, #tpu.memory_space<semaphore_mem>> -> memref<!tpu.dma_semaphore, #tpu.memory_space<semaphore_mem>>
    %dma_start3A_100 = arith.constant 2048 : i32
    %dma_start3A_101 = tpu.memref_slice %arg15[%dma_start3A_91, %dma_start3A_100] : memref<2x3072xi32, #tpu.memory_space<vmem>> -> memref<1x1024xi32, #tpu.memory_space<vmem>>
    %dma_start3A_102 = tpu.memref_squeeze %dma_start3A_101 : memref<1x1024xi32, #tpu.memory_space<vmem>> -> memref<1024xi32, #tpu.memory_space<vmem>>
    %dma_start3A_103 = arith.constant 0 : i32
    %dma_start3A_104 = tpu.memref_slice %arg9[%dma_start3A_103] : memref<501760xi32, #tpu.memory_space<hbm>> -> memref<1024xi32, #tpu.memory_space<hbm>>
    tpu.enqueue_dma source(%dma_start3A_104 : memref<1024xi32, #tpu.memory_space<hbm>>) target(%dma_start3A_102 : memref<1024xi32, #tpu.memory_space<vmem>>) target_semaphore(%dma_start3A_99 : memref<!tpu.dma_semaphore, #tpu.memory_space<semaphore_mem>>)
    %dma_start3A_105 = arith.constant 0 : i32
    %dma_start3A_106 = arith.constant 0 : i32
    %dma_start3A_107 = arith.constant 0 : i32
    %dma_start3A_108 = tpu.memref_slice %arg16[%dma_start3A_105, %dma_start3A_107] : memref<2x1024xf32, #tpu.memory_space<vmem>> -> memref<1x1024xf32, #tpu.memory_space<vmem>>
    %dma_start3A_109 = tpu.memref_squeeze %dma_start3A_108 : memref<1x1024xf32, #tpu.memory_space<vmem>> -> memref<1024xf32, #tpu.memory_space<vmem>>
    %dma_start3A_110 = arith.constant 0 : i32
    %dma_start3A_111 = tpu.memref_slice %arg10[%dma_start3A_110] : memref<501760xf32, #tpu.memory_space<hbm>> -> memref<1024xf32, #tpu.memory_space<hbm>>
    %dma_start3A_112 = tpu.memref_slice %arg17[%dma_start3A_106] : memref<2x!tpu.dma_semaphore, #tpu.memory_space<semaphore_mem>> -> memref<1x!tpu.dma_semaphore, #tpu.memory_space<semaphore_mem>>
    %dma_start3A_113 = tpu.memref_squeeze %dma_start3A_112 : memref<1x!tpu.dma_semaphore, #tpu.memory_space<semaphore_mem>> -> memref<!tpu.dma_semaphore, #tpu.memory_space<semaphore_mem>>
    %dma_start3A_114 = arith.constant 0 : i32
    %dma_start3A_115 = tpu.memref_slice %arg16[%dma_start3A_105, %dma_start3A_114] : memref<2x1024xf32, #tpu.memory_space<vmem>> -> memref<1x1024xf32, #tpu.memory_space<vmem>>
    %dma_start3A_116 = tpu.memref_squeeze %dma_start3A_115 : memref<1x1024xf32, #tpu.memory_space<vmem>> -> memref<1024xf32, #tpu.memory_space<vmem>>
    %dma_start3A_117 = arith.constant 0 : i32
    %dma_start3A_118 = tpu.memref_slice %arg10[%dma_start3A_117] : memref<501760xf32, #tpu.memory_space<hbm>> -> memref<1024xf32, #tpu.memory_space<hbm>>
    tpu.enqueue_dma source(%dma_start3A_118 : memref<1024xf32, #tpu.memory_space<hbm>>) target(%dma_start3A_116 : memref<1024xf32, #tpu.memory_space<vmem>>) target_semaphore(%dma_start3A_113 : memref<!tpu.dma_semaphore, #tpu.memory_space<semaphore_mem>>)
    %scan3A_119 = arith.constant 0 : i32
    %scan3A_120 = arith.constant 0 : i32
    %scan3A_121 = arith.constant 245 : i32
    %scan3A_122 = arith.addi %scan3A_120, %scan3A_121 : i32
    %scan3A_123 = arith.constant 1 : i32
    scf.for %scan3A_134 = %scan3A_120 to %scan3A_122 step %scan3A_123  : i32 {
      %mul3A_135 = arith.constant 2 : i32
      %mul3A_136 = arith.muli %mul3A_135, %scan3A_134 : i32
      %add3A_137 = arith.constant 1 : i32
      %add3A_138 = arith.addi %mul3A_136, %add3A_137 : i32
      %mul3A_139 = arith.constant 1024 : i32
      %mul3A_140 = arith.muli %add3A_138, %mul3A_139 : i32
      %dma_start3A_141 = arith.constant 1 : i32
      %dma_start3A_142 = arith.constant 1 : i32
      %dma_start3A_143 = arith.constant 0 : i32
      %dma_start3A_144 = tpu.memref_slice %arg15[%dma_start3A_141, %dma_start3A_143] : memref<2x3072xi32, #tpu.memory_space<vmem>> -> memref<1x1024xi32, #tpu.memory_space<vmem>>
      %dma_start3A_145 = tpu.memref_squeeze %dma_start3A_144 : memref<1x1024xi32, #tpu.memory_space<vmem>> -> memref<1024xi32, #tpu.memory_space<vmem>>
      %dma_start3A_146 = tpu.memref_slice %arg7[%mul3A_140] : memref<501760xi32, #tpu.memory_space<hbm>> -> memref<1024xi32, #tpu.memory_space<hbm>>
      %dma_start3A_147 = tpu.memref_slice %arg17[%dma_start3A_142] : memref<2x!tpu.dma_semaphore, #tpu.memory_space<semaphore_mem>> -> memref<1x!tpu.dma_semaphore, #tpu.memory_space<semaphore_mem>>
      %dma_start3A_148 = tpu.memref_squeeze %dma_start3A_147 : memref<1x!tpu.dma_semaphore, #tpu.memory_space<semaphore_mem>> -> memref<!tpu.dma_semaphore, #tpu.memory_space<semaphore_mem>>
      %dma_start3A_149 = arith.constant 0 : i32
      %dma_start3A_150 = tpu.memref_slice %arg15[%dma_start3A_141, %dma_start3A_149] : memref<2x3072xi32, #tpu.memory_space<vmem>> -> memref<1x1024xi32, #tpu.memory_space<vmem>>
      %dma_start3A_151 = tpu.memref_squeeze %dma_start3A_150 : memref<1x1024xi32, #tpu.memory_space<vmem>> -> memref<1024xi32, #tpu.memory_space<vmem>>
      %dma_start3A_152 = tpu.memref_slice %arg7[%mul3A_140] : memref<501760xi32, #tpu.memory_space<hbm>> -> memref<1024xi32, #tpu.memory_space<hbm>>
      tpu.enqueue_dma source(%dma_start3A_152 : memref<1024xi32, #tpu.memory_space<hbm>>) target(%dma_start3A_151 : memref<1024xi32, #tpu.memory_space<vmem>>) target_semaphore(%dma_start3A_148 : memref<!tpu.dma_semaphore, #tpu.memory_space<semaphore_mem>>)
      %mul3A_153 = arith.constant 1024 : i32
      %mul3A_154 = arith.muli %add3A_138, %mul3A_153 : i32
      %dma_start3A_155 = arith.constant 1 : i32
      %dma_start3A_156 = arith.constant 1 : i32
      %dma_start3A_157 = arith.constant 1024 : i32
      %dma_start3A_158 = tpu.memref_slice %arg15[%dma_start3A_155, %dma_start3A_157] : memref<2x3072xi32, #tpu.memory_space<vmem>> -> memref<1x1024xi32, #tpu.memory_space<vmem>>
      %dma_start3A_159 = tpu.memref_squeeze %dma_start3A_158 : memref<1x1024xi32, #tpu.memory_space<vmem>> -> memref<1024xi32, #tpu.memory_space<vmem>>
      %dma_start3A_160 = tpu.memref_slice %arg8[%mul3A_154] : memref<501760xi32, #tpu.memory_space<hbm>> -> memref<1024xi32, #tpu.memory_space<hbm>>
      %dma_start3A_161 = tpu.memref_slice %arg17[%dma_start3A_156] : memref<2x!tpu.dma_semaphore, #tpu.memory_space<semaphore_mem>> -> memref<1x!tpu.dma_semaphore, #tpu.memory_space<semaphore_mem>>
      %dma_start3A_162 = tpu.memref_squeeze %dma_start3A_161 : memref<1x!tpu.dma_semaphore, #tpu.memory_space<semaphore_mem>> -> memref<!tpu.dma_semaphore, #tpu.memory_space<semaphore_mem>>
      %dma_start3A_163 = arith.constant 1024 : i32
      %dma_start3A_164 = tpu.memref_slice %arg15[%dma_start3A_155, %dma_start3A_163] : memref<2x3072xi32, #tpu.memory_space<vmem>> -> memref<1x1024xi32, #tpu.memory_space<vmem>>
      %dma_start3A_165 = tpu.memref_squeeze %dma_start3A_164 : memref<1x1024xi32, #tpu.memory_space<vmem>> -> memref<1024xi32, #tpu.memory_space<vmem>>
      %dma_start3A_166 = tpu.memref_slice %arg8[%mul3A_154] : memref<501760xi32, #tpu.memory_space<hbm>> -> memref<1024xi32, #tpu.memory_space<hbm>>
      tpu.enqueue_dma source(%dma_start3A_166 : memref<1024xi32, #tpu.memory_space<hbm>>) target(%dma_start3A_165 : memref<1024xi32, #tpu.memory_space<vmem>>) target_semaphore(%dma_start3A_162 : memref<!tpu.dma_semaphore, #tpu.memory_space<semaphore_mem>>)
      %mul3A_167 = arith.constant 1024 : i32
      %mul3A_168 = arith.muli %add3A_138, %mul3A_167 : i32
      %dma_start3A_169 = arith.constant 1 : i32
      %dma_start3A_170 = arith.constant 1 : i32
      %dma_start3A_171 = arith.constant 2048 : i32
      %dma_start3A_172 = tpu.memref_slice %arg15[%dma_start3A_169, %dma_start3A_171] : memref<2x3072xi32, #tpu.memory_space<vmem>> -> memref<1x1024xi32, #tpu.memory_space<vmem>>
      %dma_start3A_173 = tpu.memref_squeeze %dma_start3A_172 : memref<1x1024xi32, #tpu.memory_space<vmem>> -> memref<1024xi32, #tpu.memory_space<vmem>>
      %dma_start3A_174 = tpu.memref_slice %arg9[%mul3A_168] : memref<501760xi32, #tpu.memory_space<hbm>> -> memref<1024xi32, #tpu.memory_space<hbm>>
      %dma_start3A_175 = tpu.memref_slice %arg17[%dma_start3A_170] : memref<2x!tpu.dma_semaphore, #tpu.memory_space<semaphore_mem>> -> memref<1x!tpu.dma_semaphore, #tpu.memory_space<semaphore_mem>>
      %dma_start3A_176 = tpu.memref_squeeze %dma_start3A_175 : memref<1x!tpu.dma_semaphore, #tpu.memory_space<semaphore_mem>> -> memref<!tpu.dma_semaphore, #tpu.memory_space<semaphore_mem>>
      %dma_start3A_177 = arith.constant 2048 : i32
      %dma_start3A_178 = tpu.memref_slice %arg15[%dma_start3A_169, %dma_start3A_177] : memref<2x3072xi32, #tpu.memory_space<vmem>> -> memref<1x1024xi32, #tpu.memory_space<vmem>>
      %dma_start3A_179 = tpu.memref_squeeze %dma_start3A_178 : memref<1x1024xi32, #tpu.memory_space<vmem>> -> memref<1024xi32, #tpu.memory_space<vmem>>
      %dma_start3A_180 = tpu.memref_slice %arg9[%mul3A_168] : memref<501760xi32, #tpu.memory_space<hbm>> -> memref<1024xi32, #tpu.memory_space<hbm>>
      tpu.enqueue_dma source(%dma_start3A_180 : memref<1024xi32, #tpu.memory_space<hbm>>) target(%dma_start3A_179 : memref<1024xi32, #tpu.memory_space<vmem>>) target_semaphore(%dma_start3A_176 : memref<!tpu.dma_semaphore, #tpu.memory_space<semaphore_mem>>)
      %mul3A_181 = arith.constant 1024 : i32
      %mul3A_182 = arith.muli %add3A_138, %mul3A_181 : i32
      %dma_start3A_183 = arith.constant 1 : i32
      %dma_start3A_184 = arith.constant 1 : i32
      %dma_start3A_185 = arith.constant 0 : i32
      %dma_start3A_186 = tpu.memref_slice %arg16[%dma_start3A_183, %dma_start3A_185] : memref<2x1024xf32, #tpu.memory_space<vmem>> -> memref<1x1024xf32, #tpu.memory_space<vmem>>
      %dma_start3A_187 = tpu.memref_squeeze %dma_start3A_186 : memref<1x1024xf32, #tpu.memory_space<vmem>> -> memref<1024xf32, #tpu.memory_space<vmem>>
      %dma_start3A_188 = tpu.memref_slice %arg10[%mul3A_182] : memref<501760xf32, #tpu.memory_space<hbm>> -> memref<1024xf32, #tpu.memory_space<hbm>>
      %dma_start3A_189 = tpu.memref_slice %arg17[%dma_start3A_184] : memref<2x!tpu.dma_semaphore, #tpu.memory_space<semaphore_mem>> -> memref<1x!tpu.dma_semaphore, #tpu.memory_space<semaphore_mem>>
      %dma_start3A_190 = tpu.memref_squeeze %dma_start3A_189 : memref<1x!tpu.dma_semaphore, #tpu.memory_space<semaphore_mem>> -> memref<!tpu.dma_semaphore, #tpu.memory_space<semaphore_mem>>
      %dma_start3A_191 = arith.constant 0 : i32
      %dma_start3A_192 = tpu.memref_slice %arg16[%dma_start3A_183, %dma_start3A_191] : memref<2x1024xf32, #tpu.memory_space<vmem>> -> memref<1x1024xf32, #tpu.memory_space<vmem>>
      %dma_start3A_193 = tpu.memref_squeeze %dma_start3A_192 : memref<1x1024xf32, #tpu.memory_space<vmem>> -> memref<1024xf32, #tpu.memory_space<vmem>>
      %dma_start3A_194 = tpu.memref_slice %arg10[%mul3A_182] : memref<501760xf32, #tpu.memory_space<hbm>> -> memref<1024xf32, #tpu.memory_space<hbm>>
      tpu.enqueue_dma source(%dma_start3A_194 : memref<1024xf32, #tpu.memory_space<hbm>>) target(%dma_start3A_193 : memref<1024xf32, #tpu.memory_space<vmem>>) target_semaphore(%dma_start3A_190 : memref<!tpu.dma_semaphore, #tpu.memory_space<semaphore_mem>>)
      %dma_wait3A = arith.constant 0 : i32
      %dma_wait3A_195 = arith.constant 0 : i32
      %dma_wait3A_196 = arith.constant 0 : i32
      %dma_wait3A_197 = tpu.memref_slice %arg15[%dma_wait3A, %dma_wait3A_196] : memref<2x3072xi32, #tpu.memory_space<vmem>> -> memref<1x3072xi32, #tpu.memory_space<vmem>>
      %dma_wait3A_198 = tpu.memref_squeeze %dma_wait3A_197 : memref<1x3072xi32, #tpu.memory_space<vmem>> -> memref<3072xi32, #tpu.memory_space<vmem>>
      %dma_wait3A_199 = arith.constant 0 : i32
      %dma_wait3A_200 = tpu.memref_slice %arg7[%dma_wait3A_199] : memref<501760xi32, #tpu.memory_space<hbm>> -> memref<3072xi32, #tpu.memory_space<hbm>>
      %dma_wait3A_201 = tpu.memref_slice %arg17[%dma_wait3A_195] : memref<2x!tpu.dma_semaphore, #tpu.memory_space<semaphore_mem>> -> memref<1x!tpu.dma_semaphore, #tpu.memory_space<semaphore_mem>>
      %dma_wait3A_202 = tpu.memref_squeeze %dma_wait3A_201 : memref<1x!tpu.dma_semaphore, #tpu.memory_space<semaphore_mem>> -> memref<!tpu.dma_semaphore, #tpu.memory_space<semaphore_mem>>
      %dma_wait3A_203 = arith.constant 0 : i32
      %dma_wait3A_204 = tpu.memref_slice %arg15[%dma_wait3A, %dma_wait3A_203] : memref<2x3072xi32, #tpu.memory_space<vmem>> -> memref<1x3072xi32, #tpu.memory_space<vmem>>
      %dma_wait3A_205 = tpu.memref_squeeze %dma_wait3A_204 : memref<1x3072xi32, #tpu.memory_space<vmem>> -> memref<3072xi32, #tpu.memory_space<vmem>>
      %dma_wait3A_206 = arith.constant 0 : i32
      %dma_wait3A_207 = tpu.memref_slice %arg7[%dma_wait3A_206] : memref<501760xi32, #tpu.memory_space<hbm>> -> memref<3072xi32, #tpu.memory_space<hbm>>
      tpu.wait_dma2 semaphore(%dma_wait3A_202 : memref<!tpu.dma_semaphore, #tpu.memory_space<semaphore_mem>>) src(%dma_wait3A_207 : memref<3072xi32, #tpu.memory_space<hbm>>) dst(%dma_wait3A_205 : memref<3072xi32, #tpu.memory_space<vmem>>)
      %dma_wait3A_208 = arith.constant 0 : i32
      %dma_wait3A_209 = arith.constant 0 : i32
      %dma_wait3A_210 = arith.constant 0 : i32
      %dma_wait3A_211 = tpu.memref_slice %arg16[%dma_wait3A_208, %dma_wait3A_210] : memref<2x1024xf32, #tpu.memory_space<vmem>> -> memref<1x1024xf32, #tpu.memory_space<vmem>>
      %dma_wait3A_212 = tpu.memref_squeeze %dma_wait3A_211 : memref<1x1024xf32, #tpu.memory_space<vmem>> -> memref<1024xf32, #tpu.memory_space<vmem>>
      %dma_wait3A_213 = arith.constant 0 : i32
      %dma_wait3A_214 = tpu.memref_slice %arg10[%dma_wait3A_213] : memref<501760xf32, #tpu.memory_space<hbm>> -> memref<1024xf32, #tpu.memory_space<hbm>>
      %dma_wait3A_215 = tpu.memref_slice %arg17[%dma_wait3A_209] : memref<2x!tpu.dma_semaphore, #tpu.memory_space<semaphore_mem>> -> memref<1x!tpu.dma_semaphore, #tpu.memory_space<semaphore_mem>>
      %dma_wait3A_216 = tpu.memref_squeeze %dma_wait3A_215 : memref<1x!tpu.dma_semaphore, #tpu.memory_space<semaphore_mem>> -> memref<!tpu.dma_semaphore, #tpu.memory_space<semaphore_mem>>
      %dma_wait3A_217 = arith.constant 0 : i32
      %dma_wait3A_218 = tpu.memref_slice %arg16[%dma_wait3A_208, %dma_wait3A_217] : memref<2x1024xf32, #tpu.memory_space<vmem>> -> memref<1x1024xf32, #tpu.memory_space<vmem>>
      %dma_wait3A_219 = tpu.memref_squeeze %dma_wait3A_218 : memref<1x1024xf32, #tpu.memory_space<vmem>> -> memref<1024xf32, #tpu.memory_space<vmem>>
      %dma_wait3A_220 = arith.constant 0 : i32
      %dma_wait3A_221 = tpu.memref_slice %arg10[%dma_wait3A_220] : memref<501760xf32, #tpu.memory_space<hbm>> -> memref<1024xf32, #tpu.memory_space<hbm>>
      tpu.wait_dma2 semaphore(%dma_wait3A_216 : memref<!tpu.dma_semaphore, #tpu.memory_space<semaphore_mem>>) src(%dma_wait3A_221 : memref<1024xf32, #tpu.memory_space<hbm>>) dst(%dma_wait3A_219 : memref<1024xf32, #tpu.memory_space<vmem>>)
      %scan3A_222 = arith.constant 0 : i32
      %scan3A_223 = arith.constant 0 : i32
      %scan3A_224 = arith.constant 64 : i32
      %scan3A_225 = arith.addi %scan3A_223, %scan3A_224 : i32
      %scan3A_226 = arith.constant 16 : i32
      scf.for %scan3A_266 = %scan3A_223 to %scan3A_225 step %scan3A_226  : i32 {
        %mul3A_267 = arith.constant 16 : i32
        %mul3A_268 = arith.muli %scan3A_266, %mul3A_267 : i32
        %get3A = arith.constant 0 : i32
        %get3A_269 = arith.index_cast %get3A : i32 to index
        %get3A_270 = arith.index_cast %mul3A_268 : i32 to index
        %get3A_271 = tpu.vector_load %arg15[%get3A_269, %get3A_270] {strides = array<i32>} : memref<2x3072xi32, #tpu.memory_space<vmem>>, vector<16xi32>,
        %mul3A_272 = arith.constant 16 : i32
        %mul3A_273 = arith.muli %scan3A_266, %mul3A_272 : i32
        %add3A_274 = arith.constant 1024 : i32
        %add3A_275 = arith.addi %add3A_274, %mul3A_273 : i32
        %get3A_276 = arith.constant 0 : i32
        %get3A_277 = arith.index_cast %get3A_276 : i32 to index
        %get3A_278 = arith.index_cast %add3A_275 : i32 to index
        %get3A_279 = tpu.vector_load %arg15[%get3A_277, %get3A_278] {strides = array<i32>} : memref<2x3072xi32, #tpu.memory_space<vmem>>, vector<16xi32>,
        %gather3A = tpu.vector_load_idx %arg12[%get3A_271] : memref<102400xi32, #tpu.memory_space<vmem>>[vector<16xi32>], vector<16xi32>,
        %gather3A_280 = tpu.vector_load_idx %arg12[%get3A_279] : memref<102400xi32, #tpu.memory_space<vmem>>[vector<16xi32>], vector<16xi32>,
        %max3A = arith.maxsi %gather3A, %gather3A_280 : vector<16xi32>
        %mul3A_281 = arith.constant 16 : i32
        %mul3A_282 = arith.muli %scan3A_266, %mul3A_281 : i32
        %add3A_283 = arith.constant 2048 : i32
        %add3A_284 = arith.addi %add3A_283, %mul3A_282 : i32
        %get3A_285 = arith.constant 0 : i32
        %get3A_286 = arith.index_cast %get3A_285 : i32 to index
        %get3A_287 = arith.index_cast %add3A_284 : i32 to index
        %get3A_288 = tpu.vector_load %arg15[%get3A_286, %get3A_287] {strides = array<i32>} : memref<2x3072xi32, #tpu.memory_space<vmem>>, vector<16xi32>,
        %gather3A_289 = tpu.vector_load_idx %arg12[%get3A_288] : memref<102400xi32, #tpu.memory_space<vmem>>[vector<16xi32>], vector<16xi32>,
        %max3A_290 = arith.maxsi %max3A, %gather3A_289 : vector<16xi32>
        %mul3A_291 = arith.constant 16 : i32
        %mul3A_292 = arith.muli %scan3A_266, %mul3A_291 : i32
        %get3A_293 = arith.constant 0 : i32
        %get3A_294 = arith.index_cast %get3A_293 : i32 to index
        %get3A_295 = arith.index_cast %mul3A_292 : i32 to index
        %get3A_296 = tpu.vector_load %arg16[%get3A_294, %get3A_295] {strides = array<i32>} : memref<2x1024xf32, #tpu.memory_space<vmem>>, vector<16xf32>,
        %neg3A = arith.constant 0.000000e+00 : f32
        %neg3A_297 = vector.broadcast %neg3A : f32 to vector<16xf32>
        %neg3A_298 = arith.subf %neg3A_297, %get3A_296 : vector<16xf32>
        %add3A_299 = arith.addi %max3A_290, %iota3A : vector<16xi32>
        tpu.vector_store_idx %arg13[%add3A_299], %neg3A_298 {add = true} : memref<4096xf32, #tpu.memory_space<vmem>>[vector<16xi32>], vector<16xf32>,
        %scan3A_300 = arith.constant 1 : i32
        %scan3A_301 = arith.addi %scan3A_266, %scan3A_300 : i32
        %mul3A_302 = arith.constant 16 : i32
        %mul3A_303 = arith.muli %scan3A_301, %mul3A_302 : i32
        %get3A_304 = arith.constant 0 : i32
        %get3A_305 = arith.index_cast %get3A_304 : i32 to index
        %get3A_306 = arith.index_cast %mul3A_303 : i32 to index
        %get3A_307 = tpu.vector_load %arg15[%get3A_305, %get3A_306] {strides = array<i32>} : memref<2x3072xi32, #tpu.memory_space<vmem>>, vector<16xi32>,
        %mul3A_308 = arith.constant 16 : i32
        %mul3A_309 = arith.muli %scan3A_301, %mul3A_308 : i32
        %add3A_310 = arith.constant 1024 : i32
        %add3A_311 = arith.addi %add3A_310, %mul3A_309 : i32
        %get3A_312 = arith.constant 0 : i32
        %get3A_313 = arith.index_cast %get3A_312 : i32 to index
        %get3A_314 = arith.index_cast %add3A_311 : i32 to index
        %get3A_315 = tpu.vector_load %arg15[%get3A_313, %get3A_314] {strides = array<i32>} : memref<2x3072xi32, #tpu.memory_space<vmem>>, vector<16xi32>,
        %gather3A_316 = tpu.vector_load_idx %arg12[%get3A_307] : memref<102400xi32, #tpu.memory_space<vmem>>[vector<16xi32>], vector<16xi32>,
        %gather3A_317 = tpu.vector_load_idx %arg12[%get3A_315] : memref<102400xi32, #tpu.memory_space<vmem>>[vector<16xi32>], vector<16xi32>,
        %max3A_318 = arith.maxsi %gather3A_316, %gather3A_317 : vector<16xi32>
        %mul3A_319 = arith.constant 16 : i32
        %mul3A_320 = arith.muli %scan3A_301, %mul3A_319 : i32
        %add3A_321 = arith.constant 2048 : i32
        %add3A_322 = arith.addi %add3A_321, %mul3A_320 : i32
        %get3A_323 = arith.constant 0 : i32
        %get3A_324 = arith.index_cast %get3A_323 : i32 to index
        %get3A_325 = arith.index_cast %add3A_322 : i32 to index
        %get3A_326 = tpu.vector_load %arg15[%get3A_324, %get3A_325] {strides = array<i32>} : memref<2x3072xi32, #tpu.memory_space<vmem>>, vector<16xi32>,
        %gather3A_327 = tpu.vector_load_idx %arg12[%get3A_326] : memref<102400xi32, #tpu.memory_space<vmem>>[vector<16xi32>], vector<16xi32>,
        %max3A_328 = arith.maxsi %max3A_318, %gather3A_327 : vector<16xi32>
        %mul3A_329 = arith.constant 16 : i32
        %mul3A_330 = arith.muli %scan3A_301, %mul3A_329 : i32
        %get3A_331 = arith.constant 0 : i32
        %get3A_332 = arith.index_cast %get3A_331 : i32 to index
        %get3A_333 = arith.index_cast %mul3A_330 : i32 to index
        %get3A_334 = tpu.vector_load %arg16[%get3A_332, %get3A_333] {strides = array<i32>} : memref<2x1024xf32, #tpu.memory_space<vmem>>, vector<16xf32>,
        %neg3A_335 = arith.constant 0.000000e+00 : f32
        %neg3A_336 = vector.broadcast %neg3A_335 : f32 to vector<16xf32>
        %neg3A_337 = arith.subf %neg3A_336, %get3A_334 : vector<16xf32>
        %add3A_338 = arith.addi %max3A_328, %iota3A : vector<16xi32>
        tpu.vector_store_idx %arg13[%add3A_338], %neg3A_337 {add = true} : memref<4096xf32, #tpu.memory_space<vmem>>[vector<16xi32>], vector<16xf32>,
        %scan3A_339 = arith.constant 2 : i32
        %scan3A_340 = arith.addi %scan3A_266, %scan3A_339 : i32
        %mul3A_341 = arith.constant 16 : i32
        %mul3A_342 = arith.muli %scan3A_340, %mul3A_341 : i32
        %get3A_343 = arith.constant 0 : i32
        %get3A_344 = arith.index_cast %get3A_343 : i32 to index
        %get3A_345 = arith.index_cast %mul3A_342 : i32 to index
        %get3A_346 = tpu.vector_load %arg15[%get3A_344, %get3A_345] {strides = array<i32>} : memref<2x3072xi32, #tpu.memory_space<vmem>>, vector<16xi32>,
        %mul3A_347 = arith.constant 16 : i32
        %mul3A_348 = arith.muli %scan3A_340, %mul3A_347 : i32
        %add3A_349 = arith.constant 1024 : i32
        %add3A_350 = arith.addi %add3A_349, %mul3A_348 : i32
        %get3A_351 = arith.constant 0 : i32
        %get3A_352 = arith.index_cast %get3A_351 : i32 to index
        %get3A_353 = arith.index_cast %add3A_350 : i32 to index
        %get3A_354 = tpu.vector_load %arg15[%get3A_352, %get3A_353] {strides = array<i32>} : memref<2x3072xi32, #tpu.memory_space<vmem>>, vector<16xi32>,
        %gather3A_355 = tpu.vector_load_idx %arg12[%get3A_346] : memref<102400xi32, #tpu.memory_space<vmem>>[vector<16xi32>], vector<16xi32>,
        %gather3A_356 = tpu.vector_load_idx %arg12[%get3A_354] : memref<102400xi32, #tpu.memory_space<vmem>>[vector<16xi32>], vector<16xi32>,
        %max3A_357 = arith.maxsi %gather3A_355, %gather3A_356 : vector<16xi32>
        %mul3A_358 = arith.constant 16 : i32
        %mul3A_359 = arith.muli %scan3A_340, %mul3A_358 : i32
        %add3A_360 = arith.constant 2048 : i32
        %add3A_361 = arith.addi %add3A_360, %mul3A_359 : i32
        %get3A_362 = arith.constant 0 : i32
        %get3A_363 = arith.index_cast %get3A_362 : i32 to index
        %get3A_364 = arith.index_cast %add3A_361 : i32 to index
        %get3A_365 = tpu.vector_load %arg15[%get3A_363, %get3A_364] {strides = array<i32>} : memref<2x3072xi32, #tpu.memory_space<vmem>>, vector<16xi32>,
        %gather3A_366 = tpu.vector_load_idx %arg12[%get3A_365] : memref<102400xi32, #tpu.memory_space<vmem>>[vector<16xi32>], vector<16xi32>,
        %max3A_367 = arith.maxsi %max3A_357, %gather3A_366 : vector<16xi32>
        %mul3A_368 = arith.constant 16 : i32
        %mul3A_369 = arith.muli %scan3A_340, %mul3A_368 : i32
        %get3A_370 = arith.constant 0 : i32
        %get3A_371 = arith.index_cast %get3A_370 : i32 to index
        %get3A_372 = arith.index_cast %mul3A_369 : i32 to index
        %get3A_373 = tpu.vector_load %arg16[%get3A_371, %get3A_372] {strides = array<i32>} : memref<2x1024xf32, #tpu.memory_space<vmem>>, vector<16xf32>,
        %neg3A_374 = arith.constant 0.000000e+00 : f32
        %neg3A_375 = vector.broadcast %neg3A_374 : f32 to vector<16xf32>
        %neg3A_376 = arith.subf %neg3A_375, %get3A_373 : vector<16xf32>
        %add3A_377 = arith.addi %max3A_367, %iota3A : vector<16xi32>
        tpu.vector_store_idx %arg13[%add3A_377], %neg3A_376 {add = true} : memref<4096xf32, #tpu.memory_space<vmem>>[vector<16xi32>], vector<16xf32>,
        %scan3A_378 = arith.constant 3 : i32
        %scan3A_379 = arith.addi %scan3A_266, %scan3A_378 : i32
        %mul3A_380 = arith.constant 16 : i32
        %mul3A_381 = arith.muli %scan3A_379, %mul3A_380 : i32
        %get3A_382 = arith.constant 0 : i32
        %get3A_383 = arith.index_cast %get3A_382 : i32 to index
        %get3A_384 = arith.index_cast %mul3A_381 : i32 to index
        %get3A_385 = tpu.vector_load %arg15[%get3A_383, %get3A_384] {strides = array<i32>} : memref<2x3072xi32, #tpu.memory_space<vmem>>, vector<16xi32>,
        %mul3A_386 = arith.constant 16 : i32
        %mul3A_387 = arith.muli %scan3A_379, %mul3A_386 : i32
        %add3A_388 = arith.constant 1024 : i32
        %add3A_389 = arith.addi %add3A_388, %mul3A_387 : i32
        %get3A_390 = arith.constant 0 : i32
        %get3A_391 = arith.index_cast %get3A_390 : i32 to index
        %get3A_392 = arith.index_cast %add3A_389 : i32 to index
        %get3A_393 = tpu.vector_load %arg15[%get3A_391, %get3A_392] {strides = array<i32>} : memref<2x3072xi32, #tpu.memory_space<vmem>>, vector<16xi32>,
        %gather3A_394 = tpu.vector_load_idx %arg12[%get3A_385] : memref<102400xi32, #tpu.memory_space<vmem>>[vector<16xi32>], vector<16xi32>,
        %gather3A_395 = tpu.vector_load_idx %arg12[%get3A_393] : memref<102400xi32, #tpu.memory_space<vmem>>[vector<16xi32>], vector<16xi32>,
        %max3A_396 = arith.maxsi %gather3A_394, %gather3A_395 : vector<16xi32>
        %mul3A_397 = arith.constant 16 : i32
        %mul3A_398 = arith.muli %scan3A_379, %mul3A_397 : i32
        %add3A_399 = arith.constant 2048 : i32
        %add3A_400 = arith.addi %add3A_399, %mul3A_398 : i32
        %get3A_401 = arith.constant 0 : i32
        %get3A_402 = arith.index_cast %get3A_401 : i32 to index
        %get3A_403 = arith.index_cast %add3A_400 : i32 to index
        %get3A_404 = tpu.vector_load %arg15[%get3A_402, %get3A_403] {strides = array<i32>} : memref<2x3072xi32, #tpu.memory_space<vmem>>, vector<16xi32>,
        %gather3A_405 = tpu.vector_load_idx %arg12[%get3A_404] : memref<102400xi32, #tpu.memory_space<vmem>>[vector<16xi32>], vector<16xi32>,
        %max3A_406 = arith.maxsi %max3A_396, %gather3A_405 : vector<16xi32>
        %mul3A_407 = arith.constant 16 : i32
        %mul3A_408 = arith.muli %scan3A_379, %mul3A_407 : i32
        %get3A_409 = arith.constant 0 : i32
        %get3A_410 = arith.index_cast %get3A_409 : i32 to index
        %get3A_411 = arith.index_cast %mul3A_408 : i32 to index
        %get3A_412 = tpu.vector_load %arg16[%get3A_410, %get3A_411] {strides = array<i32>} : memref<2x1024xf32, #tpu.memory_space<vmem>>, vector<16xf32>,
        %neg3A_413 = arith.constant 0.000000e+00 : f32
        %neg3A_414 = vector.broadcast %neg3A_413 : f32 to vector<16xf32>
        %neg3A_415 = arith.subf %neg3A_414, %get3A_412 : vector<16xf32>
        %add3A_416 = arith.addi %max3A_406, %iota3A : vector<16xi32>
        tpu.vector_store_idx %arg13[%add3A_416], %neg3A_415 {add = true} : memref<4096xf32, #tpu.memory_space<vmem>>[vector<16xi32>], vector<16xf32>,
        %scan3A_417 = arith.constant 4 : i32
        %scan3A_418 = arith.addi %scan3A_266, %scan3A_417 : i32
        %mul3A_419 = arith.constant 16 : i32
        %mul3A_420 = arith.muli %scan3A_418, %mul3A_419 : i32
        %get3A_421 = arith.constant 0 : i32
        %get3A_422 = arith.index_cast %get3A_421 : i32 to index
        %get3A_423 = arith.index_cast %mul3A_420 : i32 to index
        %get3A_424 = tpu.vector_load %arg15[%get3A_422, %get3A_423] {strides = array<i32>} : memref<2x3072xi32, #tpu.memory_space<vmem>>, vector<16xi32>,
        %mul3A_425 = arith.constant 16 : i32
        %mul3A_426 = arith.muli %scan3A_418, %mul3A_425 : i32
        %add3A_427 = arith.constant 1024 : i32
        %add3A_428 = arith.addi %add3A_427, %mul3A_426 : i32
        %get3A_429 = arith.constant 0 : i32
        %get3A_430 = arith.index_cast %get3A_429 : i32 to index
        %get3A_431 = arith.index_cast %add3A_428 : i32 to index
        %get3A_432 = tpu.vector_load %arg15[%get3A_430, %get3A_431] {strides = array<i32>} : memref<2x3072xi32, #tpu.memory_space<vmem>>, vector<16xi32>,
        %gather3A_433 = tpu.vector_load_idx %arg12[%get3A_424] : memref<102400xi32, #tpu.memory_space<vmem>>[vector<16xi32>], vector<16xi32>,
        %gather3A_434 = tpu.vector_load_idx %arg12[%get3A_432] : memref<102400xi32, #tpu.memory_space<vmem>>[vector<16xi32>], vector<16xi32>,
        %max3A_435 = arith.maxsi %gather3A_433, %gather3A_434 : vector<16xi32>
        %mul3A_436 = arith.constant 16 : i32
        %mul3A_437 = arith.muli %scan3A_418, %mul3A_436 : i32
        %add3A_438 = arith.constant 2048 : i32
        %add3A_439 = arith.addi %add3A_438, %mul3A_437 : i32
        %get3A_440 = arith.constant 0 : i32
        %get3A_441 = arith.index_cast %get3A_440 : i32 to index
        %get3A_442 = arith.index_cast %add3A_439 : i32 to index
        %get3A_443 = tpu.vector_load %arg15[%get3A_441, %get3A_442] {strides = array<i32>} : memref<2x3072xi32, #tpu.memory_space<vmem>>, vector<16xi32>,
        %gather3A_444 = tpu.vector_load_idx %arg12[%get3A_443] : memref<102400xi32, #tpu.memory_space<vmem>>[vector<16xi32>], vector<16xi32>,
        %max3A_445 = arith.maxsi %max3A_435, %gather3A_444 : vector<16xi32>
        %mul3A_446 = arith.constant 16 : i32
        %mul3A_447 = arith.muli %scan3A_418, %mul3A_446 : i32
        %get3A_448 = arith.constant 0 : i32
        %get3A_449 = arith.index_cast %get3A_448 : i32 to index
        %get3A_450 = arith.index_cast %mul3A_447 : i32 to index
        %get3A_451 = tpu.vector_load %arg16[%get3A_449, %get3A_450] {strides = array<i32>} : memref<2x1024xf32, #tpu.memory_space<vmem>>, vector<16xf32>,
        %neg3A_452 = arith.constant 0.000000e+00 : f32
        %neg3A_453 = vector.broadcast %neg3A_452 : f32 to vector<16xf32>
        %neg3A_454 = arith.subf %neg3A_453, %get3A_451 : vector<16xf32>
        %add3A_455 = arith.addi %max3A_445, %iota3A : vector<16xi32>
        tpu.vector_store_idx %arg13[%add3A_455], %neg3A_454 {add = true} : memref<4096xf32, #tpu.memory_space<vmem>>[vector<16xi32>], vector<16xf32>,
        %scan3A_456 = arith.constant 5 : i32
        %scan3A_457 = arith.addi %scan3A_266, %scan3A_456 : i32
        %mul3A_458 = arith.constant 16 : i32
        %mul3A_459 = arith.muli %scan3A_457, %mul3A_458 : i32
        %get3A_460 = arith.constant 0 : i32
        %get3A_461 = arith.index_cast %get3A_460 : i32 to index
        %get3A_462 = arith.index_cast %mul3A_459 : i32 to index
        %get3A_463 = tpu.vector_load %arg15[%get3A_461, %get3A_462] {strides = array<i32>} : memref<2x3072xi32, #tpu.memory_space<vmem>>, vector<16xi32>,
        %mul3A_464 = arith.constant 16 : i32
        %mul3A_465 = arith.muli %scan3A_457, %mul3A_464 : i32
        %add3A_466 = arith.constant 1024 : i32
        %add3A_467 = arith.addi %add3A_466, %mul3A_465 : i32
        %get3A_468 = arith.constant 0 : i32
        %get3A_469 = arith.index_cast %get3A_468 : i32 to index
        %get3A_470 = arith.index_cast %add3A_467 : i32 to index
        %get3A_471 = tpu.vector_load %arg15[%get3A_469, %get3A_470] {strides = array<i32>} : memref<2x3072xi32, #tpu.memory_space<vmem>>, vector<16xi32>,
        %gather3A_472 = tpu.vector_load_idx %arg12[%get3A_463] : memref<102400xi32, #tpu.memory_space<vmem>>[vector<16xi32>], vector<16xi32>,
        %gather3A_473 = tpu.vector_load_idx %arg12[%get3A_471] : memref<102400xi32, #tpu.memory_space<vmem>>[vector<16xi32>], vector<16xi32>,
        %max3A_474 = arith.maxsi %gather3A_472, %gather3A_473 : vector<16xi32>
        %mul3A_475 = arith.constant 16 : i32
        %mul3A_476 = arith.muli %scan3A_457, %mul3A_475 : i32
        %add3A_477 = arith.constant 2048 : i32
        %add3A_478 = arith.addi %add3A_477, %mul3A_476 : i32
        %get3A_479 = arith.constant 0 : i32
        %get3A_480 = arith.index_cast %get3A_479 : i32 to index
        %get3A_481 = arith.index_cast %add3A_478 : i32 to index
        %get3A_482 = tpu.vector_load %arg15[%get3A_480, %get3A_481] {strides = array<i32>} : memref<2x3072xi32, #tpu.memory_space<vmem>>, vector<16xi32>,
        %gather3A_483 = tpu.vector_load_idx %arg12[%get3A_482] : memref<102400xi32, #tpu.memory_space<vmem>>[vector<16xi32>], vector<16xi32>,
        %max3A_484 = arith.maxsi %max3A_474, %gather3A_483 : vector<16xi32>
        %mul3A_485 = arith.constant 16 : i32
        %mul3A_486 = arith.muli %scan3A_457, %mul3A_485 : i32
        %get3A_487 = arith.constant 0 : i32
        %get3A_488 = arith.index_cast %get3A_487 : i32 to index
        %get3A_489 = arith.index_cast %mul3A_486 : i32 to index
        %get3A_490 = tpu.vector_load %arg16[%get3A_488, %get3A_489] {strides = array<i32>} : memref<2x1024xf32, #tpu.memory_space<vmem>>, vector<16xf32>,
        %neg3A_491 = arith.constant 0.000000e+00 : f32
        %neg3A_492 = vector.broadcast %neg3A_491 : f32 to vector<16xf32>
        %neg3A_493 = arith.subf %neg3A_492, %get3A_490 : vector<16xf32>
        %add3A_494 = arith.addi %max3A_484, %iota3A : vector<16xi32>
        tpu.vector_store_idx %arg13[%add3A_494], %neg3A_493 {add = true} : memref<4096xf32, #tpu.memory_space<vmem>>[vector<16xi32>], vector<16xf32>,
        %scan3A_495 = arith.constant 6 : i32
        %scan3A_496 = arith.addi %scan3A_266, %scan3A_495 : i32
        %mul3A_497 = arith.constant 16 : i32
        %mul3A_498 = arith.muli %scan3A_496, %mul3A_497 : i32
        %get3A_499 = arith.constant 0 : i32
        %get3A_500 = arith.index_cast %get3A_499 : i32 to index
        %get3A_501 = arith.index_cast %mul3A_498 : i32 to index
        %get3A_502 = tpu.vector_load %arg15[%get3A_500, %get3A_501] {strides = array<i32>} : memref<2x3072xi32, #tpu.memory_space<vmem>>, vector<16xi32>,
        %mul3A_503 = arith.constant 16 : i32
        %mul3A_504 = arith.muli %scan3A_496, %mul3A_503 : i32
        %add3A_505 = arith.constant 1024 : i32
        %add3A_506 = arith.addi %add3A_505, %mul3A_504 : i32
        %get3A_507 = arith.constant 0 : i32
        %get3A_508 = arith.index_cast %get3A_507 : i32 to index
        %get3A_509 = arith.index_cast %add3A_506 : i32 to index
        %get3A_510 = tpu.vector_load %arg15[%get3A_508, %get3A_509] {strides = array<i32>} : memref<2x3072xi32, #tpu.memory_space<vmem>>, vector<16xi32>,
        %gather3A_511 = tpu.vector_load_idx %arg12[%get3A_502] : memref<102400xi32, #tpu.memory_space<vmem>>[vector<16xi32>], vector<16xi32>,
        %gather3A_512 = tpu.vector_load_idx %arg12[%get3A_510] : memref<102400xi32, #tpu.memory_space<vmem>>[vector<16xi32>], vector<16xi32>,
        %max3A_513 = arith.maxsi %gather3A_511, %gather3A_512 : vector<16xi32>
        %mul3A_514 = arith.constant 16 : i32
        %mul3A_515 = arith.muli %scan3A_496, %mul3A_514 : i32
        %add3A_516 = arith.constant 2048 : i32
        %add3A_517 = arith.addi %add3A_516, %mul3A_515 : i32
        %get3A_518 = arith.constant 0 : i32
        %get3A_519 = arith.index_cast %get3A_518 : i32 to index
        %get3A_520 = arith.index_cast %add3A_517 : i32 to index
        %get3A_521 = tpu.vector_load %arg15[%get3A_519, %get3A_520] {strides = array<i32>} : memref<2x3072xi32, #tpu.memory_space<vmem>>, vector<16xi32>,
        %gather3A_522 = tpu.vector_load_idx %arg12[%get3A_521] : memref<102400xi32, #tpu.memory_space<vmem>>[vector<16xi32>], vector<16xi32>,
        %max3A_523 = arith.maxsi %max3A_513, %gather3A_522 : vector<16xi32>
        %mul3A_524 = arith.constant 16 : i32
        %mul3A_525 = arith.muli %scan3A_496, %mul3A_524 : i32
        %get3A_526 = arith.constant 0 : i32
        %get3A_527 = arith.index_cast %get3A_526 : i32 to index
        %get3A_528 = arith.index_cast %mul3A_525 : i32 to index
        %get3A_529 = tpu.vector_load %arg16[%get3A_527, %get3A_528] {strides = array<i32>} : memref<2x1024xf32, #tpu.memory_space<vmem>>, vector<16xf32>,
        %neg3A_530 = arith.constant 0.000000e+00 : f32
        %neg3A_531 = vector.broadcast %neg3A_530 : f32 to vector<16xf32>
        %neg3A_532 = arith.subf %neg3A_531, %get3A_529 : vector<16xf32>
        %add3A_533 = arith.addi %max3A_523, %iota3A : vector<16xi32>
        tpu.vector_store_idx %arg13[%add3A_533], %neg3A_532 {add = true} : memref<4096xf32, #tpu.memory_space<vmem>>[vector<16xi32>], vector<16xf32>,
        %scan3A_534 = arith.constant 7 : i32
        %scan3A_535 = arith.addi %scan3A_266, %scan3A_534 : i32
        %mul3A_536 = arith.constant 16 : i32
        %mul3A_537 = arith.muli %scan3A_535, %mul3A_536 : i32
        %get3A_538 = arith.constant 0 : i32
        %get3A_539 = arith.index_cast %get3A_538 : i32 to index
        %get3A_540 = arith.index_cast %mul3A_537 : i32 to index
        %get3A_541 = tpu.vector_load %arg15[%get3A_539, %get3A_540] {strides = array<i32>} : memref<2x3072xi32, #tpu.memory_space<vmem>>, vector<16xi32>,
        %mul3A_542 = arith.constant 16 : i32
        %mul3A_543 = arith.muli %scan3A_535, %mul3A_542 : i32
        %add3A_544 = arith.constant 1024 : i32
        %add3A_545 = arith.addi %add3A_544, %mul3A_543 : i32
        %get3A_546 = arith.constant 0 : i32
        %get3A_547 = arith.index_cast %get3A_546 : i32 to index
        %get3A_548 = arith.index_cast %add3A_545 : i32 to index
        %get3A_549 = tpu.vector_load %arg15[%get3A_547, %get3A_548] {strides = array<i32>} : memref<2x3072xi32, #tpu.memory_space<vmem>>, vector<16xi32>,
        %gather3A_550 = tpu.vector_load_idx %arg12[%get3A_541] : memref<102400xi32, #tpu.memory_space<vmem>>[vector<16xi32>], vector<16xi32>,
        %gather3A_551 = tpu.vector_load_idx %arg12[%get3A_549] : memref<102400xi32, #tpu.memory_space<vmem>>[vector<16xi32>], vector<16xi32>,
        %max3A_552 = arith.maxsi %gather3A_550, %gather3A_551 : vector<16xi32>
        %mul3A_553 = arith.constant 16 : i32
        %mul3A_554 = arith.muli %scan3A_535, %mul3A_553 : i32
        %add3A_555 = arith.constant 2048 : i32
        %add3A_556 = arith.addi %add3A_555, %mul3A_554 : i32
        %get3A_557 = arith.constant 0 : i32
        %get3A_558 = arith.index_cast %get3A_557 : i32 to index
        %get3A_559 = arith.index_cast %add3A_556 : i32 to index
        %get3A_560 = tpu.vector_load %arg15[%get3A_558, %get3A_559] {strides = array<i32>} : memref<2x3072xi32, #tpu.memory_space<vmem>>, vector<16xi32>,
        %gather3A_561 = tpu.vector_load_idx %arg12[%get3A_560] : memref<102400xi32, #tpu.memory_space<vmem>>[vector<16xi32>], vector<16xi32>,
        %max3A_562 = arith.maxsi %max3A_552, %gather3A_561 : vector<16xi32>
        %mul3A_563 = arith.constant 16 : i32
        %mul3A_564 = arith.muli %scan3A_535, %mul3A_563 : i32
        %get3A_565 = arith.constant 0 : i32
        %get3A_566 = arith.index_cast %get3A_565 : i32 to index
        %get3A_567 = arith.index_cast %mul3A_564 : i32 to index
        %get3A_568 = tpu.vector_load %arg16[%get3A_566, %get3A_567] {strides = array<i32>} : memref<2x1024xf32, #tpu.memory_space<vmem>>, vector<16xf32>,
        %neg3A_569 = arith.constant 0.000000e+00 : f32
        %neg3A_570 = vector.broadcast %neg3A_569 : f32 to vector<16xf32>
        %neg3A_571 = arith.subf %neg3A_570, %get3A_568 : vector<16xf32>
        %add3A_572 = arith.addi %max3A_562, %iota3A : vector<16xi32>
        tpu.vector_store_idx %arg13[%add3A_572], %neg3A_571 {add = true} : memref<4096xf32, #tpu.memory_space<vmem>>[vector<16xi32>], vector<16xf32>,
        %scan3A_573 = arith.constant 8 : i32
        %scan3A_574 = arith.addi %scan3A_266, %scan3A_573 : i32
        %mul3A_575 = arith.constant 16 : i32
        %mul3A_576 = arith.muli %scan3A_574, %mul3A_575 : i32
        %get3A_577 = arith.constant 0 : i32
        %get3A_578 = arith.index_cast %get3A_577 : i32 to index
        %get3A_579 = arith.index_cast %mul3A_576 : i32 to index
        %get3A_580 = tpu.vector_load %arg15[%get3A_578, %get3A_579] {strides = array<i32>} : memref<2x3072xi32, #tpu.memory_space<vmem>>, vector<16xi32>,
        %mul3A_581 = arith.constant 16 : i32
        %mul3A_582 = arith.muli %scan3A_574, %mul3A_581 : i32
        %add3A_583 = arith.constant 1024 : i32
        %add3A_584 = arith.addi %add3A_583, %mul3A_582 : i32
        %get3A_585 = arith.constant 0 : i32
        %get3A_586 = arith.index_cast %get3A_585 : i32 to index
        %get3A_587 = arith.index_cast %add3A_584 : i32 to index
        %get3A_588 = tpu.vector_load %arg15[%get3A_586, %get3A_587] {strides = array<i32>} : memref<2x3072xi32, #tpu.memory_space<vmem>>, vector<16xi32>,
        %gather3A_589 = tpu.vector_load_idx %arg12[%get3A_580] : memref<102400xi32, #tpu.memory_space<vmem>>[vector<16xi32>], vector<16xi32>,
        %gather3A_590 = tpu.vector_load_idx %arg12[%get3A_588] : memref<102400xi32, #tpu.memory_space<vmem>>[vector<16xi32>], vector<16xi32>,
        %max3A_591 = arith.maxsi %gather3A_589, %gather3A_590 : vector<16xi32>
        %mul3A_592 = arith.constant 16 : i32
        %mul3A_593 = arith.muli %scan3A_574, %mul3A_592 : i32
        %add3A_594 = arith.constant 2048 : i32
        %add3A_595 = arith.addi %add3A_594, %mul3A_593 : i32
        %get3A_596 = arith.constant 0 : i32
        %get3A_597 = arith.index_cast %get3A_596 : i32 to index
        %get3A_598 = arith.index_cast %add3A_595 : i32 to index
        %get3A_599 = tpu.vector_load %arg15[%get3A_597, %get3A_598] {strides = array<i32>} : memref<2x3072xi32, #tpu.memory_space<vmem>>, vector<16xi32>,
        %gather3A_600 = tpu.vector_load_idx %arg12[%get3A_599] : memref<102400xi32, #tpu.memory_space<vmem>>[vector<16xi32>], vector<16xi32>,
        %max3A_601 = arith.maxsi %max3A_591, %gather3A_600 : vector<16xi32>
        %mul3A_602 = arith.constant 16 : i32
        %mul3A_603 = arith.muli %scan3A_574, %mul3A_602 : i32
        %get3A_604 = arith.constant 0 : i32
        %get3A_605 = arith.index_cast %get3A_604 : i32 to index
        %get3A_606 = arith.index_cast %mul3A_603 : i32 to index
        %get3A_607 = tpu.vector_load %arg16[%get3A_605, %get3A_606] {strides = array<i32>} : memref<2x1024xf32, #tpu.memory_space<vmem>>, vector<16xf32>,
        %neg3A_608 = arith.constant 0.000000e+00 : f32
        %neg3A_609 = vector.broadcast %neg3A_608 : f32 to vector<16xf32>
        %neg3A_610 = arith.subf %neg3A_609, %get3A_607 : vector<16xf32>
        %add3A_611 = arith.addi %max3A_601, %iota3A : vector<16xi32>
        tpu.vector_store_idx %arg13[%add3A_611], %neg3A_610 {add = true} : memref<4096xf32, #tpu.memory_space<vmem>>[vector<16xi32>], vector<16xf32>,
        %scan3A_612 = arith.constant 9 : i32
        %scan3A_613 = arith.addi %scan3A_266, %scan3A_612 : i32
        %mul3A_614 = arith.constant 16 : i32
        %mul3A_615 = arith.muli %scan3A_613, %mul3A_614 : i32
        %get3A_616 = arith.constant 0 : i32
        %get3A_617 = arith.index_cast %get3A_616 : i32 to index
        %get3A_618 = arith.index_cast %mul3A_615 : i32 to index
        %get3A_619 = tpu.vector_load %arg15[%get3A_617, %get3A_618] {strides = array<i32>} : memref<2x3072xi32, #tpu.memory_space<vmem>>, vector<16xi32>,
        %mul3A_620 = arith.constant 16 : i32
        %mul3A_621 = arith.muli %scan3A_613, %mul3A_620 : i32
        %add3A_622 = arith.constant 1024 : i32
        %add3A_623 = arith.addi %add3A_622, %mul3A_621 : i32
        %get3A_624 = arith.constant 0 : i32
        %get3A_625 = arith.index_cast %get3A_624 : i32 to index
        %get3A_626 = arith.index_cast %add3A_623 : i32 to index
        %get3A_627 = tpu.vector_load %arg15[%get3A_625, %get3A_626] {strides = array<i32>} : memref<2x3072xi32, #tpu.memory_space<vmem>>, vector<16xi32>,
        %gather3A_628 = tpu.vector_load_idx %arg12[%get3A_619] : memref<102400xi32, #tpu.memory_space<vmem>>[vector<16xi32>], vector<16xi32>,
        %gather3A_629 = tpu.vector_load_idx %arg12[%get3A_627] : memref<102400xi32, #tpu.memory_space<vmem>>[vector<16xi32>], vector<16xi32>,
        %max3A_630 = arith.maxsi %gather3A_628, %gather3A_629 : vector<16xi32>
        %mul3A_631 = arith.constant 16 : i32
        %mul3A_632 = arith.muli %scan3A_613, %mul3A_631 : i32
        %add3A_633 = arith.constant 2048 : i32
        %add3A_634 = arith.addi %add3A_633, %mul3A_632 : i32
        %get3A_635 = arith.constant 0 : i32
        %get3A_636 = arith.index_cast %get3A_635 : i32 to index
        %get3A_637 = arith.index_cast %add3A_634 : i32 to index
        %get3A_638 = tpu.vector_load %arg15[%get3A_636, %get3A_637] {strides = array<i32>} : memref<2x3072xi32, #tpu.memory_space<vmem>>, vector<16xi32>,
        %gather3A_639 = tpu.vector_load_idx %arg12[%get3A_638] : memref<102400xi32, #tpu.memory_space<vmem>>[vector<16xi32>], vector<16xi32>,
        %max3A_640 = arith.maxsi %max3A_630, %gather3A_639 : vector<16xi32>
        %mul3A_641 = arith.constant 16 : i32
        %mul3A_642 = arith.muli %scan3A_613, %mul3A_641 : i32
        %get3A_643 = arith.constant 0 : i32
        %get3A_644 = arith.index_cast %get3A_643 : i32 to index
        %get3A_645 = arith.index_cast %mul3A_642 : i32 to index
        %get3A_646 = tpu.vector_load %arg16[%get3A_644, %get3A_645] {strides = array<i32>} : memref<2x1024xf32, #tpu.memory_space<vmem>>, vector<16xf32>,
        %neg3A_647 = arith.constant 0.000000e+00 : f32
        %neg3A_648 = vector.broadcast %neg3A_647 : f32 to vector<16xf32>
        %neg3A_649 = arith.subf %neg3A_648, %get3A_646 : vector<16xf32>
        %add3A_650 = arith.addi %max3A_640, %iota3A : vector<16xi32>
        tpu.vector_store_idx %arg13[%add3A_650], %neg3A_649 {add = true} : memref<4096xf32, #tpu.memory_space<vmem>>[vector<16xi32>], vector<16xf32>,
        %scan3A_651 = arith.constant 10 : i32
        %scan3A_652 = arith.addi %scan3A_266, %scan3A_651 : i32
        %mul3A_653 = arith.constant 16 : i32
        %mul3A_654 = arith.muli %scan3A_652, %mul3A_653 : i32
        %get3A_655 = arith.constant 0 : i32
        %get3A_656 = arith.index_cast %get3A_655 : i32 to index
        %get3A_657 = arith.index_cast %mul3A_654 : i32 to index
        %get3A_658 = tpu.vector_load %arg15[%get3A_656, %get3A_657] {strides = array<i32>} : memref<2x3072xi32, #tpu.memory_space<vmem>>, vector<16xi32>,
        %mul3A_659 = arith.constant 16 : i32
        %mul3A_660 = arith.muli %scan3A_652, %mul3A_659 : i32
        %add3A_661 = arith.constant 1024 : i32
        %add3A_662 = arith.addi %add3A_661, %mul3A_660 : i32
        %get3A_663 = arith.constant 0 : i32
        %get3A_664 = arith.index_cast %get3A_663 : i32 to index
        %get3A_665 = arith.index_cast %add3A_662 : i32 to index
        %get3A_666 = tpu.vector_load %arg15[%get3A_664, %get3A_665] {strides = array<i32>} : memref<2x3072xi32, #tpu.memory_space<vmem>>, vector<16xi32>,
        %gather3A_667 = tpu.vector_load_idx %arg12[%get3A_658] : memref<102400xi32, #tpu.memory_space<vmem>>[vector<16xi32>], vector<16xi32>,
        %gather3A_668 = tpu.vector_load_idx %arg12[%get3A_666] : memref<102400xi32, #tpu.memory_space<vmem>>[vector<16xi32>], vector<16xi32>,
        %max3A_669 = arith.maxsi %gather3A_667, %gather3A_668 : vector<16xi32>
        %mul3A_670 = arith.constant 16 : i32
        %mul3A_671 = arith.muli %scan3A_652, %mul3A_670 : i32
        %add3A_672 = arith.constant 2048 : i32
        %add3A_673 = arith.addi %add3A_672, %mul3A_671 : i32
        %get3A_674 = arith.constant 0 : i32
        %get3A_675 = arith.index_cast %get3A_674 : i32 to index
        %get3A_676 = arith.index_cast %add3A_673 : i32 to index
        %get3A_677 = tpu.vector_load %arg15[%get3A_675, %get3A_676] {strides = array<i32>} : memref<2x3072xi32, #tpu.memory_space<vmem>>, vector<16xi32>,
        %gather3A_678 = tpu.vector_load_idx %arg12[%get3A_677] : memref<102400xi32, #tpu.memory_space<vmem>>[vector<16xi32>], vector<16xi32>,
        %max3A_679 = arith.maxsi %max3A_669, %gather3A_678 : vector<16xi32>
        %mul3A_680 = arith.constant 16 : i32
        %mul3A_681 = arith.muli %scan3A_652, %mul3A_680 : i32
        %get3A_682 = arith.constant 0 : i32
        %get3A_683 = arith.index_cast %get3A_682 : i32 to index
        %get3A_684 = arith.index_cast %mul3A_681 : i32 to index
        %get3A_685 = tpu.vector_load %arg16[%get3A_683, %get3A_684] {strides = array<i32>} : memref<2x1024xf32, #tpu.memory_space<vmem>>, vector<16xf32>,
        %neg3A_686 = arith.constant 0.000000e+00 : f32
        %neg3A_687 = vector.broadcast %neg3A_686 : f32 to vector<16xf32>
        %neg3A_688 = arith.subf %neg3A_687, %get3A_685 : vector<16xf32>
        %add3A_689 = arith.addi %max3A_679, %iota3A : vector<16xi32>
        tpu.vector_store_idx %arg13[%add3A_689], %neg3A_688 {add = true} : memref<4096xf32, #tpu.memory_space<vmem>>[vector<16xi32>], vector<16xf32>,
        %scan3A_690 = arith.constant 11 : i32
        %scan3A_691 = arith.addi %scan3A_266, %scan3A_690 : i32
        %mul3A_692 = arith.constant 16 : i32
        %mul3A_693 = arith.muli %scan3A_691, %mul3A_692 : i32
        %get3A_694 = arith.constant 0 : i32
        %get3A_695 = arith.index_cast %get3A_694 : i32 to index
        %get3A_696 = arith.index_cast %mul3A_693 : i32 to index
        %get3A_697 = tpu.vector_load %arg15[%get3A_695, %get3A_696] {strides = array<i32>} : memref<2x3072xi32, #tpu.memory_space<vmem>>, vector<16xi32>,
        %mul3A_698 = arith.constant 16 : i32
        %mul3A_699 = arith.muli %scan3A_691, %mul3A_698 : i32
        %add3A_700 = arith.constant 1024 : i32
        %add3A_701 = arith.addi %add3A_700, %mul3A_699 : i32
        %get3A_702 = arith.constant 0 : i32
        %get3A_703 = arith.index_cast %get3A_702 : i32 to index
        %get3A_704 = arith.index_cast %add3A_701 : i32 to index
        %get3A_705 = tpu.vector_load %arg15[%get3A_703, %get3A_704] {strides = array<i32>} : memref<2x3072xi32, #tpu.memory_space<vmem>>, vector<16xi32>,
        %gather3A_706 = tpu.vector_load_idx %arg12[%get3A_697] : memref<102400xi32, #tpu.memory_space<vmem>>[vector<16xi32>], vector<16xi32>,
        %gather3A_707 = tpu.vector_load_idx %arg12[%get3A_705] : memref<102400xi32, #tpu.memory_space<vmem>>[vector<16xi32>], vector<16xi32>,
        %max3A_708 = arith.maxsi %gather3A_706, %gather3A_707 : vector<16xi32>
        %mul3A_709 = arith.constant 16 : i32
        %mul3A_710 = arith.muli %scan3A_691, %mul3A_709 : i32
        %add3A_711 = arith.constant 2048 : i32
        %add3A_712 = arith.addi %add3A_711, %mul3A_710 : i32
        %get3A_713 = arith.constant 0 : i32
        %get3A_714 = arith.index_cast %get3A_713 : i32 to index
        %get3A_715 = arith.index_cast %add3A_712 : i32 to index
        %get3A_716 = tpu.vector_load %arg15[%get3A_714, %get3A_715] {strides = array<i32>} : memref<2x3072xi32, #tpu.memory_space<vmem>>, vector<16xi32>,
        %gather3A_717 = tpu.vector_load_idx %arg12[%get3A_716] : memref<102400xi32, #tpu.memory_space<vmem>>[vector<16xi32>], vector<16xi32>,
        %max3A_718 = arith.maxsi %max3A_708, %gather3A_717 : vector<16xi32>
        %mul3A_719 = arith.constant 16 : i32
        %mul3A_720 = arith.muli %scan3A_691, %mul3A_719 : i32
        %get3A_721 = arith.constant 0 : i32
        %get3A_722 = arith.index_cast %get3A_721 : i32 to index
        %get3A_723 = arith.index_cast %mul3A_720 : i32 to index
        %get3A_724 = tpu.vector_load %arg16[%get3A_722, %get3A_723] {strides = array<i32>} : memref<2x1024xf32, #tpu.memory_space<vmem>>, vector<16xf32>,
        %neg3A_725 = arith.constant 0.000000e+00 : f32
        %neg3A_726 = vector.broadcast %neg3A_725 : f32 to vector<16xf32>
        %neg3A_727 = arith.subf %neg3A_726, %get3A_724 : vector<16xf32>
        %add3A_728 = arith.addi %max3A_718, %iota3A : vector<16xi32>
        tpu.vector_store_idx %arg13[%add3A_728], %neg3A_727 {add = true} : memref<4096xf32, #tpu.memory_space<vmem>>[vector<16xi32>], vector<16xf32>,
        %scan3A_729 = arith.constant 12 : i32
        %scan3A_730 = arith.addi %scan3A_266, %scan3A_729 : i32
        %mul3A_731 = arith.constant 16 : i32
        %mul3A_732 = arith.muli %scan3A_730, %mul3A_731 : i32
        %get3A_733 = arith.constant 0 : i32
        %get3A_734 = arith.index_cast %get3A_733 : i32 to index
        %get3A_735 = arith.index_cast %mul3A_732 : i32 to index
        %get3A_736 = tpu.vector_load %arg15[%get3A_734, %get3A_735] {strides = array<i32>} : memref<2x3072xi32, #tpu.memory_space<vmem>>, vector<16xi32>,
        %mul3A_737 = arith.constant 16 : i32
        %mul3A_738 = arith.muli %scan3A_730, %mul3A_737 : i32
        %add3A_739 = arith.constant 1024 : i32
        %add3A_740 = arith.addi %add3A_739, %mul3A_738 : i32
        %get3A_741 = arith.constant 0 : i32
        %get3A_742 = arith.index_cast %get3A_741 : i32 to index
        %get3A_743 = arith.index_cast %add3A_740 : i32 to index
        %get3A_744 = tpu.vector_load %arg15[%get3A_742, %get3A_743] {strides = array<i32>} : memref<2x3072xi32, #tpu.memory_space<vmem>>, vector<16xi32>,
        %gather3A_745 = tpu.vector_load_idx %arg12[%get3A_736] : memref<102400xi32, #tpu.memory_space<vmem>>[vector<16xi32>], vector<16xi32>,
        %gather3A_746 = tpu.vector_load_idx %arg12[%get3A_744] : memref<102400xi32, #tpu.memory_space<vmem>>[vector<16xi32>], vector<16xi32>,
        %max3A_747 = arith.maxsi %gather3A_745, %gather3A_746 : vector<16xi32>
        %mul3A_748 = arith.constant 16 : i32
        %mul3A_749 = arith.muli %scan3A_730, %mul3A_748 : i32
        %add3A_750 = arith.constant 2048 : i32
        %add3A_751 = arith.addi %add3A_750, %mul3A_749 : i32
        %get3A_752 = arith.constant 0 : i32
        %get3A_753 = arith.index_cast %get3A_752 : i32 to index
        %get3A_754 = arith.index_cast %add3A_751 : i32 to index
        %get3A_755 = tpu.vector_load %arg15[%get3A_753, %get3A_754] {strides = array<i32>} : memref<2x3072xi32, #tpu.memory_space<vmem>>, vector<16xi32>,
        %gather3A_756 = tpu.vector_load_idx %arg12[%get3A_755] : memref<102400xi32, #tpu.memory_space<vmem>>[vector<16xi32>], vector<16xi32>,
        %max3A_757 = arith.maxsi %max3A_747, %gather3A_756 : vector<16xi32>
        %mul3A_758 = arith.constant 16 : i32
        %mul3A_759 = arith.muli %scan3A_730, %mul3A_758 : i32
        %get3A_760 = arith.constant 0 : i32
        %get3A_761 = arith.index_cast %get3A_760 : i32 to index
        %get3A_762 = arith.index_cast %mul3A_759 : i32 to index
        %get3A_763 = tpu.vector_load %arg16[%get3A_761, %get3A_762] {strides = array<i32>} : memref<2x1024xf32, #tpu.memory_space<vmem>>, vector<16xf32>,
        %neg3A_764 = arith.constant 0.000000e+00 : f32
        %neg3A_765 = vector.broadcast %neg3A_764 : f32 to vector<16xf32>
        %neg3A_766 = arith.subf %neg3A_765, %get3A_763 : vector<16xf32>
        %add3A_767 = arith.addi %max3A_757, %iota3A : vector<16xi32>
        tpu.vector_store_idx %arg13[%add3A_767], %neg3A_766 {add = true} : memref<4096xf32, #tpu.memory_space<vmem>>[vector<16xi32>], vector<16xf32>,
        %scan3A_768 = arith.constant 13 : i32
        %scan3A_769 = arith.addi %scan3A_266, %scan3A_768 : i32
        %mul3A_770 = arith.constant 16 : i32
        %mul3A_771 = arith.muli %scan3A_769, %mul3A_770 : i32
        %get3A_772 = arith.constant 0 : i32
        %get3A_773 = arith.index_cast %get3A_772 : i32 to index
        %get3A_774 = arith.index_cast %mul3A_771 : i32 to index
        %get3A_775 = tpu.vector_load %arg15[%get3A_773, %get3A_774] {strides = array<i32>} : memref<2x3072xi32, #tpu.memory_space<vmem>>, vector<16xi32>,
        %mul3A_776 = arith.constant 16 : i32
        %mul3A_777 = arith.muli %scan3A_769, %mul3A_776 : i32
        %add3A_778 = arith.constant 1024 : i32
        %add3A_779 = arith.addi %add3A_778, %mul3A_777 : i32
        %get3A_780 = arith.constant 0 : i32
        %get3A_781 = arith.index_cast %get3A_780 : i32 to index
        %get3A_782 = arith.index_cast %add3A_779 : i32 to index
        %get3A_783 = tpu.vector_load %arg15[%get3A_781, %get3A_782] {strides = array<i32>} : memref<2x3072xi32, #tpu.memory_space<vmem>>, vector<16xi32>,
        %gather3A_784 = tpu.vector_load_idx %arg12[%get3A_775] : memref<102400xi32, #tpu.memory_space<vmem>>[vector<16xi32>], vector<16xi32>,
        %gather3A_785 = tpu.vector_load_idx %arg12[%get3A_783] : memref<102400xi32, #tpu.memory_space<vmem>>[vector<16xi32>], vector<16xi32>,
        %max3A_786 = arith.maxsi %gather3A_784, %gather3A_785 : vector<16xi32>
        %mul3A_787 = arith.constant 16 : i32
        %mul3A_788 = arith.muli %scan3A_769, %mul3A_787 : i32
        %add3A_789 = arith.constant 2048 : i32
        %add3A_790 = arith.addi %add3A_789, %mul3A_788 : i32
        %get3A_791 = arith.constant 0 : i32
        %get3A_792 = arith.index_cast %get3A_791 : i32 to index
        %get3A_793 = arith.index_cast %add3A_790 : i32 to index
        %get3A_794 = tpu.vector_load %arg15[%get3A_792, %get3A_793] {strides = array<i32>} : memref<2x3072xi32, #tpu.memory_space<vmem>>, vector<16xi32>,
        %gather3A_795 = tpu.vector_load_idx %arg12[%get3A_794] : memref<102400xi32, #tpu.memory_space<vmem>>[vector<16xi32>], vector<16xi32>,
        %max3A_796 = arith.maxsi %max3A_786, %gather3A_795 : vector<16xi32>
        %mul3A_797 = arith.constant 16 : i32
        %mul3A_798 = arith.muli %scan3A_769, %mul3A_797 : i32
        %get3A_799 = arith.constant 0 : i32
        %get3A_800 = arith.index_cast %get3A_799 : i32 to index
        %get3A_801 = arith.index_cast %mul3A_798 : i32 to index
        %get3A_802 = tpu.vector_load %arg16[%get3A_800, %get3A_801] {strides = array<i32>} : memref<2x1024xf32, #tpu.memory_space<vmem>>, vector<16xf32>,
        %neg3A_803 = arith.constant 0.000000e+00 : f32
        %neg3A_804 = vector.broadcast %neg3A_803 : f32 to vector<16xf32>
        %neg3A_805 = arith.subf %neg3A_804, %get3A_802 : vector<16xf32>
        %add3A_806 = arith.addi %max3A_796, %iota3A : vector<16xi32>
        tpu.vector_store_idx %arg13[%add3A_806], %neg3A_805 {add = true} : memref<4096xf32, #tpu.memory_space<vmem>>[vector<16xi32>], vector<16xf32>,
        %scan3A_807 = arith.constant 14 : i32
        %scan3A_808 = arith.addi %scan3A_266, %scan3A_807 : i32
        %mul3A_809 = arith.constant 16 : i32
        %mul3A_810 = arith.muli %scan3A_808, %mul3A_809 : i32
        %get3A_811 = arith.constant 0 : i32
        %get3A_812 = arith.index_cast %get3A_811 : i32 to index
        %get3A_813 = arith.index_cast %mul3A_810 : i32 to index
        %get3A_814 = tpu.vector_load %arg15[%get3A_812, %get3A_813] {strides = array<i32>} : memref<2x3072xi32, #tpu.memory_space<vmem>>, vector<16xi32>,
        %mul3A_815 = arith.constant 16 : i32
        %mul3A_816 = arith.muli %scan3A_808, %mul3A_815 : i32
        %add3A_817 = arith.constant 1024 : i32
        %add3A_818 = arith.addi %add3A_817, %mul3A_816 : i32
        %get3A_819 = arith.constant 0 : i32
        %get3A_820 = arith.index_cast %get3A_819 : i32 to index
        %get3A_821 = arith.index_cast %add3A_818 : i32 to index
        %get3A_822 = tpu.vector_load %arg15[%get3A_820, %get3A_821] {strides = array<i32>} : memref<2x3072xi32, #tpu.memory_space<vmem>>, vector<16xi32>,
        %gather3A_823 = tpu.vector_load_idx %arg12[%get3A_814] : memref<102400xi32, #tpu.memory_space<vmem>>[vector<16xi32>], vector<16xi32>,
        %gather3A_824 = tpu.vector_load_idx %arg12[%get3A_822] : memref<102400xi32, #tpu.memory_space<vmem>>[vector<16xi32>], vector<16xi32>,
        %max3A_825 = arith.maxsi %gather3A_823, %gather3A_824 : vector<16xi32>
        %mul3A_826 = arith.constant 16 : i32
        %mul3A_827 = arith.muli %scan3A_808, %mul3A_826 : i32
        %add3A_828 = arith.constant 2048 : i32
        %add3A_829 = arith.addi %add3A_828, %mul3A_827 : i32
        %get3A_830 = arith.constant 0 : i32
        %get3A_831 = arith.index_cast %get3A_830 : i32 to index
        %get3A_832 = arith.index_cast %add3A_829 : i32 to index
        %get3A_833 = tpu.vector_load %arg15[%get3A_831, %get3A_832] {strides = array<i32>} : memref<2x3072xi32, #tpu.memory_space<vmem>>, vector<16xi32>,
        %gather3A_834 = tpu.vector_load_idx %arg12[%get3A_833] : memref<102400xi32, #tpu.memory_space<vmem>>[vector<16xi32>], vector<16xi32>,
        %max3A_835 = arith.maxsi %max3A_825, %gather3A_834 : vector<16xi32>
        %mul3A_836 = arith.constant 16 : i32
        %mul3A_837 = arith.muli %scan3A_808, %mul3A_836 : i32
        %get3A_838 = arith.constant 0 : i32
        %get3A_839 = arith.index_cast %get3A_838 : i32 to index
        %get3A_840 = arith.index_cast %mul3A_837 : i32 to index
        %get3A_841 = tpu.vector_load %arg16[%get3A_839, %get3A_840] {strides = array<i32>} : memref<2x1024xf32, #tpu.memory_space<vmem>>, vector<16xf32>,
        %neg3A_842 = arith.constant 0.000000e+00 : f32
        %neg3A_843 = vector.broadcast %neg3A_842 : f32 to vector<16xf32>
        %neg3A_844 = arith.subf %neg3A_843, %get3A_841 : vector<16xf32>
        %add3A_845 = arith.addi %max3A_835, %iota3A : vector<16xi32>
        tpu.vector_store_idx %arg13[%add3A_845], %neg3A_844 {add = true} : memref<4096xf32, #tpu.memory_space<vmem>>[vector<16xi32>], vector<16xf32>,
        %scan3A_846 = arith.constant 15 : i32
        %scan3A_847 = arith.addi %scan3A_266, %scan3A_846 : i32
        %mul3A_848 = arith.constant 16 : i32
        %mul3A_849 = arith.muli %scan3A_847, %mul3A_848 : i32
        %get3A_850 = arith.constant 0 : i32
        %get3A_851 = arith.index_cast %get3A_850 : i32 to index
        %get3A_852 = arith.index_cast %mul3A_849 : i32 to index
        %get3A_853 = tpu.vector_load %arg15[%get3A_851, %get3A_852] {strides = array<i32>} : memref<2x3072xi32, #tpu.memory_space<vmem>>, vector<16xi32>,
        %mul3A_854 = arith.constant 16 : i32
        %mul3A_855 = arith.muli %scan3A_847, %mul3A_854 : i32
        %add3A_856 = arith.constant 1024 : i32
        %add3A_857 = arith.addi %add3A_856, %mul3A_855 : i32
        %get3A_858 = arith.constant 0 : i32
        %get3A_859 = arith.index_cast %get3A_858 : i32 to index
        %get3A_860 = arith.index_cast %add3A_857 : i32 to index
        %get3A_861 = tpu.vector_load %arg15[%get3A_859, %get3A_860] {strides = array<i32>} : memref<2x3072xi32, #tpu.memory_space<vmem>>, vector<16xi32>,
        %gather3A_862 = tpu.vector_load_idx %arg12[%get3A_853] : memref<102400xi32, #tpu.memory_space<vmem>>[vector<16xi32>], vector<16xi32>,
        %gather3A_863 = tpu.vector_load_idx %arg12[%get3A_861] : memref<102400xi32, #tpu.memory_space<vmem>>[vector<16xi32>], vector<16xi32>,
        %max3A_864 = arith.maxsi %gather3A_862, %gather3A_863 : vector<16xi32>
        %mul3A_865 = arith.constant 16 : i32
        %mul3A_866 = arith.muli %scan3A_847, %mul3A_865 : i32
        %add3A_867 = arith.constant 2048 : i32
        %add3A_868 = arith.addi %add3A_867, %mul3A_866 : i32
        %get3A_869 = arith.constant 0 : i32
        %get3A_870 = arith.index_cast %get3A_869 : i32 to index
        %get3A_871 = arith.index_cast %add3A_868 : i32 to index
        %get3A_872 = tpu.vector_load %arg15[%get3A_870, %get3A_871] {strides = array<i32>} : memref<2x3072xi32, #tpu.memory_space<vmem>>, vector<16xi32>,
        %gather3A_873 = tpu.vector_load_idx %arg12[%get3A_872] : memref<102400xi32, #tpu.memory_space<vmem>>[vector<16xi32>], vector<16xi32>,
        %max3A_874 = arith.maxsi %max3A_864, %gather3A_873 : vector<16xi32>
        %mul3A_875 = arith.constant 16 : i32
        %mul3A_876 = arith.muli %scan3A_847, %mul3A_875 : i32
        %get3A_877 = arith.constant 0 : i32
        %get3A_878 = arith.index_cast %get3A_877 : i32 to index
        %get3A_879 = arith.index_cast %mul3A_876 : i32 to index
        %get3A_880 = tpu.vector_load %arg16[%get3A_878, %get3A_879] {strides = array<i32>} : memref<2x1024xf32, #tpu.memory_space<vmem>>, vector<16xf32>,
        %neg3A_881 = arith.constant 0.000000e+00 : f32
        %neg3A_882 = vector.broadcast %neg3A_881 : f32 to vector<16xf32>
        %neg3A_883 = arith.subf %neg3A_882, %get3A_880 : vector<16xf32>
        %add3A_884 = arith.addi %max3A_874, %iota3A : vector<16xi32>
        tpu.vector_store_idx %arg13[%add3A_884], %neg3A_883 {add = true} : memref<4096xf32, #tpu.memory_space<vmem>>[vector<16xi32>], vector<16xf32>,
      }
      %scan3A_227 = arith.constant 64 : i32
      %add3A_228 = arith.constant 1 : i32
      %add3A_229 = arith.addi %scan3A_134, %add3A_228 : i32
      %lt3A = arith.constant 245 : i32
      %lt3A_230 = arith.cmpi slt, %add3A_229, %lt3A : i32
      %convert_element_type3A = arith.extui %lt3A_230 : i1 to i32
      %cond3A = arith.constant 0 : i32
      %cond3A_231 = arith.cmpi ne, %convert_element_type3A, %cond3A : i32
      scf.if %cond3A_231 {
        %mul3A_266 = arith.constant 2 : i32
        %mul3A_267 = arith.muli %mul3A_266, %scan3A_134 : i32
        %add3A_268 = arith.constant 2 : i32
        %add3A_269 = arith.addi %mul3A_267, %add3A_268 : i32
        %mul3A_270 = arith.constant 1024 : i32
        %mul3A_271 = arith.muli %add3A_269, %mul3A_270 : i32
        %dma_start3A_272 = arith.constant 0 : i32
        %dma_start3A_273 = arith.constant 0 : i32
        %dma_start3A_274 = arith.constant 0 : i32
        %dma_start3A_275 = tpu.memref_slice %arg15[%dma_start3A_272, %dma_start3A_274] : memref<2x3072xi32, #tpu.memory_space<vmem>> -> memref<1x1024xi32, #tpu.memory_space<vmem>>
        %dma_start3A_276 = tpu.memref_squeeze %dma_start3A_275 : memref<1x1024xi32, #tpu.memory_space<vmem>> -> memref<1024xi32, #tpu.memory_space<vmem>>
        %dma_start3A_277 = tpu.memref_slice %arg7[%mul3A_271] : memref<501760xi32, #tpu.memory_space<hbm>> -> memref<1024xi32, #tpu.memory_space<hbm>>
        %dma_start3A_278 = tpu.memref_slice %arg17[%dma_start3A_273] : memref<2x!tpu.dma_semaphore, #tpu.memory_space<semaphore_mem>> -> memref<1x!tpu.dma_semaphore, #tpu.memory_space<semaphore_mem>>
        %dma_start3A_279 = tpu.memref_squeeze %dma_start3A_278 : memref<1x!tpu.dma_semaphore, #tpu.memory_space<semaphore_mem>> -> memref<!tpu.dma_semaphore, #tpu.memory_space<semaphore_mem>>
        %dma_start3A_280 = arith.constant 0 : i32
        %dma_start3A_281 = tpu.memref_slice %arg15[%dma_start3A_272, %dma_start3A_280] : memref<2x3072xi32, #tpu.memory_space<vmem>> -> memref<1x1024xi32, #tpu.memory_space<vmem>>
        %dma_start3A_282 = tpu.memref_squeeze %dma_start3A_281 : memref<1x1024xi32, #tpu.memory_space<vmem>> -> memref<1024xi32, #tpu.memory_space<vmem>>
        %dma_start3A_283 = tpu.memref_slice %arg7[%mul3A_271] : memref<501760xi32, #tpu.memory_space<hbm>> -> memref<1024xi32, #tpu.memory_space<hbm>>
        tpu.enqueue_dma source(%dma_start3A_283 : memref<1024xi32, #tpu.memory_space<hbm>>) target(%dma_start3A_282 : memref<1024xi32, #tpu.memory_space<vmem>>) target_semaphore(%dma_start3A_279 : memref<!tpu.dma_semaphore, #tpu.memory_space<semaphore_mem>>)
        %mul3A_284 = arith.constant 1024 : i32
        %mul3A_285 = arith.muli %add3A_269, %mul3A_284 : i32
        %dma_start3A_286 = arith.constant 0 : i32
        %dma_start3A_287 = arith.constant 0 : i32
        %dma_start3A_288 = arith.constant 1024 : i32
        %dma_start3A_289 = tpu.memref_slice %arg15[%dma_start3A_286, %dma_start3A_288] : memref<2x3072xi32, #tpu.memory_space<vmem>> -> memref<1x1024xi32, #tpu.memory_space<vmem>>
        %dma_start3A_290 = tpu.memref_squeeze %dma_start3A_289 : memref<1x1024xi32, #tpu.memory_space<vmem>> -> memref<1024xi32, #tpu.memory_space<vmem>>
        %dma_start3A_291 = tpu.memref_slice %arg8[%mul3A_285] : memref<501760xi32, #tpu.memory_space<hbm>> -> memref<1024xi32, #tpu.memory_space<hbm>>
        %dma_start3A_292 = tpu.memref_slice %arg17[%dma_start3A_287] : memref<2x!tpu.dma_semaphore, #tpu.memory_space<semaphore_mem>> -> memref<1x!tpu.dma_semaphore, #tpu.memory_space<semaphore_mem>>
        %dma_start3A_293 = tpu.memref_squeeze %dma_start3A_292 : memref<1x!tpu.dma_semaphore, #tpu.memory_space<semaphore_mem>> -> memref<!tpu.dma_semaphore, #tpu.memory_space<semaphore_mem>>
        %dma_start3A_294 = arith.constant 1024 : i32
        %dma_start3A_295 = tpu.memref_slice %arg15[%dma_start3A_286, %dma_start3A_294] : memref<2x3072xi32, #tpu.memory_space<vmem>> -> memref<1x1024xi32, #tpu.memory_space<vmem>>
        %dma_start3A_296 = tpu.memref_squeeze %dma_start3A_295 : memref<1x1024xi32, #tpu.memory_space<vmem>> -> memref<1024xi32, #tpu.memory_space<vmem>>
        %dma_start3A_297 = tpu.memref_slice %arg8[%mul3A_285] : memref<501760xi32, #tpu.memory_space<hbm>> -> memref<1024xi32, #tpu.memory_space<hbm>>
        tpu.enqueue_dma source(%dma_start3A_297 : memref<1024xi32, #tpu.memory_space<hbm>>) target(%dma_start3A_296 : memref<1024xi32, #tpu.memory_space<vmem>>) target_semaphore(%dma_start3A_293 : memref<!tpu.dma_semaphore, #tpu.memory_space<semaphore_mem>>)
        %mul3A_298 = arith.constant 1024 : i32
        %mul3A_299 = arith.muli %add3A_269, %mul3A_298 : i32
        %dma_start3A_300 = arith.constant 0 : i32
        %dma_start3A_301 = arith.constant 0 : i32
        %dma_start3A_302 = arith.constant 2048 : i32
        %dma_start3A_303 = tpu.memref_slice %arg15[%dma_start3A_300, %dma_start3A_302] : memref<2x3072xi32, #tpu.memory_space<vmem>> -> memref<1x1024xi32, #tpu.memory_space<vmem>>
        %dma_start3A_304 = tpu.memref_squeeze %dma_start3A_303 : memref<1x1024xi32, #tpu.memory_space<vmem>> -> memref<1024xi32, #tpu.memory_space<vmem>>
        %dma_start3A_305 = tpu.memref_slice %arg9[%mul3A_299] : memref<501760xi32, #tpu.memory_space<hbm>> -> memref<1024xi32, #tpu.memory_space<hbm>>
        %dma_start3A_306 = tpu.memref_slice %arg17[%dma_start3A_301] : memref<2x!tpu.dma_semaphore, #tpu.memory_space<semaphore_mem>> -> memref<1x!tpu.dma_semaphore, #tpu.memory_space<semaphore_mem>>
        %dma_start3A_307 = tpu.memref_squeeze %dma_start3A_306 : memref<1x!tpu.dma_semaphore, #tpu.memory_space<semaphore_mem>> -> memref<!tpu.dma_semaphore, #tpu.memory_space<semaphore_mem>>
        %dma_start3A_308 = arith.constant 2048 : i32
        %dma_start3A_309 = tpu.memref_slice %arg15[%dma_start3A_300, %dma_start3A_308] : memref<2x3072xi32, #tpu.memory_space<vmem>> -> memref<1x1024xi32, #tpu.memory_space<vmem>>
        %dma_start3A_310 = tpu.memref_squeeze %dma_start3A_309 : memref<1x1024xi32, #tpu.memory_space<vmem>> -> memref<1024xi32, #tpu.memory_space<vmem>>
        %dma_start3A_311 = tpu.memref_slice %arg9[%mul3A_299] : memref<501760xi32, #tpu.memory_space<hbm>> -> memref<1024xi32, #tpu.memory_space<hbm>>
        tpu.enqueue_dma source(%dma_start3A_311 : memref<1024xi32, #tpu.memory_space<hbm>>) target(%dma_start3A_310 : memref<1024xi32, #tpu.memory_space<vmem>>) target_semaphore(%dma_start3A_307 : memref<!tpu.dma_semaphore, #tpu.memory_space<semaphore_mem>>)
        %mul3A_312 = arith.constant 1024 : i32
        %mul3A_313 = arith.muli %add3A_269, %mul3A_312 : i32
        %dma_start3A_314 = arith.constant 0 : i32
        %dma_start3A_315 = arith.constant 0 : i32
        %dma_start3A_316 = arith.constant 0 : i32
        %dma_start3A_317 = tpu.memref_slice %arg16[%dma_start3A_314, %dma_start3A_316] : memref<2x1024xf32, #tpu.memory_space<vmem>> -> memref<1x1024xf32, #tpu.memory_space<vmem>>
        %dma_start3A_318 = tpu.memref_squeeze %dma_start3A_317 : memref<1x1024xf32, #tpu.memory_space<vmem>> -> memref<1024xf32, #tpu.memory_space<vmem>>
        %dma_start3A_319 = tpu.memref_slice %arg10[%mul3A_313] : memref<501760xf32, #tpu.memory_space<hbm>> -> memref<1024xf32, #tpu.memory_space<hbm>>
        %dma_start3A_320 = tpu.memref_slice %arg17[%dma_start3A_315] : memref<2x!tpu.dma_semaphore, #tpu.memory_space<semaphore_mem>> -> memref<1x!tpu.dma_semaphore, #tpu.memory_space<semaphore_mem>>
        %dma_start3A_321 = tpu.memref_squeeze %dma_start3A_320 : memref<1x!tpu.dma_semaphore, #tpu.memory_space<semaphore_mem>> -> memref<!tpu.dma_semaphore, #tpu.memory_space<semaphore_mem>>
        %dma_start3A_322 = arith.constant 0 : i32
        %dma_start3A_323 = tpu.memref_slice %arg16[%dma_start3A_314, %dma_start3A_322] : memref<2x1024xf32, #tpu.memory_space<vmem>> -> memref<1x1024xf32, #tpu.memory_space<vmem>>
        %dma_start3A_324 = tpu.memref_squeeze %dma_start3A_323 : memref<1x1024xf32, #tpu.memory_space<vmem>> -> memref<1024xf32, #tpu.memory_space<vmem>>
        %dma_start3A_325 = tpu.memref_slice %arg10[%mul3A_313] : memref<501760xf32, #tpu.memory_space<hbm>> -> memref<1024xf32, #tpu.memory_space<hbm>>
        tpu.enqueue_dma source(%dma_start3A_325 : memref<1024xf32, #tpu.memory_space<hbm>>) target(%dma_start3A_324 : memref<1024xf32, #tpu.memory_space<vmem>>) target_semaphore(%dma_start3A_321 : memref<!tpu.dma_semaphore, #tpu.memory_space<semaphore_mem>>)
      } else {
      }
      %dma_wait3A_232 = arith.constant 1 : i32
      %dma_wait3A_233 = arith.constant 1 : i32
      %dma_wait3A_234 = arith.constant 0 : i32
      %dma_wait3A_235 = tpu.memref_slice %arg15[%dma_wait3A_232, %dma_wait3A_234] : memref<2x3072xi32, #tpu.memory_space<vmem>> -> memref<1x3072xi32, #tpu.memory_space<vmem>>
      %dma_wait3A_236 = tpu.memref_squeeze %dma_wait3A_235 : memref<1x3072xi32, #tpu.memory_space<vmem>> -> memref<3072xi32, #tpu.memory_space<vmem>>
      %dma_wait3A_237 = arith.constant 0 : i32
      %dma_wait3A_238 = tpu.memref_slice %arg7[%dma_wait3A_237] : memref<501760xi32, #tpu.memory_space<hbm>> -> memref<3072xi32, #tpu.memory_space<hbm>>
      %dma_wait3A_239 = tpu.memref_slice %arg17[%dma_wait3A_233] : memref<2x!tpu.dma_semaphore, #tpu.memory_space<semaphore_mem>> -> memref<1x!tpu.dma_semaphore, #tpu.memory_space<semaphore_mem>>
      %dma_wait3A_240 = tpu.memref_squeeze %dma_wait3A_239 : memref<1x!tpu.dma_semaphore, #tpu.memory_space<semaphore_mem>> -> memref<!tpu.dma_semaphore, #tpu.memory_space<semaphore_mem>>
      %dma_wait3A_241 = arith.constant 0 : i32
      %dma_wait3A_242 = tpu.memref_slice %arg15[%dma_wait3A_232, %dma_wait3A_241] : memref<2x3072xi32, #tpu.memory_space<vmem>> -> memref<1x3072xi32, #tpu.memory_space<vmem>>
      %dma_wait3A_243 = tpu.memref_squeeze %dma_wait3A_242 : memref<1x3072xi32, #tpu.memory_space<vmem>> -> memref<3072xi32, #tpu.memory_space<vmem>>
      %dma_wait3A_244 = arith.constant 0 : i32
      %dma_wait3A_245 = tpu.memref_slice %arg7[%dma_wait3A_244] : memref<501760xi32, #tpu.memory_space<hbm>> -> memref<3072xi32, #tpu.memory_space<hbm>>
      tpu.wait_dma2 semaphore(%dma_wait3A_240 : memref<!tpu.dma_semaphore, #tpu.memory_space<semaphore_mem>>) src(%dma_wait3A_245 : memref<3072xi32, #tpu.memory_space<hbm>>) dst(%dma_wait3A_243 : memref<3072xi32, #tpu.memory_space<vmem>>)
      %dma_wait3A_246 = arith.constant 1 : i32
      %dma_wait3A_247 = arith.constant 1 : i32
      %dma_wait3A_248 = arith.constant 0 : i32
      %dma_wait3A_249 = tpu.memref_slice %arg16[%dma_wait3A_246, %dma_wait3A_248] : memref<2x1024xf32, #tpu.memory_space<vmem>> -> memref<1x1024xf32, #tpu.memory_space<vmem>>
      %dma_wait3A_250 = tpu.memref_squeeze %dma_wait3A_249 : memref<1x1024xf32, #tpu.memory_space<vmem>> -> memref<1024xf32, #tpu.memory_space<vmem>>
      %dma_wait3A_251 = arith.constant 0 : i32
      %dma_wait3A_252 = tpu.memref_slice %arg10[%dma_wait3A_251] : memref<501760xf32, #tpu.memory_space<hbm>> -> memref<1024xf32, #tpu.memory_space<hbm>>
      %dma_wait3A_253 = tpu.memref_slice %arg17[%dma_wait3A_247] : memref<2x!tpu.dma_semaphore, #tpu.memory_space<semaphore_mem>> -> memref<1x!tpu.dma_semaphore, #tpu.memory_space<semaphore_mem>>
      %dma_wait3A_254 = tpu.memref_squeeze %dma_wait3A_253 : memref<1x!tpu.dma_semaphore, #tpu.memory_space<semaphore_mem>> -> memref<!tpu.dma_semaphore, #tpu.memory_space<semaphore_mem>>
      %dma_wait3A_255 = arith.constant 0 : i32
      %dma_wait3A_256 = tpu.memref_slice %arg16[%dma_wait3A_246, %dma_wait3A_255] : memref<2x1024xf32, #tpu.memory_space<vmem>> -> memref<1x1024xf32, #tpu.memory_space<vmem>>
      %dma_wait3A_257 = tpu.memref_squeeze %dma_wait3A_256 : memref<1x1024xf32, #tpu.memory_space<vmem>> -> memref<1024xf32, #tpu.memory_space<vmem>>
      %dma_wait3A_258 = arith.constant 0 : i32
      %dma_wait3A_259 = tpu.memref_slice %arg10[%dma_wait3A_258] : memref<501760xf32, #tpu.memory_space<hbm>> -> memref<1024xf32, #tpu.memory_space<hbm>>
      tpu.wait_dma2 semaphore(%dma_wait3A_254 : memref<!tpu.dma_semaphore, #tpu.memory_space<semaphore_mem>>) src(%dma_wait3A_259 : memref<1024xf32, #tpu.memory_space<hbm>>) dst(%dma_wait3A_257 : memref<1024xf32, #tpu.memory_space<vmem>>)
      %scan3A_260 = arith.constant 0 : i32
      %scan3A_261 = arith.constant 0 : i32
      %scan3A_262 = arith.constant 64 : i32
      %scan3A_263 = arith.addi %scan3A_261, %scan3A_262 : i32
      %scan3A_264 = arith.constant 16 : i32
      scf.for %scan3A_266 = %scan3A_261 to %scan3A_263 step %scan3A_264  : i32 {
        %mul3A_267 = arith.constant 16 : i32
        %mul3A_268 = arith.muli %scan3A_266, %mul3A_267 : i32
        %get3A = arith.constant 1 : i32
        %get3A_269 = arith.index_cast %get3A : i32 to index
        %get3A_270 = arith.index_cast %mul3A_268 : i32 to index
        %get3A_271 = tpu.vector_load %arg15[%get3A_269, %get3A_270] {strides = array<i32>} : memref<2x3072xi32, #tpu.memory_space<vmem>>, vector<16xi32>,
        %mul3A_272 = arith.constant 16 : i32
        %mul3A_273 = arith.muli %scan3A_266, %mul3A_272 : i32
        %add3A_274 = arith.constant 1024 : i32
        %add3A_275 = arith.addi %add3A_274, %mul3A_273 : i32
        %get3A_276 = arith.constant 1 : i32
        %get3A_277 = arith.index_cast %get3A_276 : i32 to index
        %get3A_278 = arith.index_cast %add3A_275 : i32 to index
        %get3A_279 = tpu.vector_load %arg15[%get3A_277, %get3A_278] {strides = array<i32>} : memref<2x3072xi32, #tpu.memory_space<vmem>>, vector<16xi32>,
        %gather3A = tpu.vector_load_idx %arg12[%get3A_271] : memref<102400xi32, #tpu.memory_space<vmem>>[vector<16xi32>], vector<16xi32>,
        %gather3A_280 = tpu.vector_load_idx %arg12[%get3A_279] : memref<102400xi32, #tpu.memory_space<vmem>>[vector<16xi32>], vector<16xi32>,
        %max3A = arith.maxsi %gather3A, %gather3A_280 : vector<16xi32>
        %mul3A_281 = arith.constant 16 : i32
        %mul3A_282 = arith.muli %scan3A_266, %mul3A_281 : i32
        %add3A_283 = arith.constant 2048 : i32
        %add3A_284 = arith.addi %add3A_283, %mul3A_282 : i32
        %get3A_285 = arith.constant 1 : i32
        %get3A_286 = arith.index_cast %get3A_285 : i32 to index
        %get3A_287 = arith.index_cast %add3A_284 : i32 to index
        %get3A_288 = tpu.vector_load %arg15[%get3A_286, %get3A_287] {strides = array<i32>} : memref<2x3072xi32, #tpu.memory_space<vmem>>, vector<16xi32>,
        %gather3A_289 = tpu.vector_load_idx %arg12[%get3A_288] : memref<102400xi32, #tpu.memory_space<vmem>>[vector<16xi32>], vector<16xi32>,
        %max3A_290 = arith.maxsi %max3A, %gather3A_289 : vector<16xi32>
        %mul3A_291 = arith.constant 16 : i32
        %mul3A_292 = arith.muli %scan3A_266, %mul3A_291 : i32
        %get3A_293 = arith.constant 1 : i32
        %get3A_294 = arith.index_cast %get3A_293 : i32 to index
        %get3A_295 = arith.index_cast %mul3A_292 : i32 to index
        %get3A_296 = tpu.vector_load %arg16[%get3A_294, %get3A_295] {strides = array<i32>} : memref<2x1024xf32, #tpu.memory_space<vmem>>, vector<16xf32>,
        %neg3A = arith.constant 0.000000e+00 : f32
        %neg3A_297 = vector.broadcast %neg3A : f32 to vector<16xf32>
        %neg3A_298 = arith.subf %neg3A_297, %get3A_296 : vector<16xf32>
        %add3A_299 = arith.addi %max3A_290, %iota3A : vector<16xi32>
        tpu.vector_store_idx %arg13[%add3A_299], %neg3A_298 {add = true} : memref<4096xf32, #tpu.memory_space<vmem>>[vector<16xi32>], vector<16xf32>,
        %scan3A_300 = arith.constant 1 : i32
        %scan3A_301 = arith.addi %scan3A_266, %scan3A_300 : i32
        %mul3A_302 = arith.constant 16 : i32
        %mul3A_303 = arith.muli %scan3A_301, %mul3A_302 : i32
        %get3A_304 = arith.constant 1 : i32
        %get3A_305 = arith.index_cast %get3A_304 : i32 to index
        %get3A_306 = arith.index_cast %mul3A_303 : i32 to index
        %get3A_307 = tpu.vector_load %arg15[%get3A_305, %get3A_306] {strides = array<i32>} : memref<2x3072xi32, #tpu.memory_space<vmem>>, vector<16xi32>,
        %mul3A_308 = arith.constant 16 : i32
        %mul3A_309 = arith.muli %scan3A_301, %mul3A_308 : i32
        %add3A_310 = arith.constant 1024 : i32
        %add3A_311 = arith.addi %add3A_310, %mul3A_309 : i32
        %get3A_312 = arith.constant 1 : i32
        %get3A_313 = arith.index_cast %get3A_312 : i32 to index
        %get3A_314 = arith.index_cast %add3A_311 : i32 to index
        %get3A_315 = tpu.vector_load %arg15[%get3A_313, %get3A_314] {strides = array<i32>} : memref<2x3072xi32, #tpu.memory_space<vmem>>, vector<16xi32>,
        %gather3A_316 = tpu.vector_load_idx %arg12[%get3A_307] : memref<102400xi32, #tpu.memory_space<vmem>>[vector<16xi32>], vector<16xi32>,
        %gather3A_317 = tpu.vector_load_idx %arg12[%get3A_315] : memref<102400xi32, #tpu.memory_space<vmem>>[vector<16xi32>], vector<16xi32>,
        %max3A_318 = arith.maxsi %gather3A_316, %gather3A_317 : vector<16xi32>
        %mul3A_319 = arith.constant 16 : i32
        %mul3A_320 = arith.muli %scan3A_301, %mul3A_319 : i32
        %add3A_321 = arith.constant 2048 : i32
        %add3A_322 = arith.addi %add3A_321, %mul3A_320 : i32
        %get3A_323 = arith.constant 1 : i32
        %get3A_324 = arith.index_cast %get3A_323 : i32 to index
        %get3A_325 = arith.index_cast %add3A_322 : i32 to index
        %get3A_326 = tpu.vector_load %arg15[%get3A_324, %get3A_325] {strides = array<i32>} : memref<2x3072xi32, #tpu.memory_space<vmem>>, vector<16xi32>,
        %gather3A_327 = tpu.vector_load_idx %arg12[%get3A_326] : memref<102400xi32, #tpu.memory_space<vmem>>[vector<16xi32>], vector<16xi32>,
        %max3A_328 = arith.maxsi %max3A_318, %gather3A_327 : vector<16xi32>
        %mul3A_329 = arith.constant 16 : i32
        %mul3A_330 = arith.muli %scan3A_301, %mul3A_329 : i32
        %get3A_331 = arith.constant 1 : i32
        %get3A_332 = arith.index_cast %get3A_331 : i32 to index
        %get3A_333 = arith.index_cast %mul3A_330 : i32 to index
        %get3A_334 = tpu.vector_load %arg16[%get3A_332, %get3A_333] {strides = array<i32>} : memref<2x1024xf32, #tpu.memory_space<vmem>>, vector<16xf32>,
        %neg3A_335 = arith.constant 0.000000e+00 : f32
        %neg3A_336 = vector.broadcast %neg3A_335 : f32 to vector<16xf32>
        %neg3A_337 = arith.subf %neg3A_336, %get3A_334 : vector<16xf32>
        %add3A_338 = arith.addi %max3A_328, %iota3A : vector<16xi32>
        tpu.vector_store_idx %arg13[%add3A_338], %neg3A_337 {add = true} : memref<4096xf32, #tpu.memory_space<vmem>>[vector<16xi32>], vector<16xf32>,
        %scan3A_339 = arith.constant 2 : i32
        %scan3A_340 = arith.addi %scan3A_266, %scan3A_339 : i32
        %mul3A_341 = arith.constant 16 : i32
        %mul3A_342 = arith.muli %scan3A_340, %mul3A_341 : i32
        %get3A_343 = arith.constant 1 : i32
        %get3A_344 = arith.index_cast %get3A_343 : i32 to index
        %get3A_345 = arith.index_cast %mul3A_342 : i32 to index
        %get3A_346 = tpu.vector_load %arg15[%get3A_344, %get3A_345] {strides = array<i32>} : memref<2x3072xi32, #tpu.memory_space<vmem>>, vector<16xi32>,
        %mul3A_347 = arith.constant 16 : i32
        %mul3A_348 = arith.muli %scan3A_340, %mul3A_347 : i32
        %add3A_349 = arith.constant 1024 : i32
        %add3A_350 = arith.addi %add3A_349, %mul3A_348 : i32
        %get3A_351 = arith.constant 1 : i32
        %get3A_352 = arith.index_cast %get3A_351 : i32 to index
        %get3A_353 = arith.index_cast %add3A_350 : i32 to index
        %get3A_354 = tpu.vector_load %arg15[%get3A_352, %get3A_353] {strides = array<i32>} : memref<2x3072xi32, #tpu.memory_space<vmem>>, vector<16xi32>,
        %gather3A_355 = tpu.vector_load_idx %arg12[%get3A_346] : memref<102400xi32, #tpu.memory_space<vmem>>[vector<16xi32>], vector<16xi32>,
        %gather3A_356 = tpu.vector_load_idx %arg12[%get3A_354] : memref<102400xi32, #tpu.memory_space<vmem>>[vector<16xi32>], vector<16xi32>,
        %max3A_357 = arith.maxsi %gather3A_355, %gather3A_356 : vector<16xi32>
        %mul3A_358 = arith.constant 16 : i32
        %mul3A_359 = arith.muli %scan3A_340, %mul3A_358 : i32
        %add3A_360 = arith.constant 2048 : i32
        %add3A_361 = arith.addi %add3A_360, %mul3A_359 : i32
        %get3A_362 = arith.constant 1 : i32
        %get3A_363 = arith.index_cast %get3A_362 : i32 to index
        %get3A_364 = arith.index_cast %add3A_361 : i32 to index
        %get3A_365 = tpu.vector_load %arg15[%get3A_363, %get3A_364] {strides = array<i32>} : memref<2x3072xi32, #tpu.memory_space<vmem>>, vector<16xi32>,
        %gather3A_366 = tpu.vector_load_idx %arg12[%get3A_365] : memref<102400xi32, #tpu.memory_space<vmem>>[vector<16xi32>], vector<16xi32>,
        %max3A_367 = arith.maxsi %max3A_357, %gather3A_366 : vector<16xi32>
        %mul3A_368 = arith.constant 16 : i32
        %mul3A_369 = arith.muli %scan3A_340, %mul3A_368 : i32
        %get3A_370 = arith.constant 1 : i32
        %get3A_371 = arith.index_cast %get3A_370 : i32 to index
        %get3A_372 = arith.index_cast %mul3A_369 : i32 to index
        %get3A_373 = tpu.vector_load %arg16[%get3A_371, %get3A_372] {strides = array<i32>} : memref<2x1024xf32, #tpu.memory_space<vmem>>, vector<16xf32>,
        %neg3A_374 = arith.constant 0.000000e+00 : f32
        %neg3A_375 = vector.broadcast %neg3A_374 : f32 to vector<16xf32>
        %neg3A_376 = arith.subf %neg3A_375, %get3A_373 : vector<16xf32>
        %add3A_377 = arith.addi %max3A_367, %iota3A : vector<16xi32>
        tpu.vector_store_idx %arg13[%add3A_377], %neg3A_376 {add = true} : memref<4096xf32, #tpu.memory_space<vmem>>[vector<16xi32>], vector<16xf32>,
        %scan3A_378 = arith.constant 3 : i32
        %scan3A_379 = arith.addi %scan3A_266, %scan3A_378 : i32
        %mul3A_380 = arith.constant 16 : i32
        %mul3A_381 = arith.muli %scan3A_379, %mul3A_380 : i32
        %get3A_382 = arith.constant 1 : i32
        %get3A_383 = arith.index_cast %get3A_382 : i32 to index
        %get3A_384 = arith.index_cast %mul3A_381 : i32 to index
        %get3A_385 = tpu.vector_load %arg15[%get3A_383, %get3A_384] {strides = array<i32>} : memref<2x3072xi32, #tpu.memory_space<vmem>>, vector<16xi32>,
        %mul3A_386 = arith.constant 16 : i32
        %mul3A_387 = arith.muli %scan3A_379, %mul3A_386 : i32
        %add3A_388 = arith.constant 1024 : i32
        %add3A_389 = arith.addi %add3A_388, %mul3A_387 : i32
        %get3A_390 = arith.constant 1 : i32
        %get3A_391 = arith.index_cast %get3A_390 : i32 to index
        %get3A_392 = arith.index_cast %add3A_389 : i32 to index
        %get3A_393 = tpu.vector_load %arg15[%get3A_391, %get3A_392] {strides = array<i32>} : memref<2x3072xi32, #tpu.memory_space<vmem>>, vector<16xi32>,
        %gather3A_394 = tpu.vector_load_idx %arg12[%get3A_385] : memref<102400xi32, #tpu.memory_space<vmem>>[vector<16xi32>], vector<16xi32>,
        %gather3A_395 = tpu.vector_load_idx %arg12[%get3A_393] : memref<102400xi32, #tpu.memory_space<vmem>>[vector<16xi32>], vector<16xi32>,
        %max3A_396 = arith.maxsi %gather3A_394, %gather3A_395 : vector<16xi32>
        %mul3A_397 = arith.constant 16 : i32
        %mul3A_398 = arith.muli %scan3A_379, %mul3A_397 : i32
        %add3A_399 = arith.constant 2048 : i32
        %add3A_400 = arith.addi %add3A_399, %mul3A_398 : i32
        %get3A_401 = arith.constant 1 : i32
        %get3A_402 = arith.index_cast %get3A_401 : i32 to index
        %get3A_403 = arith.index_cast %add3A_400 : i32 to index
        %get3A_404 = tpu.vector_load %arg15[%get3A_402, %get3A_403] {strides = array<i32>} : memref<2x3072xi32, #tpu.memory_space<vmem>>, vector<16xi32>,
        %gather3A_405 = tpu.vector_load_idx %arg12[%get3A_404] : memref<102400xi32, #tpu.memory_space<vmem>>[vector<16xi32>], vector<16xi32>,
        %max3A_406 = arith.maxsi %max3A_396, %gather3A_405 : vector<16xi32>
        %mul3A_407 = arith.constant 16 : i32
        %mul3A_408 = arith.muli %scan3A_379, %mul3A_407 : i32
        %get3A_409 = arith.constant 1 : i32
        %get3A_410 = arith.index_cast %get3A_409 : i32 to index
        %get3A_411 = arith.index_cast %mul3A_408 : i32 to index
        %get3A_412 = tpu.vector_load %arg16[%get3A_410, %get3A_411] {strides = array<i32>} : memref<2x1024xf32, #tpu.memory_space<vmem>>, vector<16xf32>,
        %neg3A_413 = arith.constant 0.000000e+00 : f32
        %neg3A_414 = vector.broadcast %neg3A_413 : f32 to vector<16xf32>
        %neg3A_415 = arith.subf %neg3A_414, %get3A_412 : vector<16xf32>
        %add3A_416 = arith.addi %max3A_406, %iota3A : vector<16xi32>
        tpu.vector_store_idx %arg13[%add3A_416], %neg3A_415 {add = true} : memref<4096xf32, #tpu.memory_space<vmem>>[vector<16xi32>], vector<16xf32>,
        %scan3A_417 = arith.constant 4 : i32
        %scan3A_418 = arith.addi %scan3A_266, %scan3A_417 : i32
        %mul3A_419 = arith.constant 16 : i32
        %mul3A_420 = arith.muli %scan3A_418, %mul3A_419 : i32
        %get3A_421 = arith.constant 1 : i32
        %get3A_422 = arith.index_cast %get3A_421 : i32 to index
        %get3A_423 = arith.index_cast %mul3A_420 : i32 to index
        %get3A_424 = tpu.vector_load %arg15[%get3A_422, %get3A_423] {strides = array<i32>} : memref<2x3072xi32, #tpu.memory_space<vmem>>, vector<16xi32>,
        %mul3A_425 = arith.constant 16 : i32
        %mul3A_426 = arith.muli %scan3A_418, %mul3A_425 : i32
        %add3A_427 = arith.constant 1024 : i32
        %add3A_428 = arith.addi %add3A_427, %mul3A_426 : i32
        %get3A_429 = arith.constant 1 : i32
        %get3A_430 = arith.index_cast %get3A_429 : i32 to index
        %get3A_431 = arith.index_cast %add3A_428 : i32 to index
        %get3A_432 = tpu.vector_load %arg15[%get3A_430, %get3A_431] {strides = array<i32>} : memref<2x3072xi32, #tpu.memory_space<vmem>>, vector<16xi32>,
        %gather3A_433 = tpu.vector_load_idx %arg12[%get3A_424] : memref<102400xi32, #tpu.memory_space<vmem>>[vector<16xi32>], vector<16xi32>,
        %gather3A_434 = tpu.vector_load_idx %arg12[%get3A_432] : memref<102400xi32, #tpu.memory_space<vmem>>[vector<16xi32>], vector<16xi32>,
        %max3A_435 = arith.maxsi %gather3A_433, %gather3A_434 : vector<16xi32>
        %mul3A_436 = arith.constant 16 : i32
        %mul3A_437 = arith.muli %scan3A_418, %mul3A_436 : i32
        %add3A_438 = arith.constant 2048 : i32
        %add3A_439 = arith.addi %add3A_438, %mul3A_437 : i32
        %get3A_440 = arith.constant 1 : i32
        %get3A_441 = arith.index_cast %get3A_440 : i32 to index
        %get3A_442 = arith.index_cast %add3A_439 : i32 to index
        %get3A_443 = tpu.vector_load %arg15[%get3A_441, %get3A_442] {strides = array<i32>} : memref<2x3072xi32, #tpu.memory_space<vmem>>, vector<16xi32>,
        %gather3A_444 = tpu.vector_load_idx %arg12[%get3A_443] : memref<102400xi32, #tpu.memory_space<vmem>>[vector<16xi32>], vector<16xi32>,
        %max3A_445 = arith.maxsi %max3A_435, %gather3A_444 : vector<16xi32>
        %mul3A_446 = arith.constant 16 : i32
        %mul3A_447 = arith.muli %scan3A_418, %mul3A_446 : i32
        %get3A_448 = arith.constant 1 : i32
        %get3A_449 = arith.index_cast %get3A_448 : i32 to index
        %get3A_450 = arith.index_cast %mul3A_447 : i32 to index
        %get3A_451 = tpu.vector_load %arg16[%get3A_449, %get3A_450] {strides = array<i32>} : memref<2x1024xf32, #tpu.memory_space<vmem>>, vector<16xf32>,
        %neg3A_452 = arith.constant 0.000000e+00 : f32
        %neg3A_453 = vector.broadcast %neg3A_452 : f32 to vector<16xf32>
        %neg3A_454 = arith.subf %neg3A_453, %get3A_451 : vector<16xf32>
        %add3A_455 = arith.addi %max3A_445, %iota3A : vector<16xi32>
        tpu.vector_store_idx %arg13[%add3A_455], %neg3A_454 {add = true} : memref<4096xf32, #tpu.memory_space<vmem>>[vector<16xi32>], vector<16xf32>,
        %scan3A_456 = arith.constant 5 : i32
        %scan3A_457 = arith.addi %scan3A_266, %scan3A_456 : i32
        %mul3A_458 = arith.constant 16 : i32
        %mul3A_459 = arith.muli %scan3A_457, %mul3A_458 : i32
        %get3A_460 = arith.constant 1 : i32
        %get3A_461 = arith.index_cast %get3A_460 : i32 to index
        %get3A_462 = arith.index_cast %mul3A_459 : i32 to index
        %get3A_463 = tpu.vector_load %arg15[%get3A_461, %get3A_462] {strides = array<i32>} : memref<2x3072xi32, #tpu.memory_space<vmem>>, vector<16xi32>,
        %mul3A_464 = arith.constant 16 : i32
        %mul3A_465 = arith.muli %scan3A_457, %mul3A_464 : i32
        %add3A_466 = arith.constant 1024 : i32
        %add3A_467 = arith.addi %add3A_466, %mul3A_465 : i32
        %get3A_468 = arith.constant 1 : i32
        %get3A_469 = arith.index_cast %get3A_468 : i32 to index
        %get3A_470 = arith.index_cast %add3A_467 : i32 to index
        %get3A_471 = tpu.vector_load %arg15[%get3A_469, %get3A_470] {strides = array<i32>} : memref<2x3072xi32, #tpu.memory_space<vmem>>, vector<16xi32>,
        %gather3A_472 = tpu.vector_load_idx %arg12[%get3A_463] : memref<102400xi32, #tpu.memory_space<vmem>>[vector<16xi32>], vector<16xi32>,
        %gather3A_473 = tpu.vector_load_idx %arg12[%get3A_471] : memref<102400xi32, #tpu.memory_space<vmem>>[vector<16xi32>], vector<16xi32>,
        %max3A_474 = arith.maxsi %gather3A_472, %gather3A_473 : vector<16xi32>
        %mul3A_475 = arith.constant 16 : i32
        %mul3A_476 = arith.muli %scan3A_457, %mul3A_475 : i32
        %add3A_477 = arith.constant 2048 : i32
        %add3A_478 = arith.addi %add3A_477, %mul3A_476 : i32
        %get3A_479 = arith.constant 1 : i32
        %get3A_480 = arith.index_cast %get3A_479 : i32 to index
        %get3A_481 = arith.index_cast %add3A_478 : i32 to index
        %get3A_482 = tpu.vector_load %arg15[%get3A_480, %get3A_481] {strides = array<i32>} : memref<2x3072xi32, #tpu.memory_space<vmem>>, vector<16xi32>,
        %gather3A_483 = tpu.vector_load_idx %arg12[%get3A_482] : memref<102400xi32, #tpu.memory_space<vmem>>[vector<16xi32>], vector<16xi32>,
        %max3A_484 = arith.maxsi %max3A_474, %gather3A_483 : vector<16xi32>
        %mul3A_485 = arith.constant 16 : i32
        %mul3A_486 = arith.muli %scan3A_457, %mul3A_485 : i32
        %get3A_487 = arith.constant 1 : i32
        %get3A_488 = arith.index_cast %get3A_487 : i32 to index
        %get3A_489 = arith.index_cast %mul3A_486 : i32 to index
        %get3A_490 = tpu.vector_load %arg16[%get3A_488, %get3A_489] {strides = array<i32>} : memref<2x1024xf32, #tpu.memory_space<vmem>>, vector<16xf32>,
        %neg3A_491 = arith.constant 0.000000e+00 : f32
        %neg3A_492 = vector.broadcast %neg3A_491 : f32 to vector<16xf32>
        %neg3A_493 = arith.subf %neg3A_492, %get3A_490 : vector<16xf32>
        %add3A_494 = arith.addi %max3A_484, %iota3A : vector<16xi32>
        tpu.vector_store_idx %arg13[%add3A_494], %neg3A_493 {add = true} : memref<4096xf32, #tpu.memory_space<vmem>>[vector<16xi32>], vector<16xf32>,
        %scan3A_495 = arith.constant 6 : i32
        %scan3A_496 = arith.addi %scan3A_266, %scan3A_495 : i32
        %mul3A_497 = arith.constant 16 : i32
        %mul3A_498 = arith.muli %scan3A_496, %mul3A_497 : i32
        %get3A_499 = arith.constant 1 : i32
        %get3A_500 = arith.index_cast %get3A_499 : i32 to index
        %get3A_501 = arith.index_cast %mul3A_498 : i32 to index
        %get3A_502 = tpu.vector_load %arg15[%get3A_500, %get3A_501] {strides = array<i32>} : memref<2x3072xi32, #tpu.memory_space<vmem>>, vector<16xi32>,
        %mul3A_503 = arith.constant 16 : i32
        %mul3A_504 = arith.muli %scan3A_496, %mul3A_503 : i32
        %add3A_505 = arith.constant 1024 : i32
        %add3A_506 = arith.addi %add3A_505, %mul3A_504 : i32
        %get3A_507 = arith.constant 1 : i32
        %get3A_508 = arith.index_cast %get3A_507 : i32 to index
        %get3A_509 = arith.index_cast %add3A_506 : i32 to index
        %get3A_510 = tpu.vector_load %arg15[%get3A_508, %get3A_509] {strides = array<i32>} : memref<2x3072xi32, #tpu.memory_space<vmem>>, vector<16xi32>,
        %gather3A_511 = tpu.vector_load_idx %arg12[%get3A_502] : memref<102400xi32, #tpu.memory_space<vmem>>[vector<16xi32>], vector<16xi32>,
        %gather3A_512 = tpu.vector_load_idx %arg12[%get3A_510] : memref<102400xi32, #tpu.memory_space<vmem>>[vector<16xi32>], vector<16xi32>,
        %max3A_513 = arith.maxsi %gather3A_511, %gather3A_512 : vector<16xi32>
        %mul3A_514 = arith.constant 16 : i32
        %mul3A_515 = arith.muli %scan3A_496, %mul3A_514 : i32
        %add3A_516 = arith.constant 2048 : i32
        %add3A_517 = arith.addi %add3A_516, %mul3A_515 : i32
        %get3A_518 = arith.constant 1 : i32
        %get3A_519 = arith.index_cast %get3A_518 : i32 to index
        %get3A_520 = arith.index_cast %add3A_517 : i32 to index
        %get3A_521 = tpu.vector_load %arg15[%get3A_519, %get3A_520] {strides = array<i32>} : memref<2x3072xi32, #tpu.memory_space<vmem>>, vector<16xi32>,
        %gather3A_522 = tpu.vector_load_idx %arg12[%get3A_521] : memref<102400xi32, #tpu.memory_space<vmem>>[vector<16xi32>], vector<16xi32>,
        %max3A_523 = arith.maxsi %max3A_513, %gather3A_522 : vector<16xi32>
        %mul3A_524 = arith.constant 16 : i32
        %mul3A_525 = arith.muli %scan3A_496, %mul3A_524 : i32
        %get3A_526 = arith.constant 1 : i32
        %get3A_527 = arith.index_cast %get3A_526 : i32 to index
        %get3A_528 = arith.index_cast %mul3A_525 : i32 to index
        %get3A_529 = tpu.vector_load %arg16[%get3A_527, %get3A_528] {strides = array<i32>} : memref<2x1024xf32, #tpu.memory_space<vmem>>, vector<16xf32>,
        %neg3A_530 = arith.constant 0.000000e+00 : f32
        %neg3A_531 = vector.broadcast %neg3A_530 : f32 to vector<16xf32>
        %neg3A_532 = arith.subf %neg3A_531, %get3A_529 : vector<16xf32>
        %add3A_533 = arith.addi %max3A_523, %iota3A : vector<16xi32>
        tpu.vector_store_idx %arg13[%add3A_533], %neg3A_532 {add = true} : memref<4096xf32, #tpu.memory_space<vmem>>[vector<16xi32>], vector<16xf32>,
        %scan3A_534 = arith.constant 7 : i32
        %scan3A_535 = arith.addi %scan3A_266, %scan3A_534 : i32
        %mul3A_536 = arith.constant 16 : i32
        %mul3A_537 = arith.muli %scan3A_535, %mul3A_536 : i32
        %get3A_538 = arith.constant 1 : i32
        %get3A_539 = arith.index_cast %get3A_538 : i32 to index
        %get3A_540 = arith.index_cast %mul3A_537 : i32 to index
        %get3A_541 = tpu.vector_load %arg15[%get3A_539, %get3A_540] {strides = array<i32>} : memref<2x3072xi32, #tpu.memory_space<vmem>>, vector<16xi32>,
        %mul3A_542 = arith.constant 16 : i32
        %mul3A_543 = arith.muli %scan3A_535, %mul3A_542 : i32
        %add3A_544 = arith.constant 1024 : i32
        %add3A_545 = arith.addi %add3A_544, %mul3A_543 : i32
        %get3A_546 = arith.constant 1 : i32
        %get3A_547 = arith.index_cast %get3A_546 : i32 to index
        %get3A_548 = arith.index_cast %add3A_545 : i32 to index
        %get3A_549 = tpu.vector_load %arg15[%get3A_547, %get3A_548] {strides = array<i32>} : memref<2x3072xi32, #tpu.memory_space<vmem>>, vector<16xi32>,
        %gather3A_550 = tpu.vector_load_idx %arg12[%get3A_541] : memref<102400xi32, #tpu.memory_space<vmem>>[vector<16xi32>], vector<16xi32>,
        %gather3A_551 = tpu.vector_load_idx %arg12[%get3A_549] : memref<102400xi32, #tpu.memory_space<vmem>>[vector<16xi32>], vector<16xi32>,
        %max3A_552 = arith.maxsi %gather3A_550, %gather3A_551 : vector<16xi32>
        %mul3A_553 = arith.constant 16 : i32
        %mul3A_554 = arith.muli %scan3A_535, %mul3A_553 : i32
        %add3A_555 = arith.constant 2048 : i32
        %add3A_556 = arith.addi %add3A_555, %mul3A_554 : i32
        %get3A_557 = arith.constant 1 : i32
        %get3A_558 = arith.index_cast %get3A_557 : i32 to index
        %get3A_559 = arith.index_cast %add3A_556 : i32 to index
        %get3A_560 = tpu.vector_load %arg15[%get3A_558, %get3A_559] {strides = array<i32>} : memref<2x3072xi32, #tpu.memory_space<vmem>>, vector<16xi32>,
        %gather3A_561 = tpu.vector_load_idx %arg12[%get3A_560] : memref<102400xi32, #tpu.memory_space<vmem>>[vector<16xi32>], vector<16xi32>,
        %max3A_562 = arith.maxsi %max3A_552, %gather3A_561 : vector<16xi32>
        %mul3A_563 = arith.constant 16 : i32
        %mul3A_564 = arith.muli %scan3A_535, %mul3A_563 : i32
        %get3A_565 = arith.constant 1 : i32
        %get3A_566 = arith.index_cast %get3A_565 : i32 to index
        %get3A_567 = arith.index_cast %mul3A_564 : i32 to index
        %get3A_568 = tpu.vector_load %arg16[%get3A_566, %get3A_567] {strides = array<i32>} : memref<2x1024xf32, #tpu.memory_space<vmem>>, vector<16xf32>,
        %neg3A_569 = arith.constant 0.000000e+00 : f32
        %neg3A_570 = vector.broadcast %neg3A_569 : f32 to vector<16xf32>
        %neg3A_571 = arith.subf %neg3A_570, %get3A_568 : vector<16xf32>
        %add3A_572 = arith.addi %max3A_562, %iota3A : vector<16xi32>
        tpu.vector_store_idx %arg13[%add3A_572], %neg3A_571 {add = true} : memref<4096xf32, #tpu.memory_space<vmem>>[vector<16xi32>], vector<16xf32>,
        %scan3A_573 = arith.constant 8 : i32
        %scan3A_574 = arith.addi %scan3A_266, %scan3A_573 : i32
        %mul3A_575 = arith.constant 16 : i32
        %mul3A_576 = arith.muli %scan3A_574, %mul3A_575 : i32
        %get3A_577 = arith.constant 1 : i32
        %get3A_578 = arith.index_cast %get3A_577 : i32 to index
        %get3A_579 = arith.index_cast %mul3A_576 : i32 to index
        %get3A_580 = tpu.vector_load %arg15[%get3A_578, %get3A_579] {strides = array<i32>} : memref<2x3072xi32, #tpu.memory_space<vmem>>, vector<16xi32>,
        %mul3A_581 = arith.constant 16 : i32
        %mul3A_582 = arith.muli %scan3A_574, %mul3A_581 : i32
        %add3A_583 = arith.constant 1024 : i32
        %add3A_584 = arith.addi %add3A_583, %mul3A_582 : i32
        %get3A_585 = arith.constant 1 : i32
        %get3A_586 = arith.index_cast %get3A_585 : i32 to index
        %get3A_587 = arith.index_cast %add3A_584 : i32 to index
        %get3A_588 = tpu.vector_load %arg15[%get3A_586, %get3A_587] {strides = array<i32>} : memref<2x3072xi32, #tpu.memory_space<vmem>>, vector<16xi32>,
        %gather3A_589 = tpu.vector_load_idx %arg12[%get3A_580] : memref<102400xi32, #tpu.memory_space<vmem>>[vector<16xi32>], vector<16xi32>,
        %gather3A_590 = tpu.vector_load_idx %arg12[%get3A_588] : memref<102400xi32, #tpu.memory_space<vmem>>[vector<16xi32>], vector<16xi32>,
        %max3A_591 = arith.maxsi %gather3A_589, %gather3A_590 : vector<16xi32>
        %mul3A_592 = arith.constant 16 : i32
        %mul3A_593 = arith.muli %scan3A_574, %mul3A_592 : i32
        %add3A_594 = arith.constant 2048 : i32
        %add3A_595 = arith.addi %add3A_594, %mul3A_593 : i32
        %get3A_596 = arith.constant 1 : i32
        %get3A_597 = arith.index_cast %get3A_596 : i32 to index
        %get3A_598 = arith.index_cast %add3A_595 : i32 to index
        %get3A_599 = tpu.vector_load %arg15[%get3A_597, %get3A_598] {strides = array<i32>} : memref<2x3072xi32, #tpu.memory_space<vmem>>, vector<16xi32>,
        %gather3A_600 = tpu.vector_load_idx %arg12[%get3A_599] : memref<102400xi32, #tpu.memory_space<vmem>>[vector<16xi32>], vector<16xi32>,
        %max3A_601 = arith.maxsi %max3A_591, %gather3A_600 : vector<16xi32>
        %mul3A_602 = arith.constant 16 : i32
        %mul3A_603 = arith.muli %scan3A_574, %mul3A_602 : i32
        %get3A_604 = arith.constant 1 : i32
        %get3A_605 = arith.index_cast %get3A_604 : i32 to index
        %get3A_606 = arith.index_cast %mul3A_603 : i32 to index
        %get3A_607 = tpu.vector_load %arg16[%get3A_605, %get3A_606] {strides = array<i32>} : memref<2x1024xf32, #tpu.memory_space<vmem>>, vector<16xf32>,
        %neg3A_608 = arith.constant 0.000000e+00 : f32
        %neg3A_609 = vector.broadcast %neg3A_608 : f32 to vector<16xf32>
        %neg3A_610 = arith.subf %neg3A_609, %get3A_607 : vector<16xf32>
        %add3A_611 = arith.addi %max3A_601, %iota3A : vector<16xi32>
        tpu.vector_store_idx %arg13[%add3A_611], %neg3A_610 {add = true} : memref<4096xf32, #tpu.memory_space<vmem>>[vector<16xi32>], vector<16xf32>,
        %scan3A_612 = arith.constant 9 : i32
        %scan3A_613 = arith.addi %scan3A_266, %scan3A_612 : i32
        %mul3A_614 = arith.constant 16 : i32
        %mul3A_615 = arith.muli %scan3A_613, %mul3A_614 : i32
        %get3A_616 = arith.constant 1 : i32
        %get3A_617 = arith.index_cast %get3A_616 : i32 to index
        %get3A_618 = arith.index_cast %mul3A_615 : i32 to index
        %get3A_619 = tpu.vector_load %arg15[%get3A_617, %get3A_618] {strides = array<i32>} : memref<2x3072xi32, #tpu.memory_space<vmem>>, vector<16xi32>,
        %mul3A_620 = arith.constant 16 : i32
        %mul3A_621 = arith.muli %scan3A_613, %mul3A_620 : i32
        %add3A_622 = arith.constant 1024 : i32
        %add3A_623 = arith.addi %add3A_622, %mul3A_621 : i32
        %get3A_624 = arith.constant 1 : i32
        %get3A_625 = arith.index_cast %get3A_624 : i32 to index
        %get3A_626 = arith.index_cast %add3A_623 : i32 to index
        %get3A_627 = tpu.vector_load %arg15[%get3A_625, %get3A_626] {strides = array<i32>} : memref<2x3072xi32, #tpu.memory_space<vmem>>, vector<16xi32>,
        %gather3A_628 = tpu.vector_load_idx %arg12[%get3A_619] : memref<102400xi32, #tpu.memory_space<vmem>>[vector<16xi32>], vector<16xi32>,
        %gather3A_629 = tpu.vector_load_idx %arg12[%get3A_627] : memref<102400xi32, #tpu.memory_space<vmem>>[vector<16xi32>], vector<16xi32>,
        %max3A_630 = arith.maxsi %gather3A_628, %gather3A_629 : vector<16xi32>
        %mul3A_631 = arith.constant 16 : i32
        %mul3A_632 = arith.muli %scan3A_613, %mul3A_631 : i32
        %add3A_633 = arith.constant 2048 : i32
        %add3A_634 = arith.addi %add3A_633, %mul3A_632 : i32
        %get3A_635 = arith.constant 1 : i32
        %get3A_636 = arith.index_cast %get3A_635 : i32 to index
        %get3A_637 = arith.index_cast %add3A_634 : i32 to index
        %get3A_638 = tpu.vector_load %arg15[%get3A_636, %get3A_637] {strides = array<i32>} : memref<2x3072xi32, #tpu.memory_space<vmem>>, vector<16xi32>,
        %gather3A_639 = tpu.vector_load_idx %arg12[%get3A_638] : memref<102400xi32, #tpu.memory_space<vmem>>[vector<16xi32>], vector<16xi32>,
        %max3A_640 = arith.maxsi %max3A_630, %gather3A_639 : vector<16xi32>
        %mul3A_641 = arith.constant 16 : i32
        %mul3A_642 = arith.muli %scan3A_613, %mul3A_641 : i32
        %get3A_643 = arith.constant 1 : i32
        %get3A_644 = arith.index_cast %get3A_643 : i32 to index
        %get3A_645 = arith.index_cast %mul3A_642 : i32 to index
        %get3A_646 = tpu.vector_load %arg16[%get3A_644, %get3A_645] {strides = array<i32>} : memref<2x1024xf32, #tpu.memory_space<vmem>>, vector<16xf32>,
        %neg3A_647 = arith.constant 0.000000e+00 : f32
        %neg3A_648 = vector.broadcast %neg3A_647 : f32 to vector<16xf32>
        %neg3A_649 = arith.subf %neg3A_648, %get3A_646 : vector<16xf32>
        %add3A_650 = arith.addi %max3A_640, %iota3A : vector<16xi32>
        tpu.vector_store_idx %arg13[%add3A_650], %neg3A_649 {add = true} : memref<4096xf32, #tpu.memory_space<vmem>>[vector<16xi32>], vector<16xf32>,
        %scan3A_651 = arith.constant 10 : i32
        %scan3A_652 = arith.addi %scan3A_266, %scan3A_651 : i32
        %mul3A_653 = arith.constant 16 : i32
        %mul3A_654 = arith.muli %scan3A_652, %mul3A_653 : i32
        %get3A_655 = arith.constant 1 : i32
        %get3A_656 = arith.index_cast %get3A_655 : i32 to index
        %get3A_657 = arith.index_cast %mul3A_654 : i32 to index
        %get3A_658 = tpu.vector_load %arg15[%get3A_656, %get3A_657] {strides = array<i32>} : memref<2x3072xi32, #tpu.memory_space<vmem>>, vector<16xi32>,
        %mul3A_659 = arith.constant 16 : i32
        %mul3A_660 = arith.muli %scan3A_652, %mul3A_659 : i32
        %add3A_661 = arith.constant 1024 : i32
        %add3A_662 = arith.addi %add3A_661, %mul3A_660 : i32
        %get3A_663 = arith.constant 1 : i32
        %get3A_664 = arith.index_cast %get3A_663 : i32 to index
        %get3A_665 = arith.index_cast %add3A_662 : i32 to index
        %get3A_666 = tpu.vector_load %arg15[%get3A_664, %get3A_665] {strides = array<i32>} : memref<2x3072xi32, #tpu.memory_space<vmem>>, vector<16xi32>,
        %gather3A_667 = tpu.vector_load_idx %arg12[%get3A_658] : memref<102400xi32, #tpu.memory_space<vmem>>[vector<16xi32>], vector<16xi32>,
        %gather3A_668 = tpu.vector_load_idx %arg12[%get3A_666] : memref<102400xi32, #tpu.memory_space<vmem>>[vector<16xi32>], vector<16xi32>,
        %max3A_669 = arith.maxsi %gather3A_667, %gather3A_668 : vector<16xi32>
        %mul3A_670 = arith.constant 16 : i32
        %mul3A_671 = arith.muli %scan3A_652, %mul3A_670 : i32
        %add3A_672 = arith.constant 2048 : i32
        %add3A_673 = arith.addi %add3A_672, %mul3A_671 : i32
        %get3A_674 = arith.constant 1 : i32
        %get3A_675 = arith.index_cast %get3A_674 : i32 to index
        %get3A_676 = arith.index_cast %add3A_673 : i32 to index
        %get3A_677 = tpu.vector_load %arg15[%get3A_675, %get3A_676] {strides = array<i32>} : memref<2x3072xi32, #tpu.memory_space<vmem>>, vector<16xi32>,
        %gather3A_678 = tpu.vector_load_idx %arg12[%get3A_677] : memref<102400xi32, #tpu.memory_space<vmem>>[vector<16xi32>], vector<16xi32>,
        %max3A_679 = arith.maxsi %max3A_669, %gather3A_678 : vector<16xi32>
        %mul3A_680 = arith.constant 16 : i32
        %mul3A_681 = arith.muli %scan3A_652, %mul3A_680 : i32
        %get3A_682 = arith.constant 1 : i32
        %get3A_683 = arith.index_cast %get3A_682 : i32 to index
        %get3A_684 = arith.index_cast %mul3A_681 : i32 to index
        %get3A_685 = tpu.vector_load %arg16[%get3A_683, %get3A_684] {strides = array<i32>} : memref<2x1024xf32, #tpu.memory_space<vmem>>, vector<16xf32>,
        %neg3A_686 = arith.constant 0.000000e+00 : f32
        %neg3A_687 = vector.broadcast %neg3A_686 : f32 to vector<16xf32>
        %neg3A_688 = arith.subf %neg3A_687, %get3A_685 : vector<16xf32>
        %add3A_689 = arith.addi %max3A_679, %iota3A : vector<16xi32>
        tpu.vector_store_idx %arg13[%add3A_689], %neg3A_688 {add = true} : memref<4096xf32, #tpu.memory_space<vmem>>[vector<16xi32>], vector<16xf32>,
        %scan3A_690 = arith.constant 11 : i32
        %scan3A_691 = arith.addi %scan3A_266, %scan3A_690 : i32
        %mul3A_692 = arith.constant 16 : i32
        %mul3A_693 = arith.muli %scan3A_691, %mul3A_692 : i32
        %get3A_694 = arith.constant 1 : i32
        %get3A_695 = arith.index_cast %get3A_694 : i32 to index
        %get3A_696 = arith.index_cast %mul3A_693 : i32 to index
        %get3A_697 = tpu.vector_load %arg15[%get3A_695, %get3A_696] {strides = array<i32>} : memref<2x3072xi32, #tpu.memory_space<vmem>>, vector<16xi32>,
        %mul3A_698 = arith.constant 16 : i32
        %mul3A_699 = arith.muli %scan3A_691, %mul3A_698 : i32
        %add3A_700 = arith.constant 1024 : i32
        %add3A_701 = arith.addi %add3A_700, %mul3A_699 : i32
        %get3A_702 = arith.constant 1 : i32
        %get3A_703 = arith.index_cast %get3A_702 : i32 to index
        %get3A_704 = arith.index_cast %add3A_701 : i32 to index
        %get3A_705 = tpu.vector_load %arg15[%get3A_703, %get3A_704] {strides = array<i32>} : memref<2x3072xi32, #tpu.memory_space<vmem>>, vector<16xi32>,
        %gather3A_706 = tpu.vector_load_idx %arg12[%get3A_697] : memref<102400xi32, #tpu.memory_space<vmem>>[vector<16xi32>], vector<16xi32>,
        %gather3A_707 = tpu.vector_load_idx %arg12[%get3A_705] : memref<102400xi32, #tpu.memory_space<vmem>>[vector<16xi32>], vector<16xi32>,
        %max3A_708 = arith.maxsi %gather3A_706, %gather3A_707 : vector<16xi32>
        %mul3A_709 = arith.constant 16 : i32
        %mul3A_710 = arith.muli %scan3A_691, %mul3A_709 : i32
        %add3A_711 = arith.constant 2048 : i32
        %add3A_712 = arith.addi %add3A_711, %mul3A_710 : i32
        %get3A_713 = arith.constant 1 : i32
        %get3A_714 = arith.index_cast %get3A_713 : i32 to index
        %get3A_715 = arith.index_cast %add3A_712 : i32 to index
        %get3A_716 = tpu.vector_load %arg15[%get3A_714, %get3A_715] {strides = array<i32>} : memref<2x3072xi32, #tpu.memory_space<vmem>>, vector<16xi32>,
        %gather3A_717 = tpu.vector_load_idx %arg12[%get3A_716] : memref<102400xi32, #tpu.memory_space<vmem>>[vector<16xi32>], vector<16xi32>,
        %max3A_718 = arith.maxsi %max3A_708, %gather3A_717 : vector<16xi32>
        %mul3A_719 = arith.constant 16 : i32
        %mul3A_720 = arith.muli %scan3A_691, %mul3A_719 : i32
        %get3A_721 = arith.constant 1 : i32
        %get3A_722 = arith.index_cast %get3A_721 : i32 to index
        %get3A_723 = arith.index_cast %mul3A_720 : i32 to index
        %get3A_724 = tpu.vector_load %arg16[%get3A_722, %get3A_723] {strides = array<i32>} : memref<2x1024xf32, #tpu.memory_space<vmem>>, vector<16xf32>,
        %neg3A_725 = arith.constant 0.000000e+00 : f32
        %neg3A_726 = vector.broadcast %neg3A_725 : f32 to vector<16xf32>
        %neg3A_727 = arith.subf %neg3A_726, %get3A_724 : vector<16xf32>
        %add3A_728 = arith.addi %max3A_718, %iota3A : vector<16xi32>
        tpu.vector_store_idx %arg13[%add3A_728], %neg3A_727 {add = true} : memref<4096xf32, #tpu.memory_space<vmem>>[vector<16xi32>], vector<16xf32>,
        %scan3A_729 = arith.constant 12 : i32
        %scan3A_730 = arith.addi %scan3A_266, %scan3A_729 : i32
        %mul3A_731 = arith.constant 16 : i32
        %mul3A_732 = arith.muli %scan3A_730, %mul3A_731 : i32
        %get3A_733 = arith.constant 1 : i32
        %get3A_734 = arith.index_cast %get3A_733 : i32 to index
        %get3A_735 = arith.index_cast %mul3A_732 : i32 to index
        %get3A_736 = tpu.vector_load %arg15[%get3A_734, %get3A_735] {strides = array<i32>} : memref<2x3072xi32, #tpu.memory_space<vmem>>, vector<16xi32>,
        %mul3A_737 = arith.constant 16 : i32
        %mul3A_738 = arith.muli %scan3A_730, %mul3A_737 : i32
        %add3A_739 = arith.constant 1024 : i32
        %add3A_740 = arith.addi %add3A_739, %mul3A_738 : i32
        %get3A_741 = arith.constant 1 : i32
        %get3A_742 = arith.index_cast %get3A_741 : i32 to index
        %get3A_743 = arith.index_cast %add3A_740 : i32 to index
        %get3A_744 = tpu.vector_load %arg15[%get3A_742, %get3A_743] {strides = array<i32>} : memref<2x3072xi32, #tpu.memory_space<vmem>>, vector<16xi32>,
        %gather3A_745 = tpu.vector_load_idx %arg12[%get3A_736] : memref<102400xi32, #tpu.memory_space<vmem>>[vector<16xi32>], vector<16xi32>,
        %gather3A_746 = tpu.vector_load_idx %arg12[%get3A_744] : memref<102400xi32, #tpu.memory_space<vmem>>[vector<16xi32>], vector<16xi32>,
        %max3A_747 = arith.maxsi %gather3A_745, %gather3A_746 : vector<16xi32>
        %mul3A_748 = arith.constant 16 : i32
        %mul3A_749 = arith.muli %scan3A_730, %mul3A_748 : i32
        %add3A_750 = arith.constant 2048 : i32
        %add3A_751 = arith.addi %add3A_750, %mul3A_749 : i32
        %get3A_752 = arith.constant 1 : i32
        %get3A_753 = arith.index_cast %get3A_752 : i32 to index
        %get3A_754 = arith.index_cast %add3A_751 : i32 to index
        %get3A_755 = tpu.vector_load %arg15[%get3A_753, %get3A_754] {strides = array<i32>} : memref<2x3072xi32, #tpu.memory_space<vmem>>, vector<16xi32>,
        %gather3A_756 = tpu.vector_load_idx %arg12[%get3A_755] : memref<102400xi32, #tpu.memory_space<vmem>>[vector<16xi32>], vector<16xi32>,
        %max3A_757 = arith.maxsi %max3A_747, %gather3A_756 : vector<16xi32>
        %mul3A_758 = arith.constant 16 : i32
        %mul3A_759 = arith.muli %scan3A_730, %mul3A_758 : i32
        %get3A_760 = arith.constant 1 : i32
        %get3A_761 = arith.index_cast %get3A_760 : i32 to index
        %get3A_762 = arith.index_cast %mul3A_759 : i32 to index
        %get3A_763 = tpu.vector_load %arg16[%get3A_761, %get3A_762] {strides = array<i32>} : memref<2x1024xf32, #tpu.memory_space<vmem>>, vector<16xf32>,
        %neg3A_764 = arith.constant 0.000000e+00 : f32
        %neg3A_765 = vector.broadcast %neg3A_764 : f32 to vector<16xf32>
        %neg3A_766 = arith.subf %neg3A_765, %get3A_763 : vector<16xf32>
        %add3A_767 = arith.addi %max3A_757, %iota3A : vector<16xi32>
        tpu.vector_store_idx %arg13[%add3A_767], %neg3A_766 {add = true} : memref<4096xf32, #tpu.memory_space<vmem>>[vector<16xi32>], vector<16xf32>,
        %scan3A_768 = arith.constant 13 : i32
        %scan3A_769 = arith.addi %scan3A_266, %scan3A_768 : i32
        %mul3A_770 = arith.constant 16 : i32
        %mul3A_771 = arith.muli %scan3A_769, %mul3A_770 : i32
        %get3A_772 = arith.constant 1 : i32
        %get3A_773 = arith.index_cast %get3A_772 : i32 to index
        %get3A_774 = arith.index_cast %mul3A_771 : i32 to index
        %get3A_775 = tpu.vector_load %arg15[%get3A_773, %get3A_774] {strides = array<i32>} : memref<2x3072xi32, #tpu.memory_space<vmem>>, vector<16xi32>,
        %mul3A_776 = arith.constant 16 : i32
        %mul3A_777 = arith.muli %scan3A_769, %mul3A_776 : i32
        %add3A_778 = arith.constant 1024 : i32
        %add3A_779 = arith.addi %add3A_778, %mul3A_777 : i32
        %get3A_780 = arith.constant 1 : i32
        %get3A_781 = arith.index_cast %get3A_780 : i32 to index
        %get3A_782 = arith.index_cast %add3A_779 : i32 to index
        %get3A_783 = tpu.vector_load %arg15[%get3A_781, %get3A_782] {strides = array<i32>} : memref<2x3072xi32, #tpu.memory_space<vmem>>, vector<16xi32>,
        %gather3A_784 = tpu.vector_load_idx %arg12[%get3A_775] : memref<102400xi32, #tpu.memory_space<vmem>>[vector<16xi32>], vector<16xi32>,
        %gather3A_785 = tpu.vector_load_idx %arg12[%get3A_783] : memref<102400xi32, #tpu.memory_space<vmem>>[vector<16xi32>], vector<16xi32>,
        %max3A_786 = arith.maxsi %gather3A_784, %gather3A_785 : vector<16xi32>
        %mul3A_787 = arith.constant 16 : i32
        %mul3A_788 = arith.muli %scan3A_769, %mul3A_787 : i32
        %add3A_789 = arith.constant 2048 : i32
        %add3A_790 = arith.addi %add3A_789, %mul3A_788 : i32
        %get3A_791 = arith.constant 1 : i32
        %get3A_792 = arith.index_cast %get3A_791 : i32 to index
        %get3A_793 = arith.index_cast %add3A_790 : i32 to index
        %get3A_794 = tpu.vector_load %arg15[%get3A_792, %get3A_793] {strides = array<i32>} : memref<2x3072xi32, #tpu.memory_space<vmem>>, vector<16xi32>,
        %gather3A_795 = tpu.vector_load_idx %arg12[%get3A_794] : memref<102400xi32, #tpu.memory_space<vmem>>[vector<16xi32>], vector<16xi32>,
        %max3A_796 = arith.maxsi %max3A_786, %gather3A_795 : vector<16xi32>
        %mul3A_797 = arith.constant 16 : i32
        %mul3A_798 = arith.muli %scan3A_769, %mul3A_797 : i32
        %get3A_799 = arith.constant 1 : i32
        %get3A_800 = arith.index_cast %get3A_799 : i32 to index
        %get3A_801 = arith.index_cast %mul3A_798 : i32 to index
        %get3A_802 = tpu.vector_load %arg16[%get3A_800, %get3A_801] {strides = array<i32>} : memref<2x1024xf32, #tpu.memory_space<vmem>>, vector<16xf32>,
        %neg3A_803 = arith.constant 0.000000e+00 : f32
        %neg3A_804 = vector.broadcast %neg3A_803 : f32 to vector<16xf32>
        %neg3A_805 = arith.subf %neg3A_804, %get3A_802 : vector<16xf32>
        %add3A_806 = arith.addi %max3A_796, %iota3A : vector<16xi32>
        tpu.vector_store_idx %arg13[%add3A_806], %neg3A_805 {add = true} : memref<4096xf32, #tpu.memory_space<vmem>>[vector<16xi32>], vector<16xf32>,
        %scan3A_807 = arith.constant 14 : i32
        %scan3A_808 = arith.addi %scan3A_266, %scan3A_807 : i32
        %mul3A_809 = arith.constant 16 : i32
        %mul3A_810 = arith.muli %scan3A_808, %mul3A_809 : i32
        %get3A_811 = arith.constant 1 : i32
        %get3A_812 = arith.index_cast %get3A_811 : i32 to index
        %get3A_813 = arith.index_cast %mul3A_810 : i32 to index
        %get3A_814 = tpu.vector_load %arg15[%get3A_812, %get3A_813] {strides = array<i32>} : memref<2x3072xi32, #tpu.memory_space<vmem>>, vector<16xi32>,
        %mul3A_815 = arith.constant 16 : i32
        %mul3A_816 = arith.muli %scan3A_808, %mul3A_815 : i32
        %add3A_817 = arith.constant 1024 : i32
        %add3A_818 = arith.addi %add3A_817, %mul3A_816 : i32
        %get3A_819 = arith.constant 1 : i32
        %get3A_820 = arith.index_cast %get3A_819 : i32 to index
        %get3A_821 = arith.index_cast %add3A_818 : i32 to index
        %get3A_822 = tpu.vector_load %arg15[%get3A_820, %get3A_821] {strides = array<i32>} : memref<2x3072xi32, #tpu.memory_space<vmem>>, vector<16xi32>,
        %gather3A_823 = tpu.vector_load_idx %arg12[%get3A_814] : memref<102400xi32, #tpu.memory_space<vmem>>[vector<16xi32>], vector<16xi32>,
        %gather3A_824 = tpu.vector_load_idx %arg12[%get3A_822] : memref<102400xi32, #tpu.memory_space<vmem>>[vector<16xi32>], vector<16xi32>,
        %max3A_825 = arith.maxsi %gather3A_823, %gather3A_824 : vector<16xi32>
        %mul3A_826 = arith.constant 16 : i32
        %mul3A_827 = arith.muli %scan3A_808, %mul3A_826 : i32
        %add3A_828 = arith.constant 2048 : i32
        %add3A_829 = arith.addi %add3A_828, %mul3A_827 : i32
        %get3A_830 = arith.constant 1 : i32
        %get3A_831 = arith.index_cast %get3A_830 : i32 to index
        %get3A_832 = arith.index_cast %add3A_829 : i32 to index
        %get3A_833 = tpu.vector_load %arg15[%get3A_831, %get3A_832] {strides = array<i32>} : memref<2x3072xi32, #tpu.memory_space<vmem>>, vector<16xi32>,
        %gather3A_834 = tpu.vector_load_idx %arg12[%get3A_833] : memref<102400xi32, #tpu.memory_space<vmem>>[vector<16xi32>], vector<16xi32>,
        %max3A_835 = arith.maxsi %max3A_825, %gather3A_834 : vector<16xi32>
        %mul3A_836 = arith.constant 16 : i32
        %mul3A_837 = arith.muli %scan3A_808, %mul3A_836 : i32
        %get3A_838 = arith.constant 1 : i32
        %get3A_839 = arith.index_cast %get3A_838 : i32 to index
        %get3A_840 = arith.index_cast %mul3A_837 : i32 to index
        %get3A_841 = tpu.vector_load %arg16[%get3A_839, %get3A_840] {strides = array<i32>} : memref<2x1024xf32, #tpu.memory_space<vmem>>, vector<16xf32>,
        %neg3A_842 = arith.constant 0.000000e+00 : f32
        %neg3A_843 = vector.broadcast %neg3A_842 : f32 to vector<16xf32>
        %neg3A_844 = arith.subf %neg3A_843, %get3A_841 : vector<16xf32>
        %add3A_845 = arith.addi %max3A_835, %iota3A : vector<16xi32>
        tpu.vector_store_idx %arg13[%add3A_845], %neg3A_844 {add = true} : memref<4096xf32, #tpu.memory_space<vmem>>[vector<16xi32>], vector<16xf32>,
        %scan3A_846 = arith.constant 15 : i32
        %scan3A_847 = arith.addi %scan3A_266, %scan3A_846 : i32
        %mul3A_848 = arith.constant 16 : i32
        %mul3A_849 = arith.muli %scan3A_847, %mul3A_848 : i32
        %get3A_850 = arith.constant 1 : i32
        %get3A_851 = arith.index_cast %get3A_850 : i32 to index
        %get3A_852 = arith.index_cast %mul3A_849 : i32 to index
        %get3A_853 = tpu.vector_load %arg15[%get3A_851, %get3A_852] {strides = array<i32>} : memref<2x3072xi32, #tpu.memory_space<vmem>>, vector<16xi32>,
        %mul3A_854 = arith.constant 16 : i32
        %mul3A_855 = arith.muli %scan3A_847, %mul3A_854 : i32
        %add3A_856 = arith.constant 1024 : i32
        %add3A_857 = arith.addi %add3A_856, %mul3A_855 : i32
        %get3A_858 = arith.constant 1 : i32
        %get3A_859 = arith.index_cast %get3A_858 : i32 to index
        %get3A_860 = arith.index_cast %add3A_857 : i32 to index
        %get3A_861 = tpu.vector_load %arg15[%get3A_859, %get3A_860] {strides = array<i32>} : memref<2x3072xi32, #tpu.memory_space<vmem>>, vector<16xi32>,
        %gather3A_862 = tpu.vector_load_idx %arg12[%get3A_853] : memref<102400xi32, #tpu.memory_space<vmem>>[vector<16xi32>], vector<16xi32>,
        %gather3A_863 = tpu.vector_load_idx %arg12[%get3A_861] : memref<102400xi32, #tpu.memory_space<vmem>>[vector<16xi32>], vector<16xi32>,
        %max3A_864 = arith.maxsi %gather3A_862, %gather3A_863 : vector<16xi32>
        %mul3A_865 = arith.constant 16 : i32
        %mul3A_866 = arith.muli %scan3A_847, %mul3A_865 : i32
        %add3A_867 = arith.constant 2048 : i32
        %add3A_868 = arith.addi %add3A_867, %mul3A_866 : i32
        %get3A_869 = arith.constant 1 : i32
        %get3A_870 = arith.index_cast %get3A_869 : i32 to index
        %get3A_871 = arith.index_cast %add3A_868 : i32 to index
        %get3A_872 = tpu.vector_load %arg15[%get3A_870, %get3A_871] {strides = array<i32>} : memref<2x3072xi32, #tpu.memory_space<vmem>>, vector<16xi32>,
        %gather3A_873 = tpu.vector_load_idx %arg12[%get3A_872] : memref<102400xi32, #tpu.memory_space<vmem>>[vector<16xi32>], vector<16xi32>,
        %max3A_874 = arith.maxsi %max3A_864, %gather3A_873 : vector<16xi32>
        %mul3A_875 = arith.constant 16 : i32
        %mul3A_876 = arith.muli %scan3A_847, %mul3A_875 : i32
        %get3A_877 = arith.constant 1 : i32
        %get3A_878 = arith.index_cast %get3A_877 : i32 to index
        %get3A_879 = arith.index_cast %mul3A_876 : i32 to index
        %get3A_880 = tpu.vector_load %arg16[%get3A_878, %get3A_879] {strides = array<i32>} : memref<2x1024xf32, #tpu.memory_space<vmem>>, vector<16xf32>,
        %neg3A_881 = arith.constant 0.000000e+00 : f32
        %neg3A_882 = vector.broadcast %neg3A_881 : f32 to vector<16xf32>
        %neg3A_883 = arith.subf %neg3A_882, %get3A_880 : vector<16xf32>
        %add3A_884 = arith.addi %max3A_874, %iota3A : vector<16xi32>
        tpu.vector_store_idx %arg13[%add3A_884], %neg3A_883 {add = true} : memref<4096xf32, #tpu.memory_space<vmem>>[vector<16xi32>], vector<16xf32>,
      }
      %scan3A_265 = arith.constant 64 : i32
    }
    %scan3A_124 = arith.constant 245 : i32
    %scan3A_125 = arith.constant 0 : i32
    %scan3A_126 = arith.constant 0 : i32
    %scan3A_127 = arith.constant 16 : i32
    %scan3A_128 = arith.addi %scan3A_126, %scan3A_127 : i32
    %scan3A_129 = arith.constant 1 : i32
    %scan3A_130 = scf.for %scan3A_134 = %scan3A_126 to %scan3A_128 step %scan3A_129 iter_args(%scan3A_135 = %scan3A_125) -> (i32)  : i32 {
      %iota3A_136 = tpu.iota {dimensions = array<i32: 0>} : vector<16xi32>
      %mul3A_137 = arith.constant 16 : i32
      %mul3A_138 = vector.broadcast %mul3A_137 : i32 to vector<16xi32>
      %mul3A_139 = arith.muli %iota3A_136, %mul3A_138 : vector<16xi32>
      %mul3A_140 = arith.constant 256 : i32
      %mul3A_141 = arith.muli %scan3A_134, %mul3A_140 : i32
      %add3A_142 = vector.broadcast %mul3A_141 : i32 to vector<16xi32>
      %add3A_143 = arith.addi %mul3A_139, %add3A_142 : vector<16xi32>
      %broadcast_in_dim3A_144 = arith.constant 0.000000e+00 : f32
      %broadcast_in_dim3A_145 = vector.broadcast %broadcast_in_dim3A_144 : f32 to vector<16xf32>
      %scan3A_146 = arith.constant 0 : i32
      %add3A_147 = vector.broadcast %scan3A_146 : i32 to vector<16xi32>
      %add3A_148 = arith.addi %add3A_143, %add3A_147 : vector<16xi32>
      %gather3A = tpu.vector_load_idx %arg13[%add3A_148] : memref<4096xf32, #tpu.memory_space<vmem>>[vector<16xi32>], vector<16xf32>,
      %add3A_149 = arith.addf %broadcast_in_dim3A_145, %gather3A : vector<16xf32>
      %scan3A_150 = arith.constant 1 : i32
      %add3A_151 = vector.broadcast %scan3A_150 : i32 to vector<16xi32>
      %add3A_152 = arith.addi %add3A_143, %add3A_151 : vector<16xi32>
      %gather3A_153 = tpu.vector_load_idx %arg13[%add3A_152] : memref<4096xf32, #tpu.memory_space<vmem>>[vector<16xi32>], vector<16xf32>,
      %add3A_154 = arith.addf %add3A_149, %gather3A_153 : vector<16xf32>
      %scan3A_155 = arith.constant 2 : i32
      %add3A_156 = vector.broadcast %scan3A_155 : i32 to vector<16xi32>
      %add3A_157 = arith.addi %add3A_143, %add3A_156 : vector<16xi32>
      %gather3A_158 = tpu.vector_load_idx %arg13[%add3A_157] : memref<4096xf32, #tpu.memory_space<vmem>>[vector<16xi32>], vector<16xf32>,
      %add3A_159 = arith.addf %add3A_154, %gather3A_158 : vector<16xf32>
      %scan3A_160 = arith.constant 3 : i32
      %add3A_161 = vector.broadcast %scan3A_160 : i32 to vector<16xi32>
      %add3A_162 = arith.addi %add3A_143, %add3A_161 : vector<16xi32>
      %gather3A_163 = tpu.vector_load_idx %arg13[%add3A_162] : memref<4096xf32, #tpu.memory_space<vmem>>[vector<16xi32>], vector<16xf32>,
      %add3A_164 = arith.addf %add3A_159, %gather3A_163 : vector<16xf32>
      %scan3A_165 = arith.constant 4 : i32
      %add3A_166 = vector.broadcast %scan3A_165 : i32 to vector<16xi32>
      %add3A_167 = arith.addi %add3A_143, %add3A_166 : vector<16xi32>
      %gather3A_168 = tpu.vector_load_idx %arg13[%add3A_167] : memref<4096xf32, #tpu.memory_space<vmem>>[vector<16xi32>], vector<16xf32>,
      %add3A_169 = arith.addf %add3A_164, %gather3A_168 : vector<16xf32>
      %scan3A_170 = arith.constant 5 : i32
      %add3A_171 = vector.broadcast %scan3A_170 : i32 to vector<16xi32>
      %add3A_172 = arith.addi %add3A_143, %add3A_171 : vector<16xi32>
      %gather3A_173 = tpu.vector_load_idx %arg13[%add3A_172] : memref<4096xf32, #tpu.memory_space<vmem>>[vector<16xi32>], vector<16xf32>,
      %add3A_174 = arith.addf %add3A_169, %gather3A_173 : vector<16xf32>
      %scan3A_175 = arith.constant 6 : i32
      %add3A_176 = vector.broadcast %scan3A_175 : i32 to vector<16xi32>
      %add3A_177 = arith.addi %add3A_143, %add3A_176 : vector<16xi32>
      %gather3A_178 = tpu.vector_load_idx %arg13[%add3A_177] : memref<4096xf32, #tpu.memory_space<vmem>>[vector<16xi32>], vector<16xf32>,
      %add3A_179 = arith.addf %add3A_174, %gather3A_178 : vector<16xf32>
      %scan3A_180 = arith.constant 7 : i32
      %add3A_181 = vector.broadcast %scan3A_180 : i32 to vector<16xi32>
      %add3A_182 = arith.addi %add3A_143, %add3A_181 : vector<16xi32>
      %gather3A_183 = tpu.vector_load_idx %arg13[%add3A_182] : memref<4096xf32, #tpu.memory_space<vmem>>[vector<16xi32>], vector<16xf32>,
      %add3A_184 = arith.addf %add3A_179, %gather3A_183 : vector<16xf32>
      %scan3A_185 = arith.constant 8 : i32
      %add3A_186 = vector.broadcast %scan3A_185 : i32 to vector<16xi32>
      %add3A_187 = arith.addi %add3A_143, %add3A_186 : vector<16xi32>
      %gather3A_188 = tpu.vector_load_idx %arg13[%add3A_187] : memref<4096xf32, #tpu.memory_space<vmem>>[vector<16xi32>], vector<16xf32>,
      %add3A_189 = arith.addf %add3A_184, %gather3A_188 : vector<16xf32>
      %scan3A_190 = arith.constant 9 : i32
      %add3A_191 = vector.broadcast %scan3A_190 : i32 to vector<16xi32>
      %add3A_192 = arith.addi %add3A_143, %add3A_191 : vector<16xi32>
      %gather3A_193 = tpu.vector_load_idx %arg13[%add3A_192] : memref<4096xf32, #tpu.memory_space<vmem>>[vector<16xi32>], vector<16xf32>,
      %add3A_194 = arith.addf %add3A_189, %gather3A_193 : vector<16xf32>
      %scan3A_195 = arith.constant 10 : i32
      %add3A_196 = vector.broadcast %scan3A_195 : i32 to vector<16xi32>
      %add3A_197 = arith.addi %add3A_143, %add3A_196 : vector<16xi32>
      %gather3A_198 = tpu.vector_load_idx %arg13[%add3A_197] : memref<4096xf32, #tpu.memory_space<vmem>>[vector<16xi32>], vector<16xf32>,
      %add3A_199 = arith.addf %add3A_194, %gather3A_198 : vector<16xf32>
      %scan3A_200 = arith.constant 11 : i32
      %add3A_201 = vector.broadcast %scan3A_200 : i32 to vector<16xi32>
      %add3A_202 = arith.addi %add3A_143, %add3A_201 : vector<16xi32>
      %gather3A_203 = tpu.vector_load_idx %arg13[%add3A_202] : memref<4096xf32, #tpu.memory_space<vmem>>[vector<16xi32>], vector<16xf32>,
      %add3A_204 = arith.addf %add3A_199, %gather3A_203 : vector<16xf32>
      %scan3A_205 = arith.constant 12 : i32
      %add3A_206 = vector.broadcast %scan3A_205 : i32 to vector<16xi32>
      %add3A_207 = arith.addi %add3A_143, %add3A_206 : vector<16xi32>
      %gather3A_208 = tpu.vector_load_idx %arg13[%add3A_207] : memref<4096xf32, #tpu.memory_space<vmem>>[vector<16xi32>], vector<16xf32>,
      %add3A_209 = arith.addf %add3A_204, %gather3A_208 : vector<16xf32>
      %scan3A_210 = arith.constant 13 : i32
      %add3A_211 = vector.broadcast %scan3A_210 : i32 to vector<16xi32>
      %add3A_212 = arith.addi %add3A_143, %add3A_211 : vector<16xi32>
      %gather3A_213 = tpu.vector_load_idx %arg13[%add3A_212] : memref<4096xf32, #tpu.memory_space<vmem>>[vector<16xi32>], vector<16xf32>,
      %add3A_214 = arith.addf %add3A_209, %gather3A_213 : vector<16xf32>
      %scan3A_215 = arith.constant 14 : i32
      %add3A_216 = vector.broadcast %scan3A_215 : i32 to vector<16xi32>
      %add3A_217 = arith.addi %add3A_143, %add3A_216 : vector<16xi32>
      %gather3A_218 = tpu.vector_load_idx %arg13[%add3A_217] : memref<4096xf32, #tpu.memory_space<vmem>>[vector<16xi32>], vector<16xf32>,
      %add3A_219 = arith.addf %add3A_214, %gather3A_218 : vector<16xf32>
      %scan3A_220 = arith.constant 15 : i32
      %add3A_221 = vector.broadcast %scan3A_220 : i32 to vector<16xi32>
      %add3A_222 = arith.addi %add3A_143, %add3A_221 : vector<16xi32>
      %gather3A_223 = tpu.vector_load_idx %arg13[%add3A_222] : memref<4096xf32, #tpu.memory_space<vmem>>[vector<16xi32>], vector<16xf32>,
      %add3A_224 = arith.addf %add3A_219, %gather3A_223 : vector<16xf32>
      %scan3A_225 = arith.constant 16 : i32
      %mul3A_226 = arith.constant 16 : i32
      %mul3A_227 = arith.muli %scan3A_134, %mul3A_226 : i32
      %swap3A = arith.index_cast %mul3A_227 : i32 to index
      %swap3A_228 = tpu.vector_load %arg14[%swap3A] {strides = array<i32>} : memref<256xf32, #tpu.memory_space<vmem>>, vector<16xf32>,
      tpu.vector_store %arg14[%swap3A], %add3A_224 {strides = array<i32>} : memref<256xf32, #tpu.memory_space<vmem>>, vector<16xf32>,
      %scan3A_229 = arith.constant 0 : i32
      scf.yield %scan3A_229 : i32
    }
    %scan3A_131 = arith.constant 16 : i32
    %mul3A_132 = arith.constant 256 : i32
    %mul3A_133 = arith.muli %add3A, %mul3A_132 : i32
    "tpu.region"() ({
      %run_scoped3A = tpu.sem_alloc : memref<!tpu.dma_semaphore, #tpu.memory_space<semaphore_mem>>
      %dma_start3A_134 = tpu.memref_slice %arg11[%mul3A_133] : memref<8192xf32, #tpu.memory_space<hbm>> -> memref<256xf32, #tpu.memory_space<hbm>>
      %dma_start3A_135 = tpu.memref_slice %arg11[%mul3A_133] : memref<8192xf32, #tpu.memory_space<hbm>> -> memref<256xf32, #tpu.memory_space<hbm>>
      tpu.enqueue_dma source(%arg14 : memref<256xf32, #tpu.memory_space<vmem>>) target(%dma_start3A_135 : memref<256xf32, #tpu.memory_space<hbm>>) target_semaphore(%run_scoped3A : memref<!tpu.dma_semaphore, #tpu.memory_space<semaphore_mem>>)
      %dma_wait3A = tpu.memref_slice %arg11[%mul3A_133] : memref<8192xf32, #tpu.memory_space<hbm>> -> memref<256xf32, #tpu.memory_space<hbm>>
      %dma_wait3A_136 = tpu.memref_slice %arg11[%mul3A_133] : memref<8192xf32, #tpu.memory_space<hbm>> -> memref<256xf32, #tpu.memory_space<hbm>>
      tpu.wait_dma2 semaphore(%run_scoped3A : memref<!tpu.dma_semaphore, #tpu.memory_space<semaphore_mem>>) src(%arg14 : memref<256xf32, #tpu.memory_space<vmem>>) dst(%dma_wait3A_136 : memref<256xf32, #tpu.memory_space<hbm>>)
      tpu.yield
    }) : () -> ()
    return
  }
}

module attributes {stable_mosaic.version = 14 : i64} {
  func.func @_quant_body(%arg0: i32, %arg1: memref<1x1xf32, #tpu.memory_space<smem>>, %arg2: memref<1x2048xf32, #tpu.memory_space<vmem>>, %arg3: memref<1x2048xf32, #tpu.memory_space<vmem>>, %arg4: memref<1x2048xf32, #tpu.memory_space<vmem>>, %arg5: memref<32x3xf32, #tpu.memory_space<vmem>>, %arg6: memref<32x2048xi32, #tpu.memory_space<vmem>>) attributes {dimension_semantics = [#tpu.dimension_semantics<arbitrary>], iteration_bounds = array<i64: 50>, scalar_prefetch = 0 : i64, scratch_operands = 0 : i64, tpu.core_type = #tpu.core_type<tc>, window_params = [{transform_indices = @transform_0, window_bounds = array<i64: 1, 1>}, {transform_indices = @transform_1, window_bounds = array<i64: 1, 2048>}, {transform_indices = @transform_2, window_bounds = array<i64: 1, 2048>}, {transform_indices = @transform_3, window_bounds = array<i64: 1, 2048>}, {pipeline_mode = #tpu.pipeline_mode<synchronous>, transform_indices = @transform_4, window_bounds = array<i64: 32, 3>}, {transform_indices = @transform_5, window_bounds = array<i64: 32, 2048>}]} {
    %get3A = arith.constant 0 : index
    %get3A_0 = arith.constant 0 : index
    %get3A_1 = memref.load %arg1[%get3A, %get3A_0] : memref<1x1xf32, #tpu.memory_space<smem>>
    %sqrt3A = math.sqrt %get3A_1 : f32
    %get3A_2 = arith.constant 0 : index
    %get3A_3 = arith.constant 0 : index
    %get3A_4 = vector.load %arg5[%get3A_2, %get3A_3] : memref<32x3xf32, #tpu.memory_space<vmem>>, vector<32x3xf32>
    %slice3A = vector.extract_strided_slice %get3A_4 {offsets = [0, 0], sizes = [32, 1], strides = [1, 1]} : vector<32x3xf32> to vector<32x1xf32>
    %get3A_5 = arith.constant 0 : index
    %get3A_6 = arith.constant 0 : index
    %get3A_7 = vector.load %arg2[%get3A_5, %get3A_6] : memref<1x2048xf32, #tpu.memory_space<vmem>>, vector<1x2048xf32>
    %mul3A = vector.broadcast %slice3A : vector<32x1xf32> to vector<32x2048xf32>
    %mul3A_8 = vector.broadcast %get3A_7 : vector<1x2048xf32> to vector<32x2048xf32>
    %mul3A_9 = arith.mulf %mul3A, %mul3A_8 : vector<32x2048xf32>
    %slice3A_10 = vector.extract_strided_slice %get3A_4 {offsets = [0, 1], sizes = [32, 1], strides = [1, 1]} : vector<32x3xf32> to vector<32x1xf32>
    %get3A_11 = arith.constant 0 : index
    %get3A_12 = arith.constant 0 : index
    %get3A_13 = vector.load %arg3[%get3A_11, %get3A_12] : memref<1x2048xf32, #tpu.memory_space<vmem>>, vector<1x2048xf32>
    %mul3A_14 = vector.broadcast %slice3A_10 : vector<32x1xf32> to vector<32x2048xf32>
    %mul3A_15 = vector.broadcast %get3A_13 : vector<1x2048xf32> to vector<32x2048xf32>
    %mul3A_16 = arith.mulf %mul3A_14, %mul3A_15 : vector<32x2048xf32>
    %add3A = arith.addf %mul3A_9, %mul3A_16 : vector<32x2048xf32>
    %slice3A_17 = vector.extract_strided_slice %get3A_4 {offsets = [0, 2], sizes = [32, 1], strides = [1, 1]} : vector<32x3xf32> to vector<32x1xf32>
    %get3A_18 = arith.constant 0 : index
    %get3A_19 = arith.constant 0 : index
    %get3A_20 = vector.load %arg4[%get3A_18, %get3A_19] : memref<1x2048xf32, #tpu.memory_space<vmem>>, vector<1x2048xf32>
    %mul3A_21 = vector.broadcast %slice3A_17 : vector<32x1xf32> to vector<32x2048xf32>
    %mul3A_22 = vector.broadcast %get3A_20 : vector<1x2048xf32> to vector<32x2048xf32>
    %mul3A_23 = arith.mulf %mul3A_21, %mul3A_22 : vector<32x2048xf32>
    %add3A_24 = arith.addf %add3A, %mul3A_23 : vector<32x2048xf32>
    %add3A_25 = vector.broadcast %sqrt3A : f32 to vector<32x2048xf32>
    %add3A_26 = arith.addf %add3A_25, %add3A_24 : vector<32x2048xf32>
    %mul3A_27 = arith.constant 2.550000e+02 : f32
    %mul3A_28 = vector.broadcast %mul3A_27 : f32 to vector<32x2048xf32>
    %mul3A_29 = arith.mulf %mul3A_28, %add3A_26 : vector<32x2048xf32>
    %mul3A_30 = arith.constant 2.000000e+00 : f32
    %mul3A_31 = arith.mulf %mul3A_30, %sqrt3A : f32
    %div3A = vector.broadcast %mul3A_31 : f32 to vector<32x2048xf32>
    %div3A_32 = arith.divf %mul3A_29, %div3A : vector<32x2048xf32>
    %ceil3A = math.ceil %div3A_32 : vector<32x2048xf32>
    %jit3A = arith.constant 0.000000e+00 : f32
    %jit3A_33 = arith.constant 2.550000e+02 : f32
    %max3A = vector.broadcast %jit3A : f32 to vector<32x2048xf32>
    %max3A_34 = arith.maximumf %max3A, %ceil3A : vector<32x2048xf32>
    %min3A = vector.broadcast %jit3A_33 : f32 to vector<32x2048xf32>
    %min3A_35 = arith.minimumf %min3A, %max3A_34 : vector<32x2048xf32>
    %convert_element_type3A = arith.fptosi %min3A_35 : vector<32x2048xf32> to vector<32x2048xi32>
    %mul3A_36 = arith.constant 16 : i32
    %mul3A_37 = vector.broadcast %mul3A_36 : i32 to vector<32x2048xi32>
    %mul3A_38 = arith.muli %convert_element_type3A, %mul3A_37 : vector<32x2048xi32>
    %swap3A = arith.constant 0 : index
    %swap3A_39 = arith.constant 0 : index
    %swap3A_40 = vector.load %arg6[%swap3A, %swap3A_39] : memref<32x2048xi32, #tpu.memory_space<vmem>>, vector<32x2048xi32>
    tpu.vector_store %arg6[%swap3A, %swap3A_39], %mul3A_38 {strides = array<i32>} : memref<32x2048xi32, #tpu.memory_space<vmem>>, vector<32x2048xi32>,
    return
  }
  func.func @transform_0(%arg0: i32) -> (i32, i32) {
    %c0_i32 = arith.constant 0 : i32
    %c0_i32_0 = arith.constant 0 : i32
    %c0_i32_1 = arith.constant 0 : i32
    return %c0_i32, %c0_i32_0 : i32, i32
  }
  func.func @transform_1(%arg0: i32) -> (i32, i32) {
    %c0_i32 = arith.constant 0 : i32
    %c0_i32_0 = arith.constant 0 : i32
    return %c0_i32, %arg0 : i32, i32
  }
  func.func @transform_2(%arg0: i32) -> (i32, i32) {
    %c0_i32 = arith.constant 0 : i32
    %c0_i32_0 = arith.constant 0 : i32
    return %c0_i32, %arg0 : i32, i32
  }
  func.func @transform_3(%arg0: i32) -> (i32, i32) {
    %c0_i32 = arith.constant 0 : i32
    %c0_i32_0 = arith.constant 0 : i32
    return %c0_i32, %arg0 : i32, i32
  }
  func.func @transform_4(%arg0: i32) -> (i32, i32) {
    %c0_i32 = arith.constant 0 : i32
    %c0_i32_0 = arith.constant 0 : i32
    %c0_i32_1 = arith.constant 0 : i32
    return %c0_i32, %c0_i32_0 : i32, i32
  }
  func.func @transform_5(%arg0: i32) -> (i32, i32) {
    %c0_i32 = arith.constant 0 : i32
    %c0_i32_0 = arith.constant 0 : i32
    return %c0_i32, %arg0 : i32, i32
  }
}

module attributes {stable_mosaic.version = 14 : i64} {
  func.func @_maxsq_body(%arg0: i32, %arg1: memref<1x2048xf32, #tpu.memory_space<vmem>>, %arg2: memref<1x2048xf32, #tpu.memory_space<vmem>>, %arg3: memref<1x2048xf32, #tpu.memory_space<vmem>>, %arg4: memref<1x1xf32, #tpu.memory_space<smem>>) attributes {dimension_semantics = [#tpu.dimension_semantics<arbitrary>], iteration_bounds = array<i64: 50>, scalar_prefetch = 0 : i64, scratch_operands = 0 : i64, tpu.core_type = #tpu.core_type<tc>, window_params = [{transform_indices = @transform_0, window_bounds = array<i64: 1, 2048>}, {transform_indices = @transform_1, window_bounds = array<i64: 1, 2048>}, {transform_indices = @transform_2, window_bounds = array<i64: 1, 2048>}, {transform_indices = @transform_3, window_bounds = array<i64: 1, 1>}]} {
    %get3A = arith.constant 0 : index
    %get3A_0 = arith.constant 0 : index
    %get3A_1 = vector.load %arg1[%get3A, %get3A_0] : memref<1x2048xf32, #tpu.memory_space<vmem>>, vector<1x2048xf32>
    %get3A_2 = arith.constant 0 : index
    %get3A_3 = arith.constant 0 : index
    %get3A_4 = vector.load %arg2[%get3A_2, %get3A_3] : memref<1x2048xf32, #tpu.memory_space<vmem>>, vector<1x2048xf32>
    %get3A_5 = arith.constant 0 : index
    %get3A_6 = arith.constant 0 : index
    %get3A_7 = vector.load %arg3[%get3A_5, %get3A_6] : memref<1x2048xf32, #tpu.memory_space<vmem>>, vector<1x2048xf32>
    %mul3A = arith.mulf %get3A_1, %get3A_1 : vector<1x2048xf32>
    %mul3A_8 = arith.mulf %get3A_4, %get3A_4 : vector<1x2048xf32>
    %add3A = arith.addf %mul3A, %mul3A_8 : vector<1x2048xf32>
    %mul3A_9 = arith.mulf %get3A_7, %get3A_7 : vector<1x2048xf32>
    %add3A_10 = arith.addf %add3A, %mul3A_9 : vector<1x2048xf32>
    %reduce_max3A = vector.shape_cast %add3A_10 : vector<1x2048xf32> to vector<1x1x2048xf32>
    %reduce_max3A_11 = arith.constant dense<0xFF800000> : vector<1xf32>
    %reduce_max3A_12 = vector.multi_reduction <maximumf>, %reduce_max3A, %reduce_max3A_11 [1, 2] : vector<1x1x2048xf32> to vector<1xf32>
    %reduce_max3A_13 = vector.shape_cast %reduce_max3A_12 : vector<1xf32> to vector<1x1x1xf32>
    %reduce_max3A_14 = vector.extract %reduce_max3A_13[0, 0, 0] : f32 from vector<1x1x1xf32>
    %eq3A = arith.constant 0 : i32
    %eq3A_15 = arith.cmpi eq, %arg0, %eq3A : i32
    %convert_element_type3A = arith.extui %eq3A_15 : i1 to i32
    %cond3A = arith.constant 0 : i32
    %cond3A_16 = arith.cmpi ne, %convert_element_type3A, %cond3A : i32
    scf.if %cond3A_16 {
      %swap3A = arith.constant 0 : index
      %swap3A_21 = arith.constant 0 : index
      %swap3A_22 = memref.load %arg4[%swap3A, %swap3A_21] : memref<1x1xf32, #tpu.memory_space<smem>>
      memref.store %reduce_max3A_14, %arg4[%swap3A, %swap3A_21] : memref<1x1xf32, #tpu.memory_space<smem>>
    } else {
    }
    %gt3A = arith.constant 0 : i32
    %gt3A_17 = arith.cmpi sgt, %arg0, %gt3A : i32
    %convert_element_type3A_18 = arith.extui %gt3A_17 : i1 to i32
    %cond3A_19 = arith.constant 0 : i32
    %cond3A_20 = arith.cmpi ne, %convert_element_type3A_18, %cond3A_19 : i32
    scf.if %cond3A_20 {
      %get3A_21 = arith.constant 0 : index
      %get3A_22 = arith.constant 0 : index
      %get3A_23 = memref.load %arg4[%get3A_21, %get3A_22] : memref<1x1xf32, #tpu.memory_space<smem>>
      %max3A = arith.maximumf %get3A_23, %reduce_max3A_14 : f32
      %swap3A = arith.constant 0 : index
      %swap3A_24 = arith.constant 0 : index
      %swap3A_25 = memref.load %arg4[%swap3A, %swap3A_24] : memref<1x1xf32, #tpu.memory_space<smem>>
      memref.store %max3A, %arg4[%swap3A, %swap3A_24] : memref<1x1xf32, #tpu.memory_space<smem>>
    } else {
    }
    return
  }
  func.func @transform_0(%arg0: i32) -> (i32, i32) {
    %c0_i32 = arith.constant 0 : i32
    %c0_i32_0 = arith.constant 0 : i32
    return %c0_i32, %arg0 : i32, i32
  }
  func.func @transform_1(%arg0: i32) -> (i32, i32) {
    %c0_i32 = arith.constant 0 : i32
    %c0_i32_0 = arith.constant 0 : i32
    return %c0_i32, %arg0 : i32, i32
  }
  func.func @transform_2(%arg0: i32) -> (i32, i32) {
    %c0_i32 = arith.constant 0 : i32
    %c0_i32_0 = arith.constant 0 : i32
    return %c0_i32, %arg0 : i32, i32
  }
  func.func @transform_3(%arg0: i32) -> (i32, i32) {
    %c0_i32 = arith.constant 0 : i32
    %c0_i32_0 = arith.constant 0 : i32
    %c0_i32_1 = arith.constant 0 : i32
    return %c0_i32, %c0_i32_0 : i32, i32
  }
}

module attributes {stable_mosaic.version = 14 : i64} {
  func.func @_fin_body(%arg0: memref<32x256xf32, #tpu.memory_space<vmem>>, %arg1: memref<32x256xf32, #tpu.memory_space<vmem>>) attributes {dimension_semantics = [], scalar_prefetch = 0 : i64, scratch_operands = 0 : i64, tpu.core_type = #tpu.core_type<tc>} {
    %get3A = arith.constant 0 : index
    %get3A_0 = arith.constant 0 : index
    %get3A_1 = vector.load %arg0[%get3A, %get3A_0] : memref<32x256xf32, #tpu.memory_space<vmem>>, vector<32x256xf32>
    %iota3A = tpu.iota {dimensions = array<i32: 0>} : vector<256x256xi32>
    %iota3A_2 = tpu.iota {dimensions = array<i32: 1>} : vector<256x256xi32>
    %le3A = arith.cmpi sle, %iota3A, %iota3A_2 : vector<256x256xi32>
    %convert_element_type3A = arith.extui %le3A : vector<256x256xi1> to vector<256x256xi32>
    %convert_element_type3A_3 = arith.sitofp %convert_element_type3A : vector<256x256xi32> to vector<256x256xf32>
    %dot_general3A = arith.constant dense<0.000000e+00> : vector<32x256xf32>
    %dot_general3A_4 = tpu.matmul %get3A_1, %convert_element_type3A_3, %dot_general3A {dimension_numbers = #tpu.dot_dimension_numbers<[1], [0], [0], [1], [0, 0, 1, 1], [], []>, transpose_lhs_hint = false} : vector<32x256xf32>, vector<256x256xf32>, vector<32x256xf32> -> vector<32x256xf32>
    %swap3A = arith.constant 0 : index
    %swap3A_5 = arith.constant 0 : index
    %swap3A_6 = vector.load %arg1[%swap3A, %swap3A_5] : memref<32x256xf32, #tpu.memory_space<vmem>>, vector<32x256xf32>
    tpu.vector_store %arg1[%swap3A, %swap3A_5], %dot_general3A_4 {strides = array<i32>} : memref<32x256xf32, #tpu.memory_space<vmem>>, vector<32x256xf32>,
    return
  }
}

</mosaic_0001>

<sc_bundles>
// kernel: kernel.6.cloned.1.call-start
scs
__scs_entry_jumppad:
0x0: {  	(pc) =	sbr.rel $0x88, $3  }
0x1: {  	(tag) =	ssettag $0x0;
	lr =	simm.s32 $0x1  }
0x2: {  	[smem:$0x3F9A] =	sst lr;
	_ =	strace $0xD0000000  }
0x3: {  	_ = 	snop  }
0x4: {  	_ = 	snop  }
0x5: {  	_ = 	snop  }
0x6: {  	_ = 	snop  }
0x7: {  	_ = 	snop  }
__scs_overlays_trampoline_lowered:
0x8: {  	[smem:$0x3FA9] =	sst s0  }
0x9: {  	[smem:$0x3FAA] =	sst s1  }
0xa: {  	[smem:$0x3FAB] =	sst s2  }
0xb: {  	[smem:$0x3FAC] =	sst s3  }
0xc: {  	[smem:$0x3FAD] =	sst s4  }
0xd: {  	[smem:$0x3FAE] =	sst s5  }
0xe: {  	[smem:$0x3FAF] =	sst s6  }
0xf: {  	[smem:$0x3FB0] =	sst s7  }
0x10: {  	[smem:$0x3FB1] =	sst s8  }
0x11: {  	[smem:$0x3FB2] =	sst s9;
	s0 =	simm.s32 @!p0 $0x0  }
0x12: {  	s1 =	sld [smem:$0x3F98];
	s0 =	simm.s32 @p0 $0x1  }
0x13: {  	[smem:$0x3FB3] =	sst s0;
	s0 =	simm.s32 @!p1 $0x0  }
0x14: {  	s2 =	sld [smem:$0x3F97];
	s0 =	simm.s32 @p1 $0x1  }
0x15: {  	[smem:$0x3FB4] =	sst s0;
	s0 =	simm.s32 @!p2 $0x0  }
0x16: {  	s3 =	sld [smem:$0x3FDB];
	s0 =	simm.s32 @p2 $0x1  }
0x17: {  	s4 =	simm.s32 $0x1BF5;
	[smem:$0x3FB6] =	sst s0  }
0x18: {  	s0 =	sld [smem:$0x3F99];
	_ =	swait.ge [sflag:s4], $0x0  }
0x19: {  	s7 =	sld [smem:$0x3F9A]  }
0x1a: {  	s8 =	sadd.s32 $0xFFFFE003, lr  }
0x1b: {  	s9 =	sadd.s32 $0xFFFFFEF7, lr;
	s5 =	simm.s32 $0xFFFFFFFF;
	p2 =	slt.u32 s8, $0xFFFFF086  }
0x1c: {  	p1 =	slt.u32 s9, $0xF7A;
	s5 =	simm.s32 @!p2 $0x0  }
0x1d: {  	s5 =	simm.s32 @p1 $0x1;
	p0 =	seq.s32 s7, s2  }
0x1e: {  	s7 =	smul.u32 @!p0 $0xF7A, s2;
	p2 =	seq.s32 @!p0 s5, $0x0  }
0x1f: {  	s9 =	smul.u32 $0xF7A, s1;
	s8 =	simm.s32 @!p0 $0x1BF5;
	p2 =	por !p2, p0  }
0x20: {  	[sflag:s8] =	ssyncset.s32 @!p0 $0xFFFFF086;
	s6 =	sadd.s32 @!p0 s3, s7;
	s7 =	simm.s32 @!p0 $0x108  }
0x21: {  	s3 =	sadd.s32 s3, s9;
	s6 =	sadd.s32 @!p0 $0x88, s6;
	s7 =	simm.s32 @p2 $0x1082  }
0x22: {  	[simem:s7], [sflag:s8] =	dma.local @!p0 [hbm:s6], $0xF7A  }
0x23: {  	s9 =	sor.u32 $0xD0000000, s2;
	s6 =	simm.s32 $0x108;
	_ =	swait.ge @!p0 [sflag:s8], $0x0  }
0x24: {  	s3 =	sadd.s32 $0x88, s3;
	s6 =	simm.s32 @!p1 $0x1082;
	[sflag:s4] =	ssyncset.s32 $0xFFFFF086  }
0x25: {  	[simem:s6], [sflag:s4] =	dma.local [hbm:s3], $0xF7A  }
0x26: {  	[smem:$0x3F9A] =	sst s1;
	(tag) =	ssettag s2;
	_ =	strace s9  }
0x27: {  	s1 =	sld [smem:$0x3FAA]  }
0x28: {  	s2 =	sld [smem:$0x3FAB]  }
0x29: {  	s4 =	sld [smem:$0x3FAD]  }
0x2a: {  	p0 =	seq.s32 s5, $0x0;
	s5 =	sld [smem:$0x3FAE]  }
0x2b: {  	s6 =	sld [smem:$0x3FAF]  }
0x2c: {  	s7 =	sld [smem:$0x3FB0]  }
0x2d: {  	s3 =	simm.s32 $0x108;
	s8 =	sld [smem:$0x3FB1]  }
0x2e: {  	s3 =	simm.s32 @!p0 $0x1082;
	s9 =	sld [smem:$0x3FB2]  }
0x2f: {  	lr =	sadd.s32 s0, s3;
	s0 =	sld [smem:$0x3FA9]  }
0x30: {  	s3 =	sld [smem:$0x3FAC]  }
0x31: {  	[smem:$0x3FB5] =	sst s10  }
0x32: {  	s10 =	sld [smem:$0x3FB3];
	_ =	sdelay $0x3  }
0x33: {  	p0 =	seq.s32 s10, $0x1;
	s10 =	sld [smem:$0x3FB5];
	_ =	sdelay $0x3  }
0x34: {  	[smem:$0x3FB5] =	sst s10  }
0x35: {  	s10 =	sld [smem:$0x3FB4];
	_ =	sdelay $0x3  }
0x36: {  	p1 =	seq.s32 s10, $0x1;
	s10 =	sld [smem:$0x3FB5];
	_ =	sdelay $0x3  }
0x37: {  	[smem:$0x3FB5] =	sst s10  }
0x38: {  	s10 =	sld [smem:$0x3FB6]  }
0x39: {  	_ = 	snop;
	(pc) =	sbr.ind lr, $3  }
0x3a: {  	_ = 	snop  }
0x3b: {  	_ = 	snop  }
0x3c: {  	p2 =	seq.s32 s10, $0x1;
	s10 =	sld [smem:$0x3FB5]  }
0x3d: {  	_ =	shalt  }
0x3e: {  	_ =	shalt  }
0x3f: {  	_ =	shalt  }
0x40: {  	_ =	shalt  }
0x41: {  	_ =	shalt  }
0x42: {  	_ =	shalt  }
0x43: {  	_ =	shalt  }
0x44: {  	_ =	shalt  }
0x45: {  	_ =	shalt  }
0x46: {  	_ =	shalt  }
0x47: {  	_ =	shalt  }
0x48: {  	_ =	shalt  }
0x49: {  	_ =	shalt  }
0x4a: {  	_ =	shalt  }
0x4b: {  	_ =	shalt  }
0x4c: {  	_ =	shalt  }
0x4d: {  	_ =	shalt  }
0x4e: {  	_ =	shalt  }
0x4f: {  	_ =	shalt  }
0x50: {  	_ =	shalt  }
0x51: {  	_ =	shalt  }
0x52: {  	_ =	shalt  }
0x53: {  	_ =	shalt  }
0x54: {  	_ =	shalt  }
0x55: {  	_ =	shalt  }
0x56: {  	_ =	shalt  }
0x57: {  	_ =	shalt  }
0x58: {  	_ =	shalt  }
0x59: {  	_ =	shalt  }
0x5a: {  	_ =	shalt  }
0x5b: {  	_ =	shalt  }
0x5c: {  	_ =	shalt  }
0x5d: {  	_ =	shalt  }
0x5e: {  	_ =	shalt  }
0x5f: {  	_ =	shalt  }
0x60: {  	_ =	shalt  }
0x61: {  	_ =	shalt  }
0x62: {  	_ =	shalt  }
0x63: {  	_ =	shalt  }
0x64: {  	_ =	shalt  }
0x65: {  	_ =	shalt  }
0x66: {  	_ =	shalt  }
0x67: {  	_ =	shalt  }
0x68: {  	_ =	shalt  }
0x69: {  	_ =	shalt  }
0x6a: {  	_ =	shalt  }
0x6b: {  	_ =	shalt  }
0x6c: {  	_ =	shalt  }
0x6d: {  	_ =	shalt  }
0x6e: {  	_ =	shalt  }
0x6f: {  	_ =	shalt  }
0x70: {  	_ =	shalt  }
0x71: {  	_ =	shalt  }
0x72: {  	_ =	shalt  }
0x73: {  	_ =	shalt  }
0x74: {  	_ =	shalt  }
0x75: {  	_ =	shalt  }
0x76: {  	_ =	shalt  }
0x77: {  	_ =	shalt  }
0x78: {  	_ =	shalt  }
0x79: {  	_ =	shalt  }
0x7a: {  	_ =	shalt  }
0x7b: {  	_ =	shalt  }
0x7c: {  	_ =	shalt  }
0x7d: {  	_ =	shalt  }
0x7e: {  	_ =	shalt  }
0x7f: {  	_ =	shalt  }
0x80: {  	_ =	shalt  }
0x81: {  	_ =	shalt  }
0x82: {  	_ =	shalt  }
0x83: {  	_ =	shalt  }
0x84: {  	_ =	shalt  }
0x85: {  	_ =	shalt  }
0x86: {  	_ =	shalt  }
0x87: {  	_ =	shalt  }
.Lfunc_end0:
.L_simem_size_0:
called_computation_lowered:
.L_overlay_start_0:
0x88: {  	s2 =	sld [smem:$0x3FD9]  }
0x89: {  	s3 =	sld [smem:$0x3FFE];
	_ =	sdelay $0x1  }
0x8a: {  	s1 =	srdreg.scid  }
0x8b: {  	s0 =	sand.u32 $0x1, s1  }
0x8c: {  	s17 =	sshll.u32 s0, $0xA;
	s2 =	sadd.s32 s3, s2  }
0x8d: {  	s2 =	sadd.s32 s2, s17  }
0x8e: {  	[smem:$0x3FC1] =	sst s2  }
0x8f: {  	_ = 	snop  }
0x90: {  	s2 =	sld [smem:$0x3FD0];
	(tm) =	ssettm $0x1  }
0x91: {  	s18 =	sld [smem:$0x3FFB];
	_ =	sdelay $0x3  }
0x92: {  	_ =	strace s18  }
0x93: {  	s3 =	sld [smem:$0x3FFC];
	_ =	sdelay $0x3  }
0x94: {  	_ =	strace s3  }
0x95: {  	s3 =	sld [smem:$0x3FFD];
	_ =	sdelay $0x3  }
0x96: {  	_ =	strace s3  }
0x97: {  	_ =	strace $0x8FFFFFFF  }
0x98: {  	s19 =	sld [smem:$0x3FDB];
	_ =	sdelay $0x1  }
0x99: {  	s4 =	simm.s32 $_scs_section_size  }
0x9a: {  	s5 =	simm.s32 $_size__tile_overlayer_lowered;
	s6 =	simm.s32 $_tile_overlayer_lowered  }
0x9b: {  	s22 =	simm.s32 $0x1BFF;
	s21 =	sshll.u32 s6, $0x1;
	s3 =	sadd.s32 s4, s19  }
0x9c: {  	s7 =	simm.s32 $0x0;
	s20 =	sshll.u32 s5, $0x1;
	s5 =	sadd.s32 s21, s3  }
0x9d: {  	[timem:s7], [sflag:s22] =	dma.local [hbm:s5], s20  }
0x9e: {  	_ =	swait.ge [sflag:s22], s20  }
0x9f: {  	s4 =	ssub.s32 $0x0, s20;
	[sflag:s22] =	ssyncset.done $0x0  }
0xa0: {  	[sflag:s22] =	ssyncadd.s32 s4;
	_ =	sdelay $0x1  }
0xa1: {  	s23 =	simm.s32 $0x1B8B  }
0xa2: {  	_ =	swait.ge [sflag:s23], $0x1  }
0xa3: {  	[sflag:s23] =	ssyncset.done $0x0  }
0xa4: {  	s25 =	simm.s32 $0x1B8E;
	s24 =	sld [smem:$0x3FFE];
	[sflag:s23] =	ssyncadd.s32 $0xFFFFFFFF  }
0xa5: {  	s26 =	simm.s32 $execute0_lowered;
	[smem:$0x3FD2] =	sst s25  }
0xa6: {  	s5 =	sshll.u32 s26, $0x1;
	_ =	strace $0x80000046;
	[dreg:$0x1] =	wrdreg $0xFFFFFFFF  }
0xa7: {  	s28 =	simm.s32 $_size_execute0_lowered;
	s3 =	sadd.s32 s3, s5;
	[dreg:$0x0] =	wrdreg $0x0  }
0xa8: {  	s5 =	sshll.u32 s28, $0x1;
	[dreg:$0x2] =	wrdreg s3  }
0xa9: {  	[dreg:$0x3] =	wrdreg s5  }
0xaa: {  	[dreg:$0x4] =	wrdreg $0xC0  }
0xab: {  	_ =	task [dreg:s7], $0x5FFFF  }
0xac: {  	[dreg:$0x1] =	wrdreg $0xFFFFFFFF  }
0xad: {  	[dreg:$0x0] =	wrdreg $0x60  }
0xae: {  	[dreg:$0x2] =	wrdreg s24  }
0xaf: {  	[dreg:$0x3] =	wrdreg s2  }
0xb0: {  	[dreg:$0x4] =	wrdreg $0x9  }
0xb1: {  	_ =	task.clear_ibuf [dreg:s7], $0x5FFFF;
	_ =	strace $0x90000046  }
0xb2: {  	s29 =	simm.s32 $0x9;
	_ =	strace $0x80000048  }
0xb3: {  	_ =	swait.ge [sflag:s29], $0x1  }
0xb4: {  	[sflag:s29] =	ssyncadd.s32 $0xFFFFFFFF  }
0xb5: {  	_ =	strace $0x90000048  }
0xb6: {  	_ =	sfence  }
0xb7: {  	s30 =	sld [smem:$0x0];
	_ =	sdelay $0x2  }
0xb8: {  	s31 =	sshll.u32 s1, $0xD;
	s1 =	sshrl.u32 s1, $0x2  }
0xb9: {  	s3 =	sand.u32 $0x4000, s31;
	s1 =	sadd.s32 s1, s30  }
0xba: {  	s0 =	sor.u32 s3, s0;
	s1 =	sshll.u32 s1, $0x11  }
0xbb: {  	s0 =	sor.u32 s1, s0  }
0xbc: {  	s0 =	sadd.s32 $0x8F2B, s0  }
0xbd: {  	[sflag:s0] =	ssyncadd.remote.s32 $0x1  }
0xbe: {  	_ =	sfence.sel $0xFFFF  }
0xbf: {  	[dreg:$0x0] =	wrdreg $0xFFFFFFFF;
	(pc) =	sbr.abs _section_cstart, $3  }
0xc0: {  	[dreg:$0x1] =	wrdreg $0xFFFFFFFF  }
0xc1: {  	_ =	task.clear_ibuf [dreg:s7], $0x2FFFF;
	_ =	strace $0x9FFFFFFF  }
0xc2: {  	(tm) =	ssettm $0x7FFFFFFF  }
0xc3: {  	_ =	shalt  }
tec
execute0_lowered:
.L_overlay_start_1:
0x0: {  	(tag) =	ssettag $0x1  }
0x1: {  	s0 =	rddreg [dreg:$0x0]  }
0x2: {  	s2 =	rddreg [dreg:$0x1];
	s1 =	simm.s32 $0x0;
	s7 =	srdreg.scid  }
0x3: {  	s8 =	stileid.u32;
	s16 =	simm.s32 $0x19000;
	s17 =	simm.s32 $0x1A100  }
0x4: {  	s18 =	simm.s32 $0x1A500;
	s19 =	simm.s32 $0x1AD00;
	s20 =	simm.s32 $0x1B100  }
0x5: {  	s21 =	simm.s32 $0x1BD00;
	s22 =	simm.s32 $0x1;
	s23 =	simm.s32 $0x2  }
0x6: {  	s24 =	simm.s32 $0x1A900;
	s25 =	simm.s32 $0x1B500;
	s26 =	simm.s32 $0x1A000  }
0x7: {  	s28 =	simm.s32 $0x0;
	[smem:$0x7FF] =	sst s1;
	s3 =	sadd.s32 $0xCFA00, s0  }
0x8: {  	s4 =	sadd.s32 $0xA1800, s0;
	s5 =	sadd.s32 $0x92200, s0;
	s6 =	sadd.s32 $0xC0400, s0  }
0x9: {  	s10 =	sand.u32 $0x1, s7;
	s9 =	sshll.u32 s8, $0x1;
	s7 =	sadd.s32 $0x82C00, s0  }
0xa: {  	s8 =	sadd.s32 $0x73600, s0;
	_ =	strace $0x80000047;
	s11 =	sor.u32 s10, s9  }
0xb: {  	s9 =	sadd.s32 $0x64000, s0;
	s12 =	ssub.s32 $0x2, s10;
	s10 =	sadd.s32 $0xB0E00, s0  }
0xc: {  	s13 =	smul.u32 $0x3200, s11;
	s14 =	sshrl.u32 s12, $0x1;
	s15 =	sshll.u32 s11, $0x5  }
0xd: {  	s14 =	ssub.s32 s12, s14;
	s12 =	sadd.s32 s2, s15;
	s15 =	simm.s32 $0x1B900  }
0xe: {  	v0 =	vimm.f32 $0.0e+00;
	v1 =	vlaneseq.u32;
	s11 =	sadd.s32 s0, s13;
	s13 =	smax.u32 s14, $0x1;
	s14 =	simm.s32 $0x3  }
.LBB2_1:
0xf: {  	s0 =	simm.s32 $0x40;
	s2 =	simm.s32 $0x0  }
.LBB2_2:
0x10: {  	p0 =	sne.s32 s0, $0x3FC0;
	[tilespmem:s2+$0x19000] =	vst v0;
	s2 =	smov.u32 s0;
	s0 =	sadd.s32 $0x40, s0  }
.Ltmp0:
0x11: {  	(pc) =	sbr.rel @p0 .LBB2_2-.Ltmp0, $2  }
0x12: {  	_ =	sdelay $0x2  }
0x13: {  	s2 =	sshra.s32 s2, $0x2  }
0x14: {  	[tilespmem:s2+$0x19000] =	vst v0;
	s29 =	simm.s32 $0x0  }
0x15: {  	[tilespmem:s29], [sflag:$0x3] =	stream.linear.gather [hbm4b:s11+s29], $0x19000, $0x38;
	[tilespmem:$0x1C100] =	vst v63  }
0x16: {  	_ =	swait.ge [sflag:s14], $0x19000  }
0x17: {  	[sflag:s14] =	ssyncset.done $0x0  }
0x18: {  	s30 =	simm.s32 $0x200;
	[sflag:s14] =	ssyncadd.s32 $0xFFFE7000  }
.LBB2_4:
0x19: {  	s0 =	sadd.s32 s29, s3  }
0x1a: {  	[tilespmem:s15], [sflag:$0x3] =	stream.linear.gather [hbm4b:s0+s1], $0x400, $0x38;
	[tilespmem:$0x1C100] =	vst v63  }
0x1b: {  	_ =	swait.ge [sflag:s14], $0x400  }
0x1c: {  	[sflag:s14] =	ssyncset.done $0x0  }
0x1d: {  	[sflag:s14] =	ssyncadd.s32 $0xFFFFFC00  }
0x1e: {  	v2 =	vld [tilespmem:s30+$0xFFFFFE00];
	_ =	sdelay $0x4  }
0x1f: {  	v3 =	vld [tilespmem:$0x1B900];
	v2 =	vadd.s32 v1, v2;
	_ =	sdelay $0x4  }
0x20: {  	[tilespmem:v2+s16+$0x0] =	vst.idx.add.f32.msk $0xffff, v3  }
0x21: {  	v2 =	vld [tilespmem:s30+$0xFFFFFE10];
	_ =	sdelay $0x4  }
0x22: {  	v3 =	vld [tilespmem:$0x1B910];
	v2 =	vadd.s32 v1, v2;
	_ =	sdelay $0x4  }
0x23: {  	[tilespmem:v2+s16+$0x0] =	vst.idx.add.f32.msk $0xffff, v3  }
0x24: {  	v2 =	vld [tilespmem:s30+$0xFFFFFE20];
	_ =	sdelay $0x4  }
0x25: {  	v3 =	vld [tilespmem:$0x1B920];
	v2 =	vadd.s32 v1, v2;
	_ =	sdelay $0x4  }
0x26: {  	[tilespmem:v2+s16+$0x0] =	vst.idx.add.f32.msk $0xffff, v3  }
0x27: {  	v2 =	vld [tilespmem:s30+$0xFFFFFE30];
	_ =	sdelay $0x4  }
0x28: {  	v3 =	vld [tilespmem:$0x1B930];
	v2 =	vadd.s32 v1, v2;
	_ =	sdelay $0x4  }
0x29: {  	[tilespmem:v2+s16+$0x0] =	vst.idx.add.f32.msk $0xffff, v3  }
0x2a: {  	v2 =	vld [tilespmem:s30+$0xFFFFFE40];
	_ =	sdelay $0x4  }
0x2b: {  	v3 =	vld [tilespmem:$0x1B940];
	v2 =	vadd.s32 v1, v2;
	_ =	sdelay $0x4  }
0x2c: {  	[tilespmem:v2+s16+$0x0] =	vst.idx.add.f32.msk $0xffff, v3  }
0x2d: {  	v2 =	vld [tilespmem:s30+$0xFFFFFE50];
	_ =	sdelay $0x4  }
0x2e: {  	v3 =	vld [tilespmem:$0x1B950];
	v2 =	vadd.s32 v1, v2;
	_ =	sdelay $0x4  }
0x2f: {  	[tilespmem:v2+s16+$0x0] =	vst.idx.add.f32.msk $0xffff, v3  }
0x30: {  	v2 =	vld [tilespmem:s30+$0xFFFFFE60];
	_ =	sdelay $0x4  }
0x31: {  	v3 =	vld [tilespmem:$0x1B960];
	v2 =	vadd.s32 v1, v2;
	_ =	sdelay $0x4  }
0x32: {  	[tilespmem:v2+s16+$0x0] =	vst.idx.add.f32.msk $0xffff, v3  }
0x33: {  	v2 =	vld [tilespmem:s30+$0xFFFFFE70];
	_ =	sdelay $0x4  }
0x34: {  	v3 =	vld [tilespmem:$0x1B970];
	v2 =	vadd.s32 v1, v2;
	_ =	sdelay $0x4  }
0x35: {  	[tilespmem:v2+s16+$0x0] =	vst.idx.add.f32.msk $0xffff, v3  }
0x36: {  	v2 =	vld [tilespmem:s30+$0xFFFFFE80];
	_ =	sdelay $0x4  }
0x37: {  	v3 =	vld [tilespmem:$0x1B980];
	v2 =	vadd.s32 v1, v2;
	_ =	sdelay $0x4  }
0x38: {  	[tilespmem:v2+s16+$0x0] =	vst.idx.add.f32.msk $0xffff, v3  }
0x39: {  	v2 =	vld [tilespmem:s30+$0xFFFFFE90];
	_ =	sdelay $0x4  }
0x3a: {  	v3 =	vld [tilespmem:$0x1B990];
	v2 =	vadd.s32 v1, v2;
	_ =	sdelay $0x4  }
0x3b: {  	[tilespmem:v2+s16+$0x0] =	vst.idx.add.f32.msk $0xffff, v3  }
0x3c: {  	v2 =	vld [tilespmem:s30+$0xFFFFFEA0];
	_ =	sdelay $0x4  }
0x3d: {  	v3 =	vld [tilespmem:$0x1B9A0];
	v2 =	vadd.s32 v1, v2;
	_ =	sdelay $0x4  }
0x3e: {  	[tilespmem:v2+s16+$0x0] =	vst.idx.add.f32.msk $0xffff, v3  }
0x3f: {  	v2 =	vld [tilespmem:s30+$0xFFFFFEB0];
	_ =	sdelay $0x4  }
0x40: {  	v3 =	vld [tilespmem:$0x1B9B0];
	v2 =	vadd.s32 v1, v2;
	_ =	sdelay $0x4  }
0x41: {  	[tilespmem:v2+s16+$0x0] =	vst.idx.add.f32.msk $0xffff, v3  }
0x42: {  	v2 =	vld [tilespmem:s30+$0xFFFFFEC0];
	_ =	sdelay $0x4  }
0x43: {  	v3 =	vld [tilespmem:$0x1B9C0];
	v2 =	vadd.s32 v1, v2;
	_ =	sdelay $0x4  }
0x44: {  	[tilespmem:v2+s16+$0x0] =	vst.idx.add.f32.msk $0xffff, v3  }
0x45: {  	v2 =	vld [tilespmem:s30+$0xFFFFFED0];
	_ =	sdelay $0x4  }
0x46: {  	v3 =	vld [tilespmem:$0x1B9D0];
	v2 =	vadd.s32 v1, v2;
	_ =	sdelay $0x4  }
0x47: {  	[tilespmem:v2+s16+$0x0] =	vst.idx.add.f32.msk $0xffff, v3  }
0x48: {  	v2 =	vld [tilespmem:s30+$0xFFFFFEE0];
	_ =	sdelay $0x4  }
0x49: {  	v3 =	vld [tilespmem:$0x1B9E0];
	v2 =	vadd.s32 v1, v2;
	_ =	sdelay $0x4  }
0x4a: {  	[tilespmem:v2+s16+$0x0] =	vst.idx.add.f32.msk $0xffff, v3  }
0x4b: {  	v2 =	vld [tilespmem:s30+$0xFFFFFEF0];
	_ =	sdelay $0x4  }
0x4c: {  	v3 =	vld [tilespmem:$0x1B9F0];
	v2 =	vadd.s32 v1, v2;
	_ =	sdelay $0x4  }
0x4d: {  	[tilespmem:v2+s16+$0x0] =	vst.idx.add.f32.msk $0xffff, v3  }
0x4e: {  	v2 =	vld [tilespmem:s30+$0xFFFFFF00];
	_ =	sdelay $0x4  }
0x4f: {  	v3 =	vld [tilespmem:$0x1BA00];
	v2 =	vadd.s32 v1, v2;
	_ =	sdelay $0x4  }
0x50: {  	[tilespmem:v2+s16+$0x0] =	vst.idx.add.f32.msk $0xffff, v3  }
0x51: {  	v2 =	vld [tilespmem:s30+$0xFFFFFF10];
	_ =	sdelay $0x4  }
0x52: {  	v3 =	vld [tilespmem:$0x1BA10];
	v2 =	vadd.s32 v1, v2;
	_ =	sdelay $0x4  }
0x53: {  	[tilespmem:v2+s16+$0x0] =	vst.idx.add.f32.msk $0xffff, v3  }
0x54: {  	v2 =	vld [tilespmem:s30+$0xFFFFFF20];
	_ =	sdelay $0x4  }
0x55: {  	v3 =	vld [tilespmem:$0x1BA20];
	v2 =	vadd.s32 v1, v2;
	_ =	sdelay $0x4  }
0x56: {  	[tilespmem:v2+s16+$0x0] =	vst.idx.add.f32.msk $0xffff, v3  }
0x57: {  	v2 =	vld [tilespmem:s30+$0xFFFFFF30];
	_ =	sdelay $0x4  }
0x58: {  	v3 =	vld [tilespmem:$0x1BA30];
	v2 =	vadd.s32 v1, v2;
	_ =	sdelay $0x4  }
0x59: {  	[tilespmem:v2+s16+$0x0] =	vst.idx.add.f32.msk $0xffff, v3  }
0x5a: {  	v2 =	vld [tilespmem:s30+$0xFFFFFF40];
	_ =	sdelay $0x4  }
0x5b: {  	v3 =	vld [tilespmem:$0x1BA40];
	v2 =	vadd.s32 v1, v2;
	_ =	sdelay $0x4  }
0x5c: {  	[tilespmem:v2+s16+$0x0] =	vst.idx.add.f32.msk $0xffff, v3  }
0x5d: {  	v2 =	vld [tilespmem:s30+$0xFFFFFF50];
	_ =	sdelay $0x4  }
0x5e: {  	v3 =	vld [tilespmem:$0x1BA50];
	v2 =	vadd.s32 v1, v2;
	_ =	sdelay $0x4  }
0x5f: {  	[tilespmem:v2+s16+$0x0] =	vst.idx.add.f32.msk $0xffff, v3  }
0x60: {  	v2 =	vld [tilespmem:s30+$0xFFFFFF60];
	_ =	sdelay $0x4  }
0x61: {  	v3 =	vld [tilespmem:$0x1BA60];
	v2 =	vadd.s32 v1, v2;
	_ =	sdelay $0x4  }
0x62: {  	[tilespmem:v2+s16+$0x0] =	vst.idx.add.f32.msk $0xffff, v3  }
0x63: {  	v2 =	vld [tilespmem:s30+$0xFFFFFF70];
	_ =	sdelay $0x4  }
0x64: {  	v3 =	vld [tilespmem:$0x1BA70];
	v2 =	vadd.s32 v1, v2;
	_ =	sdelay $0x4  }
0x65: {  	[tilespmem:v2+s16+$0x0] =	vst.idx.add.f32.msk $0xffff, v3  }
0x66: {  	v2 =	vld [tilespmem:s30+$0xFFFFFF80];
	_ =	sdelay $0x4  }
0x67: {  	v3 =	vld [tilespmem:$0x1BA80];
	v2 =	vadd.s32 v1, v2;
	_ =	sdelay $0x4  }
0x68: {  	[tilespmem:v2+s16+$0x0] =	vst.idx.add.f32.msk $0xffff, v3  }
0x69: {  	v2 =	vld [tilespmem:s30+$0xFFFFFF90];
	_ =	sdelay $0x4  }
0x6a: {  	v3 =	vld [tilespmem:$0x1BA90];
	v2 =	vadd.s32 v1, v2;
	_ =	sdelay $0x4  }
0x6b: {  	[tilespmem:v2+s16+$0x0] =	vst.idx.add.f32.msk $0xffff, v3  }
0x6c: {  	v2 =	vld [tilespmem:s30+$0xFFFFFFA0];
	_ =	sdelay $0x4  }
0x6d: {  	v3 =	vld [tilespmem:$0x1BAA0];
	v2 =	vadd.s32 v1, v2;
	_ =	sdelay $0x4  }
0x6e: {  	[tilespmem:v2+s16+$0x0] =	vst.idx.add.f32.msk $0xffff, v3  }
0x6f: {  	v2 =	vld [tilespmem:s30+$0xFFFFFFB0];
	_ =	sdelay $0x4  }
0x70: {  	v3 =	vld [tilespmem:$0x1BAB0];
	v2 =	vadd.s32 v1, v2;
	_ =	sdelay $0x4  }
0x71: {  	[tilespmem:v2+s16+$0x0] =	vst.idx.add.f32.msk $0xffff, v3  }
0x72: {  	v2 =	vld [tilespmem:s30+$0xFFFFFFC0];
	_ =	sdelay $0x4  }
0x73: {  	v3 =	vld [tilespmem:$0x1BAC0];
	v2 =	vadd.s32 v1, v2;
	_ =	sdelay $0x4  }
0x74: {  	[tilespmem:v2+s16+$0x0] =	vst.idx.add.f32.msk $0xffff, v3  }
0x75: {  	v2 =	vld [tilespmem:s30+$0xFFFFFFD0];
	_ =	sdelay $0x4  }
0x76: {  	v3 =	vld [tilespmem:$0x1BAD0];
	v2 =	vadd.s32 v1, v2;
	_ =	sdelay $0x4  }
0x77: {  	[tilespmem:v2+s16+$0x0] =	vst.idx.add.f32.msk $0xffff, v3  }
0x78: {  	v2 =	vld [tilespmem:s30+$0xFFFFFFE0];
	_ =	sdelay $0x4  }
0x79: {  	v3 =	vld [tilespmem:$0x1BAE0];
	v2 =	vadd.s32 v1, v2;
	_ =	sdelay $0x4  }
0x7a: {  	[tilespmem:v2+s16+$0x0] =	vst.idx.add.f32.msk $0xffff, v3  }
0x7b: {  	v2 =	vld [tilespmem:s30+$0xFFFFFFF0];
	_ =	sdelay $0x4  }
0x7c: {  	v3 =	vld [tilespmem:$0x1BAF0];
	v2 =	vadd.s32 v1, v2;
	_ =	sdelay $0x4  }
0x7d: {  	[tilespmem:v2+s16+$0x0] =	vst.idx.add.f32.msk $0xffff, v3  }
0x7e: {  	v2 =	vld [tilespmem:s30+$0x0];
	_ =	sdelay $0x4  }
0x7f: {  	v3 =	vld [tilespmem:$0x1BB00];
	v2 =	vadd.s32 v1, v2;
	_ =	sdelay $0x4  }
0x80: {  	[tilespmem:v2+s16+$0x0] =	vst.idx.add.f32.msk $0xffff, v3  }
0x81: {  	v2 =	vld [tilespmem:s30+$0x10];
	_ =	sdelay $0x4  }
0x82: {  	v3 =	vld [tilespmem:$0x1BB10];
	v2 =	vadd.s32 v1, v2;
	_ =	sdelay $0x4  }
0x83: {  	[tilespmem:v2+s16+$0x0] =	vst.idx.add.f32.msk $0xffff, v3  }
0x84: {  	v2 =	vld [tilespmem:s30+$0x20];
	_ =	sdelay $0x4  }
0x85: {  	v3 =	vld [tilespmem:$0x1BB20];
	v2 =	vadd.s32 v1, v2;
	_ =	sdelay $0x4  }
0x86: {  	[tilespmem:v2+s16+$0x0] =	vst.idx.add.f32.msk $0xffff, v3  }
0x87: {  	v2 =	vld [tilespmem:s30+$0x30];
	_ =	sdelay $0x4  }
0x88: {  	v3 =	vld [tilespmem:$0x1BB30];
	v2 =	vadd.s32 v1, v2;
	_ =	sdelay $0x4  }
0x89: {  	[tilespmem:v2+s16+$0x0] =	vst.idx.add.f32.msk $0xffff, v3  }
0x8a: {  	v2 =	vld [tilespmem:s30+$0x40];
	_ =	sdelay $0x4  }
0x8b: {  	v3 =	vld [tilespmem:$0x1BB40];
	v2 =	vadd.s32 v1, v2;
	_ =	sdelay $0x4  }
0x8c: {  	[tilespmem:v2+s16+$0x0] =	vst.idx.add.f32.msk $0xffff, v3  }
0x8d: {  	v2 =	vld [tilespmem:s30+$0x50];
	_ =	sdelay $0x4  }
0x8e: {  	v3 =	vld [tilespmem:$0x1BB50];
	v2 =	vadd.s32 v1, v2;
	_ =	sdelay $0x4  }
0x8f: {  	[tilespmem:v2+s16+$0x0] =	vst.idx.add.f32.msk $0xffff, v3  }
0x90: {  	v2 =	vld [tilespmem:s30+$0x60];
	_ =	sdelay $0x4  }
0x91: {  	v3 =	vld [tilespmem:$0x1BB60];
	v2 =	vadd.s32 v1, v2;
	_ =	sdelay $0x4  }
0x92: {  	[tilespmem:v2+s16+$0x0] =	vst.idx.add.f32.msk $0xffff, v3  }
0x93: {  	v2 =	vld [tilespmem:s30+$0x70];
	_ =	sdelay $0x4  }
0x94: {  	v3 =	vld [tilespmem:$0x1BB70];
	v2 =	vadd.s32 v1, v2;
	_ =	sdelay $0x4  }
0x95: {  	[tilespmem:v2+s16+$0x0] =	vst.idx.add.f32.msk $0xffff, v3  }
0x96: {  	v2 =	vld [tilespmem:s30+$0x80];
	_ =	sdelay $0x4  }
0x97: {  	v3 =	vld [tilespmem:$0x1BB80];
	v2 =	vadd.s32 v1, v2;
	_ =	sdelay $0x4  }
0x98: {  	[tilespmem:v2+s16+$0x0] =	vst.idx.add.f32.msk $0xffff, v3  }
0x99: {  	v2 =	vld [tilespmem:s30+$0x90];
	_ =	sdelay $0x4  }
0x9a: {  	v3 =	vld [tilespmem:$0x1BB90];
	v2 =	vadd.s32 v1, v2;
	_ =	sdelay $0x4  }
0x9b: {  	[tilespmem:v2+s16+$0x0] =	vst.idx.add.f32.msk $0xffff, v3  }
0x9c: {  	v2 =	vld [tilespmem:s30+$0xA0];
	_ =	sdelay $0x4  }
0x9d: {  	v3 =	vld [tilespmem:$0x1BBA0];
	v2 =	vadd.s32 v1, v2;
	_ =	sdelay $0x4  }
0x9e: {  	[tilespmem:v2+s16+$0x0] =	vst.idx.add.f32.msk $0xffff, v3  }
0x9f: {  	v2 =	vld [tilespmem:s30+$0xB0];
	_ =	sdelay $0x4  }
0xa0: {  	v3 =	vld [tilespmem:$0x1BBB0];
	v2 =	vadd.s32 v1, v2;
	_ =	sdelay $0x4  }
0xa1: {  	[tilespmem:v2+s16+$0x0] =	vst.idx.add.f32.msk $0xffff, v3  }
0xa2: {  	v2 =	vld [tilespmem:s30+$0xC0];
	_ =	sdelay $0x4  }
0xa3: {  	v3 =	vld [tilespmem:$0x1BBC0];
	v2 =	vadd.s32 v1, v2;
	_ =	sdelay $0x4  }
0xa4: {  	[tilespmem:v2+s16+$0x0] =	vst.idx.add.f32.msk $0xffff, v3  }
0xa5: {  	v2 =	vld [tilespmem:s30+$0xD0];
	_ =	sdelay $0x4  }
0xa6: {  	v3 =	vld [tilespmem:$0x1BBD0];
	v2 =	vadd.s32 v1, v2;
	_ =	sdelay $0x4  }
0xa7: {  	[tilespmem:v2+s16+$0x0] =	vst.idx.add.f32.msk $0xffff, v3  }
0xa8: {  	v2 =	vld [tilespmem:s30+$0xE0];
	_ =	sdelay $0x4  }
0xa9: {  	v3 =	vld [tilespmem:$0x1BBE0];
	v2 =	vadd.s32 v1, v2;
	_ =	sdelay $0x4  }
0xaa: {  	[tilespmem:v2+s16+$0x0] =	vst.idx.add.f32.msk $0xffff, v3  }
0xab: {  	v2 =	vld [tilespmem:s30+$0xF0];
	_ =	sdelay $0x4  }
0xac: {  	v3 =	vld [tilespmem:$0x1BBF0];
	v2 =	vadd.s32 v1, v2;
	_ =	sdelay $0x4  }
0xad: {  	[tilespmem:v2+s16+$0x0] =	vst.idx.add.f32.msk $0xffff, v3  }
0xae: {  	v2 =	vld [tilespmem:s30+$0x100];
	_ =	sdelay $0x4  }
0xaf: {  	v3 =	vld [tilespmem:$0x1BC00];
	v2 =	vadd.s32 v1, v2;
	_ =	sdelay $0x4  }
0xb0: {  	[tilespmem:v2+s16+$0x0] =	vst.idx.add.f32.msk $0xffff, v3  }
0xb1: {  	v2 =	vld [tilespmem:s30+$0x110];
	_ =	sdelay $0x4  }
0xb2: {  	v3 =	vld [tilespmem:$0x1BC10];
	v2 =	vadd.s32 v1, v2;
	_ =	sdelay $0x4  }
0xb3: {  	[tilespmem:v2+s16+$0x0] =	vst.idx.add.f32.msk $0xffff, v3  }
0xb4: {  	v2 =	vld [tilespmem:s30+$0x120];
	_ =	sdelay $0x4  }
0xb5: {  	v3 =	vld [tilespmem:$0x1BC20];
	v2 =	vadd.s32 v1, v2;
	_ =	sdelay $0x4  }
0xb6: {  	[tilespmem:v2+s16+$0x0] =	vst.idx.add.f32.msk $0xffff, v3  }
0xb7: {  	v2 =	vld [tilespmem:s30+$0x130];
	_ =	sdelay $0x4  }
0xb8: {  	v3 =	vld [tilespmem:$0x1BC30];
	v2 =	vadd.s32 v1, v2;
	_ =	sdelay $0x4  }
0xb9: {  	[tilespmem:v2+s16+$0x0] =	vst.idx.add.f32.msk $0xffff, v3  }
0xba: {  	v2 =	vld [tilespmem:s30+$0x140];
	_ =	sdelay $0x4  }
0xbb: {  	v3 =	vld [tilespmem:$0x1BC40];
	v2 =	vadd.s32 v1, v2;
	_ =	sdelay $0x4  }
0xbc: {  	[tilespmem:v2+s16+$0x0] =	vst.idx.add.f32.msk $0xffff, v3  }
0xbd: {  	v2 =	vld [tilespmem:s30+$0x150];
	_ =	sdelay $0x4  }
0xbe: {  	v3 =	vld [tilespmem:$0x1BC50];
	v2 =	vadd.s32 v1, v2;
	_ =	sdelay $0x4  }
0xbf: {  	[tilespmem:v2+s16+$0x0] =	vst.idx.add.f32.msk $0xffff, v3  }
0xc0: {  	v2 =	vld [tilespmem:s30+$0x160];
	_ =	sdelay $0x4  }
0xc1: {  	v3 =	vld [tilespmem:$0x1BC60];
	v2 =	vadd.s32 v1, v2;
	_ =	sdelay $0x4  }
0xc2: {  	[tilespmem:v2+s16+$0x0] =	vst.idx.add.f32.msk $0xffff, v3  }
0xc3: {  	v2 =	vld [tilespmem:s30+$0x170];
	_ =	sdelay $0x4  }
0xc4: {  	v3 =	vld [tilespmem:$0x1BC70];
	v2 =	vadd.s32 v1, v2;
	_ =	sdelay $0x4  }
0xc5: {  	[tilespmem:v2+s16+$0x0] =	vst.idx.add.f32.msk $0xffff, v3  }
0xc6: {  	v2 =	vld [tilespmem:s30+$0x180];
	_ =	sdelay $0x4  }
0xc7: {  	v3 =	vld [tilespmem:$0x1BC80];
	v2 =	vadd.s32 v1, v2;
	_ =	sdelay $0x4  }
0xc8: {  	[tilespmem:v2+s16+$0x0] =	vst.idx.add.f32.msk $0xffff, v3  }
0xc9: {  	v2 =	vld [tilespmem:s30+$0x190];
	_ =	sdelay $0x4  }
0xca: {  	v3 =	vld [tilespmem:$0x1BC90];
	v2 =	vadd.s32 v1, v2;
	_ =	sdelay $0x4  }
0xcb: {  	[tilespmem:v2+s16+$0x0] =	vst.idx.add.f32.msk $0xffff, v3  }
0xcc: {  	v2 =	vld [tilespmem:s30+$0x1A0];
	_ =	sdelay $0x4  }
0xcd: {  	v3 =	vld [tilespmem:$0x1BCA0];
	v2 =	vadd.s32 v1, v2;
	_ =	sdelay $0x4  }
0xce: {  	[tilespmem:v2+s16+$0x0] =	vst.idx.add.f32.msk $0xffff, v3  }
0xcf: {  	v2 =	vld [tilespmem:s30+$0x1B0];
	_ =	sdelay $0x4  }
0xd0: {  	v3 =	vld [tilespmem:$0x1BCB0];
	v2 =	vadd.s32 v1, v2;
	_ =	sdelay $0x4  }
0xd1: {  	[tilespmem:v2+s16+$0x0] =	vst.idx.add.f32.msk $0xffff, v3  }
0xd2: {  	v2 =	vld [tilespmem:s30+$0x1C0];
	_ =	sdelay $0x4  }
0xd3: {  	v3 =	vld [tilespmem:$0x1BCC0];
	v2 =	vadd.s32 v1, v2;
	_ =	sdelay $0x4  }
0xd4: {  	[tilespmem:v2+s16+$0x0] =	vst.idx.add.f32.msk $0xffff, v3  }
0xd5: {  	v2 =	vld [tilespmem:s30+$0x1D0];
	_ =	sdelay $0x4  }
0xd6: {  	v3 =	vld [tilespmem:$0x1BCD0];
	v2 =	vadd.s32 v1, v2;
	_ =	sdelay $0x4  }
0xd7: {  	[tilespmem:v2+s16+$0x0] =	vst.idx.add.f32.msk $0xffff, v3  }
0xd8: {  	v2 =	vld [tilespmem:s30+$0x1E0];
	_ =	sdelay $0x4  }
0xd9: {  	v3 =	vld [tilespmem:$0x1BCE0];
	v2 =	vadd.s32 v1, v2;
	_ =	sdelay $0x4  }
0xda: {  	[tilespmem:v2+s16+$0x0] =	vst.idx.add.f32.msk $0xffff, v3  }
0xdb: {  	v2 =	vld [tilespmem:s30+$0x1F0];
	_ =	sdelay $0x4  }
0xdc: {  	p0 =	sne.s32 s29, $0x3180;
	v3 =	vld [tilespmem:$0x1BCF0];
	v2 =	vadd.s32 v1, v2  }
.Ltmp1:
0xdd: {  	_ = 	snop;
	(pc) =	sbr.rel @p0 .LBB2_4-.Ltmp1, $2  }
0xde: {  	_ =	sdelay $0x2  }
0xdf: {  	s29 =	sadd.s32 $0x80, s29;
	s30 =	sadd.s32 $0x400, s30;
	[tilespmem:v2+s16+$0x0] =	vst.idx.add.f32.msk $0xffff, v3  }
0xe0: {  	s0 =	simm.s32 $0x0  }
0xe1: {  	[tilespmem:s17], [sflag:$0x1] =	stream.linear.gather [hbm4b:s4+s0], $0x400, $0x38;
	[tilespmem:$0x1C100] =	vst v63  }
0xe2: {  	_ = 	snop  }
0xe3: {  	[tilespmem:s18], [sflag:$0x1] =	stream.linear.gather [hbm4b:s5+s0], $0x400, $0x38;
	[tilespmem:$0x1C100] =	vst v63  }
0xe4: {  	_ = 	snop  }
0xe5: {  	[tilespmem:s15], [sflag:$0x1] =	stream.linear.gather [hbm4b:s6+s0], $0x400, $0x38;
	[tilespmem:$0x1C100] =	vst v63  }
.LBB2_7:
0xe6: {  	s2 =	sshll.u32 s0, $0x8  }
0xe7: {  	s29 =	sor.u32 $0x80, s2  }
0xe8: {  	s30 =	sadd.s32 s4, s29  }
0xe9: {  	[tilespmem:s19], [sflag:$0x2] =	stream.linear.gather [hbm4b:s30+s1], $0x400, $0x38;
	[tilespmem:$0x1C100] =	vst v63  }
0xea: {  	s30 =	sadd.s32 s5, s29  }
0xeb: {  	[tilespmem:s20], [sflag:$0x2] =	stream.linear.gather [hbm4b:s30+s1], $0x400, $0x38;
	[tilespmem:$0x1C100] =	vst v63  }
0xec: {  	s29 =	sadd.s32 s6, s29  }
0xed: {  	[tilespmem:s21], [sflag:$0x2] =	stream.linear.gather [hbm4b:s29+s1], $0x400, $0x38;
	[tilespmem:$0x1C100] =	vst v63  }
0xee: {  	_ =	swait.ge [sflag:s22], $0x800  }
0xef: {  	[sflag:s22] =	ssyncset.done $0x0  }
0xf0: {  	[sflag:s22] =	ssyncadd.s32 $0xFFFFF800  }
0xf1: {  	_ =	swait.ge [sflag:s22], $0x400  }
0xf2: {  	s31 =	simm.s32 $0x1B980;
	[sflag:s22] =	ssyncset.done $0x0  }
0xf3: {  	s30 =	simm.s32 $0x1A500;
	s29 =	simm.s32 $0xFFFFFFF0;
	[sflag:s22] =	ssyncadd.s32 $0xFFFFFC00  }
.LBB2_8:
0xf4: {  	v2 =	vld [tilespmem:s30+$0xFFFFFC00]  }
0xf5: {  	v3 =	vld [tilespmem:s30+$0x0];
	_ =	sdelay $0x6  }
0xf6: {  	v2 =	vld.idx.msk [tilespmem:v2+s1+$0x0], $0xffff  }
0xf7: {  	v3 =	vld.idx.msk [tilespmem:v3+s1+$0x0], $0xffff;
	_ =	sdelay $0x4  }
0xf8: {  	vm0 =	vgt.s32 v2, v3  }
0xf9: {  	v2 =	vsel vm0, v2, v3  }
0xfa: {  	v3 =	vld [tilespmem:s31+$0xFFFFFF80];
	v2 =	vadd.s32 v1, v2;
	_ =	sdelay $0x4  }
0xfb: {  	[tilespmem:v2+s16+$0x0] =	vst.idx.add.f32.msk $0xffff, v3  }
0xfc: {  	v2 =	vld [tilespmem:s30+$0xFFFFFC10]  }
0xfd: {  	v3 =	vld [tilespmem:s30+$0x10];
	_ =	sdelay $0x6  }
0xfe: {  	v2 =	vld.idx.msk [tilespmem:v2+s1+$0x0], $0xffff  }
0xff: {  	v3 =	vld.idx.msk [tilespmem:v3+s1+$0x0], $0xffff;
	_ =	sdelay $0x4  }
0x100: {  	vm13 =	vgt.s32 v2, v3  }
0x101: {  	v2 =	vsel vm13, v2, v3  }
0x102: {  	v3 =	vld [tilespmem:s31+$0xFFFFFF90];
	v2 =	vadd.s32 v1, v2;
	_ =	sdelay $0x4  }
0x103: {  	[tilespmem:v2+s16+$0x0] =	vst.idx.add.f32.msk $0xffff, v3  }
0x104: {  	v2 =	vld [tilespmem:s30+$0xFFFFFC20]  }
0x105: {  	v3 =	vld [tilespmem:s30+$0x20];
	_ =	sdelay $0x6  }
0x106: {  	v2 =	vld.idx.msk [tilespmem:v2+s1+$0x0], $0xffff  }
0x107: {  	v3 =	vld.idx.msk [tilespmem:v3+s1+$0x0], $0xffff;
	_ =	sdelay $0x4  }
0x108: {  	vm14 =	vgt.s32 v2, v3  }
0x109: {  	v2 =	vsel vm14, v2, v3  }
0x10a: {  	v3 =	vld [tilespmem:s31+$0xFFFFFFA0];
	v2 =	vadd.s32 v1, v2;
	_ =	sdelay $0x4  }
0x10b: {  	[tilespmem:v2+s16+$0x0] =	vst.idx.add.f32.msk $0xffff, v3  }
0x10c: {  	v2 =	vld [tilespmem:s30+$0xFFFFFC30]  }
0x10d: {  	v3 =	vld [tilespmem:s30+$0x30];
	_ =	sdelay $0x6  }
0x10e: {  	v2 =	vld.idx.msk [tilespmem:v2+s1+$0x0], $0xffff  }
0x10f: {  	v3 =	vld.idx.msk [tilespmem:v3+s1+$0x0], $0xffff;
	_ =	sdelay $0x4  }
0x110: {  	vm15 =	vgt.s32 v2, v3  }
0x111: {  	v2 =	vsel vm15, v2, v3  }
0x112: {  	v3 =	vld [tilespmem:s31+$0xFFFFFFB0];
	v2 =	vadd.s32 v1, v2;
	_ =	sdelay $0x4  }
0x113: {  	[tilespmem:v2+s16+$0x0] =	vst.idx.add.f32.msk $0xffff, v3  }
0x114: {  	v2 =	vld [tilespmem:s30+$0xFFFFFC40]  }
0x115: {  	v3 =	vld [tilespmem:s30+$0x40];
	_ =	sdelay $0x6  }
0x116: {  	v2 =	vld.idx.msk [tilespmem:v2+s1+$0x0], $0xffff  }
0x117: {  	v3 =	vld.idx.msk [tilespmem:v3+s1+$0x0], $0xffff;
	_ =	sdelay $0x4  }
0x118: {  	vm4 =	vgt.s32 v2, v3  }
0x119: {  	v2 =	vsel vm4, v2, v3  }
0x11a: {  	v3 =	vld [tilespmem:s31+$0xFFFFFFC0];
	v2 =	vadd.s32 v1, v2;
	_ =	sdelay $0x4  }
0x11b: {  	[tilespmem:v2+s16+$0x0] =	vst.idx.add.f32.msk $0xffff, v3  }
0x11c: {  	v2 =	vld [tilespmem:s30+$0xFFFFFC50]  }
0x11d: {  	v3 =	vld [tilespmem:s30+$0x50];
	_ =	sdelay $0x6  }
0x11e: {  	v2 =	vld.idx.msk [tilespmem:v2+s1+$0x0], $0xffff  }
0x11f: {  	v3 =	vld.idx.msk [tilespmem:v3+s1+$0x0], $0xffff;
	_ =	sdelay $0x4  }
0x120: {  	vm5 =	vgt.s32 v2, v3  }
0x121: {  	v2 =	vsel vm5, v2, v3  }
0x122: {  	v3 =	vld [tilespmem:s31+$0xFFFFFFD0];
	v2 =	vadd.s32 v1, v2;
	_ =	sdelay $0x4  }
0x123: {  	[tilespmem:v2+s16+$0x0] =	vst.idx.add.f32.msk $0xffff, v3  }
0x124: {  	v2 =	vld [tilespmem:s30+$0xFFFFFC60]  }
0x125: {  	v3 =	vld [tilespmem:s30+$0x60];
	_ =	sdelay $0x6  }
0x126: {  	v2 =	vld.idx.msk [tilespmem:v2+s1+$0x0], $0xffff  }
0x127: {  	v3 =	vld.idx.msk [tilespmem:v3+s1+$0x0], $0xffff;
	_ =	sdelay $0x4  }
0x128: {  	vm6 =	vgt.s32 v2, v3  }
0x129: {  	v2 =	vsel vm6, v2, v3  }
0x12a: {  	v3 =	vld [tilespmem:s31+$0xFFFFFFE0];
	v2 =	vadd.s32 v1, v2;
	_ =	sdelay $0x4  }
0x12b: {  	[tilespmem:v2+s16+$0x0] =	vst.idx.add.f32.msk $0xffff, v3  }
0x12c: {  	v2 =	vld [tilespmem:s30+$0xFFFFFC70]  }
0x12d: {  	v3 =	vld [tilespmem:s30+$0x70];
	_ =	sdelay $0x6  }
0x12e: {  	v2 =	vld.idx.msk [tilespmem:v2+s1+$0x0], $0xffff  }
0x12f: {  	v3 =	vld.idx.msk [tilespmem:v3+s1+$0x0], $0xffff;
	_ =	sdelay $0x4  }
0x130: {  	vm7 =	vgt.s32 v2, v3  }
0x131: {  	v2 =	vsel vm7, v2, v3  }
0x132: {  	v3 =	vld [tilespmem:s31+$0xFFFFFFF0];
	v2 =	vadd.s32 v1, v2;
	_ =	sdelay $0x4  }
0x133: {  	[tilespmem:v2+s16+$0x0] =	vst.idx.add.f32.msk $0xffff, v3  }
0x134: {  	v2 =	vld [tilespmem:s30+$0xFFFFFC80]  }
0x135: {  	v3 =	vld [tilespmem:s30+$0x80];
	_ =	sdelay $0x6  }
0x136: {  	v2 =	vld.idx.msk [tilespmem:v2+s1+$0x0], $0xffff  }
0x137: {  	v3 =	vld.idx.msk [tilespmem:v3+s1+$0x0], $0xffff;
	_ =	sdelay $0x4  }
0x138: {  	vm8 =	vgt.s32 v2, v3  }
0x139: {  	v2 =	vsel vm8, v2, v3  }
0x13a: {  	v3 =	vld [tilespmem:s31+$0x0];
	v2 =	vadd.s32 v1, v2;
	_ =	sdelay $0x4  }
0x13b: {  	[tilespmem:v2+s16+$0x0] =	vst.idx.add.f32.msk $0xffff, v3  }
0x13c: {  	v2 =	vld [tilespmem:s30+$0xFFFFFC90]  }
0x13d: {  	v3 =	vld [tilespmem:s30+$0x90];
	_ =	sdelay $0x6  }
0x13e: {  	v2 =	vld.idx.msk [tilespmem:v2+s1+$0x0], $0xffff  }
0x13f: {  	v3 =	vld.idx.msk [tilespmem:v3+s1+$0x0], $0xffff;
	_ =	sdelay $0x4  }
0x140: {  	vm9 =	vgt.s32 v2, v3  }
0x141: {  	v2 =	vsel vm9, v2, v3  }
0x142: {  	v3 =	vld [tilespmem:s31+$0x10];
	v2 =	vadd.s32 v1, v2;
	_ =	sdelay $0x4  }
0x143: {  	[tilespmem:v2+s16+$0x0] =	vst.idx.add.f32.msk $0xffff, v3  }
0x144: {  	v2 =	vld [tilespmem:s30+$0xFFFFFCA0]  }
0x145: {  	v3 =	vld [tilespmem:s30+$0xA0];
	_ =	sdelay $0x6  }
0x146: {  	v2 =	vld.idx.msk [tilespmem:v2+s1+$0x0], $0xffff  }
0x147: {  	v3 =	vld.idx.msk [tilespmem:v3+s1+$0x0], $0xffff;
	_ =	sdelay $0x4  }
0x148: {  	vm10 =	vgt.s32 v2, v3  }
0x149: {  	v2 =	vsel vm10, v2, v3  }
0x14a: {  	v3 =	vld [tilespmem:s31+$0x20];
	v2 =	vadd.s32 v1, v2;
	_ =	sdelay $0x4  }
0x14b: {  	[tilespmem:v2+s16+$0x0] =	vst.idx.add.f32.msk $0xffff, v3  }
0x14c: {  	v2 =	vld [tilespmem:s30+$0xFFFFFCB0]  }
0x14d: {  	v3 =	vld [tilespmem:s30+$0xB0];
	_ =	sdelay $0x6  }
0x14e: {  	v2 =	vld.idx.msk [tilespmem:v2+s1+$0x0], $0xffff  }
0x14f: {  	v3 =	vld.idx.msk [tilespmem:v3+s1+$0x0], $0xffff;
	_ =	sdelay $0x4  }
0x150: {  	vm11 =	vgt.s32 v2, v3  }
0x151: {  	v2 =	vsel vm11, v2, v3  }
0x152: {  	v3 =	vld [tilespmem:s31+$0x30];
	v2 =	vadd.s32 v1, v2;
	_ =	sdelay $0x4  }
0x153: {  	[tilespmem:v2+s16+$0x0] =	vst.idx.add.f32.msk $0xffff, v3  }
0x154: {  	v2 =	vld [tilespmem:s30+$0xFFFFFCC0]  }
0x155: {  	v3 =	vld [tilespmem:s30+$0xC0];
	_ =	sdelay $0x6  }
0x156: {  	v2 =	vld.idx.msk [tilespmem:v2+s1+$0x0], $0xffff  }
0x157: {  	v3 =	vld.idx.msk [tilespmem:v3+s1+$0x0], $0xffff;
	_ =	sdelay $0x4  }
0x158: {  	vm12 =	vgt.s32 v2, v3  }
0x159: {  	v2 =	vsel vm12, v2, v3  }
0x15a: {  	v3 =	vld [tilespmem:s31+$0x40];
	v2 =	vadd.s32 v1, v2;
	_ =	sdelay $0x4  }
0x15b: {  	[tilespmem:v2+s16+$0x0] =	vst.idx.add.f32.msk $0xffff, v3  }
0x15c: {  	v2 =	vld [tilespmem:s30+$0xFFFFFCD0]  }
0x15d: {  	v3 =	vld [tilespmem:s30+$0xD0];
	_ =	sdelay $0x6  }
0x15e: {  	v2 =	vld.idx.msk [tilespmem:v2+s1+$0x0], $0xffff  }
0x15f: {  	v3 =	vld.idx.msk [tilespmem:v3+s1+$0x0], $0xffff;
	_ =	sdelay $0x4  }
0x160: {  	vm13 =	vgt.s32 v2, v3  }
0x161: {  	v2 =	vsel vm13, v2, v3  }
0x162: {  	v3 =	vld [tilespmem:s31+$0x50];
	v2 =	vadd.s32 v1, v2;
	_ =	sdelay $0x4  }
0x163: {  	[tilespmem:v2+s16+$0x0] =	vst.idx.add.f32.msk $0xffff, v3  }
0x164: {  	v2 =	vld [tilespmem:s30+$0xFFFFFCE0]  }
0x165: {  	v3 =	vld [tilespmem:s30+$0xE0];
	_ =	sdelay $0x6  }
0x166: {  	v2 =	vld.idx.msk [tilespmem:v2+s1+$0x0], $0xffff  }
0x167: {  	v3 =	vld.idx.msk [tilespmem:v3+s1+$0x0], $0xffff;
	_ =	sdelay $0x4  }
0x168: {  	vm14 =	vgt.s32 v2, v3  }
0x169: {  	v2 =	vsel vm14, v2, v3  }
0x16a: {  	v3 =	vld [tilespmem:s31+$0x60];
	v2 =	vadd.s32 v1, v2;
	_ =	sdelay $0x4  }
0x16b: {  	[tilespmem:v2+s16+$0x0] =	vst.idx.add.f32.msk $0xffff, v3  }
0x16c: {  	v2 =	vld [tilespmem:s30+$0xFFFFFCF0]  }
0x16d: {  	v3 =	vld [tilespmem:s30+$0xF0];
	_ =	sdelay $0x6  }
0x16e: {  	v2 =	vld.idx.msk [tilespmem:v2+s1+$0x0], $0xffff  }
0x16f: {  	v3 =	vld.idx.msk [tilespmem:v3+s1+$0x0], $0xffff;
	_ =	sdelay $0x4  }
0x170: {  	vm15 =	vgt.s32 v2, v3  }
0x171: {  	s29 =	sadd.s32 $0x10, s29;
	v2 =	vsel vm15, v2, v3  }
0x172: {  	p0 =	slt.u32 s29, $0x30;
	v3 =	vld [tilespmem:s31+$0x70];
	v2 =	vadd.s32 v1, v2  }
.Ltmp2:
0x173: {  	_ = 	snop;
	(pc) =	sbr.rel @p0 .LBB2_8-.Ltmp2, $2  }
0x174: {  	_ =	sdelay $0x2  }
0x175: {  	s30 =	sadd.s32 $0x100, s30;
	s31 =	sadd.s32 $0x100, s31;
	[tilespmem:v2+s16+$0x0] =	vst.idx.add.f32.msk $0xffff, v3  }
0x176: {  	p0 =	seq.s32 s0, $0xF4  }
0x177: {  	s2 =	sadd.s32 @!p0 $0x100, s2  }
0x178: {  	s30 =	simm.s32 @!p0 $0x0;
	s31 =	simm.s32 @!p0 $0x1A100;
	s29 =	sadd.s32 @!p0 s4, s2  }
0x179: {  	[tilespmem:s31], [sflag:$0x1] =	stream.linear.gather @!p0 [hbm4b:s29+s30], $0x400, $0x38;
	[tilespmem:$0x1C100] =	vst v63  }
0x17a: {  	s29 =	sadd.s32 @!p0 s5, s2;
	s31 =	simm.s32 @!p0 $0x1A500  }
0x17b: {  	[tilespmem:s31], [sflag:$0x1] =	stream.linear.gather @!p0 [hbm4b:s29+s30], $0x400, $0x38;
	[tilespmem:$0x1C100] =	vst v63  }
0x17c: {  	s2 =	sadd.s32 @!p0 s6, s2;
	s29 =	simm.s32 @!p0 $0x1B900  }
0x17d: {  	[tilespmem:s29], [sflag:$0x1] =	stream.linear.gather @!p0 [hbm4b:s2+s30], $0x400, $0x38;
	[tilespmem:$0x1C100] =	vst v63  }
0x17e: {  	_ =	swait.ge [sflag:s23], $0x800  }
0x17f: {  	[sflag:s23] =	ssyncset.done $0x0  }
0x180: {  	[sflag:s23] =	ssyncadd.s32 $0xFFFFF800  }
0x181: {  	_ =	swait.ge [sflag:s23], $0x400  }
0x182: {  	s0 =	sadd.s32 $0x1, s0;
	s2 =	simm.s32 $0xFFFFFFF0;
	[sflag:s23] =	ssyncset.done $0x0  }
0x183: {  	s29 =	simm.s32 $0x1B1F0;
	s30 =	simm.s32 $0x1BDF0;
	[sflag:s23] =	ssyncadd.s32 $0xFFFFFC00  }
.LBB2_10:
0x184: {  	v2 =	vld [tilespmem:s29+$0xFFFFFB10]  }
0x185: {  	v3 =	vld [tilespmem:s29+$0xFFFFFF10];
	_ =	sdelay $0x6  }
0x186: {  	v2 =	vld.idx.msk [tilespmem:v2+s1+$0x0], $0xffff  }
0x187: {  	v3 =	vld.idx.msk [tilespmem:v3+s1+$0x0], $0xffff;
	_ =	sdelay $0x4  }
0x188: {  	vm0 =	vgt.s32 v2, v3  }
0x189: {  	v2 =	vsel vm0, v2, v3  }
0x18a: {  	v3 =	vld [tilespmem:s30+$0xFFFFFF10];
	v2 =	vadd.s32 v1, v2;
	_ =	sdelay $0x4  }
0x18b: {  	[tilespmem:v2+s16+$0x0] =	vst.idx.add.f32.msk $0xffff, v3  }
0x18c: {  	v2 =	vld [tilespmem:s29+$0xFFFFFB20]  }
0x18d: {  	v3 =	vld [tilespmem:s29+$0xFFFFFF20];
	_ =	sdelay $0x6  }
0x18e: {  	v2 =	vld.idx.msk [tilespmem:v2+s1+$0x0], $0xffff  }
0x18f: {  	v3 =	vld.idx.msk [tilespmem:v3+s1+$0x0], $0xffff;
	_ =	sdelay $0x4  }
0x190: {  	vm13 =	vgt.s32 v2, v3  }
0x191: {  	v2 =	vsel vm13, v2, v3  }
0x192: {  	v3 =	vld [tilespmem:s30+$0xFFFFFF20];
	v2 =	vadd.s32 v1, v2;
	_ =	sdelay $0x4  }
0x193: {  	[tilespmem:v2+s16+$0x0] =	vst.idx.add.f32.msk $0xffff, v3  }
0x194: {  	v2 =	vld [tilespmem:s29+$0xFFFFFB30]  }
0x195: {  	v3 =	vld [tilespmem:s29+$0xFFFFFF30];
	_ =	sdelay $0x6  }
0x196: {  	v2 =	vld.idx.msk [tilespmem:v2+s1+$0x0], $0xffff  }
0x197: {  	v3 =	vld.idx.msk [tilespmem:v3+s1+$0x0], $0xffff;
	_ =	sdelay $0x4  }
0x198: {  	vm14 =	vgt.s32 v2, v3  }
0x199: {  	v2 =	vsel vm14, v2, v3  }
0x19a: {  	v3 =	vld [tilespmem:s30+$0xFFFFFF30];
	v2 =	vadd.s32 v1, v2;
	_ =	sdelay $0x4  }
0x19b: {  	[tilespmem:v2+s16+$0x0] =	vst.idx.add.f32.msk $0xffff, v3  }
0x19c: {  	v2 =	vld [tilespmem:s29+$0xFFFFFB40]  }
0x19d: {  	v3 =	vld [tilespmem:s29+$0xFFFFFF40];
	_ =	sdelay $0x6  }
0x19e: {  	v2 =	vld.idx.msk [tilespmem:v2+s1+$0x0], $0xffff  }
0x19f: {  	v3 =	vld.idx.msk [tilespmem:v3+s1+$0x0], $0xffff;
	_ =	sdelay $0x4  }
0x1a0: {  	vm15 =	vgt.s32 v2, v3  }
0x1a1: {  	v2 =	vsel vm15, v2, v3  }
0x1a2: {  	v3 =	vld [tilespmem:s30+$0xFFFFFF40];
	v2 =	vadd.s32 v1, v2;
	_ =	sdelay $0x4  }
0x1a3: {  	[tilespmem:v2+s16+$0x0] =	vst.idx.add.f32.msk $0xffff, v3  }
0x1a4: {  	v2 =	vld [tilespmem:s29+$0xFFFFFB50]  }
0x1a5: {  	v3 =	vld [tilespmem:s29+$0xFFFFFF50];
	_ =	sdelay $0x6  }
0x1a6: {  	v2 =	vld.idx.msk [tilespmem:v2+s1+$0x0], $0xffff  }
0x1a7: {  	v3 =	vld.idx.msk [tilespmem:v3+s1+$0x0], $0xffff;
	_ =	sdelay $0x4  }
0x1a8: {  	vm4 =	vgt.s32 v2, v3  }
0x1a9: {  	v2 =	vsel vm4, v2, v3  }
0x1aa: {  	v3 =	vld [tilespmem:s30+$0xFFFFFF50];
	v2 =	vadd.s32 v1, v2;
	_ =	sdelay $0x4  }
0x1ab: {  	[tilespmem:v2+s16+$0x0] =	vst.idx.add.f32.msk $0xffff, v3  }
0x1ac: {  	v2 =	vld [tilespmem:s29+$0xFFFFFB60]  }
0x1ad: {  	v3 =	vld [tilespmem:s29+$0xFFFFFF60];
	_ =	sdelay $0x6  }
0x1ae: {  	v2 =	vld.idx.msk [tilespmem:v2+s1+$0x0], $0xffff  }
0x1af: {  	v3 =	vld.idx.msk [tilespmem:v3+s1+$0x0], $0xffff;
	_ =	sdelay $0x4  }
0x1b0: {  	vm5 =	vgt.s32 v2, v3  }
0x1b1: {  	v2 =	vsel vm5, v2, v3  }
0x1b2: {  	v3 =	vld [tilespmem:s30+$0xFFFFFF60];
	v2 =	vadd.s32 v1, v2;
	_ =	sdelay $0x4  }
0x1b3: {  	[tilespmem:v2+s16+$0x0] =	vst.idx.add.f32.msk $0xffff, v3  }
0x1b4: {  	v2 =	vld [tilespmem:s29+$0xFFFFFB70]  }
0x1b5: {  	v3 =	vld [tilespmem:s29+$0xFFFFFF70];
	_ =	sdelay $0x6  }
0x1b6: {  	v2 =	vld.idx.msk [tilespmem:v2+s1+$0x0], $0xffff  }
0x1b7: {  	v3 =	vld.idx.msk [tilespmem:v3+s1+$0x0], $0xffff;
	_ =	sdelay $0x4  }
0x1b8: {  	vm6 =	vgt.s32 v2, v3  }
0x1b9: {  	v2 =	vsel vm6, v2, v3  }
0x1ba: {  	v3 =	vld [tilespmem:s30+$0xFFFFFF70];
	v2 =	vadd.s32 v1, v2;
	_ =	sdelay $0x4  }
0x1bb: {  	[tilespmem:v2+s16+$0x0] =	vst.idx.add.f32.msk $0xffff, v3  }
0x1bc: {  	v2 =	vld [tilespmem:s29+$0xFFFFFB80]  }
0x1bd: {  	v3 =	vld [tilespmem:s29+$0xFFFFFF80];
	_ =	sdelay $0x6  }
0x1be: {  	v2 =	vld.idx.msk [tilespmem:v2+s1+$0x0], $0xffff  }
0x1bf: {  	v3 =	vld.idx.msk [tilespmem:v3+s1+$0x0], $0xffff;
	_ =	sdelay $0x4  }
0x1c0: {  	vm7 =	vgt.s32 v2, v3  }
0x1c1: {  	v2 =	vsel vm7, v2, v3  }
0x1c2: {  	v3 =	vld [tilespmem:s30+$0xFFFFFF80];
	v2 =	vadd.s32 v1, v2;
	_ =	sdelay $0x4  }
0x1c3: {  	[tilespmem:v2+s16+$0x0] =	vst.idx.add.f32.msk $0xffff, v3  }
0x1c4: {  	v2 =	vld [tilespmem:s29+$0xFFFFFB90]  }
0x1c5: {  	v3 =	vld [tilespmem:s29+$0xFFFFFF90];
	_ =	sdelay $0x6  }
0x1c6: {  	v2 =	vld.idx.msk [tilespmem:v2+s1+$0x0], $0xffff  }
0x1c7: {  	v3 =	vld.idx.msk [tilespmem:v3+s1+$0x0], $0xffff;
	_ =	sdelay $0x4  }
0x1c8: {  	vm8 =	vgt.s32 v2, v3  }
0x1c9: {  	v2 =	vsel vm8, v2, v3  }
0x1ca: {  	v3 =	vld [tilespmem:s30+$0xFFFFFF90];
	v2 =	vadd.s32 v1, v2;
	_ =	sdelay $0x4  }
0x1cb: {  	[tilespmem:v2+s16+$0x0] =	vst.idx.add.f32.msk $0xffff, v3  }
0x1cc: {  	v2 =	vld [tilespmem:s29+$0xFFFFFBA0]  }
0x1cd: {  	v3 =	vld [tilespmem:s29+$0xFFFFFFA0];
	_ =	sdelay $0x6  }
0x1ce: {  	v2 =	vld.idx.msk [tilespmem:v2+s1+$0x0], $0xffff  }
0x1cf: {  	v3 =	vld.idx.msk [tilespmem:v3+s1+$0x0], $0xffff;
	_ =	sdelay $0x4  }
0x1d0: {  	vm9 =	vgt.s32 v2, v3  }
0x1d1: {  	v2 =	vsel vm9, v2, v3  }
0x1d2: {  	v3 =	vld [tilespmem:s30+$0xFFFFFFA0];
	v2 =	vadd.s32 v1, v2;
	_ =	sdelay $0x4  }
0x1d3: {  	[tilespmem:v2+s16+$0x0] =	vst.idx.add.f32.msk $0xffff, v3  }
0x1d4: {  	v2 =	vld [tilespmem:s29+$0xFFFFFBB0]  }
0x1d5: {  	v3 =	vld [tilespmem:s29+$0xFFFFFFB0];
	_ =	sdelay $0x6  }
0x1d6: {  	v2 =	vld.idx.msk [tilespmem:v2+s1+$0x0], $0xffff  }
0x1d7: {  	v3 =	vld.idx.msk [tilespmem:v3+s1+$0x0], $0xffff;
	_ =	sdelay $0x4  }
0x1d8: {  	vm10 =	vgt.s32 v2, v3  }
0x1d9: {  	v2 =	vsel vm10, v2, v3  }
0x1da: {  	v3 =	vld [tilespmem:s30+$0xFFFFFFB0];
	v2 =	vadd.s32 v1, v2;
	_ =	sdelay $0x4  }
0x1db: {  	[tilespmem:v2+s16+$0x0] =	vst.idx.add.f32.msk $0xffff, v3  }
0x1dc: {  	v2 =	vld [tilespmem:s29+$0xFFFFFBC0]  }
0x1dd: {  	v3 =	vld [tilespmem:s29+$0xFFFFFFC0];
	_ =	sdelay $0x6  }
0x1de: {  	v2 =	vld.idx.msk [tilespmem:v2+s1+$0x0], $0xffff  }
0x1df: {  	v3 =	vld.idx.msk [tilespmem:v3+s1+$0x0], $0xffff;
	_ =	sdelay $0x4  }
0x1e0: {  	vm11 =	vgt.s32 v2, v3  }
0x1e1: {  	v2 =	vsel vm11, v2, v3  }
0x1e2: {  	v3 =	vld [tilespmem:s30+$0xFFFFFFC0];
	v2 =	vadd.s32 v1, v2;
	_ =	sdelay $0x4  }
0x1e3: {  	[tilespmem:v2+s16+$0x0] =	vst.idx.add.f32.msk $0xffff, v3  }
0x1e4: {  	v2 =	vld [tilespmem:s29+$0xFFFFFBD0]  }
0x1e5: {  	v3 =	vld [tilespmem:s29+$0xFFFFFFD0];
	_ =	sdelay $0x6  }
0x1e6: {  	v2 =	vld.idx.msk [tilespmem:v2+s1+$0x0], $0xffff  }
0x1e7: {  	v3 =	vld.idx.msk [tilespmem:v3+s1+$0x0], $0xffff;
	_ =	sdelay $0x4  }
0x1e8: {  	vm12 =	vgt.s32 v2, v3  }
0x1e9: {  	v2 =	vsel vm12, v2, v3  }
0x1ea: {  	v3 =	vld [tilespmem:s30+$0xFFFFFFD0];
	v2 =	vadd.s32 v1, v2;
	_ =	sdelay $0x4  }
0x1eb: {  	[tilespmem:v2+s16+$0x0] =	vst.idx.add.f32.msk $0xffff, v3  }
0x1ec: {  	v2 =	vld [tilespmem:s29+$0xFFFFFBE0]  }
0x1ed: {  	v3 =	vld [tilespmem:s29+$0xFFFFFFE0];
	_ =	sdelay $0x6  }
0x1ee: {  	v2 =	vld.idx.msk [tilespmem:v2+s1+$0x0], $0xffff  }
0x1ef: {  	v3 =	vld.idx.msk [tilespmem:v3+s1+$0x0], $0xffff;
	_ =	sdelay $0x4  }
0x1f0: {  	vm13 =	vgt.s32 v2, v3  }
0x1f1: {  	v2 =	vsel vm13, v2, v3  }
0x1f2: {  	v3 =	vld [tilespmem:s30+$0xFFFFFFE0];
	v2 =	vadd.s32 v1, v2;
	_ =	sdelay $0x4  }
0x1f3: {  	[tilespmem:v2+s16+$0x0] =	vst.idx.add.f32.msk $0xffff, v3  }
0x1f4: {  	v2 =	vld [tilespmem:s29+$0xFFFFFBF0]  }
0x1f5: {  	v3 =	vld [tilespmem:s29+$0xFFFFFFF0];
	_ =	sdelay $0x6  }
0x1f6: {  	v2 =	vld.idx.msk [tilespmem:v2+s1+$0x0], $0xffff  }
0x1f7: {  	v3 =	vld.idx.msk [tilespmem:v3+s1+$0x0], $0xffff;
	_ =	sdelay $0x4  }
0x1f8: {  	vm14 =	vgt.s32 v2, v3  }
0x1f9: {  	v2 =	vsel vm14, v2, v3  }
0x1fa: {  	v3 =	vld [tilespmem:s30+$0xFFFFFFF0];
	v2 =	vadd.s32 v1, v2;
	_ =	sdelay $0x4  }
0x1fb: {  	[tilespmem:v2+s16+$0x0] =	vst.idx.add.f32.msk $0xffff, v3  }
0x1fc: {  	v2 =	vld [tilespmem:s29+$0xFFFFFC00]  }
0x1fd: {  	v3 =	vld [tilespmem:s29+$0x0];
	_ =	sdelay $0x6  }
0x1fe: {  	v2 =	vld.idx.msk [tilespmem:v2+s1+$0x0], $0xffff  }
0x1ff: {  	v3 =	vld.idx.msk [tilespmem:v3+s1+$0x0], $0xffff;
	_ =	sdelay $0x4  }
0x200: {  	vm15 =	vgt.s32 v2, v3  }
0x201: {  	s2 =	sadd.s32 $0x10, s2;
	v2 =	vsel vm15, v2, v3  }
0x202: {  	p0 =	slt.u32 s2, $0x30;
	v3 =	vld [tilespmem:s30+$0x0];
	v2 =	vadd.s32 v1, v2  }
.Ltmp3:
0x203: {  	_ = 	snop;
	(pc) =	sbr.rel @p0 .LBB2_10-.Ltmp3, $2  }
0x204: {  	_ =	sdelay $0x2  }
0x205: {  	s29 =	sadd.s32 $0x100, s29;
	s30 =	sadd.s32 $0x100, s30;
	[tilespmem:v2+s16+$0x0] =	vst.idx.add.f32.msk $0xffff, v3  }
0x206: {  	p0 =	seq.s32 s0, $0xF5  }
.Ltmp4:
0x207: {  	_ = 	snop;
	(pc) =	sbr.rel @!p0 .LBB2_7-.Ltmp4, $1  }
0x208: {  	_ =	sdelay $0x3  }
0x209: {  	s29 =	simm.s32 $0x0  }
0x20a: {  	[tilespmem:s17], [sflag:$0x1] =	stream.linear.gather [hbm4b:s7+s29], $0x400, $0x38;
	[tilespmem:$0x1C100] =	vst v63  }
0x20b: {  	_ = 	snop  }
0x20c: {  	[tilespmem:s18], [sflag:$0x1] =	stream.linear.gather [hbm4b:s8+s29], $0x400, $0x38;
	[tilespmem:$0x1C100] =	vst v63  }
0x20d: {  	_ = 	snop  }
0x20e: {  	[tilespmem:s24], [sflag:$0x1] =	stream.linear.gather [hbm4b:s9+s29], $0x400, $0x38;
	[tilespmem:$0x1C100] =	vst v63  }
0x20f: {  	_ = 	snop  }
0x210: {  	[tilespmem:s15], [sflag:$0x1] =	stream.linear.gather [hbm4b:s10+s29], $0x400, $0x38;
	[tilespmem:$0x1C100] =	vst v63  }
.LBB2_17:
0x211: {  	s30 =	sshll.u32 s29, $0x8  }
0x212: {  	s0 =	sor.u32 $0x80, s30  }
0x213: {  	s2 =	sadd.s32 s7, s0  }
0x214: {  	[tilespmem:s19], [sflag:$0x2] =	stream.linear.gather [hbm4b:s2+s1], $0x400, $0x38;
	[tilespmem:$0x1C100] =	vst v63  }
0x215: {  	s2 =	sadd.s32 s8, s0  }
0x216: {  	[tilespmem:s20], [sflag:$0x2] =	stream.linear.gather [hbm4b:s2+s1], $0x400, $0x38;
	[tilespmem:$0x1C100] =	vst v63  }
0x217: {  	s2 =	sadd.s32 s9, s0  }
0x218: {  	[tilespmem:s25], [sflag:$0x2] =	stream.linear.gather [hbm4b:s2+s1], $0x400, $0x38;
	[tilespmem:$0x1C100] =	vst v63  }
0x219: {  	s0 =	sadd.s32 s10, s0  }
0x21a: {  	[tilespmem:s21], [sflag:$0x2] =	stream.linear.gather [hbm4b:s0+s1], $0x400, $0x38;
	[tilespmem:$0x1C100] =	vst v63  }
0x21b: {  	_ =	swait.ge [sflag:s22], $0xC00  }
0x21c: {  	[sflag:s22] =	ssyncset.done $0x0  }
0x21d: {  	[sflag:s22] =	ssyncadd.s32 $0xFFFFF400  }
0x21e: {  	_ =	swait.ge [sflag:s22], $0x400  }
0x21f: {  	s31 =	simm.s32 $0xFFFFFFF0;
	[sflag:s22] =	ssyncset.done $0x0  }
0x220: {  	s2 =	simm.s32 $0x1B980;
	s0 =	simm.s32 $0x1A580;
	[sflag:s22] =	ssyncadd.s32 $0xFFFFFC00  }
.LBB2_18:
0x221: {  	v2 =	vld [tilespmem:s0+$0xFFFFFB80]  }
0x222: {  	v3 =	vld [tilespmem:s0+$0xFFFFFF80];
	_ =	sdelay $0x1  }
0x223: {  	v4 =	vld [tilespmem:s0+$0x380];
	_ =	sdelay $0x4  }
0x224: {  	v2 =	vld.idx.msk [tilespmem:v2+s1+$0x0], $0xffff  }
0x225: {  	v3 =	vld.idx.msk [tilespmem:v3+s1+$0x0], $0xffff;
	_ =	sdelay $0x1  }
0x226: {  	v4 =	vld.idx.msk [tilespmem:v4+s1+$0x0], $0xffff;
	_ =	sdelay $0x2  }
0x227: {  	vm0 =	vgt.s32 v2, v3  }
0x228: {  	v2 =	vsel vm0, v2, v3  }
0x229: {  	v3 =	vld [tilespmem:s2+$0xFFFFFF80];
	vm0 =	vgt.s32 v2, v4  }
0x22a: {  	v2 =	vsel vm0, v2, v4  }
0x22b: {  	v2 =	vadd.s32 v1, v2;
	_ =	sdelay $0x2  }
0x22c: {  	v3 =	vsub.f32 $0.0e+00, v3;
	_ =	sdelay $0x1  }
0x22d: {  	[tilespmem:v2+s16+$0x0] =	vst.idx.add.f32.msk $0xffff, v3  }
0x22e: {  	v2 =	vld [tilespmem:s0+$0xFFFFFB90]  }
0x22f: {  	v3 =	vld [tilespmem:s0+$0xFFFFFF90];
	_ =	sdelay $0x1  }
0x230: {  	v49 =	vld [tilespmem:s0+$0x390];
	_ =	sdelay $0x4  }
0x231: {  	v2 =	vld.idx.msk [tilespmem:v2+s1+$0x0], $0xffff  }
0x232: {  	v3 =	vld.idx.msk [tilespmem:v3+s1+$0x0], $0xffff;
	_ =	sdelay $0x1  }
0x233: {  	v4 =	vld.idx.msk [tilespmem:v49+s1+$0x0], $0xffff;
	_ =	sdelay $0x2  }
0x234: {  	vm13 =	vgt.s32 v2, v3  }
0x235: {  	v2 =	vsel vm13, v2, v3  }
0x236: {  	v3 =	vld [tilespmem:s2+$0xFFFFFF90];
	vm0 =	vgt.s32 v2, v4  }
0x237: {  	v2 =	vsel vm0, v2, v4  }
0x238: {  	v2 =	vadd.s32 v1, v2;
	_ =	sdelay $0x2  }
0x239: {  	v3 =	vsub.f32 $0.0e+00, v3;
	_ =	sdelay $0x1  }
0x23a: {  	[tilespmem:v2+s16+$0x0] =	vst.idx.add.f32.msk $0xffff, v3  }
0x23b: {  	v2 =	vld [tilespmem:s0+$0xFFFFFBA0]  }
0x23c: {  	v3 =	vld [tilespmem:s0+$0xFFFFFFA0];
	_ =	sdelay $0x1  }
0x23d: {  	v50 =	vld [tilespmem:s0+$0x3A0];
	_ =	sdelay $0x4  }
0x23e: {  	v2 =	vld.idx.msk [tilespmem:v2+s1+$0x0], $0xffff  }
0x23f: {  	v3 =	vld.idx.msk [tilespmem:v3+s1+$0x0], $0xffff;
	_ =	sdelay $0x1  }
0x240: {  	v4 =	vld.idx.msk [tilespmem:v50+s1+$0x0], $0xffff;
	_ =	sdelay $0x2  }
0x241: {  	vm14 =	vgt.s32 v2, v3  }
0x242: {  	v2 =	vsel vm14, v2, v3  }
0x243: {  	v3 =	vld [tilespmem:s2+$0xFFFFFFA0];
	vm0 =	vgt.s32 v2, v4  }
0x244: {  	v2 =	vsel vm0, v2, v4  }
0x245: {  	v2 =	vadd.s32 v1, v2;
	_ =	sdelay $0x2  }
0x246: {  	v3 =	vsub.f32 $0.0e+00, v3;
	_ =	sdelay $0x1  }
0x247: {  	[tilespmem:v2+s16+$0x0] =	vst.idx.add.f32.msk $0xffff, v3  }
0x248: {  	v2 =	vld [tilespmem:s0+$0xFFFFFBB0]  }
0x249: {  	v3 =	vld [tilespmem:s0+$0xFFFFFFB0];
	_ =	sdelay $0x1  }
0x24a: {  	v51 =	vld [tilespmem:s0+$0x3B0];
	_ =	sdelay $0x4  }
0x24b: {  	v2 =	vld.idx.msk [tilespmem:v2+s1+$0x0], $0xffff  }
0x24c: {  	v3 =	vld.idx.msk [tilespmem:v3+s1+$0x0], $0xffff;
	_ =	sdelay $0x1  }
0x24d: {  	v4 =	vld.idx.msk [tilespmem:v51+s1+$0x0], $0xffff;
	_ =	sdelay $0x2  }
0x24e: {  	vm15 =	vgt.s32 v2, v3  }
0x24f: {  	v2 =	vsel vm15, v2, v3  }
0x250: {  	v3 =	vld [tilespmem:s2+$0xFFFFFFB0];
	vm0 =	vgt.s32 v2, v4  }
0x251: {  	v2 =	vsel vm0, v2, v4  }
0x252: {  	v2 =	vadd.s32 v1, v2;
	_ =	sdelay $0x2  }
0x253: {  	v3 =	vsub.f32 $0.0e+00, v3;
	_ =	sdelay $0x1  }
0x254: {  	[tilespmem:v2+s16+$0x0] =	vst.idx.add.f32.msk $0xffff, v3  }
0x255: {  	v2 =	vld [tilespmem:s0+$0xFFFFFBC0]  }
0x256: {  	v3 =	vld [tilespmem:s0+$0xFFFFFFC0];
	_ =	sdelay $0x1  }
0x257: {  	v52 =	vld [tilespmem:s0+$0x3C0];
	_ =	sdelay $0x4  }
0x258: {  	v2 =	vld.idx.msk [tilespmem:v2+s1+$0x0], $0xffff  }
0x259: {  	v3 =	vld.idx.msk [tilespmem:v3+s1+$0x0], $0xffff;
	_ =	sdelay $0x1  }
0x25a: {  	v4 =	vld.idx.msk [tilespmem:v52+s1+$0x0], $0xffff;
	_ =	sdelay $0x2  }
0x25b: {  	vm4 =	vgt.s32 v2, v3  }
0x25c: {  	v2 =	vsel vm4, v2, v3  }
0x25d: {  	v3 =	vld [tilespmem:s2+$0xFFFFFFC0];
	vm0 =	vgt.s32 v2, v4  }
0x25e: {  	v2 =	vsel vm0, v2, v4  }
0x25f: {  	v2 =	vadd.s32 v1, v2;
	_ =	sdelay $0x2  }
0x260: {  	v3 =	vsub.f32 $0.0e+00, v3;
	_ =	sdelay $0x1  }
0x261: {  	[tilespmem:v2+s16+$0x0] =	vst.idx.add.f32.msk $0xffff, v3  }
0x262: {  	v2 =	vld [tilespmem:s0+$0xFFFFFBD0]  }
0x263: {  	v3 =	vld [tilespmem:s0+$0xFFFFFFD0];
	_ =	sdelay $0x1  }
0x264: {  	v53 =	vld [tilespmem:s0+$0x3D0];
	_ =	sdelay $0x4  }
0x265: {  	v2 =	vld.idx.msk [tilespmem:v2+s1+$0x0], $0xffff  }
0x266: {  	v3 =	vld.idx.msk [tilespmem:v3+s1+$0x0], $0xffff;
	_ =	sdelay $0x1  }
0x267: {  	v4 =	vld.idx.msk [tilespmem:v53+s1+$0x0], $0xffff;
	_ =	sdelay $0x2  }
0x268: {  	vm5 =	vgt.s32 v2, v3  }
0x269: {  	v2 =	vsel vm5, v2, v3  }
0x26a: {  	v3 =	vld [tilespmem:s2+$0xFFFFFFD0];
	vm0 =	vgt.s32 v2, v4  }
0x26b: {  	v2 =	vsel vm0, v2, v4  }
0x26c: {  	v2 =	vadd.s32 v1, v2;
	_ =	sdelay $0x2  }
0x26d: {  	v3 =	vsub.f32 $0.0e+00, v3;
	_ =	sdelay $0x1  }
0x26e: {  	[tilespmem:v2+s16+$0x0] =	vst.idx.add.f32.msk $0xffff, v3  }
0x26f: {  	v2 =	vld [tilespmem:s0+$0xFFFFFBE0]  }
0x270: {  	v3 =	vld [tilespmem:s0+$0xFFFFFFE0];
	_ =	sdelay $0x1  }
0x271: {  	v54 =	vld [tilespmem:s0+$0x3E0];
	_ =	sdelay $0x4  }
0x272: {  	v2 =	vld.idx.msk [tilespmem:v2+s1+$0x0], $0xffff  }
0x273: {  	v3 =	vld.idx.msk [tilespmem:v3+s1+$0x0], $0xffff;
	_ =	sdelay $0x1  }
0x274: {  	v4 =	vld.idx.msk [tilespmem:v54+s1+$0x0], $0xffff;
	_ =	sdelay $0x2  }
0x275: {  	vm6 =	vgt.s32 v2, v3  }
0x276: {  	v2 =	vsel vm6, v2, v3  }
0x277: {  	v3 =	vld [tilespmem:s2+$0xFFFFFFE0];
	vm0 =	vgt.s32 v2, v4  }
0x278: {  	v2 =	vsel vm0, v2, v4  }
0x279: {  	v2 =	vadd.s32 v1, v2;
	_ =	sdelay $0x2  }
0x27a: {  	v3 =	vsub.f32 $0.0e+00, v3;
	_ =	sdelay $0x1  }
0x27b: {  	[tilespmem:v2+s16+$0x0] =	vst.idx.add.f32.msk $0xffff, v3  }
0x27c: {  	v2 =	vld [tilespmem:s0+$0xFFFFFBF0]  }
0x27d: {  	v3 =	vld [tilespmem:s0+$0xFFFFFFF0];
	_ =	sdelay $0x1  }
0x27e: {  	v55 =	vld [tilespmem:s0+$0x3F0];
	_ =	sdelay $0x4  }
0x27f: {  	v2 =	vld.idx.msk [tilespmem:v2+s1+$0x0], $0xffff  }
0x280: {  	v3 =	vld.idx.msk [tilespmem:v3+s1+$0x0], $0xffff;
	_ =	sdelay $0x1  }
0x281: {  	v4 =	vld.idx.msk [tilespmem:v55+s1+$0x0], $0xffff;
	_ =	sdelay $0x2  }
0x282: {  	vm7 =	vgt.s32 v2, v3  }
0x283: {  	v2 =	vsel vm7, v2, v3  }
0x284: {  	v3 =	vld [tilespmem:s2+$0xFFFFFFF0];
	vm0 =	vgt.s32 v2, v4  }
0x285: {  	v2 =	vsel vm0, v2, v4  }
0x286: {  	v2 =	vadd.s32 v1, v2;
	_ =	sdelay $0x2  }
0x287: {  	v3 =	vsub.f32 $0.0e+00, v3;
	_ =	sdelay $0x1  }
0x288: {  	[tilespmem:v2+s16+$0x0] =	vst.idx.add.f32.msk $0xffff, v3  }
0x289: {  	v2 =	vld [tilespmem:s0+$0xFFFFFC00]  }
0x28a: {  	v3 =	vld [tilespmem:s0+$0x0];
	_ =	sdelay $0x1  }
0x28b: {  	v56 =	vld [tilespmem:s0+$0x400];
	_ =	sdelay $0x4  }
0x28c: {  	v2 =	vld.idx.msk [tilespmem:v2+s1+$0x0], $0xffff  }
0x28d: {  	v3 =	vld.idx.msk [tilespmem:v3+s1+$0x0], $0xffff;
	_ =	sdelay $0x1  }
0x28e: {  	v4 =	vld.idx.msk [tilespmem:v56+s1+$0x0], $0xffff;
	_ =	sdelay $0x2  }
0x28f: {  	vm8 =	vgt.s32 v2, v3  }
0x290: {  	v2 =	vsel vm8, v2, v3  }
0x291: {  	v3 =	vld [tilespmem:s2+$0x0];
	vm0 =	vgt.s32 v2, v4  }
0x292: {  	v2 =	vsel vm0, v2, v4  }
0x293: {  	v2 =	vadd.s32 v1, v2;
	_ =	sdelay $0x2  }
0x294: {  	v3 =	vsub.f32 $0.0e+00, v3;
	_ =	sdelay $0x1  }
0x295: {  	[tilespmem:v2+s16+$0x0] =	vst.idx.add.f32.msk $0xffff, v3  }
0x296: {  	v2 =	vld [tilespmem:s0+$0xFFFFFC10]  }
0x297: {  	v3 =	vld [tilespmem:s0+$0x10];
	_ =	sdelay $0x1  }
0x298: {  	v57 =	vld [tilespmem:s0+$0x410];
	_ =	sdelay $0x4  }
0x299: {  	v2 =	vld.idx.msk [tilespmem:v2+s1+$0x0], $0xffff  }
0x29a: {  	v3 =	vld.idx.msk [tilespmem:v3+s1+$0x0], $0xffff;
	_ =	sdelay $0x1  }
0x29b: {  	v4 =	vld.idx.msk [tilespmem:v57+s1+$0x0], $0xffff;
	_ =	sdelay $0x2  }
0x29c: {  	vm9 =	vgt.s32 v2, v3  }
0x29d: {  	v2 =	vsel vm9, v2, v3  }
0x29e: {  	v3 =	vld [tilespmem:s2+$0x10];
	vm0 =	vgt.s32 v2, v4  }
0x29f: {  	v2 =	vsel vm0, v2, v4  }
0x2a0: {  	v2 =	vadd.s32 v1, v2;
	_ =	sdelay $0x2  }
0x2a1: {  	v3 =	vsub.f32 $0.0e+00, v3;
	_ =	sdelay $0x1  }
0x2a2: {  	[tilespmem:v2+s16+$0x0] =	vst.idx.add.f32.msk $0xffff, v3  }
0x2a3: {  	v2 =	vld [tilespmem:s0+$0xFFFFFC20]  }
0x2a4: {  	v3 =	vld [tilespmem:s0+$0x20];
	_ =	sdelay $0x1  }
0x2a5: {  	v58 =	vld [tilespmem:s0+$0x420];
	_ =	sdelay $0x4  }
0x2a6: {  	v2 =	vld.idx.msk [tilespmem:v2+s1+$0x0], $0xffff  }
0x2a7: {  	v3 =	vld.idx.msk [tilespmem:v3+s1+$0x0], $0xffff;
	_ =	sdelay $0x1  }
0x2a8: {  	v4 =	vld.idx.msk [tilespmem:v58+s1+$0x0], $0xffff;
	_ =	sdelay $0x2  }
0x2a9: {  	vm10 =	vgt.s32 v2, v3  }
0x2aa: {  	v2 =	vsel vm10, v2, v3  }
0x2ab: {  	v3 =	vld [tilespmem:s2+$0x20];
	vm0 =	vgt.s32 v2, v4  }
0x2ac: {  	v2 =	vsel vm0, v2, v4  }
0x2ad: {  	v2 =	vadd.s32 v1, v2;
	_ =	sdelay $0x2  }
0x2ae: {  	v3 =	vsub.f32 $0.0e+00, v3;
	_ =	sdelay $0x1  }
0x2af: {  	[tilespmem:v2+s16+$0x0] =	vst.idx.add.f32.msk $0xffff, v3  }
0x2b0: {  	v2 =	vld [tilespmem:s0+$0xFFFFFC30]  }
0x2b1: {  	v3 =	vld [tilespmem:s0+$0x30];
	_ =	sdelay $0x1  }
0x2b2: {  	v59 =	vld [tilespmem:s0+$0x430];
	_ =	sdelay $0x4  }
0x2b3: {  	v2 =	vld.idx.msk [tilespmem:v2+s1+$0x0], $0xffff  }
0x2b4: {  	v3 =	vld.idx.msk [tilespmem:v3+s1+$0x0], $0xffff;
	_ =	sdelay $0x1  }
0x2b5: {  	v4 =	vld.idx.msk [tilespmem:v59+s1+$0x0], $0xffff;
	_ =	sdelay $0x2  }
0x2b6: {  	vm11 =	vgt.s32 v2, v3  }
0x2b7: {  	v2 =	vsel vm11, v2, v3  }
0x2b8: {  	v3 =	vld [tilespmem:s2+$0x30];
	vm0 =	vgt.s32 v2, v4  }
0x2b9: {  	v2 =	vsel vm0, v2, v4  }
0x2ba: {  	v2 =	vadd.s32 v1, v2;
	_ =	sdelay $0x2  }
0x2bb: {  	v3 =	vsub.f32 $0.0e+00, v3;
	_ =	sdelay $0x1  }
0x2bc: {  	[tilespmem:v2+s16+$0x0] =	vst.idx.add.f32.msk $0xffff, v3  }
0x2bd: {  	v2 =	vld [tilespmem:s0+$0xFFFFFC40]  }
0x2be: {  	v3 =	vld [tilespmem:s0+$0x40];
	_ =	sdelay $0x1  }
0x2bf: {  	v60 =	vld [tilespmem:s0+$0x440];
	_ =	sdelay $0x4  }
0x2c0: {  	v2 =	vld.idx.msk [tilespmem:v2+s1+$0x0], $0xffff  }
0x2c1: {  	v3 =	vld.idx.msk [tilespmem:v3+s1+$0x0], $0xffff;
	_ =	sdelay $0x1  }
0x2c2: {  	v4 =	vld.idx.msk [tilespmem:v60+s1+$0x0], $0xffff;
	_ =	sdelay $0x2  }
0x2c3: {  	vm12 =	vgt.s32 v2, v3  }
0x2c4: {  	v2 =	vsel vm12, v2, v3  }
0x2c5: {  	v3 =	vld [tilespmem:s2+$0x40];
	vm0 =	vgt.s32 v2, v4  }
0x2c6: {  	v2 =	vsel vm0, v2, v4  }
0x2c7: {  	v2 =	vadd.s32 v1, v2;
	_ =	sdelay $0x2  }
0x2c8: {  	v3 =	vsub.f32 $0.0e+00, v3;
	_ =	sdelay $0x1  }
0x2c9: {  	[tilespmem:v2+s16+$0x0] =	vst.idx.add.f32.msk $0xffff, v3  }
0x2ca: {  	v2 =	vld [tilespmem:s0+$0xFFFFFC50]  }
0x2cb: {  	v3 =	vld [tilespmem:s0+$0x50];
	_ =	sdelay $0x1  }
0x2cc: {  	v61 =	vld [tilespmem:s0+$0x450];
	_ =	sdelay $0x4  }
0x2cd: {  	v2 =	vld.idx.msk [tilespmem:v2+s1+$0x0], $0xffff  }
0x2ce: {  	v3 =	vld.idx.msk [tilespmem:v3+s1+$0x0], $0xffff;
	_ =	sdelay $0x1  }
0x2cf: {  	v4 =	vld.idx.msk [tilespmem:v61+s1+$0x0], $0xffff;
	_ =	sdelay $0x2  }
0x2d0: {  	vm13 =	vgt.s32 v2, v3  }
0x2d1: {  	v2 =	vsel vm13, v2, v3  }
0x2d2: {  	v3 =	vld [tilespmem:s2+$0x50];
	vm0 =	vgt.s32 v2, v4  }
0x2d3: {  	v2 =	vsel vm0, v2, v4  }
0x2d4: {  	v2 =	vadd.s32 v1, v2;
	_ =	sdelay $0x2  }
0x2d5: {  	v3 =	vsub.f32 $0.0e+00, v3;
	_ =	sdelay $0x1  }
0x2d6: {  	[tilespmem:v2+s16+$0x0] =	vst.idx.add.f32.msk $0xffff, v3  }
0x2d7: {  	v2 =	vld [tilespmem:s0+$0xFFFFFC60]  }
0x2d8: {  	v3 =	vld [tilespmem:s0+$0x60];
	_ =	sdelay $0x1  }
0x2d9: {  	v62 =	vld [tilespmem:s0+$0x460];
	_ =	sdelay $0x4  }
0x2da: {  	v2 =	vld.idx.msk [tilespmem:v2+s1+$0x0], $0xffff  }
0x2db: {  	v3 =	vld.idx.msk [tilespmem:v3+s1+$0x0], $0xffff;
	_ =	sdelay $0x1  }
0x2dc: {  	v4 =	vld.idx.msk [tilespmem:v62+s1+$0x0], $0xffff;
	_ =	sdelay $0x2  }
0x2dd: {  	vm14 =	vgt.s32 v2, v3  }
0x2de: {  	v2 =	vsel vm14, v2, v3  }
0x2df: {  	v3 =	vld [tilespmem:s2+$0x60];
	vm0 =	vgt.s32 v2, v4  }
0x2e0: {  	v2 =	vsel vm0, v2, v4  }
0x2e1: {  	v2 =	vadd.s32 v1, v2;
	_ =	sdelay $0x2  }
0x2e2: {  	v3 =	vsub.f32 $0.0e+00, v3;
	_ =	sdelay $0x1  }
0x2e3: {  	[tilespmem:v2+s16+$0x0] =	vst.idx.add.f32.msk $0xffff, v3  }
0x2e4: {  	v2 =	vld [tilespmem:s0+$0xFFFFFC70]  }
0x2e5: {  	v3 =	vld [tilespmem:s0+$0x70];
	_ =	sdelay $0x1  }
0x2e6: {  	v63 =	vld [tilespmem:s0+$0x470];
	_ =	sdelay $0x4  }
0x2e7: {  	v2 =	vld.idx.msk [tilespmem:v2+s1+$0x0], $0xffff  }
0x2e8: {  	v3 =	vld.idx.msk [tilespmem:v3+s1+$0x0], $0xffff;
	_ =	sdelay $0x1  }
0x2e9: {  	v4 =	vld.idx.msk [tilespmem:v63+s1+$0x0], $0xffff;
	_ =	sdelay $0x2  }
0x2ea: {  	vm15 =	vgt.s32 v2, v3  }
0x2eb: {  	v2 =	vsel vm15, v2, v3  }
0x2ec: {  	v3 =	vld [tilespmem:s2+$0x70];
	vm0 =	vgt.s32 v2, v4  }
0x2ed: {  	s31 =	sadd.s32 $0x10, s31;
	v2 =	vsel vm0, v2, v4  }
0x2ee: {  	p0 =	slt.u32 s31, $0x30;
	v2 =	vadd.s32 v1, v2  }
.Ltmp5:
0x2ef: {  	_ = 	snop;
	(pc) =	sbr.rel @p0 .LBB2_18-.Ltmp5, $3  }
0x2f0: {  	_ = 	snop  }
0x2f1: {  	v3 =	vsub.f32 $0.0e+00, v3;
	_ =	sdelay $0x1  }
0x2f2: {  	s0 =	sadd.s32 $0x100, s0;
	s2 =	sadd.s32 $0x100, s2;
	[tilespmem:v2+s16+$0x0] =	vst.idx.add.f32.msk $0xffff, v3  }
0x2f3: {  	p0 =	seq.s32 s29, $0xF4  }
0x2f4: {  	s0 =	sadd.s32 @!p0 $0x100, s30  }
0x2f5: {  	s30 =	simm.s32 @!p0 $0x0;
	s31 =	simm.s32 @!p0 $0x1A100;
	s2 =	sadd.s32 @!p0 s7, s0  }
0x2f6: {  	[tilespmem:s31], [sflag:$0x1] =	stream.linear.gather @!p0 [hbm4b:s2+s30], $0x400, $0x38;
	[tilespmem:$0x1C100] =	vst v63  }
0x2f7: {  	s2 =	sadd.s32 @!p0 s8, s0;
	s31 =	simm.s32 @!p0 $0x1A500  }
0x2f8: {  	[tilespmem:s31], [sflag:$0x1] =	stream.linear.gather @!p0 [hbm4b:s2+s30], $0x400, $0x38;
	[tilespmem:$0x1C100] =	vst v63  }
0x2f9: {  	s2 =	sadd.s32 @!p0 s9, s0;
	s31 =	simm.s32 @!p0 $0x1A900  }
0x2fa: {  	[tilespmem:s31], [sflag:$0x1] =	stream.linear.gather @!p0 [hbm4b:s2+s30], $0x400, $0x38;
	[tilespmem:$0x1C100] =	vst v63  }
0x2fb: {  	s0 =	sadd.s32 @!p0 s10, s0;
	s2 =	simm.s32 @!p0 $0x1B900  }
0x2fc: {  	[tilespmem:s2], [sflag:$0x1] =	stream.linear.gather @!p0 [hbm4b:s0+s30], $0x400, $0x38;
	[tilespmem:$0x1C100] =	vst v63  }
0x2fd: {  	_ =	swait.ge [sflag:s23], $0xC00  }
0x2fe: {  	[sflag:s23] =	ssyncset.done $0x0  }
0x2ff: {  	[sflag:s23] =	ssyncadd.s32 $0xFFFFF400  }
0x300: {  	_ =	swait.ge [sflag:s23], $0x400  }
0x301: {  	s29 =	sadd.s32 $0x1, s29;
	s30 =	simm.s32 $0xFFFFFFF0;
	[sflag:s23] =	ssyncset.done $0x0  }
0x302: {  	s0 =	simm.s32 $0x1B5F0;
	s2 =	simm.s32 $0x1BDF0;
	[sflag:s23] =	ssyncadd.s32 $0xFFFFFC00  }
.LBB2_20:
0x303: {  	v2 =	vld [tilespmem:s0+$0xFFFFF710]  }
0x304: {  	v3 =	vld [tilespmem:s0+$0xFFFFFB10];
	_ =	sdelay $0x1  }
0x305: {  	v4 =	vld [tilespmem:s0+$0xFFFFFF10];
	_ =	sdelay $0x4  }
0x306: {  	v2 =	vld.idx.msk [tilespmem:v2+s1+$0x0], $0xffff  }
0x307: {  	v3 =	vld.idx.msk [tilespmem:v3+s1+$0x0], $0xffff;
	_ =	sdelay $0x1  }
0x308: {  	v4 =	vld.idx.msk [tilespmem:v4+s1+$0x0], $0xffff;
	_ =	sdelay $0x2  }
0x309: {  	vm0 =	vgt.s32 v2, v3  }
0x30a: {  	v2 =	vsel vm0, v2, v3  }
0x30b: {  	v3 =	vld [tilespmem:s2+$0xFFFFFF10];
	vm0 =	vgt.s32 v2, v4  }
0x30c: {  	v2 =	vsel vm0, v2, v4  }
0x30d: {  	v2 =	vadd.s32 v1, v2;
	_ =	sdelay $0x2  }
0x30e: {  	v3 =	vsub.f32 $0.0e+00, v3;
	_ =	sdelay $0x1  }
0x30f: {  	[tilespmem:v2+s16+$0x0] =	vst.idx.add.f32.msk $0xffff, v3  }
0x310: {  	v2 =	vld [tilespmem:s0+$0xFFFFF720]  }
0x311: {  	v3 =	vld [tilespmem:s0+$0xFFFFFB20];
	_ =	sdelay $0x1  }
0x312: {  	v49 =	vld [tilespmem:s0+$0xFFFFFF20];
	_ =	sdelay $0x4  }
0x313: {  	v2 =	vld.idx.msk [tilespmem:v2+s1+$0x0], $0xffff  }
0x314: {  	v3 =	vld.idx.msk [tilespmem:v3+s1+$0x0], $0xffff;
	_ =	sdelay $0x1  }
0x315: {  	v4 =	vld.idx.msk [tilespmem:v49+s1+$0x0], $0xffff;
	_ =	sdelay $0x2  }
0x316: {  	vm13 =	vgt.s32 v2, v3  }
0x317: {  	v2 =	vsel vm13, v2, v3  }
0x318: {  	v3 =	vld [tilespmem:s2+$0xFFFFFF20];
	vm0 =	vgt.s32 v2, v4  }
0x319: {  	v2 =	vsel vm0, v2, v4  }
0x31a: {  	v2 =	vadd.s32 v1, v2;
	_ =	sdelay $0x2  }
0x31b: {  	v3 =	vsub.f32 $0.0e+00, v3;
	_ =	sdelay $0x1  }
0x31c: {  	[tilespmem:v2+s16+$0x0] =	vst.idx.add.f32.msk $0xffff, v3  }
0x31d: {  	v2 =	vld [tilespmem:s0+$0xFFFFF730]  }
0x31e: {  	v3 =	vld [tilespmem:s0+$0xFFFFFB30];
	_ =	sdelay $0x1  }
0x31f: {  	v50 =	vld [tilespmem:s0+$0xFFFFFF30];
	_ =	sdelay $0x4  }
0x320: {  	v2 =	vld.idx.msk [tilespmem:v2+s1+$0x0], $0xffff  }
0x321: {  	v3 =	vld.idx.msk [tilespmem:v3+s1+$0x0], $0xffff;
	_ =	sdelay $0x1  }
0x322: {  	v4 =	vld.idx.msk [tilespmem:v50+s1+$0x0], $0xffff;
	_ =	sdelay $0x2  }
0x323: {  	vm14 =	vgt.s32 v2, v3  }
0x324: {  	v2 =	vsel vm14, v2, v3  }
0x325: {  	v3 =	vld [tilespmem:s2+$0xFFFFFF30];
	vm0 =	vgt.s32 v2, v4  }
0x326: {  	v2 =	vsel vm0, v2, v4  }
0x327: {  	v2 =	vadd.s32 v1, v2;
	_ =	sdelay $0x2  }
0x328: {  	v3 =	vsub.f32 $0.0e+00, v3;
	_ =	sdelay $0x1  }
0x329: {  	[tilespmem:v2+s16+$0x0] =	vst.idx.add.f32.msk $0xffff, v3  }
0x32a: {  	v2 =	vld [tilespmem:s0+$0xFFFFF740]  }
0x32b: {  	v3 =	vld [tilespmem:s0+$0xFFFFFB40];
	_ =	sdelay $0x1  }
0x32c: {  	v51 =	vld [tilespmem:s0+$0xFFFFFF40];
	_ =	sdelay $0x4  }
0x32d: {  	v2 =	vld.idx.msk [tilespmem:v2+s1+$0x0], $0xffff  }
0x32e: {  	v3 =	vld.idx.msk [tilespmem:v3+s1+$0x0], $0xffff;
	_ =	sdelay $0x1  }
0x32f: {  	v4 =	vld.idx.msk [tilespmem:v51+s1+$0x0], $0xffff;
	_ =	sdelay $0x2  }
0x330: {  	vm15 =	vgt.s32 v2, v3  }
0x331: {  	v2 =	vsel vm15, v2, v3  }
0x332: {  	v3 =	vld [tilespmem:s2+$0xFFFFFF40];
	vm0 =	vgt.s32 v2, v4  }
0x333: {  	v2 =	vsel vm0, v2, v4  }
0x334: {  	v2 =	vadd.s32 v1, v2;
	_ =	sdelay $0x2  }
0x335: {  	v3 =	vsub.f32 $0.0e+00, v3;
	_ =	sdelay $0x1  }
0x336: {  	[tilespmem:v2+s16+$0x0] =	vst.idx.add.f32.msk $0xffff, v3  }
0x337: {  	v2 =	vld [tilespmem:s0+$0xFFFFF750]  }
0x338: {  	v3 =	vld [tilespmem:s0+$0xFFFFFB50];
	_ =	sdelay $0x1  }
0x339: {  	v52 =	vld [tilespmem:s0+$0xFFFFFF50];
	_ =	sdelay $0x4  }
0x33a: {  	v2 =	vld.idx.msk [tilespmem:v2+s1+$0x0], $0xffff  }
0x33b: {  	v3 =	vld.idx.msk [tilespmem:v3+s1+$0x0], $0xffff;
	_ =	sdelay $0x1  }
0x33c: {  	v4 =	vld.idx.msk [tilespmem:v52+s1+$0x0], $0xffff;
	_ =	sdelay $0x2  }
0x33d: {  	vm4 =	vgt.s32 v2, v3  }
0x33e: {  	v2 =	vsel vm4, v2, v3  }
0x33f: {  	v3 =	vld [tilespmem:s2+$0xFFFFFF50];
	vm0 =	vgt.s32 v2, v4  }
0x340: {  	v2 =	vsel vm0, v2, v4  }
0x341: {  	v2 =	vadd.s32 v1, v2;
	_ =	sdelay $0x2  }
0x342: {  	v3 =	vsub.f32 $0.0e+00, v3;
	_ =	sdelay $0x1  }
0x343: {  	[tilespmem:v2+s16+$0x0] =	vst.idx.add.f32.msk $0xffff, v3  }
0x344: {  	v2 =	vld [tilespmem:s0+$0xFFFFF760]  }
0x345: {  	v3 =	vld [tilespmem:s0+$0xFFFFFB60];
	_ =	sdelay $0x1  }
0x346: {  	v53 =	vld [tilespmem:s0+$0xFFFFFF60];
	_ =	sdelay $0x4  }
0x347: {  	v2 =	vld.idx.msk [tilespmem:v2+s1+$0x0], $0xffff  }
0x348: {  	v3 =	vld.idx.msk [tilespmem:v3+s1+$0x0], $0xffff;
	_ =	sdelay $0x1  }
0x349: {  	v4 =	vld.idx.msk [tilespmem:v53+s1+$0x0], $0xffff;
	_ =	sdelay $0x2  }
0x34a: {  	vm5 =	vgt.s32 v2, v3  }
0x34b: {  	v2 =	vsel vm5, v2, v3  }
0x34c: {  	v3 =	vld [tilespmem:s2+$0xFFFFFF60];
	vm0 =	vgt.s32 v2, v4  }
0x34d: {  	v2 =	vsel vm0, v2, v4  }
0x34e: {  	v2 =	vadd.s32 v1, v2;
	_ =	sdelay $0x2  }
0x34f: {  	v3 =	vsub.f32 $0.0e+00, v3;
	_ =	sdelay $0x1  }
0x350: {  	[tilespmem:v2+s16+$0x0] =	vst.idx.add.f32.msk $0xffff, v3  }
0x351: {  	v2 =	vld [tilespmem:s0+$0xFFFFF770]  }
0x352: {  	v3 =	vld [tilespmem:s0+$0xFFFFFB70];
	_ =	sdelay $0x1  }
0x353: {  	v54 =	vld [tilespmem:s0+$0xFFFFFF70];
	_ =	sdelay $0x4  }
0x354: {  	v2 =	vld.idx.msk [tilespmem:v2+s1+$0x0], $0xffff  }
0x355: {  	v3 =	vld.idx.msk [tilespmem:v3+s1+$0x0], $0xffff;
	_ =	sdelay $0x1  }
0x356: {  	v4 =	vld.idx.msk [tilespmem:v54+s1+$0x0], $0xffff;
	_ =	sdelay $0x2  }
0x357: {  	vm6 =	vgt.s32 v2, v3  }
0x358: {  	v2 =	vsel vm6, v2, v3  }
0x359: {  	v3 =	vld [tilespmem:s2+$0xFFFFFF70];
	vm0 =	vgt.s32 v2, v4  }
0x35a: {  	v2 =	vsel vm0, v2, v4  }
0x35b: {  	v2 =	vadd.s32 v1, v2;
	_ =	sdelay $0x2  }
0x35c: {  	v3 =	vsub.f32 $0.0e+00, v3;
	_ =	sdelay $0x1  }
0x35d: {  	[tilespmem:v2+s16+$0x0] =	vst.idx.add.f32.msk $0xffff, v3  }
0x35e: {  	v2 =	vld [tilespmem:s0+$0xFFFFF780]  }
0x35f: {  	v3 =	vld [tilespmem:s0+$0xFFFFFB80];
	_ =	sdelay $0x1  }
0x360: {  	v55 =	vld [tilespmem:s0+$0xFFFFFF80];
	_ =	sdelay $0x4  }
0x361: {  	v2 =	vld.idx.msk [tilespmem:v2+s1+$0x0], $0xffff  }
0x362: {  	v3 =	vld.idx.msk [tilespmem:v3+s1+$0x0], $0xffff;
	_ =	sdelay $0x1  }
0x363: {  	v4 =	vld.idx.msk [tilespmem:v55+s1+$0x0], $0xffff;
	_ =	sdelay $0x2  }
0x364: {  	vm7 =	vgt.s32 v2, v3  }
0x365: {  	v2 =	vsel vm7, v2, v3  }
0x366: {  	v3 =	vld [tilespmem:s2+$0xFFFFFF80];
	vm0 =	vgt.s32 v2, v4  }
0x367: {  	v2 =	vsel vm0, v2, v4  }
0x368: {  	v2 =	vadd.s32 v1, v2;
	_ =	sdelay $0x2  }
0x369: {  	v3 =	vsub.f32 $0.0e+00, v3;
	_ =	sdelay $0x1  }
0x36a: {  	[tilespmem:v2+s16+$0x0] =	vst.idx.add.f32.msk $0xffff, v3  }
0x36b: {  	v2 =	vld [tilespmem:s0+$0xFFFFF790]  }
0x36c: {  	v3 =	vld [tilespmem:s0+$0xFFFFFB90];
	_ =	sdelay $0x1  }
0x36d: {  	v56 =	vld [tilespmem:s0+$0xFFFFFF90];
	_ =	sdelay $0x4  }
0x36e: {  	v2 =	vld.idx.msk [tilespmem:v2+s1+$0x0], $0xffff  }
0x36f: {  	v3 =	vld.idx.msk [tilespmem:v3+s1+$0x0], $0xffff;
	_ =	sdelay $0x1  }
0x370: {  	v4 =	vld.idx.msk [tilespmem:v56+s1+$0x0], $0xffff;
	_ =	sdelay $0x2  }
0x371: {  	vm8 =	vgt.s32 v2, v3  }
0x372: {  	v2 =	vsel vm8, v2, v3  }
0x373: {  	v3 =	vld [tilespmem:s2+$0xFFFFFF90];
	vm0 =	vgt.s32 v2, v4  }
0x374: {  	v2 =	vsel vm0, v2, v4  }
0x375: {  	v2 =	vadd.s32 v1, v2;
	_ =	sdelay $0x2  }
0x376: {  	v3 =	vsub.f32 $0.0e+00, v3;
	_ =	sdelay $0x1  }
0x377: {  	[tilespmem:v2+s16+$0x0] =	vst.idx.add.f32.msk $0xffff, v3  }
0x378: {  	v2 =	vld [tilespmem:s0+$0xFFFFF7A0]  }
0x379: {  	v3 =	vld [tilespmem:s0+$0xFFFFFBA0];
	_ =	sdelay $0x1  }
0x37a: {  	v57 =	vld [tilespmem:s0+$0xFFFFFFA0];
	_ =	sdelay $0x4  }
0x37b: {  	v2 =	vld.idx.msk [tilespmem:v2+s1+$0x0], $0xffff  }
0x37c: {  	v3 =	vld.idx.msk [tilespmem:v3+s1+$0x0], $0xffff;
	_ =	sdelay $0x1  }
0x37d: {  	v4 =	vld.idx.msk [tilespmem:v57+s1+$0x0], $0xffff;
	_ =	sdelay $0x2  }
0x37e: {  	vm9 =	vgt.s32 v2, v3  }
0x37f: {  	v2 =	vsel vm9, v2, v3  }
0x380: {  	v3 =	vld [tilespmem:s2+$0xFFFFFFA0];
	vm0 =	vgt.s32 v2, v4  }
0x381: {  	v2 =	vsel vm0, v2, v4  }
0x382: {  	v2 =	vadd.s32 v1, v2;
	_ =	sdelay $0x2  }
0x383: {  	v3 =	vsub.f32 $0.0e+00, v3;
	_ =	sdelay $0x1  }
0x384: {  	[tilespmem:v2+s16+$0x0] =	vst.idx.add.f32.msk $0xffff, v3  }
0x385: {  	v2 =	vld [tilespmem:s0+$0xFFFFF7B0]  }
0x386: {  	v3 =	vld [tilespmem:s0+$0xFFFFFBB0];
	_ =	sdelay $0x1  }
0x387: {  	v58 =	vld [tilespmem:s0+$0xFFFFFFB0];
	_ =	sdelay $0x4  }
0x388: {  	v2 =	vld.idx.msk [tilespmem:v2+s1+$0x0], $0xffff  }
0x389: {  	v3 =	vld.idx.msk [tilespmem:v3+s1+$0x0], $0xffff;
	_ =	sdelay $0x1  }
0x38a: {  	v4 =	vld.idx.msk [tilespmem:v58+s1+$0x0], $0xffff;
	_ =	sdelay $0x2  }
0x38b: {  	vm10 =	vgt.s32 v2, v3  }
0x38c: {  	v2 =	vsel vm10, v2, v3  }
0x38d: {  	v3 =	vld [tilespmem:s2+$0xFFFFFFB0];
	vm0 =	vgt.s32 v2, v4  }
0x38e: {  	v2 =	vsel vm0, v2, v4  }
0x38f: {  	v2 =	vadd.s32 v1, v2;
	_ =	sdelay $0x2  }
0x390: {  	v3 =	vsub.f32 $0.0e+00, v3;
	_ =	sdelay $0x1  }
0x391: {  	[tilespmem:v2+s16+$0x0] =	vst.idx.add.f32.msk $0xffff, v3  }
0x392: {  	v2 =	vld [tilespmem:s0+$0xFFFFF7C0]  }
0x393: {  	v3 =	vld [tilespmem:s0+$0xFFFFFBC0];
	_ =	sdelay $0x1  }
0x394: {  	v59 =	vld [tilespmem:s0+$0xFFFFFFC0];
	_ =	sdelay $0x4  }
0x395: {  	v2 =	vld.idx.msk [tilespmem:v2+s1+$0x0], $0xffff  }
0x396: {  	v3 =	vld.idx.msk [tilespmem:v3+s1+$0x0], $0xffff;
	_ =	sdelay $0x1  }
0x397: {  	v4 =	vld.idx.msk [tilespmem:v59+s1+$0x0], $0xffff;
	_ =	sdelay $0x2  }
0x398: {  	vm11 =	vgt.s32 v2, v3  }
0x399: {  	v2 =	vsel vm11, v2, v3  }
0x39a: {  	v3 =	vld [tilespmem:s2+$0xFFFFFFC0];
	vm0 =	vgt.s32 v2, v4  }
0x39b: {  	v2 =	vsel vm0, v2, v4  }
0x39c: {  	v2 =	vadd.s32 v1, v2;
	_ =	sdelay $0x2  }
0x39d: {  	v3 =	vsub.f32 $0.0e+00, v3;
	_ =	sdelay $0x1  }
0x39e: {  	[tilespmem:v2+s16+$0x0] =	vst.idx.add.f32.msk $0xffff, v3  }
0x39f: {  	v2 =	vld [tilespmem:s0+$0xFFFFF7D0]  }
0x3a0: {  	v3 =	vld [tilespmem:s0+$0xFFFFFBD0];
	_ =	sdelay $0x1  }
0x3a1: {  	v60 =	vld [tilespmem:s0+$0xFFFFFFD0];
	_ =	sdelay $0x4  }
0x3a2: {  	v2 =	vld.idx.msk [tilespmem:v2+s1+$0x0], $0xffff  }
0x3a3: {  	v3 =	vld.idx.msk [tilespmem:v3+s1+$0x0], $0xffff;
	_ =	sdelay $0x1  }
0x3a4: {  	v4 =	vld.idx.msk [tilespmem:v60+s1+$0x0], $0xffff;
	_ =	sdelay $0x2  }
0x3a5: {  	vm12 =	vgt.s32 v2, v3  }
0x3a6: {  	v2 =	vsel vm12, v2, v3  }
0x3a7: {  	v3 =	vld [tilespmem:s2+$0xFFFFFFD0];
	vm0 =	vgt.s32 v2, v4  }
0x3a8: {  	v2 =	vsel vm0, v2, v4  }
0x3a9: {  	v2 =	vadd.s32 v1, v2;
	_ =	sdelay $0x2  }
0x3aa: {  	v3 =	vsub.f32 $0.0e+00, v3;
	_ =	sdelay $0x1  }
0x3ab: {  	[tilespmem:v2+s16+$0x0] =	vst.idx.add.f32.msk $0xffff, v3  }
0x3ac: {  	v2 =	vld [tilespmem:s0+$0xFFFFF7E0]  }
0x3ad: {  	v3 =	vld [tilespmem:s0+$0xFFFFFBE0];
	_ =	sdelay $0x1  }
0x3ae: {  	v61 =	vld [tilespmem:s0+$0xFFFFFFE0];
	_ =	sdelay $0x4  }
0x3af: {  	v2 =	vld.idx.msk [tilespmem:v2+s1+$0x0], $0xffff  }
0x3b0: {  	v3 =	vld.idx.msk [tilespmem:v3+s1+$0x0], $0xffff;
	_ =	sdelay $0x1  }
0x3b1: {  	v4 =	vld.idx.msk [tilespmem:v61+s1+$0x0], $0xffff;
	_ =	sdelay $0x2  }
0x3b2: {  	vm13 =	vgt.s32 v2, v3  }
0x3b3: {  	v2 =	vsel vm13, v2, v3  }
0x3b4: {  	v3 =	vld [tilespmem:s2+$0xFFFFFFE0];
	vm0 =	vgt.s32 v2, v4  }
0x3b5: {  	v2 =	vsel vm0, v2, v4  }
0x3b6: {  	v2 =	vadd.s32 v1, v2;
	_ =	sdelay $0x2  }
0x3b7: {  	v3 =	vsub.f32 $0.0e+00, v3;
	_ =	sdelay $0x1  }
0x3b8: {  	[tilespmem:v2+s16+$0x0] =	vst.idx.add.f32.msk $0xffff, v3  }
0x3b9: {  	v2 =	vld [tilespmem:s0+$0xFFFFF7F0]  }
0x3ba: {  	v3 =	vld [tilespmem:s0+$0xFFFFFBF0];
	_ =	sdelay $0x1  }
0x3bb: {  	v62 =	vld [tilespmem:s0+$0xFFFFFFF0];
	_ =	sdelay $0x4  }
0x3bc: {  	v2 =	vld.idx.msk [tilespmem:v2+s1+$0x0], $0xffff  }
0x3bd: {  	v3 =	vld.idx.msk [tilespmem:v3+s1+$0x0], $0xffff;
	_ =	sdelay $0x1  }
0x3be: {  	v4 =	vld.idx.msk [tilespmem:v62+s1+$0x0], $0xffff;
	_ =	sdelay $0x2  }
0x3bf: {  	vm14 =	vgt.s32 v2, v3  }
0x3c0: {  	v2 =	vsel vm14, v2, v3  }
0x3c1: {  	v3 =	vld [tilespmem:s2+$0xFFFFFFF0];
	vm0 =	vgt.s32 v2, v4  }
0x3c2: {  	v2 =	vsel vm0, v2, v4  }
0x3c3: {  	v2 =	vadd.s32 v1, v2;
	_ =	sdelay $0x2  }
0x3c4: {  	v3 =	vsub.f32 $0.0e+00, v3;
	_ =	sdelay $0x1  }
0x3c5: {  	[tilespmem:v2+s16+$0x0] =	vst.idx.add.f32.msk $0xffff, v3  }
0x3c6: {  	v2 =	vld [tilespmem:s0+$0xFFFFF800]  }
0x3c7: {  	v3 =	vld [tilespmem:s0+$0xFFFFFC00];
	_ =	sdelay $0x1  }
0x3c8: {  	v63 =	vld [tilespmem:s0+$0x0];
	_ =	sdelay $0x4  }
0x3c9: {  	v2 =	vld.idx.msk [tilespmem:v2+s1+$0x0], $0xffff  }
0x3ca: {  	v3 =	vld.idx.msk [tilespmem:v3+s1+$0x0], $0xffff;
	_ =	sdelay $0x1  }
0x3cb: {  	v4 =	vld.idx.msk [tilespmem:v63+s1+$0x0], $0xffff;
	_ =	sdelay $0x2  }
0x3cc: {  	vm15 =	vgt.s32 v2, v3  }
0x3cd: {  	v2 =	vsel vm15, v2, v3  }
0x3ce: {  	v3 =	vld [tilespmem:s2+$0x0];
	vm0 =	vgt.s32 v2, v4  }
0x3cf: {  	s30 =	sadd.s32 $0x10, s30;
	v2 =	vsel vm0, v2, v4  }
0x3d0: {  	p0 =	slt.u32 s30, $0x30;
	v2 =	vadd.s32 v1, v2  }
.Ltmp6:
0x3d1: {  	_ = 	snop;
	(pc) =	sbr.rel @p0 .LBB2_20-.Ltmp6, $3  }
0x3d2: {  	_ = 	snop  }
0x3d3: {  	v3 =	vsub.f32 $0.0e+00, v3;
	_ =	sdelay $0x1  }
0x3d4: {  	s0 =	sadd.s32 $0x100, s0;
	s2 =	sadd.s32 $0x100, s2;
	[tilespmem:v2+s16+$0x0] =	vst.idx.add.f32.msk $0xffff, v3  }
0x3d5: {  	p0 =	seq.s32 s29, $0xF5  }
.Ltmp7:
0x3d6: {  	_ = 	snop;
	(pc) =	sbr.rel @!p0 .LBB2_17-.Ltmp7, $1  }
0x3d7: {  	_ =	sdelay $0x3  }
0x3d8: {  	v6 =	vmul.u32 $0x10, v1  }
0x3d9: {  	s2 =	simm.s32 $0x0  }
0x3da: {  	v3 =	vor.u32 s2, v6  }
0x3db: {  	v4 =	vor.u32 $0x1, v6  }
0x3dc: {  	v5 =	vor.u32 s2, v4  }
0x3dd: {  	v2 =	vor.u32 $0x2, v6  }
0x3de: {  	v7 =	vor.u32 s2, v2  }
0x3df: {  	v8 =	vld.idx.msk [tilespmem:v3+s16+$0x0], $0xffff;
	v3 =	vor.u32 $0x3, v6  }
0x3e0: {  	v9 =	vor.u32 s2, v3  }
0x3e1: {  	v10 =	vld.idx.msk [tilespmem:v5+s16+$0x0], $0xffff;
	v5 =	vor.u32 $0x4, v6  }
0x3e2: {  	v11 =	vor.u32 s2, v5  }
0x3e3: {  	v12 =	vld.idx.msk [tilespmem:v7+s16+$0x0], $0xffff;
	v7 =	vor.u32 $0x5, v6  }
0x3e4: {  	v13 =	vor.u32 s2, v7;
	v14 =	vadd.f32 $0.0e+00, v8  }
0x3e5: {  	v8 =	vor.u32 $0x6, v6;
	v15 =	vld.idx.msk [tilespmem:v9+s16+$0x0], $0xffff  }
0x3e6: {  	v16 =	vor.u32 s2, v8;
	v10 =	vadd.f32 v10, v14  }
0x3e7: {  	v9 =	vor.u32 $0x7, v6;
	v14 =	vld.idx.msk [tilespmem:v11+s16+$0x0], $0xffff  }
0x3e8: {  	v17 =	vor.u32 s2, v9;
	v11 =	vadd.f32 v12, v10  }
0x3e9: {  	v13 =	vld.idx.msk [tilespmem:v13+s16+$0x0], $0xffff;
	v10 =	vor.u32 $0x8, v6  }
0x3ea: {  	v18 =	vor.u32 s2, v10;
	v12 =	vadd.f32 v15, v11  }
0x3eb: {  	v15 =	vld.idx.msk [tilespmem:v16+s16+$0x0], $0xffff;
	v11 =	vor.u32 $0x9, v6  }
0x3ec: {  	v16 =	vor.u32 s2, v11;
	v14 =	vadd.f32 v14, v12  }
0x3ed: {  	v17 =	vld.idx.msk [tilespmem:v17+s16+$0x0], $0xffff;
	v12 =	vor.u32 $0xA, v6  }
0x3ee: {  	v19 =	vor.u32 s2, v12;
	v14 =	vadd.f32 v13, v14  }
0x3ef: {  	v18 =	vld.idx.msk [tilespmem:v18+s16+$0x0], $0xffff;
	v13 =	vor.u32 $0xB, v6  }
0x3f0: {  	v20 =	vor.u32 s2, v13;
	v15 =	vadd.f32 v15, v14  }
0x3f1: {  	v21 =	vld.idx.msk [tilespmem:v16+s16+$0x0], $0xffff;
	v14 =	vor.u32 $0xC, v6  }
0x3f2: {  	v22 =	vor.u32 s2, v14;
	v16 =	vadd.f32 v17, v15  }
0x3f3: {  	v19 =	vld.idx.msk [tilespmem:v19+s16+$0x0], $0xffff;
	v15 =	vor.u32 $0xD, v6  }
0x3f4: {  	v23 =	vor.u32 s2, v15;
	v17 =	vadd.f32 v18, v16  }
0x3f5: {  	v18 =	vld.idx.msk [tilespmem:v20+s16+$0x0], $0xffff;
	v16 =	vor.u32 $0xE, v6  }
0x3f6: {  	v20 =	vor.u32 s2, v16;
	v21 =	vadd.f32 v21, v17  }
0x3f7: {  	v22 =	vld.idx.msk [tilespmem:v22+s16+$0x0], $0xffff;
	v17 =	vor.u32 $0xF, v6  }
0x3f8: {  	v24 =	vor.u32 s2, v17;
	v19 =	vadd.f32 v19, v21  }
0x3f9: {  	v21 =	vld.idx.msk [tilespmem:v23+s16+$0x0], $0xffff  }
0x3fa: {  	v18 =	vadd.f32 v18, v19  }
0x3fb: {  	v19 =	vld.idx.msk [tilespmem:v20+s16+$0x0], $0xffff  }
0x3fc: {  	v18 =	vadd.f32 v22, v18  }
0x3fd: {  	v20 =	vld.idx.msk [tilespmem:v24+s16+$0x0], $0xffff  }
0x3fe: {  	v18 =	vadd.f32 v21, v18  }
0x3ff: {  	s31 =	simm.s32 $0x100  }
0x400: {  	v21 =	vor.u32 s31, v6;
	v18 =	vadd.f32 v19, v18;
	_ =	sdelay $0x1  }
0x401: {  	v19 =	vor.u32 s31, v4;
	v18 =	vadd.f32 v20, v18  }
0x402: {  	s0 =	simm.s32 $0x1A000  }
0x403: {  	v20 =	vor.u32 s31, v2;
	[tilespmem:s0+$0x0] =	vst v18  }
0x404: {  	v18 =	vld.idx.msk [tilespmem:v21+s16+$0x0], $0xffff  }
0x405: {  	v21 =	vor.u32 s31, v3  }
0x406: {  	v19 =	vld.idx.msk [tilespmem:v19+s16+$0x0], $0xffff  }
0x407: {  	v22 =	vor.u32 s31, v5  }
0x408: {  	v20 =	vld.idx.msk [tilespmem:v20+s16+$0x0], $0xffff  }
0x409: {  	v23 =	vor.u32 s31, v7;
	v18 =	vadd.f32 $0.0e+00, v18  }
0x40a: {  	v21 =	vld.idx.msk [tilespmem:v21+s16+$0x0], $0xffff  }
0x40b: {  	v60 =	vor.u32 s31, v8;
	v18 =	vadd.f32 v19, v18  }
0x40c: {  	v19 =	vld.idx.msk [tilespmem:v22+s16+$0x0], $0xffff  }
0x40d: {  	v22 =	vor.u32 s31, v9;
	v18 =	vadd.f32 v20, v18  }
0x40e: {  	v20 =	vld.idx.msk [tilespmem:v23+s16+$0x0], $0xffff  }
0x40f: {  	v23 =	vor.u32 s31, v10;
	v18 =	vadd.f32 v21, v18  }
0x410: {  	v21 =	vld.idx.msk [tilespmem:v60+s16+$0x0], $0xffff  }
0x411: {  	v61 =	vor.u32 s31, v11;
	v18 =	vadd.f32 v19, v18  }
0x412: {  	v19 =	vld.idx.msk [tilespmem:v22+s16+$0x0], $0xffff  }
0x413: {  	v22 =	vor.u32 s31, v12;
	v18 =	vadd.f32 v20, v18  }
0x414: {  	v20 =	vld.idx.msk [tilespmem:v23+s16+$0x0], $0xffff  }
0x415: {  	v23 =	vor.u32 s31, v13;
	v18 =	vadd.f32 v21, v18  }
0x416: {  	v21 =	vld.idx.msk [tilespmem:v61+s16+$0x0], $0xffff  }
0x417: {  	v62 =	vor.u32 s31, v14;
	v18 =	vadd.f32 v19, v18  }
0x418: {  	v19 =	vld.idx.msk [tilespmem:v22+s16+$0x0], $0xffff  }
0x419: {  	v22 =	vor.u32 s31, v15;
	v18 =	vadd.f32 v20, v18  }
0x41a: {  	v20 =	vld.idx.msk [tilespmem:v23+s16+$0x0], $0xffff  }
0x41b: {  	v23 =	vor.u32 s31, v16;
	v18 =	vadd.f32 v21, v18  }
0x41c: {  	v21 =	vld.idx.msk [tilespmem:v62+s16+$0x0], $0xffff  }
0x41d: {  	v63 =	vor.u32 s31, v17;
	v18 =	vadd.f32 v19, v18  }
0x41e: {  	v22 =	vld.idx.msk [tilespmem:v22+s16+$0x0], $0xffff  }
0x41f: {  	v18 =	vadd.f32 v20, v18  }
0x420: {  	v19 =	vld.idx.msk [tilespmem:v23+s16+$0x0], $0xffff  }
0x421: {  	v20 =	vadd.f32 v21, v18  }
0x422: {  	v18 =	vld.idx.msk [tilespmem:v63+s16+$0x0], $0xffff  }
0x423: {  	s29 =	simm.s32 $0x300;
	s2 =	simm.s32 $0x200;
	v20 =	vadd.f32 v22, v20  }
.LBB2_13:
0x424: {  	p0 =	sne.s32 s29, $0xF00  }
0x425: {  	v21 =	vor.u32 s2, v6;
	v19 =	vadd.f32 v19, v20  }
0x426: {  	v20 =	vor.u32 $0x1, v6  }
0x427: {  	v20 =	vor.u32 s2, v20;
	v18 =	vadd.f32 v18, v19  }
0x428: {  	s0 =	sadd.s32 $0x10, s0;
	v19 =	vor.u32 $0x2, v6  }
0x429: {  	v19 =	vor.u32 s2, v19;
	[tilespmem:s0+$0x0] =	vst v18  }
0x42a: {  	v18 =	vld.idx.msk [tilespmem:v21+s16+$0x0], $0xffff;
	v21 =	vor.u32 $0x3, v6  }
0x42b: {  	v21 =	vor.u32 s2, v21  }
0x42c: {  	v22 =	vor.u32 $0x4, v6;
	v20 =	vld.idx.msk [tilespmem:v20+s16+$0x0], $0xffff  }
0x42d: {  	v22 =	vor.u32 s2, v22  }
0x42e: {  	v23 =	vor.u32 $0x5, v6;
	v19 =	vld.idx.msk [tilespmem:v19+s16+$0x0], $0xffff  }
0x42f: {  	v23 =	vor.u32 s2, v23  }
0x430: {  	v24 =	vor.u32 $0x6, v6;
	v18 =	vadd.f32 $0.0e+00, v18;
	v21 =	vld.idx.msk [tilespmem:v21+s16+$0x0], $0xffff  }
0x431: {  	v24 =	vor.u32 s2, v24  }
0x432: {  	v18 =	vadd.f32 v20, v18;
	v20 =	vld.idx.msk [tilespmem:v22+s16+$0x0], $0xffff;
	v22 =	vor.u32 $0x7, v6  }
0x433: {  	v22 =	vor.u32 s2, v22  }
0x434: {  	v18 =	vadd.f32 v19, v18;
	v19 =	vld.idx.msk [tilespmem:v23+s16+$0x0], $0xffff;
	v23 =	vor.u32 $0x8, v6  }
0x435: {  	v23 =	vor.u32 s2, v23  }
0x436: {  	v18 =	vadd.f32 v21, v18;
	v21 =	vld.idx.msk [tilespmem:v24+s16+$0x0], $0xffff;
	v24 =	vor.u32 $0x9, v6  }
0x437: {  	v24 =	vor.u32 s2, v24  }
0x438: {  	v18 =	vadd.f32 v20, v18;
	v20 =	vld.idx.msk [tilespmem:v22+s16+$0x0], $0xffff;
	v22 =	vor.u32 $0xA, v6  }
0x439: {  	v22 =	vor.u32 s2, v22  }
0x43a: {  	v18 =	vadd.f32 v19, v18;
	v19 =	vld.idx.msk [tilespmem:v23+s16+$0x0], $0xffff;
	v23 =	vor.u32 $0xB, v6  }
0x43b: {  	v23 =	vor.u32 s2, v23  }
0x43c: {  	v18 =	vadd.f32 v21, v18;
	v21 =	vld.idx.msk [tilespmem:v24+s16+$0x0], $0xffff;
	v24 =	vor.u32 $0xC, v6  }
0x43d: {  	v24 =	vor.u32 s2, v24  }
0x43e: {  	v18 =	vadd.f32 v20, v18;
	v20 =	vld.idx.msk [tilespmem:v22+s16+$0x0], $0xffff;
	v22 =	vor.u32 $0xD, v6  }
0x43f: {  	v22 =	vor.u32 s2, v22  }
0x440: {  	v18 =	vadd.f32 v19, v18;
	v19 =	vld.idx.msk [tilespmem:v23+s16+$0x0], $0xffff;
	v23 =	vor.u32 $0xE, v6  }
0x441: {  	v23 =	vor.u32 s2, v23  }
0x442: {  	v18 =	vadd.f32 v21, v18;
	v21 =	vld.idx.msk [tilespmem:v24+s16+$0x0], $0xffff;
	v24 =	vor.u32 $0xF, v6  }
0x443: {  	v24 =	vor.u32 s2, v24;
	s2 =	smov.u32 s29  }
0x444: {  	v18 =	vadd.f32 v20, v18;
	v20 =	vld.idx.msk [tilespmem:v22+s16+$0x0], $0xffff;
	_ =	sdelay $0x1  }
.Ltmp8:
0x445: {  	v18 =	vadd.f32 v19, v18;
	v19 =	vld.idx.msk [tilespmem:v23+s16+$0x0], $0xffff;
	(pc) =	sbr.rel @p0 .LBB2_13-.Ltmp8, $3  }
0x446: {  	_ = 	snop  }
0x447: {  	v21 =	vadd.f32 v21, v18;
	v18 =	vld.idx.msk [tilespmem:v24+s16+$0x0], $0xffff;
	_ =	sdelay $0x1  }
0x448: {  	s29 =	sadd.s32 $0x100, s29;
	v20 =	vadd.f32 v20, v21  }
0x449: {  	_ = 	snop  }
0x44a: {  	v6 =	vor.u32 s2, v6;
	v19 =	vadd.f32 v19, v20;
	_ =	sdelay $0x1  }
0x44b: {  	v4 =	vor.u32 s2, v4;
	v18 =	vadd.f32 v18, v19  }
0x44c: {  	s0 =	sadd.s32 $0x10, s0  }
0x44d: {  	v2 =	vor.u32 s2, v2;
	[tilespmem:s0+$0x0] =	vst v18  }
0x44e: {  	v6 =	vld.idx.msk [tilespmem:v6+s16+$0x0], $0xffff  }
0x44f: {  	v3 =	vor.u32 s2, v3  }
0x450: {  	v4 =	vld.idx.msk [tilespmem:v4+s16+$0x0], $0xffff  }
0x451: {  	v5 =	vor.u32 s2, v5  }
0x452: {  	v2 =	vld.idx.msk [tilespmem:v2+s16+$0x0], $0xffff  }
0x453: {  	v7 =	vor.u32 s2, v7;
	v6 =	vadd.f32 $0.0e+00, v6  }
0x454: {  	v3 =	vld.idx.msk [tilespmem:v3+s16+$0x0], $0xffff  }
0x455: {  	v8 =	vor.u32 s2, v8;
	v4 =	vadd.f32 v4, v6  }
0x456: {  	v5 =	vld.idx.msk [tilespmem:v5+s16+$0x0], $0xffff  }
0x457: {  	v48 =	vor.u32 s2, v9;
	v2 =	vadd.f32 v2, v4  }
0x458: {  	v49 =	vld.idx.msk [tilespmem:v7+s16+$0x0], $0xffff  }
0x459: {  	v50 =	vor.u32 s2, v10;
	v2 =	vadd.f32 v3, v2  }
0x45a: {  	v3 =	vld.idx.msk [tilespmem:v8+s16+$0x0], $0xffff  }
0x45b: {  	v51 =	vor.u32 s2, v11;
	v2 =	vadd.f32 v5, v2  }
0x45c: {  	v52 =	vld.idx.msk [tilespmem:v48+s16+$0x0], $0xffff  }
0x45d: {  	v53 =	vor.u32 s2, v12;
	v2 =	vadd.f32 v49, v2  }
0x45e: {  	v54 =	vld.idx.msk [tilespmem:v50+s16+$0x0], $0xffff  }
0x45f: {  	v55 =	vor.u32 s2, v13;
	v2 =	vadd.f32 v3, v2  }
0x460: {  	v3 =	vld.idx.msk [tilespmem:v51+s16+$0x0], $0xffff  }
0x461: {  	v56 =	vor.u32 s2, v14;
	v2 =	vadd.f32 v52, v2  }
0x462: {  	v57 =	vld.idx.msk [tilespmem:v53+s16+$0x0], $0xffff  }
0x463: {  	v58 =	vor.u32 s2, v15;
	v2 =	vadd.f32 v54, v2  }
0x464: {  	v59 =	vld.idx.msk [tilespmem:v55+s16+$0x0], $0xffff  }
0x465: {  	v60 =	vor.u32 s2, v16;
	v2 =	vadd.f32 v3, v2  }
0x466: {  	v3 =	vld.idx.msk [tilespmem:v56+s16+$0x0], $0xffff  }
0x467: {  	v61 =	vor.u32 s2, v17;
	v2 =	vadd.f32 v57, v2  }
0x468: {  	v62 =	vld.idx.msk [tilespmem:v58+s16+$0x0], $0xffff  }
0x469: {  	v2 =	vadd.f32 v59, v2  }
0x46a: {  	v63 =	vld.idx.msk [tilespmem:v60+s16+$0x0], $0xffff  }
0x46b: {  	v2 =	vadd.f32 v3, v2  }
0x46c: {  	v3 =	vld.idx.msk [tilespmem:v61+s16+$0x0], $0xffff  }
0x46d: {  	v2 =	vadd.f32 v62, v2;
	_ =	sdelay $0x1  }
0x46e: {  	v2 =	vadd.f32 v63, v2;
	_ =	sdelay $0x1  }
0x46f: {  	s28 =	sadd.s32 $0x1, s28;
	v2 =	vadd.f32 v3, v2  }
0x470: {  	p0 =	sne.s32 s28, s13;
	s0 =	sadd.s32 $0x10, s0  }
.Ltmp9:
0x471: {  	[tilespmem:s0+$0x0] =	vst v2;
	(pc) =	sbr.rel @p0 .LBB2_1-.Ltmp9, $4  }
0x472: {  	[hbm4b:s12+s1] =	stream.linear.scatter [tilespmem:s26], [sflag:$0x3], $0x100, $0x38;
	[tilespmem:$0x1C100] =	vst v63  }
0x473: {  	_ =	swait.ge [sflag:s14], $0x100  }
0x474: {  	[sflag:s14] =	ssyncset.done $0x0  }
0x475: {  	[sflag:s14] =	ssyncadd.s32 $0xFFFFFF00  }
0x476: {  	_ =	sfence.sel $0x180000  }
0x477: {  	[bflag:$0x0] =	sbarrier.arrive $0xFFFF  }
0x478: {  	_ =	strace $0x90000047  }
0x479: {  	s0 =	stileid.u32;
	[bflag:$0x2] =	sbarrier.arrive $0xFFFF  }
0x47a: {  	p0 =	sne.s32 s0, $0x0;
	s0 =	rddreg [dreg:$0x2]  }
0x47b: {  	s0 =	sadd.s32 @!p0 $0x100000, s0  }
0x47c: {  	[sflag:s0] =	ssyncadd.tile.s32 @!p0 $0x1;
	_ =	shalt  }
.Lfunc_end2:
_tile_overlayer_lowered:
.L_overlay_start_2:
0x47d: {  	(tag) =	ssettag $0x2  }
0x47e: {  	s0 =	rddreg [dreg:$0x0];
	s2 =	stileid.u32  }
0x47f: {  	s1 =	rddreg [dreg:$0x1];
	p0 =	sne.s32 s2, $0x0  }
0x480: {  	s3 =	rddreg [dreg:$0x2];
	[bflag:$0x3] =	sbarrier.arrive $0xFFFF;
	s2 =	simm.s32 @!p0 $0x1C03  }
0x481: {  	[timem:s3], [sflag:s2] =	dma.local @!p0 [hbm:s0], s1  }
0x482: {  	s0 =	simm.s32 @!p0 $0x3  }
0x483: {  	_ =	swait.ge @!p0 [sflag:s0], s1  }
0x484: {  	s1 =	ssub.s32 @!p0 $0x0, s1;
	[sflag:s0] =	ssyncset.done @!p0 $0x0  }
0x485: {  	[sflag:s0] =	ssyncadd.s32 @!p0 s1  }
0x486: {  	[bflag:$0x3] =	sbarrier.arrive $0xFFFF  }
0x487: {  	_ =	shalt  }

</sc_bundles>
